<compile_context>
chip_gen: v7x
topology: tpu7x:2x2x1
jax: 0.10.2.dev20260603
libtpu: 0.0.44.dev20260713+nightly
codegen_flags: <defaults>
</compile_context>

<pallas_src>
import functools

import jax
import jax.numpy as jnp
from jax import lax
from jax.experimental import pallas as pl
from jax.experimental.pallas import tpu as pltpu
from jax.experimental.pallas import tpu_sc as plsc

N = 10000
E = 320000
H = 128
HH = 64
G = 64
EPS = 1e-7

NSUB = 16
CH = 40
NN = 10240
EP = 327680
NPT = NN // NSUB
NCHUNK_N = NPT // CH
EPT = EP // NSUB
NECHUNK = EPT // CH
NR = 10080


def _tc_prep_body(xT_ref, ei_ref, eaT_ref, at_ref, bd_ref,
                  h0_ref, fused_ref, ep_ref):
  h = jnp.zeros((N, H), jnp.float32)
  for f in range(3):
    xf = xT_ref[f].reshape(N, 1)
    onehot = (xf == lax.broadcasted_iota(jnp.int32, (N, 64), 1)
              ).astype(jnp.float32)
    h = h + lax.dot_general(onehot, at_ref[f], (((1,), (0,)), ((), ())),
                            preferred_element_type=jnp.float32)
  h0_ref[pl.ds(0, N), :] = h
  h0_ref[pl.ds(N, NN - N), :] = jnp.zeros((NN - N, H), jnp.float32)

  r = lax.broadcasted_iota(jnp.int32, (512, 1), 0)
  fu = jnp.zeros((512, H), jnp.float32)
  for f, sel in enumerate((r // 64, (r // 8) % 8, r % 8)):
    onehot = (sel == lax.broadcasted_iota(jnp.int32, (512, 8), 1)
              ).astype(jnp.float32)
    fu = fu + lax.dot_general(onehot, bd_ref[f], (((1,), (0,)), ((), ())),
                              preferred_element_type=jnp.float32)
  fused_ref[...] = fu

  ep_ref[pl.ds(0, E)] = ei_ref[0]
  ep_ref[pl.ds(E, EP - E)] = jnp.zeros((EP - E,), jnp.int32)
  ep_ref[pl.ds(EP, E)] = ei_ref[1]
  ep_ref[pl.ds(EP + E, EP - E)] = jnp.full((EP - E,), N, jnp.int32)
  ep_ref[pl.ds(2 * EP, E)] = eaT_ref[0] * 64 + eaT_ref[1] * 8 + eaT_ref[2]
  ep_ref[pl.ds(2 * EP + E, EP - E)] = jnp.zeros((EP - E,), jnp.int32)


def _tc_prep(xT, ei, eaT, at, bd):
  return pl.pallas_call(
      _tc_prep_body,
      out_shape=[
          jax.ShapeDtypeStruct((NN, H), jnp.float32),
          jax.ShapeDtypeStruct((512, H), jnp.float32),
          jax.ShapeDtypeStruct((3 * EP,), jnp.int32),
      ],
  )(xT, ei, eaT, at, bd)


def _sc_body(hin, fused, ep,
             agg_out,
             acc_sp,
             idx_srcA, idx_dstA, idx_fA,
             idx_srcB, idx_dstB, idx_fB,
             hsrcA, embA, hsrcB, embB, excA, excB, seml, semg, sems):
  c = lax.axis_index("c")
  s = lax.axis_index("s")
  cb = c * HH
  nbase = s * NPT
  nchunks = jnp.where(s == NSUB - 1, NCHUNK_N - 4, NCHUNK_N)

  def zero_row(i, carry):
    for k in range(H // 16):
      sl = pl.ds(16 * k, 16)
      excA[i, sl] = jnp.zeros((16,), jnp.float32)
    return carry
  lax.fori_loop(0, CH, zero_row, 0)

  def zero_chunk(i, carry):
    b = nbase + i * CH
    pltpu.sync_copy(excA, acc_sp.at[pl.ds(b, CH)])
    return carry
  lax.fori_loop(0, nchunks, zero_chunk, 0)

  plsc.subcore_barrier()

  ebase = s * EPT

  def compute_chunk(hsrc, emb, exc):
    def compute_row(r, carry2):
      for k in range(HH // 16):
        sl = pl.ds(16 * k, 16)
        hsl = pl.ds(cb + 16 * k, 16)
        m = jnp.maximum(hsrc[r, hsl] + emb[r, hsl], 0.0) + EPS
        e = jnp.exp(m)
        exc[r, sl] = e
        exc[r, pl.ds(HH + 16 * k, 16)] = e * m
      return carry2
    lax.fori_loop(0, CH, compute_row, 0)

  def edge_pair(g, carry):
    bA = ebase + (2 * g) * CH
    bB = bA + CH
    lA0 = pltpu.async_copy(ep.at[pl.ds(bA, CH)], idx_srcA, seml)
    lA1 = pltpu.async_copy(ep.at[pl.ds(EP + bA, CH)], idx_dstA.at[0], seml)
    lA2 = pltpu.async_copy(ep.at[pl.ds(2 * EP + bA, CH)], idx_fA, seml)
    lB0 = pltpu.async_copy(ep.at[pl.ds(bB, CH)], idx_srcB, seml)
    lB1 = pltpu.async_copy(ep.at[pl.ds(EP + bB, CH)], idx_dstB.at[0], seml)
    lB2 = pltpu.async_copy(ep.at[pl.ds(2 * EP + bB, CH)], idx_fB, seml)
    lA0.wait()
    lA1.wait()
    lA2.wait()
    gA0 = pltpu.async_copy(hin.at[idx_srcA], hsrcA, semg)
    gA1 = pltpu.async_copy(fused.at[idx_fA], embA, semg)
    lB0.wait()
    lB1.wait()
    lB2.wait()
    gB0 = pltpu.async_copy(hin.at[idx_srcB], hsrcB, semg)
    gB1 = pltpu.async_copy(fused.at[idx_fB], embB, semg)
    gA0.wait()
    gA1.wait()

    @pl.when(g != 0)
    def _drain_prev():
      pltpu.make_async_copy(excA, acc_sp.at[idx_dstA.at[0]], sems).wait()
      pltpu.make_async_copy(excB, acc_sp.at[idx_dstB.at[0]], sems).wait()

    compute_chunk(hsrcA, embA, excA)
    pltpu.async_copy(excA, acc_sp.at[idx_dstA.at[0]], sems, add=True)
    gB0.wait()
    gB1.wait()
    compute_chunk(hsrcB, embB, excB)
    pltpu.async_copy(excB, acc_sp.at[idx_dstB.at[0]], sems, add=True)
    return carry
  lax.fori_loop(0, NECHUNK // 2, edge_pair, 0)
  pltpu.make_async_copy(excA, acc_sp.at[idx_dstA.at[0]], sems).wait()
  pltpu.make_async_copy(excB, acc_sp.at[idx_dstB.at[0]], sems).wait()

  plsc.subcore_barrier()

  def div_chunk(i, carry):
    b = nbase + i * CH
    pltpu.sync_copy(acc_sp.at[pl.ds(b, CH)], hsrcA)

    def div_row(r, carry2):
      for k in range(HH // 16):
        sl = pl.ds(16 * k, 16)
        excA[r, sl] = (hsrcA[r, pl.ds(HH + 16 * k, 16)]
                       / (hsrcA[r, sl] + 1e-16))
      return carry2
    lax.fori_loop(0, CH, div_row, 0)
    pltpu.sync_copy(excA, agg_out.at[pl.ds(c * NN + b, CH)])
    return carry
  lax.fori_loop(0, nchunks, div_chunk, 0)


def _sc_aggregate(name, hin, fused, ep):
  f = pl.kernel(
      _sc_body,
      out_type=jax.ShapeDtypeStruct((2 * NN, H), jnp.float32),
      mesh=plsc.VectorSubcoreMesh(core_axis_name="c", subcore_axis_name="s",
                                  num_cores=2, num_subcores=NSUB),
      scratch_types=[
          pltpu.VMEM_SHARED((NR, H), jnp.float32),
          pltpu.VMEM((CH,), jnp.int32),
          pltpu.VMEM((1, CH), jnp.int32),
          pltpu.VMEM((CH,), jnp.int32),
          pltpu.VMEM((CH,), jnp.int32),
          pltpu.VMEM((1, CH), jnp.int32),
          pltpu.VMEM((CH,), jnp.int32),
          pltpu.VMEM((CH, H), jnp.float32),
          pltpu.VMEM((CH, H), jnp.float32),
          pltpu.VMEM((CH, H), jnp.float32),
          pltpu.VMEM((CH, H), jnp.float32),
          pltpu.VMEM((CH, H), jnp.float32),
          pltpu.VMEM((CH, H), jnp.float32),
          pltpu.SemaphoreType.DMA,
          pltpu.SemaphoreType.DMA,
          pltpu.SemaphoreType.DMA,
      ],
      name=name,
  )
  return f(hin, fused, ep)


def _ln(h, g, b):
  mu = jnp.mean(h, axis=-1, keepdims=True)
  var = jnp.mean(jnp.square(h - mu), axis=-1, keepdims=True)
  return (h - mu) / jnp.sqrt(var + 1e-5) * g + b


def _tc_update_body(has_res, h2_ref, agg2_ref, W_ref, b_ref, g_ref,
                    beta_ref, *rest):
  if has_res:
    res_ref, h_out_ref, x2_out_ref = rest
  else:
    h_out_ref, x2_out_ref = rest
  a2 = agg2_ref[...]
  agg = jnp.concatenate([a2[:NN, :HH], a2[NN:, :HH]], axis=-1)
  t = (h2_ref[...] + agg) @ W_ref[...] + b_ref[...]
  if has_res:
    t = t + res_ref[...]
  h_out_ref[...] = t
  x2_out_ref[...] = jax.nn.relu(_ln(t, g_ref[...], beta_ref[...]))


def _tc_update(h2, agg2, W, b, g, beta, res=None):
  args = [h2, agg2, W, b, g, beta]
  if res is not None:
    args.append(res)
  return pl.pallas_call(
      functools.partial(_tc_update_body, res is not None),
      out_shape=[
          jax.ShapeDtypeStruct((NN, H), jnp.float32),
          jax.ShapeDtypeStruct((NN, H), jnp.float32),
      ],
  )(*args)


def _tc_final_body(h2_ref, agg2_ref, W_ref, b_ref, res_ref, g_ref,
                   beta_ref, batch_ref, out_ref):
  a2 = agg2_ref[...]
  agg = jnp.concatenate([a2[:NN, :HH], a2[NN:, :HH]], axis=-1)
  t = (h2_ref[...] + agg) @ W_ref[...] + b_ref[...] + res_ref[...]
  hn = _ln(t, g_ref[...], beta_ref[...])[:N]
  onehot = (batch_ref[...] == lax.broadcasted_iota(jnp.int32, (N, G), 1)
            ).astype(jnp.float32)
  sums = lax.dot_general(onehot, hn, (((0,), (0,)), ((), ())),
                         preferred_element_type=jnp.float32)
  counts = lax.dot_general(onehot, jnp.ones((N, 1), jnp.float32),
                           (((0,), (0,)), ((), ())),
                           preferred_element_type=jnp.float32)
  out_ref[...] = sums / jnp.maximum(counts, 1.0)


def _tc_final(h2, agg2, W, b, res, g, beta, batch2d):
  return pl.pallas_call(
      _tc_final_body,
      out_shape=jax.ShapeDtypeStruct((G, H), jnp.float32),
  )(h2, agg2, W, b, res, g, beta, batch2d)


def kernel(x, edge_index, edge_attr, batch, atom_tables, bond_tables,
           gcn_W, gcn_b, norm_gamma, norm_beta):
  i32 = jnp.int32
  xT = jnp.transpose(x).astype(i32)
  eaT = jnp.transpose(edge_attr).astype(i32)
  ei = edge_index.astype(i32)
  batch2d = batch.astype(i32).reshape(N, 1)
  W = [gcn_W[i] for i in range(3)]
  b = [gcn_b[i].reshape(1, H) for i in range(3)]
  g = [norm_gamma[i].reshape(1, H) for i in range(3)]
  beta = [norm_beta[i].reshape(1, H) for i in range(3)]

  h0, fused, ep = _tc_prep(xT, ei, eaT, atom_tables, bond_tables)

  agg0 = _sc_aggregate("sc_agg_0", h0, fused, ep)
  h_a, xc2 = _tc_update(h0, agg0, W[0], b[0], g[0], beta[0])
  agg1 = _sc_aggregate("sc_agg_1", xc2, fused, ep)
  h_b, xc3 = _tc_update(xc2, agg1, W[1], b[1], g[1], beta[1], res=h_a)
  agg2 = _sc_aggregate("sc_agg_2", xc3, fused, ep)
  return _tc_final(xc3, agg2, W[2], b[2], h_b, g[2], beta[2], batch2d)

# --- scband reference (transcript-rebuilt; emitter-appended) ---
"""Pipeline reference for scband-deeper-gcn-35820027248884 (READ-ONLY COPY).

The authoritative reference and input builder live on the scoring server;
editing this copy changes nothing except your own understanding.
"""

import jax, jax.numpy as jnp
import numpy as np

N = 10000
E = 320000
H = 128
NUM_GRAPHS = 64
NUM_LAYERS = 3
EPS = 1e-7


def setup_inputs(seed: int = 0) -> dict:
    key = jax.random.key(seed)
    ks = jax.random.split(key, 10)
    x = jax.random.randint(ks[0], (N, 3), 0, 64)
    edge_index = jax.random.randint(ks[1], (2, E), 0, N)
    edge_attr = jax.random.randint(ks[2], (E, 3), 0, 8)
    batch = jnp.sort(jax.random.randint(ks[3], (N,), 0, NUM_GRAPHS))
    atom_tables = jax.random.normal(ks[4], (3, 64, H), dtype=jnp.float32) * 0.02
    bond_tables = jax.random.normal(ks[5], (3, 8, H), dtype=jnp.float32) * 0.02
    gcn_W = jax.random.normal(ks[6], (NUM_LAYERS, H, H), dtype=jnp.float32) * (1.0 / np.sqrt(H))
    gcn_b = jnp.zeros((NUM_LAYERS, H), dtype=jnp.float32)
    norm_gamma = jnp.ones((NUM_LAYERS, H), dtype=jnp.float32)
    norm_beta = jnp.zeros((NUM_LAYERS, H), dtype=jnp.float32)
    return {
        'x': x, 'edge_index': edge_index, 'edge_attr': edge_attr, 'batch': batch,
        'atom_tables': atom_tables, 'bond_tables': bond_tables,
        'gcn_W': gcn_W, 'gcn_b': gcn_b,
        'norm_gamma': norm_gamma, 'norm_beta': norm_beta,
    }


def _layer_norm(h, g, b):
    mu = jnp.mean(h, axis=-1, keepdims=True)
    var = jnp.var(h, axis=-1, keepdims=True)
    return (h - mu) / jnp.sqrt(var + 1e-5) * g + b


def _gen_conv(h, src, dst, edge_emb, W, b, t=1.0):
    # GENConv message: relu(x_j + edge_emb) + eps
    msg = jax.nn.relu(h[src] + edge_emb) + EPS
    # softmax aggregation (scatter_softmax over edges sharing dst, per channel)
    logits = msg * t
    seg_max = jax.ops.segment_max(logits, dst, num_segments=N)
    seg_max = jnp.where(jnp.isfinite(seg_max), seg_max, 0.0)
    seg_max = jax.lax.stop_gradient(seg_max)
    ex = jnp.exp(logits - seg_max[dst])
    denom = jax.ops.segment_sum(ex, dst, num_segments=N)
    alpha = ex / (denom[dst] + 1e-16)
    agg = jax.ops.segment_sum(alpha * msg, dst, num_segments=N)
    # h = x + m; out = mlp(h)  (mlp_layers=1 -> single Linear)
    out = h + agg
    return out @ W + b


def reference(x, edge_index, edge_attr, batch, atom_tables, bond_tables, gcn_W, gcn_b, norm_gamma, norm_beta):
    src = edge_index[0]
    dst = edge_index[1]
    # AtomEncoder: sum of per-feature embedding lookups
    h = atom_tables[0][x[:, 0]] + atom_tables[1][x[:, 1]] + atom_tables[2][x[:, 2]]
    # BondEncoder (conv_encode_edge=False): encode edge_attr once
    edge_emb = bond_tables[0][edge_attr[:, 0]] + bond_tables[1][edge_attr[:, 1]] + bond_tables[2][edge_attr[:, 2]]
    # block == 'res+': LN -> ReLU -> GraphConv -> Res  (dropout p=0.0, eval -> no-op)
    h = _gen_conv(h, src, dst, edge_emb, gcn_W[0], gcn_b[0])
    for layer in range(1, NUM_LAYERS):
        h1 = _layer_norm(h, norm_gamma[layer - 1], norm_beta[layer - 1])
        h2 = jax.nn.relu(h1)
        h = _gen_conv(h2, src, dst, edge_emb, gcn_W[layer], gcn_b[layer]) + h
    h = _layer_norm(h, norm_gamma[NUM_LAYERS - 1], norm_beta[NUM_LAYERS - 1])
    # global_mean_pool over batch assignment (output == 0 -> return h_graph)
    counts = jax.ops.segment_sum(jnp.ones((N,), dtype=jnp.float32), batch, num_segments=NUM_GRAPHS)
    sums = jax.ops.segment_sum(h, batch, num_segments=NUM_GRAPHS)
    h_graph = sums / jnp.maximum(counts, 1.0)[:, None]
    return h_graph

if __name__ == "__main__":
    import jax
    _d = setup_inputs()
    print(jax.jit(kernel)(*tuple(_d.values())))

</pallas_src>

<mosaic_0001>
#map = affine_map<(d0, d1) -> (0, 0)>
#map1 = affine_map<(d0, d1) -> (0)>
module attributes {stable_mosaic.version = 14 : i64} {
  func.func @sc_agg_2(%arg0: i32, %arg1: i32, %arg2: memref<10240x128xf32, #tpu.memory_space<hbm>>, %arg3: memref<512x128xf32, #tpu.memory_space<hbm>>, %arg4: memref<983040xi32, #tpu.memory_space<hbm>>, %arg5: memref<20480x128xf32, #tpu.memory_space<hbm>>, %arg6: memref<10080x128xf32, #tpu.memory_space<vmem_shared>>, %arg7: memref<40xi32, #tpu.memory_space<vmem>>, %arg8: memref<1x40xi32, #tpu.memory_space<vmem>>, %arg9: memref<40xi32, #tpu.memory_space<vmem>>, %arg10: memref<40xi32, #tpu.memory_space<vmem>>, %arg11: memref<1x40xi32, #tpu.memory_space<vmem>>, %arg12: memref<40xi32, #tpu.memory_space<vmem>>, %arg13: memref<40x128xf32, #tpu.memory_space<vmem>>, %arg14: memref<40x128xf32, #tpu.memory_space<vmem>>, %arg15: memref<40x128xf32, #tpu.memory_space<vmem>>, %arg16: memref<40x128xf32, #tpu.memory_space<vmem>>, %arg17: memref<40x128xf32, #tpu.memory_space<vmem>>, %arg18: memref<40x128xf32, #tpu.memory_space<vmem>>, %arg19: memref<!tpu.dma_semaphore, #tpu.memory_space<semaphore_mem>>, %arg20: memref<!tpu.dma_semaphore, #tpu.memory_space<semaphore_mem>>, %arg21: memref<!tpu.dma_semaphore, #tpu.memory_space<semaphore_mem>>) attributes {dimension_semantics = [#tpu.dimension_semantics<core_parallel>, #tpu.dimension_semantics<subcore_parallel>], iteration_bounds = array<i64: 2, 16>, scalar_prefetch = 0 : i64, scratch_operands = 16 : i64, tpu.core_type = #tpu.core_type<sc_vector_subcore>, window_params = [{transform_indices = #map}, {transform_indices = #map}, {transform_indices = #map1}, {transform_indices = #map}]} {
    %mul3A = arith.constant 64 : i32
    %mul3A_0 = arith.muli %arg0, %mul3A : i32
    %mul3A_1 = arith.constant 640 : i32
    %mul3A_2 = arith.muli %arg1, %mul3A_1 : i32
    %eq3A = arith.constant 15 : i32
    %eq3A_3 = arith.cmpi eq, %arg1, %eq3A : i32
    %jit3A = arith.constant 12 : i32
    %jit3A_4 = arith.constant 16 : i32
    %select_n3A = arith.select %eq3A_3, %jit3A, %jit3A_4 : i32
    %scan3A = arith.constant 0 : i32
    %scan3A_5 = arith.constant 0 : i32
    %scan3A_6 = arith.constant 40 : i32
    %scan3A_7 = arith.addi %scan3A_5, %scan3A_6 : i32
    %scan3A_8 = arith.constant 1 : i32
    scf.for %scan3A_51 = %scan3A_5 to %scan3A_7 step %scan3A_8  : i32 {
      %broadcast_in_dim3A = arith.constant 0.000000e+00 : f32
      %broadcast_in_dim3A_52 = vector.broadcast %broadcast_in_dim3A : f32 to vector<16xf32>
      %swap3A = arith.index_cast %scan3A_51 : i32 to index
      %swap3A_53 = arith.constant 0 : index
      %swap3A_54 = tpu.vector_load %arg17[%swap3A, %swap3A_53] {strides = array<i32>} : memref<40x128xf32, #tpu.memory_space<vmem>>, vector<1x16xf32>,
      %swap3A_55 = vector.shape_cast %swap3A_54 : vector<1x16xf32> to vector<16xf32>
      %swap3A_56 = vector.shape_cast %broadcast_in_dim3A_52 : vector<16xf32> to vector<1x16xf32>
      tpu.vector_store %arg17[%swap3A, %swap3A_53], %swap3A_56 {strides = array<i32>} : memref<40x128xf32, #tpu.memory_space<vmem>>, vector<1x16xf32>,
      %broadcast_in_dim3A_57 = arith.constant 0.000000e+00 : f32
      %broadcast_in_dim3A_58 = vector.broadcast %broadcast_in_dim3A_57 : f32 to vector<16xf32>
      %swap3A_59 = arith.index_cast %scan3A_51 : i32 to index
      %swap3A_60 = arith.constant 16 : index
      %swap3A_61 = tpu.vector_load %arg17[%swap3A_59, %swap3A_60] {strides = array<i32>} : memref<40x128xf32, #tpu.memory_space<vmem>>, vector<1x16xf32>,
      %swap3A_62 = vector.shape_cast %swap3A_61 : vector<1x16xf32> to vector<16xf32>
      %swap3A_63 = vector.shape_cast %broadcast_in_dim3A_58 : vector<16xf32> to vector<1x16xf32>
      tpu.vector_store %arg17[%swap3A_59, %swap3A_60], %swap3A_63 {strides = array<i32>} : memref<40x128xf32, #tpu.memory_space<vmem>>, vector<1x16xf32>,
      %broadcast_in_dim3A_64 = arith.constant 0.000000e+00 : f32
      %broadcast_in_dim3A_65 = vector.broadcast %broadcast_in_dim3A_64 : f32 to vector<16xf32>
      %swap3A_66 = arith.index_cast %scan3A_51 : i32 to index
      %swap3A_67 = arith.constant 32 : index
      %swap3A_68 = tpu.vector_load %arg17[%swap3A_66, %swap3A_67] {strides = array<i32>} : memref<40x128xf32, #tpu.memory_space<vmem>>, vector<1x16xf32>,
      %swap3A_69 = vector.shape_cast %swap3A_68 : vector<1x16xf32> to vector<16xf32>
      %swap3A_70 = vector.shape_cast %broadcast_in_dim3A_65 : vector<16xf32> to vector<1x16xf32>
      tpu.vector_store %arg17[%swap3A_66, %swap3A_67], %swap3A_70 {strides = array<i32>} : memref<40x128xf32, #tpu.memory_space<vmem>>, vector<1x16xf32>,
      %broadcast_in_dim3A_71 = arith.constant 0.000000e+00 : f32
      %broadcast_in_dim3A_72 = vector.broadcast %broadcast_in_dim3A_71 : f32 to vector<16xf32>
      %swap3A_73 = arith.index_cast %scan3A_51 : i32 to index
      %swap3A_74 = arith.constant 48 : index
      %swap3A_75 = tpu.vector_load %arg17[%swap3A_73, %swap3A_74] {strides = array<i32>} : memref<40x128xf32, #tpu.memory_space<vmem>>, vector<1x16xf32>,
      %swap3A_76 = vector.shape_cast %swap3A_75 : vector<1x16xf32> to vector<16xf32>
      %swap3A_77 = vector.shape_cast %broadcast_in_dim3A_72 : vector<16xf32> to vector<1x16xf32>
      tpu.vector_store %arg17[%swap3A_73, %swap3A_74], %swap3A_77 {strides = array<i32>} : memref<40x128xf32, #tpu.memory_space<vmem>>, vector<1x16xf32>,
      %broadcast_in_dim3A_78 = arith.constant 0.000000e+00 : f32
      %broadcast_in_dim3A_79 = vector.broadcast %broadcast_in_dim3A_78 : f32 to vector<16xf32>
      %swap3A_80 = arith.index_cast %scan3A_51 : i32 to index
      %swap3A_81 = arith.constant 64 : index
      %swap3A_82 = tpu.vector_load %arg17[%swap3A_80, %swap3A_81] {strides = array<i32>} : memref<40x128xf32, #tpu.memory_space<vmem>>, vector<1x16xf32>,
      %swap3A_83 = vector.shape_cast %swap3A_82 : vector<1x16xf32> to vector<16xf32>
      %swap3A_84 = vector.shape_cast %broadcast_in_dim3A_79 : vector<16xf32> to vector<1x16xf32>
      tpu.vector_store %arg17[%swap3A_80, %swap3A_81], %swap3A_84 {strides = array<i32>} : memref<40x128xf32, #tpu.memory_space<vmem>>, vector<1x16xf32>,
      %broadcast_in_dim3A_85 = arith.constant 0.000000e+00 : f32
      %broadcast_in_dim3A_86 = vector.broadcast %broadcast_in_dim3A_85 : f32 to vector<16xf32>
      %swap3A_87 = arith.index_cast %scan3A_51 : i32 to index
      %swap3A_88 = arith.constant 80 : index
      %swap3A_89 = tpu.vector_load %arg17[%swap3A_87, %swap3A_88] {strides = array<i32>} : memref<40x128xf32, #tpu.memory_space<vmem>>, vector<1x16xf32>,
      %swap3A_90 = vector.shape_cast %swap3A_89 : vector<1x16xf32> to vector<16xf32>
      %swap3A_91 = vector.shape_cast %broadcast_in_dim3A_86 : vector<16xf32> to vector<1x16xf32>
      tpu.vector_store %arg17[%swap3A_87, %swap3A_88], %swap3A_91 {strides = array<i32>} : memref<40x128xf32, #tpu.memory_space<vmem>>, vector<1x16xf32>,
      %broadcast_in_dim3A_92 = arith.constant 0.000000e+00 : f32
      %broadcast_in_dim3A_93 = vector.broadcast %broadcast_in_dim3A_92 : f32 to vector<16xf32>
      %swap3A_94 = arith.index_cast %scan3A_51 : i32 to index
      %swap3A_95 = arith.constant 96 : index
      %swap3A_96 = tpu.vector_load %arg17[%swap3A_94, %swap3A_95] {strides = array<i32>} : memref<40x128xf32, #tpu.memory_space<vmem>>, vector<1x16xf32>,
      %swap3A_97 = vector.shape_cast %swap3A_96 : vector<1x16xf32> to vector<16xf32>
      %swap3A_98 = vector.shape_cast %broadcast_in_dim3A_93 : vector<16xf32> to vector<1x16xf32>
      tpu.vector_store %arg17[%swap3A_94, %swap3A_95], %swap3A_98 {strides = array<i32>} : memref<40x128xf32, #tpu.memory_space<vmem>>, vector<1x16xf32>,
      %broadcast_in_dim3A_99 = arith.constant 0.000000e+00 : f32
      %broadcast_in_dim3A_100 = vector.broadcast %broadcast_in_dim3A_99 : f32 to vector<16xf32>
      %swap3A_101 = arith.index_cast %scan3A_51 : i32 to index
      %swap3A_102 = arith.constant 112 : index
      %swap3A_103 = tpu.vector_load %arg17[%swap3A_101, %swap3A_102] {strides = array<i32>} : memref<40x128xf32, #tpu.memory_space<vmem>>, vector<1x16xf32>,
      %swap3A_104 = vector.shape_cast %swap3A_103 : vector<1x16xf32> to vector<16xf32>
      %swap3A_105 = vector.shape_cast %broadcast_in_dim3A_100 : vector<16xf32> to vector<1x16xf32>
      tpu.vector_store %arg17[%swap3A_101, %swap3A_102], %swap3A_105 {strides = array<i32>} : memref<40x128xf32, #tpu.memory_space<vmem>>, vector<1x16xf32>,
    }
    %scan3A_9 = arith.constant 40 : i32
    %while3A = arith.constant 0 : i32
    %while3A_10 = arith.constant 0 : i32
    %while3A_11 = arith.subi %select_n3A, %while3A_10 : i32
    %while3A_12 = arith.addi %while3A_10, %while3A_11 : i32
    %while3A_13 = arith.constant 1 : i32
    %while3A_14 = arith.divsi %while3A_11, %while3A_13 : i32
    %while3A_15 = arith.muli %while3A_14, %while3A_13 : i32
    %while3A_16 = arith.addi %while3A_10, %while3A_15 : i32
    %while3A_17 = arith.constant 1 : i32
    scf.for %while3A_51 = %while3A_10 to %while3A_16 step %while3A_17  : i32 {
      %mul3A_52 = arith.constant 40 : i32
      %mul3A_53 = arith.muli %while3A_51, %mul3A_52 : i32
      %add3A = arith.addi %mul3A_2, %mul3A_53 : i32
      "tpu.region"() ({
        %run_scoped3A = tpu.sem_alloc : memref<!tpu.dma_semaphore, #tpu.memory_space<semaphore_mem>>
        %dma_start3A = arith.constant 0 : i32
        %dma_start3A_54 = tpu.memref_slice %arg6[%add3A, %dma_start3A] : memref<10080x128xf32, #tpu.memory_space<vmem_shared>> -> memref<40x128xf32, #tpu.memory_space<vmem_shared>>
        %dma_start3A_55 = arith.constant 0 : i32
        %dma_start3A_56 = tpu.memref_slice %arg6[%add3A, %dma_start3A_55] : memref<10080x128xf32, #tpu.memory_space<vmem_shared>> -> memref<40x128xf32, #tpu.memory_space<vmem_shared>>
        tpu.enqueue_dma source(%arg17 : memref<40x128xf32, #tpu.memory_space<vmem>>) target(%dma_start3A_56 : memref<40x128xf32, #tpu.memory_space<vmem_shared>>) target_semaphore(%run_scoped3A : memref<!tpu.dma_semaphore, #tpu.memory_space<semaphore_mem>>)
        %dma_wait3A_57 = arith.constant 0 : i32
        %dma_wait3A_58 = tpu.memref_slice %arg6[%add3A, %dma_wait3A_57] : memref<10080x128xf32, #tpu.memory_space<vmem_shared>> -> memref<40x128xf32, #tpu.memory_space<vmem_shared>>
        %dma_wait3A_59 = arith.constant 0 : i32
        %dma_wait3A_60 = tpu.memref_slice %arg6[%add3A, %dma_wait3A_59] : memref<10080x128xf32, #tpu.memory_space<vmem_shared>> -> memref<40x128xf32, #tpu.memory_space<vmem_shared>>
        tpu.wait_dma2 semaphore(%run_scoped3A : memref<!tpu.dma_semaphore, #tpu.memory_space<semaphore_mem>>) src(%arg17 : memref<40x128xf32, #tpu.memory_space<vmem>>) dst(%dma_wait3A_60 : memref<40x128xf32, #tpu.memory_space<vmem_shared>>)
        tpu.yield
      }) : () -> ()
    }
    %while3A_18 = arith.constant 1 : i32
    scf.for %while3A_51 = %while3A_16 to %while3A_12 step %while3A_18  : i32 {
      %mul3A_52 = arith.constant 40 : i32
      %mul3A_53 = arith.muli %while3A_51, %mul3A_52 : i32
      %add3A = arith.addi %mul3A_2, %mul3A_53 : i32
      "tpu.region"() ({
        %run_scoped3A = tpu.sem_alloc : memref<!tpu.dma_semaphore, #tpu.memory_space<semaphore_mem>>
        %dma_start3A = arith.constant 0 : i32
        %dma_start3A_54 = tpu.memref_slice %arg6[%add3A, %dma_start3A] : memref<10080x128xf32, #tpu.memory_space<vmem_shared>> -> memref<40x128xf32, #tpu.memory_space<vmem_shared>>
        %dma_start3A_55 = arith.constant 0 : i32
        %dma_start3A_56 = tpu.memref_slice %arg6[%add3A, %dma_start3A_55] : memref<10080x128xf32, #tpu.memory_space<vmem_shared>> -> memref<40x128xf32, #tpu.memory_space<vmem_shared>>
        tpu.enqueue_dma source(%arg17 : memref<40x128xf32, #tpu.memory_space<vmem>>) target(%dma_start3A_56 : memref<40x128xf32, #tpu.memory_space<vmem_shared>>) target_semaphore(%run_scoped3A : memref<!tpu.dma_semaphore, #tpu.memory_space<semaphore_mem>>)
        %dma_wait3A_57 = arith.constant 0 : i32
        %dma_wait3A_58 = tpu.memref_slice %arg6[%add3A, %dma_wait3A_57] : memref<10080x128xf32, #tpu.memory_space<vmem_shared>> -> memref<40x128xf32, #tpu.memory_space<vmem_shared>>
        %dma_wait3A_59 = arith.constant 0 : i32
        %dma_wait3A_60 = tpu.memref_slice %arg6[%add3A, %dma_wait3A_59] : memref<10080x128xf32, #tpu.memory_space<vmem_shared>> -> memref<40x128xf32, #tpu.memory_space<vmem_shared>>
        tpu.wait_dma2 semaphore(%run_scoped3A : memref<!tpu.dma_semaphore, #tpu.memory_space<semaphore_mem>>) src(%arg17 : memref<40x128xf32, #tpu.memory_space<vmem>>) dst(%dma_wait3A_60 : memref<40x128xf32, #tpu.memory_space<vmem_shared>>)
        tpu.yield
      }) : () -> ()
    }
    %barrier3A = arith.constant 0 : index
    tpu.barrier barrier_id(%barrier3A)
    %mul3A_19 = arith.constant 20480 : i32
    %mul3A_20 = arith.muli %arg1, %mul3A_19 : i32
    %scan3A_21 = arith.constant 0 : i32
    %scan3A_22 = arith.constant 0 : i32
    %scan3A_23 = arith.constant 256 : i32
    %scan3A_24 = arith.addi %scan3A_22, %scan3A_23 : i32
    %scan3A_25 = arith.constant 1 : i32
    scf.for %scan3A_51 = %scan3A_22 to %scan3A_24 step %scan3A_25  : i32 {
      %mul3A_52 = arith.constant 2 : i32
      %mul3A_53 = arith.muli %mul3A_52, %scan3A_51 : i32
      %mul3A_54 = arith.constant 40 : i32
      %mul3A_55 = arith.muli %mul3A_53, %mul3A_54 : i32
      %add3A = arith.addi %mul3A_20, %mul3A_55 : i32
      %add3A_56 = arith.constant 40 : i32
      %add3A_57 = arith.addi %add3A, %add3A_56 : i32
      %dma_start3A = tpu.memref_slice %arg4[%add3A] : memref<983040xi32, #tpu.memory_space<hbm>> -> memref<40xi32, #tpu.memory_space<hbm>>
      %dma_start3A_58 = tpu.memref_slice %arg4[%add3A] : memref<983040xi32, #tpu.memory_space<hbm>> -> memref<40xi32, #tpu.memory_space<hbm>>
      tpu.enqueue_dma source(%dma_start3A_58 : memref<40xi32, #tpu.memory_space<hbm>>) target(%arg7 : memref<40xi32, #tpu.memory_space<vmem>>) target_semaphore(%arg19 : memref<!tpu.dma_semaphore, #tpu.memory_space<semaphore_mem>>)
      %add3A_59 = arith.constant 327680 : i32
      %add3A_60 = arith.addi %add3A_59, %add3A : i32
      %dma_start3A_61 = arith.constant 0 : i32
      %dma_start3A_62 = arith.constant 0 : i32
      %dma_start3A_63 = tpu.memref_slice %arg8[%dma_start3A_61, %dma_start3A_62] : memref<1x40xi32, #tpu.memory_space<vmem>> -> memref<1x40xi32, #tpu.memory_space<vmem>>
      %dma_start3A_64 = tpu.memref_squeeze %dma_start3A_63 : memref<1x40xi32, #tpu.memory_space<vmem>> -> memref<40xi32, #tpu.memory_space<vmem>>
      %dma_start3A_65 = tpu.memref_slice %arg4[%add3A_60] : memref<983040xi32, #tpu.memory_space<hbm>> -> memref<40xi32, #tpu.memory_space<hbm>>
      %dma_start3A_66 = arith.constant 0 : i32
      %dma_start3A_67 = tpu.memref_slice %arg8[%dma_start3A_61, %dma_start3A_66] : memref<1x40xi32, #tpu.memory_space<vmem>> -> memref<1x40xi32, #tpu.memory_space<vmem>>
      %dma_start3A_68 = tpu.memref_squeeze %dma_start3A_67 : memref<1x40xi32, #tpu.memory_space<vmem>> -> memref<40xi32, #tpu.memory_space<vmem>>
      %dma_start3A_69 = tpu.memref_slice %arg4[%add3A_60] : memref<983040xi32, #tpu.memory_space<hbm>> -> memref<40xi32, #tpu.memory_space<hbm>>
      tpu.enqueue_dma source(%dma_start3A_69 : memref<40xi32, #tpu.memory_space<hbm>>) target(%dma_start3A_68 : memref<40xi32, #tpu.memory_space<vmem>>) target_semaphore(%arg19 : memref<!tpu.dma_semaphore, #tpu.memory_space<semaphore_mem>>)
      %add3A_70 = arith.constant 655360 : i32
      %add3A_71 = arith.addi %add3A_70, %add3A : i32
      %dma_start3A_72 = tpu.memref_slice %arg4[%add3A_71] : memref<983040xi32, #tpu.memory_space<hbm>> -> memref<40xi32, #tpu.memory_space<hbm>>
      %dma_start3A_73 = tpu.memref_slice %arg4[%add3A_71] : memref<983040xi32, #tpu.memory_space<hbm>> -> memref<40xi32, #tpu.memory_space<hbm>>
      tpu.enqueue_dma source(%dma_start3A_73 : memref<40xi32, #tpu.memory_space<hbm>>) target(%arg9 : memref<40xi32, #tpu.memory_space<vmem>>) target_semaphore(%arg19 : memref<!tpu.dma_semaphore, #tpu.memory_space<semaphore_mem>>)
      %dma_start3A_74 = tpu.memref_slice %arg4[%add3A_57] : memref<983040xi32, #tpu.memory_space<hbm>> -> memref<40xi32, #tpu.memory_space<hbm>>
      %dma_start3A_75 = tpu.memref_slice %arg4[%add3A_57] : memref<983040xi32, #tpu.memory_space<hbm>> -> memref<40xi32, #tpu.memory_space<hbm>>
      tpu.enqueue_dma source(%dma_start3A_75 : memref<40xi32, #tpu.memory_space<hbm>>) target(%arg10 : memref<40xi32, #tpu.memory_space<vmem>>) target_semaphore(%arg19 : memref<!tpu.dma_semaphore, #tpu.memory_space<semaphore_mem>>)
      %add3A_76 = arith.constant 327680 : i32
      %add3A_77 = arith.addi %add3A_76, %add3A_57 : i32
      %dma_start3A_78 = arith.constant 0 : i32
      %dma_start3A_79 = arith.constant 0 : i32
      %dma_start3A_80 = tpu.memref_slice %arg11[%dma_start3A_78, %dma_start3A_79] : memref<1x40xi32, #tpu.memory_space<vmem>> -> memref<1x40xi32, #tpu.memory_space<vmem>>
      %dma_start3A_81 = tpu.memref_squeeze %dma_start3A_80 : memref<1x40xi32, #tpu.memory_space<vmem>> -> memref<40xi32, #tpu.memory_space<vmem>>
      %dma_start3A_82 = tpu.memref_slice %arg4[%add3A_77] : memref<983040xi32, #tpu.memory_space<hbm>> -> memref<40xi32, #tpu.memory_space<hbm>>
      %dma_start3A_83 = arith.constant 0 : i32
      %dma_start3A_84 = tpu.memref_slice %arg11[%dma_start3A_78, %dma_start3A_83] : memref<1x40xi32, #tpu.memory_space<vmem>> -> memref<1x40xi32, #tpu.memory_space<vmem>>
      %dma_start3A_85 = tpu.memref_squeeze %dma_start3A_84 : memref<1x40xi32, #tpu.memory_space<vmem>> -> memref<40xi32, #tpu.memory_space<vmem>>
      %dma_start3A_86 = tpu.memref_slice %arg4[%add3A_77] : memref<983040xi32, #tpu.memory_space<hbm>> -> memref<40xi32, #tpu.memory_space<hbm>>
      tpu.enqueue_dma source(%dma_start3A_86 : memref<40xi32, #tpu.memory_space<hbm>>) target(%dma_start3A_85 : memref<40xi32, #tpu.memory_space<vmem>>) target_semaphore(%arg19 : memref<!tpu.dma_semaphore, #tpu.memory_space<semaphore_mem>>)
      %add3A_87 = arith.constant 655360 : i32
      %add3A_88 = arith.addi %add3A_87, %add3A_57 : i32
      %dma_start3A_89 = tpu.memref_slice %arg4[%add3A_88] : memref<983040xi32, #tpu.memory_space<hbm>> -> memref<40xi32, #tpu.memory_space<hbm>>
      %dma_start3A_90 = tpu.memref_slice %arg4[%add3A_88] : memref<983040xi32, #tpu.memory_space<hbm>> -> memref<40xi32, #tpu.memory_space<hbm>>
      tpu.enqueue_dma source(%dma_start3A_90 : memref<40xi32, #tpu.memory_space<hbm>>) target(%arg12 : memref<40xi32, #tpu.memory_space<vmem>>) target_semaphore(%arg19 : memref<!tpu.dma_semaphore, #tpu.memory_space<semaphore_mem>>)
      %dma_wait3A_91 = tpu.memref_slice %arg4[%add3A] : memref<983040xi32, #tpu.memory_space<hbm>> -> memref<40xi32, #tpu.memory_space<hbm>>
      %dma_wait3A_92 = tpu.memref_slice %arg4[%add3A] : memref<983040xi32, #tpu.memory_space<hbm>> -> memref<40xi32, #tpu.memory_space<hbm>>
      tpu.wait_dma2 semaphore(%arg19 : memref<!tpu.dma_semaphore, #tpu.memory_space<semaphore_mem>>) src(%dma_wait3A_92 : memref<40xi32, #tpu.memory_space<hbm>>) dst(%arg7 : memref<40xi32, #tpu.memory_space<vmem>>)
      %dma_wait3A_93 = arith.constant 0 : i32
      %dma_wait3A_94 = arith.constant 0 : i32
      %dma_wait3A_95 = tpu.memref_slice %arg8[%dma_wait3A_93, %dma_wait3A_94] : memref<1x40xi32, #tpu.memory_space<vmem>> -> memref<1x40xi32, #tpu.memory_space<vmem>>
      %dma_wait3A_96 = tpu.memref_squeeze %dma_wait3A_95 : memref<1x40xi32, #tpu.memory_space<vmem>> -> memref<40xi32, #tpu.memory_space<vmem>>
      %dma_wait3A_97 = tpu.memref_slice %arg4[%add3A_60] : memref<983040xi32, #tpu.memory_space<hbm>> -> memref<40xi32, #tpu.memory_space<hbm>>
      %dma_wait3A_98 = arith.constant 0 : i32
      %dma_wait3A_99 = tpu.memref_slice %arg8[%dma_wait3A_93, %dma_wait3A_98] : memref<1x40xi32, #tpu.memory_space<vmem>> -> memref<1x40xi32, #tpu.memory_space<vmem>>
      %dma_wait3A_100 = tpu.memref_squeeze %dma_wait3A_99 : memref<1x40xi32, #tpu.memory_space<vmem>> -> memref<40xi32, #tpu.memory_space<vmem>>
      %dma_wait3A_101 = tpu.memref_slice %arg4[%add3A_60] : memref<983040xi32, #tpu.memory_space<hbm>> -> memref<40xi32, #tpu.memory_space<hbm>>
      tpu.wait_dma2 semaphore(%arg19 : memref<!tpu.dma_semaphore, #tpu.memory_space<semaphore_mem>>) src(%dma_wait3A_101 : memref<40xi32, #tpu.memory_space<hbm>>) dst(%dma_wait3A_100 : memref<40xi32, #tpu.memory_space<vmem>>)
      %dma_wait3A_102 = tpu.memref_slice %arg4[%add3A_71] : memref<983040xi32, #tpu.memory_space<hbm>> -> memref<40xi32, #tpu.memory_space<hbm>>
      %dma_wait3A_103 = tpu.memref_slice %arg4[%add3A_71] : memref<983040xi32, #tpu.memory_space<hbm>> -> memref<40xi32, #tpu.memory_space<hbm>>
      tpu.wait_dma2 semaphore(%arg19 : memref<!tpu.dma_semaphore, #tpu.memory_space<semaphore_mem>>) src(%dma_wait3A_103 : memref<40xi32, #tpu.memory_space<hbm>>) dst(%arg9 : memref<40xi32, #tpu.memory_space<vmem>>)
      %dma_start3A_104 = arith.constant 0 : i32
      %dma_start3A_105 = arith.constant 0 : i32
      %dma_start3A_106 = tpu.memref_slice %arg2[%dma_start3A_104, %dma_start3A_105] : memref<10240x128xf32, #tpu.memory_space<hbm>> -> memref<10240x128xf32, #tpu.memory_space<hbm>>
      tpu.enqueue_indirect_dma source(%dma_start3A_106 : memref<10240x128xf32, #tpu.memory_space<hbm>>) target(%arg13 : memref<40x128xf32, #tpu.memory_space<vmem>>) offsets(%arg7 : memref<40xi32, #tpu.memory_space<vmem>>) semaphore(%arg20 : memref<!tpu.dma_semaphore, #tpu.memory_space<semaphore_mem>>)
      %dma_start3A_107 = arith.constant 0 : i32
      %dma_start3A_108 = arith.constant 0 : i32
      %dma_start3A_109 = tpu.memref_slice %arg3[%dma_start3A_107, %dma_start3A_108] : memref<512x128xf32, #tpu.memory_space<hbm>> -> memref<512x128xf32, #tpu.memory_space<hbm>>
      tpu.enqueue_indirect_dma source(%dma_start3A_109 : memref<512x128xf32, #tpu.memory_space<hbm>>) target(%arg14 : memref<40x128xf32, #tpu.memory_space<vmem>>) offsets(%arg9 : memref<40xi32, #tpu.memory_space<vmem>>) semaphore(%arg20 : memref<!tpu.dma_semaphore, #tpu.memory_space<semaphore_mem>>)
      %dma_wait3A_110 = tpu.memref_slice %arg4[%add3A_57] : memref<983040xi32, #tpu.memory_space<hbm>> -> memref<40xi32, #tpu.memory_space<hbm>>
      %dma_wait3A_111 = tpu.memref_slice %arg4[%add3A_57] : memref<983040xi32, #tpu.memory_space<hbm>> -> memref<40xi32, #tpu.memory_space<hbm>>
      tpu.wait_dma2 semaphore(%arg19 : memref<!tpu.dma_semaphore, #tpu.memory_space<semaphore_mem>>) src(%dma_wait3A_111 : memref<40xi32, #tpu.memory_space<hbm>>) dst(%arg10 : memref<40xi32, #tpu.memory_space<vmem>>)
      %dma_wait3A_112 = arith.constant 0 : i32
      %dma_wait3A_113 = arith.constant 0 : i32
      %dma_wait3A_114 = tpu.memref_slice %arg11[%dma_wait3A_112, %dma_wait3A_113] : memref<1x40xi32, #tpu.memory_space<vmem>> -> memref<1x40xi32, #tpu.memory_space<vmem>>
      %dma_wait3A_115 = tpu.memref_squeeze %dma_wait3A_114 : memref<1x40xi32, #tpu.memory_space<vmem>> -> memref<40xi32, #tpu.memory_space<vmem>>
      %dma_wait3A_116 = tpu.memref_slice %arg4[%add3A_77] : memref<983040xi32, #tpu.memory_space<hbm>> -> memref<40xi32, #tpu.memory_space<hbm>>
      %dma_wait3A_117 = arith.constant 0 : i32
      %dma_wait3A_118 = tpu.memref_slice %arg11[%dma_wait3A_112, %dma_wait3A_117] : memref<1x40xi32, #tpu.memory_space<vmem>> -> memref<1x40xi32, #tpu.memory_space<vmem>>
      %dma_wait3A_119 = tpu.memref_squeeze %dma_wait3A_118 : memref<1x40xi32, #tpu.memory_space<vmem>> -> memref<40xi32, #tpu.memory_space<vmem>>
      %dma_wait3A_120 = tpu.memref_slice %arg4[%add3A_77] : memref<983040xi32, #tpu.memory_space<hbm>> -> memref<40xi32, #tpu.memory_space<hbm>>
      tpu.wait_dma2 semaphore(%arg19 : memref<!tpu.dma_semaphore, #tpu.memory_space<semaphore_mem>>) src(%dma_wait3A_120 : memref<40xi32, #tpu.memory_space<hbm>>) dst(%dma_wait3A_119 : memref<40xi32, #tpu.memory_space<vmem>>)
      %dma_wait3A_121 = tpu.memref_slice %arg4[%add3A_88] : memref<983040xi32, #tpu.memory_space<hbm>> -> memref<40xi32, #tpu.memory_space<hbm>>
      %dma_wait3A_122 = tpu.memref_slice %arg4[%add3A_88] : memref<983040xi32, #tpu.memory_space<hbm>> -> memref<40xi32, #tpu.memory_space<hbm>>
      tpu.wait_dma2 semaphore(%arg19 : memref<!tpu.dma_semaphore, #tpu.memory_space<semaphore_mem>>) src(%dma_wait3A_122 : memref<40xi32, #tpu.memory_space<hbm>>) dst(%arg12 : memref<40xi32, #tpu.memory_space<vmem>>)
      %dma_start3A_123 = arith.constant 0 : i32
      %dma_start3A_124 = arith.constant 0 : i32
      %dma_start3A_125 = tpu.memref_slice %arg2[%dma_start3A_123, %dma_start3A_124] : memref<10240x128xf32, #tpu.memory_space<hbm>> -> memref<10240x128xf32, #tpu.memory_space<hbm>>
      tpu.enqueue_indirect_dma source(%dma_start3A_125 : memref<10240x128xf32, #tpu.memory_space<hbm>>) target(%arg15 : memref<40x128xf32, #tpu.memory_space<vmem>>) offsets(%arg10 : memref<40xi32, #tpu.memory_space<vmem>>) semaphore(%arg20 : memref<!tpu.dma_semaphore, #tpu.memory_space<semaphore_mem>>)
      %dma_start3A_126 = arith.constant 0 : i32
      %dma_start3A_127 = arith.constant 0 : i32
      %dma_start3A_128 = tpu.memref_slice %arg3[%dma_start3A_126, %dma_start3A_127] : memref<512x128xf32, #tpu.memory_space<hbm>> -> memref<512x128xf32, #tpu.memory_space<hbm>>
      tpu.enqueue_indirect_dma source(%dma_start3A_128 : memref<512x128xf32, #tpu.memory_space<hbm>>) target(%arg16 : memref<40x128xf32, #tpu.memory_space<vmem>>) offsets(%arg12 : memref<40xi32, #tpu.memory_space<vmem>>) semaphore(%arg20 : memref<!tpu.dma_semaphore, #tpu.memory_space<semaphore_mem>>)
      %dma_wait3A_129 = arith.constant 0 : i32
      %dma_wait3A_130 = arith.constant 0 : i32
      %dma_wait3A_131 = tpu.memref_slice %arg2[%dma_wait3A_129, %dma_wait3A_130] : memref<10240x128xf32, #tpu.memory_space<hbm>> -> memref<10240x128xf32, #tpu.memory_space<hbm>>
      tpu.wait_indirect_dma semaphore(%arg20 : memref<!tpu.dma_semaphore, #tpu.memory_space<semaphore_mem>>) src(%dma_wait3A_131 : memref<10240x128xf32, #tpu.memory_space<hbm>>) dst(%arg13 : memref<40x128xf32, #tpu.memory_space<vmem>>)
      %dma_wait3A_132 = arith.constant 0 : i32
      %dma_wait3A_133 = arith.constant 0 : i32
      %dma_wait3A_134 = tpu.memref_slice %arg3[%dma_wait3A_132, %dma_wait3A_133] : memref<512x128xf32, #tpu.memory_space<hbm>> -> memref<512x128xf32, #tpu.memory_space<hbm>>
      tpu.wait_indirect_dma semaphore(%arg20 : memref<!tpu.dma_semaphore, #tpu.memory_space<semaphore_mem>>) src(%dma_wait3A_134 : memref<512x128xf32, #tpu.memory_space<hbm>>) dst(%arg14 : memref<40x128xf32, #tpu.memory_space<vmem>>)
      %ne3A = arith.constant 0 : i32
      %ne3A_135 = arith.cmpi ne, %scan3A_51, %ne3A : i32
      %convert_element_type3A = arith.extui %ne3A_135 : i1 to i32
      %cond3A = arith.constant 0 : i32
      %cond3A_136 = arith.cmpi ne, %convert_element_type3A, %cond3A : i32
      scf.if %cond3A_136 {
        %dma_wait3A_169 = arith.constant 0 : i32
        %dma_wait3A_170 = arith.constant 0 : i32
        %dma_wait3A_171 = tpu.memref_slice %arg8[%dma_wait3A_169, %dma_wait3A_170] : memref<1x40xi32, #tpu.memory_space<vmem>> -> memref<1x40xi32, #tpu.memory_space<vmem>>
        %dma_wait3A_172 = tpu.memref_squeeze %dma_wait3A_171 : memref<1x40xi32, #tpu.memory_space<vmem>> -> memref<40xi32, #tpu.memory_space<vmem>>
        %dma_wait3A_173 = arith.constant 0 : i32
        %dma_wait3A_174 = arith.constant 0 : i32
        %dma_wait3A_175 = tpu.memref_slice %arg6[%dma_wait3A_173, %dma_wait3A_174] : memref<10080x128xf32, #tpu.memory_space<vmem_shared>> -> memref<10080x128xf32, #tpu.memory_space<vmem_shared>>
        tpu.wait_indirect_dma semaphore(%arg21 : memref<!tpu.dma_semaphore, #tpu.memory_space<semaphore_mem>>) src(%arg17 : memref<40x128xf32, #tpu.memory_space<vmem>>) dst(%dma_wait3A_175 : memref<10080x128xf32, #tpu.memory_space<vmem_shared>>)
        %dma_wait3A_176 = arith.constant 0 : i32
        %dma_wait3A_177 = arith.constant 0 : i32
        %dma_wait3A_178 = tpu.memref_slice %arg11[%dma_wait3A_176, %dma_wait3A_177] : memref<1x40xi32, #tpu.memory_space<vmem>> -> memref<1x40xi32, #tpu.memory_space<vmem>>
        %dma_wait3A_179 = tpu.memref_squeeze %dma_wait3A_178 : memref<1x40xi32, #tpu.memory_space<vmem>> -> memref<40xi32, #tpu.memory_space<vmem>>
        %dma_wait3A_180 = arith.constant 0 : i32
        %dma_wait3A_181 = arith.constant 0 : i32
        %dma_wait3A_182 = tpu.memref_slice %arg6[%dma_wait3A_180, %dma_wait3A_181] : memref<10080x128xf32, #tpu.memory_space<vmem_shared>> -> memref<10080x128xf32, #tpu.memory_space<vmem_shared>>
        tpu.wait_indirect_dma semaphore(%arg21 : memref<!tpu.dma_semaphore, #tpu.memory_space<semaphore_mem>>) src(%arg18 : memref<40x128xf32, #tpu.memory_space<vmem>>) dst(%dma_wait3A_182 : memref<10080x128xf32, #tpu.memory_space<vmem_shared>>)
      } else {
      }
      %scan3A_137 = arith.constant 0 : i32
      %scan3A_138 = arith.constant 0 : i32
      %scan3A_139 = arith.constant 40 : i32
      %scan3A_140 = arith.addi %scan3A_138, %scan3A_139 : i32
      %scan3A_141 = arith.constant 1 : i32
      scf.for %scan3A_169 = %scan3A_138 to %scan3A_140 step %scan3A_141  : i32 {
        %add3A_170 = arith.constant 0 : i32
        %add3A_171 = arith.addi %mul3A_0, %add3A_170 : i32
        %get3A = arith.index_cast %scan3A_169 : i32 to index
        %get3A_172 = arith.index_cast %add3A_171 : i32 to index
        %get3A_173 = tpu.vector_load %arg13[%get3A, %get3A_172] {strides = array<i32>} : memref<40x128xf32, #tpu.memory_space<vmem>>, vector<1x16xf32>,
        %get3A_174 = vector.shape_cast %get3A_173 : vector<1x16xf32> to vector<16xf32>
        %get3A_175 = arith.index_cast %scan3A_169 : i32 to index
        %get3A_176 = arith.index_cast %add3A_171 : i32 to index
        %get3A_177 = tpu.vector_load %arg14[%get3A_175, %get3A_176] {strides = array<i32>} : memref<40x128xf32, #tpu.memory_space<vmem>>, vector<1x16xf32>,
        %get3A_178 = vector.shape_cast %get3A_177 : vector<1x16xf32> to vector<16xf32>
        %add3A_179 = arith.addf %get3A_174, %get3A_178 : vector<16xf32>
        %max3A = arith.constant 0.000000e+00 : f32
        %max3A_180 = vector.broadcast %max3A : f32 to vector<16xf32>
        %max3A_181 = arith.maximumf %add3A_179, %max3A_180 : vector<16xf32>
        %add3A_182 = arith.constant 1.000000e-07 : f32
        %add3A_183 = vector.broadcast %add3A_182 : f32 to vector<16xf32>
        %add3A_184 = arith.addf %max3A_181, %add3A_183 : vector<16xf32>
        %exp3A = math.exp %add3A_184 : vector<16xf32>
        %swap3A = arith.index_cast %scan3A_169 : i32 to index
        %swap3A_185 = arith.constant 0 : index
        %swap3A_186 = tpu.vector_load %arg17[%swap3A, %swap3A_185] {strides = array<i32>} : memref<40x128xf32, #tpu.memory_space<vmem>>, vector<1x16xf32>,
        %swap3A_187 = vector.shape_cast %swap3A_186 : vector<1x16xf32> to vector<16xf32>
        %swap3A_188 = vector.shape_cast %exp3A : vector<16xf32> to vector<1x16xf32>
        tpu.vector_store %arg17[%swap3A, %swap3A_185], %swap3A_188 {strides = array<i32>} : memref<40x128xf32, #tpu.memory_space<vmem>>, vector<1x16xf32>,
        %mul3A_189 = arith.mulf %exp3A, %add3A_184 : vector<16xf32>
        %swap3A_190 = arith.index_cast %scan3A_169 : i32 to index
        %swap3A_191 = arith.constant 64 : index
        %swap3A_192 = tpu.vector_load %arg17[%swap3A_190, %swap3A_191] {strides = array<i32>} : memref<40x128xf32, #tpu.memory_space<vmem>>, vector<1x16xf32>,
        %swap3A_193 = vector.shape_cast %swap3A_192 : vector<1x16xf32> to vector<16xf32>
        %swap3A_194 = vector.shape_cast %mul3A_189 : vector<16xf32> to vector<1x16xf32>
        tpu.vector_store %arg17[%swap3A_190, %swap3A_191], %swap3A_194 {strides = array<i32>} : memref<40x128xf32, #tpu.memory_space<vmem>>, vector<1x16xf32>,
        %add3A_195 = arith.constant 16 : i32
        %add3A_196 = arith.addi %mul3A_0, %add3A_195 : i32
        %get3A_197 = arith.index_cast %scan3A_169 : i32 to index
        %get3A_198 = arith.index_cast %add3A_196 : i32 to index
        %get3A_199 = tpu.vector_load %arg13[%get3A_197, %get3A_198] {strides = array<i32>} : memref<40x128xf32, #tpu.memory_space<vmem>>, vector<1x16xf32>,
        %get3A_200 = vector.shape_cast %get3A_199 : vector<1x16xf32> to vector<16xf32>
        %get3A_201 = arith.index_cast %scan3A_169 : i32 to index
        %get3A_202 = arith.index_cast %add3A_196 : i32 to index
        %get3A_203 = tpu.vector_load %arg14[%get3A_201, %get3A_202] {strides = array<i32>} : memref<40x128xf32, #tpu.memory_space<vmem>>, vector<1x16xf32>,
        %get3A_204 = vector.shape_cast %get3A_203 : vector<1x16xf32> to vector<16xf32>
        %add3A_205 = arith.addf %get3A_200, %get3A_204 : vector<16xf32>
        %max3A_206 = arith.constant 0.000000e+00 : f32
        %max3A_207 = vector.broadcast %max3A_206 : f32 to vector<16xf32>
        %max3A_208 = arith.maximumf %add3A_205, %max3A_207 : vector<16xf32>
        %add3A_209 = arith.constant 1.000000e-07 : f32
        %add3A_210 = vector.broadcast %add3A_209 : f32 to vector<16xf32>
        %add3A_211 = arith.addf %max3A_208, %add3A_210 : vector<16xf32>
        %exp3A_212 = math.exp %add3A_211 : vector<16xf32>
        %swap3A_213 = arith.index_cast %scan3A_169 : i32 to index
        %swap3A_214 = arith.constant 16 : index
        %swap3A_215 = tpu.vector_load %arg17[%swap3A_213, %swap3A_214] {strides = array<i32>} : memref<40x128xf32, #tpu.memory_space<vmem>>, vector<1x16xf32>,
        %swap3A_216 = vector.shape_cast %swap3A_215 : vector<1x16xf32> to vector<16xf32>
        %swap3A_217 = vector.shape_cast %exp3A_212 : vector<16xf32> to vector<1x16xf32>
        tpu.vector_store %arg17[%swap3A_213, %swap3A_214], %swap3A_217 {strides = array<i32>} : memref<40x128xf32, #tpu.memory_space<vmem>>, vector<1x16xf32>,
        %mul3A_218 = arith.mulf %exp3A_212, %add3A_211 : vector<16xf32>
        %swap3A_219 = arith.index_cast %scan3A_169 : i32 to index
        %swap3A_220 = arith.constant 80 : index
        %swap3A_221 = tpu.vector_load %arg17[%swap3A_219, %swap3A_220] {strides = array<i32>} : memref<40x128xf32, #tpu.memory_space<vmem>>, vector<1x16xf32>,
        %swap3A_222 = vector.shape_cast %swap3A_221 : vector<1x16xf32> to vector<16xf32>
        %swap3A_223 = vector.shape_cast %mul3A_218 : vector<16xf32> to vector<1x16xf32>
        tpu.vector_store %arg17[%swap3A_219, %swap3A_220], %swap3A_223 {strides = array<i32>} : memref<40x128xf32, #tpu.memory_space<vmem>>, vector<1x16xf32>,
        %add3A_224 = arith.constant 32 : i32
        %add3A_225 = arith.addi %mul3A_0, %add3A_224 : i32
        %get3A_226 = arith.index_cast %scan3A_169 : i32 to index
        %get3A_227 = arith.index_cast %add3A_225 : i32 to index
        %get3A_228 = tpu.vector_load %arg13[%get3A_226, %get3A_227] {strides = array<i32>} : memref<40x128xf32, #tpu.memory_space<vmem>>, vector<1x16xf32>,
        %get3A_229 = vector.shape_cast %get3A_228 : vector<1x16xf32> to vector<16xf32>
        %get3A_230 = arith.index_cast %scan3A_169 : i32 to index
        %get3A_231 = arith.index_cast %add3A_225 : i32 to index
        %get3A_232 = tpu.vector_load %arg14[%get3A_230, %get3A_231] {strides = array<i32>} : memref<40x128xf32, #tpu.memory_space<vmem>>, vector<1x16xf32>,
        %get3A_233 = vector.shape_cast %get3A_232 : vector<1x16xf32> to vector<16xf32>
        %add3A_234 = arith.addf %get3A_229, %get3A_233 : vector<16xf32>
        %max3A_235 = arith.constant 0.000000e+00 : f32
        %max3A_236 = vector.broadcast %max3A_235 : f32 to vector<16xf32>
        %max3A_237 = arith.maximumf %add3A_234, %max3A_236 : vector<16xf32>
        %add3A_238 = arith.constant 1.000000e-07 : f32
        %add3A_239 = vector.broadcast %add3A_238 : f32 to vector<16xf32>
        %add3A_240 = arith.addf %max3A_237, %add3A_239 : vector<16xf32>
        %exp3A_241 = math.exp %add3A_240 : vector<16xf32>
        %swap3A_242 = arith.index_cast %scan3A_169 : i32 to index
        %swap3A_243 = arith.constant 32 : index
        %swap3A_244 = tpu.vector_load %arg17[%swap3A_242, %swap3A_243] {strides = array<i32>} : memref<40x128xf32, #tpu.memory_space<vmem>>, vector<1x16xf32>,
        %swap3A_245 = vector.shape_cast %swap3A_244 : vector<1x16xf32> to vector<16xf32>
        %swap3A_246 = vector.shape_cast %exp3A_241 : vector<16xf32> to vector<1x16xf32>
        tpu.vector_store %arg17[%swap3A_242, %swap3A_243], %swap3A_246 {strides = array<i32>} : memref<40x128xf32, #tpu.memory_space<vmem>>, vector<1x16xf32>,
        %mul3A_247 = arith.mulf %exp3A_241, %add3A_240 : vector<16xf32>
        %swap3A_248 = arith.index_cast %scan3A_169 : i32 to index
        %swap3A_249 = arith.constant 96 : index
        %swap3A_250 = tpu.vector_load %arg17[%swap3A_248, %swap3A_249] {strides = array<i32>} : memref<40x128xf32, #tpu.memory_space<vmem>>, vector<1x16xf32>,
        %swap3A_251 = vector.shape_cast %swap3A_250 : vector<1x16xf32> to vector<16xf32>
        %swap3A_252 = vector.shape_cast %mul3A_247 : vector<16xf32> to vector<1x16xf32>
        tpu.vector_store %arg17[%swap3A_248, %swap3A_249], %swap3A_252 {strides = array<i32>} : memref<40x128xf32, #tpu.memory_space<vmem>>, vector<1x16xf32>,
        %add3A_253 = arith.constant 48 : i32
        %add3A_254 = arith.addi %mul3A_0, %add3A_253 : i32
        %get3A_255 = arith.index_cast %scan3A_169 : i32 to index
        %get3A_256 = arith.index_cast %add3A_254 : i32 to index
        %get3A_257 = tpu.vector_load %arg13[%get3A_255, %get3A_256] {strides = array<i32>} : memref<40x128xf32, #tpu.memory_space<vmem>>, vector<1x16xf32>,
        %get3A_258 = vector.shape_cast %get3A_257 : vector<1x16xf32> to vector<16xf32>
        %get3A_259 = arith.index_cast %scan3A_169 : i32 to index
        %get3A_260 = arith.index_cast %add3A_254 : i32 to index
        %get3A_261 = tpu.vector_load %arg14[%get3A_259, %get3A_260] {strides = array<i32>} : memref<40x128xf32, #tpu.memory_space<vmem>>, vector<1x16xf32>,
        %get3A_262 = vector.shape_cast %get3A_261 : vector<1x16xf32> to vector<16xf32>
        %add3A_263 = arith.addf %get3A_258, %get3A_262 : vector<16xf32>
        %max3A_264 = arith.constant 0.000000e+00 : f32
        %max3A_265 = vector.broadcast %max3A_264 : f32 to vector<16xf32>
        %max3A_266 = arith.maximumf %add3A_263, %max3A_265 : vector<16xf32>
        %add3A_267 = arith.constant 1.000000e-07 : f32
        %add3A_268 = vector.broadcast %add3A_267 : f32 to vector<16xf32>
        %add3A_269 = arith.addf %max3A_266, %add3A_268 : vector<16xf32>
        %exp3A_270 = math.exp %add3A_269 : vector<16xf32>
        %swap3A_271 = arith.index_cast %scan3A_169 : i32 to index
        %swap3A_272 = arith.constant 48 : index
        %swap3A_273 = tpu.vector_load %arg17[%swap3A_271, %swap3A_272] {strides = array<i32>} : memref<40x128xf32, #tpu.memory_space<vmem>>, vector<1x16xf32>,
        %swap3A_274 = vector.shape_cast %swap3A_273 : vector<1x16xf32> to vector<16xf32>
        %swap3A_275 = vector.shape_cast %exp3A_270 : vector<16xf32> to vector<1x16xf32>
        tpu.vector_store %arg17[%swap3A_271, %swap3A_272], %swap3A_275 {strides = array<i32>} : memref<40x128xf32, #tpu.memory_space<vmem>>, vector<1x16xf32>,
        %mul3A_276 = arith.mulf %exp3A_270, %add3A_269 : vector<16xf32>
        %swap3A_277 = arith.index_cast %scan3A_169 : i32 to index
        %swap3A_278 = arith.constant 112 : index
        %swap3A_279 = tpu.vector_load %arg17[%swap3A_277, %swap3A_278] {strides = array<i32>} : memref<40x128xf32, #tpu.memory_space<vmem>>, vector<1x16xf32>,
        %swap3A_280 = vector.shape_cast %swap3A_279 : vector<1x16xf32> to vector<16xf32>
        %swap3A_281 = vector.shape_cast %mul3A_276 : vector<16xf32> to vector<1x16xf32>
        tpu.vector_store %arg17[%swap3A_277, %swap3A_278], %swap3A_281 {strides = array<i32>} : memref<40x128xf32, #tpu.memory_space<vmem>>, vector<1x16xf32>,
      }
      %scan3A_142 = arith.constant 40 : i32
      %dma_start3A_143 = arith.constant 0 : i32
      %dma_start3A_144 = arith.constant 0 : i32
      %dma_start3A_145 = tpu.memref_slice %arg8[%dma_start3A_143, %dma_start3A_144] : memref<1x40xi32, #tpu.memory_space<vmem>> -> memref<1x40xi32, #tpu.memory_space<vmem>>
      %dma_start3A_146 = tpu.memref_squeeze %dma_start3A_145 : memref<1x40xi32, #tpu.memory_space<vmem>> -> memref<40xi32, #tpu.memory_space<vmem>>
      %dma_start3A_147 = arith.constant 0 : i32
      %dma_start3A_148 = arith.constant 0 : i32
      %dma_start3A_149 = tpu.memref_slice %arg6[%dma_start3A_147, %dma_start3A_148] : memref<10080x128xf32, #tpu.memory_space<vmem_shared>> -> memref<10080x128xf32, #tpu.memory_space<vmem_shared>>
      tpu.enqueue_indirect_dma source(%arg17 : memref<40x128xf32, #tpu.memory_space<vmem>>) target(%dma_start3A_149 : memref<10080x128xf32, #tpu.memory_space<vmem_shared>>) offsets(%dma_start3A_146 : memref<40xi32, #tpu.memory_space<vmem>>) semaphore(%arg21 : memref<!tpu.dma_semaphore, #tpu.memory_space<semaphore_mem>>) {add = true}
      %dma_wait3A_150 = arith.constant 0 : i32
      %dma_wait3A_151 = arith.constant 0 : i32
      %dma_wait3A_152 = tpu.memref_slice %arg2[%dma_wait3A_150, %dma_wait3A_151] : memref<10240x128xf32, #tpu.memory_space<hbm>> -> memref<10240x128xf32, #tpu.memory_space<hbm>>
      tpu.wait_indirect_dma semaphore(%arg20 : memref<!tpu.dma_semaphore, #tpu.memory_space<semaphore_mem>>) src(%dma_wait3A_152 : memref<10240x128xf32, #tpu.memory_space<hbm>>) dst(%arg15 : memref<40x128xf32, #tpu.memory_space<vmem>>)
      %dma_wait3A_153 = arith.constant 0 : i32
      %dma_wait3A_154 = arith.constant 0 : i32
      %dma_wait3A_155 = tpu.memref_slice %arg3[%dma_wait3A_153, %dma_wait3A_154] : memref<512x128xf32, #tpu.memory_space<hbm>> -> memref<512x128xf32, #tpu.memory_space<hbm>>
      tpu.wait_indirect_dma semaphore(%arg20 : memref<!tpu.dma_semaphore, #tpu.memory_space<semaphore_mem>>) src(%dma_wait3A_155 : memref<512x128xf32, #tpu.memory_space<hbm>>) dst(%arg16 : memref<40x128xf32, #tpu.memory_space<vmem>>)
      %scan3A_156 = arith.constant 0 : i32
      %scan3A_157 = arith.constant 0 : i32
      %scan3A_158 = arith.constant 40 : i32
      %scan3A_159 = arith.addi %scan3A_157, %scan3A_158 : i32
      %scan3A_160 = arith.constant 1 : i32
      scf.for %scan3A_169 = %scan3A_157 to %scan3A_159 step %scan3A_160  : i32 {
        %add3A_170 = arith.constant 0 : i32
        %add3A_171 = arith.addi %mul3A_0, %add3A_170 : i32
        %get3A = arith.index_cast %scan3A_169 : i32 to index
        %get3A_172 = arith.index_cast %add3A_171 : i32 to index
        %get3A_173 = tpu.vector_load %arg15[%get3A, %get3A_172] {strides = array<i32>} : memref<40x128xf32, #tpu.memory_space<vmem>>, vector<1x16xf32>,
        %get3A_174 = vector.shape_cast %get3A_173 : vector<1x16xf32> to vector<16xf32>
        %get3A_175 = arith.index_cast %scan3A_169 : i32 to index
        %get3A_176 = arith.index_cast %add3A_171 : i32 to index
        %get3A_177 = tpu.vector_load %arg16[%get3A_175, %get3A_176] {strides = array<i32>} : memref<40x128xf32, #tpu.memory_space<vmem>>, vector<1x16xf32>,
        %get3A_178 = vector.shape_cast %get3A_177 : vector<1x16xf32> to vector<16xf32>
        %add3A_179 = arith.addf %get3A_174, %get3A_178 : vector<16xf32>
        %max3A = arith.constant 0.000000e+00 : f32
        %max3A_180 = vector.broadcast %max3A : f32 to vector<16xf32>
        %max3A_181 = arith.maximumf %add3A_179, %max3A_180 : vector<16xf32>
        %add3A_182 = arith.constant 1.000000e-07 : f32
        %add3A_183 = vector.broadcast %add3A_182 : f32 to vector<16xf32>
        %add3A_184 = arith.addf %max3A_181, %add3A_183 : vector<16xf32>
        %exp3A = math.exp %add3A_184 : vector<16xf32>
        %swap3A = arith.index_cast %scan3A_169 : i32 to index
        %swap3A_185 = arith.constant 0 : index
        %swap3A_186 = tpu.vector_load %arg18[%swap3A, %swap3A_185] {strides = array<i32>} : memref<40x128xf32, #tpu.memory_space<vmem>>, vector<1x16xf32>,
        %swap3A_187 = vector.shape_cast %swap3A_186 : vector<1x16xf32> to vector<16xf32>
        %swap3A_188 = vector.shape_cast %exp3A : vector<16xf32> to vector<1x16xf32>
        tpu.vector_store %arg18[%swap3A, %swap3A_185], %swap3A_188 {strides = array<i32>} : memref<40x128xf32, #tpu.memory_space<vmem>>, vector<1x16xf32>,
        %mul3A_189 = arith.mulf %exp3A, %add3A_184 : vector<16xf32>
        %swap3A_190 = arith.index_cast %scan3A_169 : i32 to index
        %swap3A_191 = arith.constant 64 : index
        %swap3A_192 = tpu.vector_load %arg18[%swap3A_190, %swap3A_191] {strides = array<i32>} : memref<40x128xf32, #tpu.memory_space<vmem>>, vector<1x16xf32>,
        %swap3A_193 = vector.shape_cast %swap3A_192 : vector<1x16xf32> to vector<16xf32>
        %swap3A_194 = vector.shape_cast %mul3A_189 : vector<16xf32> to vector<1x16xf32>
        tpu.vector_store %arg18[%swap3A_190, %swap3A_191], %swap3A_194 {strides = array<i32>} : memref<40x128xf32, #tpu.memory_space<vmem>>, vector<1x16xf32>,
        %add3A_195 = arith.constant 16 : i32
        %add3A_196 = arith.addi %mul3A_0, %add3A_195 : i32
        %get3A_197 = arith.index_cast %scan3A_169 : i32 to index
        %get3A_198 = arith.index_cast %add3A_196 : i32 to index
        %get3A_199 = tpu.vector_load %arg15[%get3A_197, %get3A_198] {strides = array<i32>} : memref<40x128xf32, #tpu.memory_space<vmem>>, vector<1x16xf32>,
        %get3A_200 = vector.shape_cast %get3A_199 : vector<1x16xf32> to vector<16xf32>
        %get3A_201 = arith.index_cast %scan3A_169 : i32 to index
        %get3A_202 = arith.index_cast %add3A_196 : i32 to index
        %get3A_203 = tpu.vector_load %arg16[%get3A_201, %get3A_202] {strides = array<i32>} : memref<40x128xf32, #tpu.memory_space<vmem>>, vector<1x16xf32>,
        %get3A_204 = vector.shape_cast %get3A_203 : vector<1x16xf32> to vector<16xf32>
        %add3A_205 = arith.addf %get3A_200, %get3A_204 : vector<16xf32>
        %max3A_206 = arith.constant 0.000000e+00 : f32
        %max3A_207 = vector.broadcast %max3A_206 : f32 to vector<16xf32>
        %max3A_208 = arith.maximumf %add3A_205, %max3A_207 : vector<16xf32>
        %add3A_209 = arith.constant 1.000000e-07 : f32
        %add3A_210 = vector.broadcast %add3A_209 : f32 to vector<16xf32>
        %add3A_211 = arith.addf %max3A_208, %add3A_210 : vector<16xf32>
        %exp3A_212 = math.exp %add3A_211 : vector<16xf32>
        %swap3A_213 = arith.index_cast %scan3A_169 : i32 to index
        %swap3A_214 = arith.constant 16 : index
        %swap3A_215 = tpu.vector_load %arg18[%swap3A_213, %swap3A_214] {strides = array<i32>} : memref<40x128xf32, #tpu.memory_space<vmem>>, vector<1x16xf32>,
        %swap3A_216 = vector.shape_cast %swap3A_215 : vector<1x16xf32> to vector<16xf32>
        %swap3A_217 = vector.shape_cast %exp3A_212 : vector<16xf32> to vector<1x16xf32>
        tpu.vector_store %arg18[%swap3A_213, %swap3A_214], %swap3A_217 {strides = array<i32>} : memref<40x128xf32, #tpu.memory_space<vmem>>, vector<1x16xf32>,
        %mul3A_218 = arith.mulf %exp3A_212, %add3A_211 : vector<16xf32>
        %swap3A_219 = arith.index_cast %scan3A_169 : i32 to index
        %swap3A_220 = arith.constant 80 : index
        %swap3A_221 = tpu.vector_load %arg18[%swap3A_219, %swap3A_220] {strides = array<i32>} : memref<40x128xf32, #tpu.memory_space<vmem>>, vector<1x16xf32>,
        %swap3A_222 = vector.shape_cast %swap3A_221 : vector<1x16xf32> to vector<16xf32>
        %swap3A_223 = vector.shape_cast %mul3A_218 : vector<16xf32> to vector<1x16xf32>
        tpu.vector_store %arg18[%swap3A_219, %swap3A_220], %swap3A_223 {strides = array<i32>} : memref<40x128xf32, #tpu.memory_space<vmem>>, vector<1x16xf32>,
        %add3A_224 = arith.constant 32 : i32
        %add3A_225 = arith.addi %mul3A_0, %add3A_224 : i32
        %get3A_226 = arith.index_cast %scan3A_169 : i32 to index
        %get3A_227 = arith.index_cast %add3A_225 : i32 to index
        %get3A_228 = tpu.vector_load %arg15[%get3A_226, %get3A_227] {strides = array<i32>} : memref<40x128xf32, #tpu.memory_space<vmem>>, vector<1x16xf32>,
        %get3A_229 = vector.shape_cast %get3A_228 : vector<1x16xf32> to vector<16xf32>
        %get3A_230 = arith.index_cast %scan3A_169 : i32 to index
        %get3A_231 = arith.index_cast %add3A_225 : i32 to index
        %get3A_232 = tpu.vector_load %arg16[%get3A_230, %get3A_231] {strides = array<i32>} : memref<40x128xf32, #tpu.memory_space<vmem>>, vector<1x16xf32>,
        %get3A_233 = vector.shape_cast %get3A_232 : vector<1x16xf32> to vector<16xf32>
        %add3A_234 = arith.addf %get3A_229, %get3A_233 : vector<16xf32>
        %max3A_235 = arith.constant 0.000000e+00 : f32
        %max3A_236 = vector.broadcast %max3A_235 : f32 to vector<16xf32>
        %max3A_237 = arith.maximumf %add3A_234, %max3A_236 : vector<16xf32>
        %add3A_238 = arith.constant 1.000000e-07 : f32
        %add3A_239 = vector.broadcast %add3A_238 : f32 to vector<16xf32>
        %add3A_240 = arith.addf %max3A_237, %add3A_239 : vector<16xf32>
        %exp3A_241 = math.exp %add3A_240 : vector<16xf32>
        %swap3A_242 = arith.index_cast %scan3A_169 : i32 to index
        %swap3A_243 = arith.constant 32 : index
        %swap3A_244 = tpu.vector_load %arg18[%swap3A_242, %swap3A_243] {strides = array<i32>} : memref<40x128xf32, #tpu.memory_space<vmem>>, vector<1x16xf32>,
        %swap3A_245 = vector.shape_cast %swap3A_244 : vector<1x16xf32> to vector<16xf32>
        %swap3A_246 = vector.shape_cast %exp3A_241 : vector<16xf32> to vector<1x16xf32>
        tpu.vector_store %arg18[%swap3A_242, %swap3A_243], %swap3A_246 {strides = array<i32>} : memref<40x128xf32, #tpu.memory_space<vmem>>, vector<1x16xf32>,
        %mul3A_247 = arith.mulf %exp3A_241, %add3A_240 : vector<16xf32>
        %swap3A_248 = arith.index_cast %scan3A_169 : i32 to index
        %swap3A_249 = arith.constant 96 : index
        %swap3A_250 = tpu.vector_load %arg18[%swap3A_248, %swap3A_249] {strides = array<i32>} : memref<40x128xf32, #tpu.memory_space<vmem>>, vector<1x16xf32>,
        %swap3A_251 = vector.shape_cast %swap3A_250 : vector<1x16xf32> to vector<16xf32>
        %swap3A_252 = vector.shape_cast %mul3A_247 : vector<16xf32> to vector<1x16xf32>
        tpu.vector_store %arg18[%swap3A_248, %swap3A_249], %swap3A_252 {strides = array<i32>} : memref<40x128xf32, #tpu.memory_space<vmem>>, vector<1x16xf32>,
        %add3A_253 = arith.constant 48 : i32
        %add3A_254 = arith.addi %mul3A_0, %add3A_253 : i32
        %get3A_255 = arith.index_cast %scan3A_169 : i32 to index
        %get3A_256 = arith.index_cast %add3A_254 : i32 to index
        %get3A_257 = tpu.vector_load %arg15[%get3A_255, %get3A_256] {strides = array<i32>} : memref<40x128xf32, #tpu.memory_space<vmem>>, vector<1x16xf32>,
        %get3A_258 = vector.shape_cast %get3A_257 : vector<1x16xf32> to vector<16xf32>
        %get3A_259 = arith.index_cast %scan3A_169 : i32 to index
        %get3A_260 = arith.index_cast %add3A_254 : i32 to index
        %get3A_261 = tpu.vector_load %arg16[%get3A_259, %get3A_260] {strides = array<i32>} : memref<40x128xf32, #tpu.memory_space<vmem>>, vector<1x16xf32>,
        %get3A_262 = vector.shape_cast %get3A_261 : vector<1x16xf32> to vector<16xf32>
        %add3A_263 = arith.addf %get3A_258, %get3A_262 : vector<16xf32>
        %max3A_264 = arith.constant 0.000000e+00 : f32
        %max3A_265 = vector.broadcast %max3A_264 : f32 to vector<16xf32>
        %max3A_266 = arith.maximumf %add3A_263, %max3A_265 : vector<16xf32>
        %add3A_267 = arith.constant 1.000000e-07 : f32
        %add3A_268 = vector.broadcast %add3A_267 : f32 to vector<16xf32>
        %add3A_269 = arith.addf %max3A_266, %add3A_268 : vector<16xf32>
        %exp3A_270 = math.exp %add3A_269 : vector<16xf32>
        %swap3A_271 = arith.index_cast %scan3A_169 : i32 to index
        %swap3A_272 = arith.constant 48 : index
        %swap3A_273 = tpu.vector_load %arg18[%swap3A_271, %swap3A_272] {strides = array<i32>} : memref<40x128xf32, #tpu.memory_space<vmem>>, vector<1x16xf32>,
        %swap3A_274 = vector.shape_cast %swap3A_273 : vector<1x16xf32> to vector<16xf32>
        %swap3A_275 = vector.shape_cast %exp3A_270 : vector<16xf32> to vector<1x16xf32>
        tpu.vector_store %arg18[%swap3A_271, %swap3A_272], %swap3A_275 {strides = array<i32>} : memref<40x128xf32, #tpu.memory_space<vmem>>, vector<1x16xf32>,
        %mul3A_276 = arith.mulf %exp3A_270, %add3A_269 : vector<16xf32>
        %swap3A_277 = arith.index_cast %scan3A_169 : i32 to index
        %swap3A_278 = arith.constant 112 : index
        %swap3A_279 = tpu.vector_load %arg18[%swap3A_277, %swap3A_278] {strides = array<i32>} : memref<40x128xf32, #tpu.memory_space<vmem>>, vector<1x16xf32>,
        %swap3A_280 = vector.shape_cast %swap3A_279 : vector<1x16xf32> to vector<16xf32>
        %swap3A_281 = vector.shape_cast %mul3A_276 : vector<16xf32> to vector<1x16xf32>
        tpu.vector_store %arg18[%swap3A_277, %swap3A_278], %swap3A_281 {strides = array<i32>} : memref<40x128xf32, #tpu.memory_space<vmem>>, vector<1x16xf32>,
      }
      %scan3A_161 = arith.constant 40 : i32
      %dma_start3A_162 = arith.constant 0 : i32
      %dma_start3A_163 = arith.constant 0 : i32
      %dma_start3A_164 = tpu.memref_slice %arg11[%dma_start3A_162, %dma_start3A_163] : memref<1x40xi32, #tpu.memory_space<vmem>> -> memref<1x40xi32, #tpu.memory_space<vmem>>
      %dma_start3A_165 = tpu.memref_squeeze %dma_start3A_164 : memref<1x40xi32, #tpu.memory_space<vmem>> -> memref<40xi32, #tpu.memory_space<vmem>>
      %dma_start3A_166 = arith.constant 0 : i32
      %dma_start3A_167 = arith.constant 0 : i32
      %dma_start3A_168 = tpu.memref_slice %arg6[%dma_start3A_166, %dma_start3A_167] : memref<10080x128xf32, #tpu.memory_space<vmem_shared>> -> memref<10080x128xf32, #tpu.memory_space<vmem_shared>>
      tpu.enqueue_indirect_dma source(%arg18 : memref<40x128xf32, #tpu.memory_space<vmem>>) target(%dma_start3A_168 : memref<10080x128xf32, #tpu.memory_space<vmem_shared>>) offsets(%dma_start3A_165 : memref<40xi32, #tpu.memory_space<vmem>>) semaphore(%arg21 : memref<!tpu.dma_semaphore, #tpu.memory_space<semaphore_mem>>) {add = true}
    }
    %scan3A_26 = arith.constant 256 : i32
    %dma_wait3A = arith.constant 0 : i32
    %dma_wait3A_27 = arith.constant 0 : i32
    %dma_wait3A_28 = tpu.memref_slice %arg8[%dma_wait3A, %dma_wait3A_27] : memref<1x40xi32, #tpu.memory_space<vmem>> -> memref<1x40xi32, #tpu.memory_space<vmem>>
    %dma_wait3A_29 = tpu.memref_squeeze %dma_wait3A_28 : memref<1x40xi32, #tpu.memory_space<vmem>> -> memref<40xi32, #tpu.memory_space<vmem>>
    %dma_wait3A_30 = arith.constant 0 : i32
    %dma_wait3A_31 = arith.constant 0 : i32
    %dma_wait3A_32 = tpu.memref_slice %arg6[%dma_wait3A_30, %dma_wait3A_31] : memref<10080x128xf32, #tpu.memory_space<vmem_shared>> -> memref<10080x128xf32, #tpu.memory_space<vmem_shared>>
    tpu.wait_indirect_dma semaphore(%arg21 : memref<!tpu.dma_semaphore, #tpu.memory_space<semaphore_mem>>) src(%arg17 : memref<40x128xf32, #tpu.memory_space<vmem>>) dst(%dma_wait3A_32 : memref<10080x128xf32, #tpu.memory_space<vmem_shared>>)
    %dma_wait3A_33 = arith.constant 0 : i32
    %dma_wait3A_34 = arith.constant 0 : i32
    %dma_wait3A_35 = tpu.memref_slice %arg11[%dma_wait3A_33, %dma_wait3A_34] : memref<1x40xi32, #tpu.memory_space<vmem>> -> memref<1x40xi32, #tpu.memory_space<vmem>>
    %dma_wait3A_36 = tpu.memref_squeeze %dma_wait3A_35 : memref<1x40xi32, #tpu.memory_space<vmem>> -> memref<40xi32, #tpu.memory_space<vmem>>
    %dma_wait3A_37 = arith.constant 0 : i32
    %dma_wait3A_38 = arith.constant 0 : i32
    %dma_wait3A_39 = tpu.memref_slice %arg6[%dma_wait3A_37, %dma_wait3A_38] : memref<10080x128xf32, #tpu.memory_space<vmem_shared>> -> memref<10080x128xf32, #tpu.memory_space<vmem_shared>>
    tpu.wait_indirect_dma semaphore(%arg21 : memref<!tpu.dma_semaphore, #tpu.memory_space<semaphore_mem>>) src(%arg18 : memref<40x128xf32, #tpu.memory_space<vmem>>) dst(%dma_wait3A_39 : memref<10080x128xf32, #tpu.memory_space<vmem_shared>>)
    %barrier3A_40 = arith.constant 0 : index
    tpu.barrier barrier_id(%barrier3A_40)
    %while3A_41 = arith.constant 0 : i32
    %while3A_42 = arith.constant 0 : i32
    %while3A_43 = arith.subi %select_n3A, %while3A_42 : i32
    %while3A_44 = arith.addi %while3A_42, %while3A_43 : i32
    %while3A_45 = arith.constant 1 : i32
    %while3A_46 = arith.divsi %while3A_43, %while3A_45 : i32
    %while3A_47 = arith.muli %while3A_46, %while3A_45 : i32
    %while3A_48 = arith.addi %while3A_42, %while3A_47 : i32
    %while3A_49 = arith.constant 1 : i32
    scf.for %while3A_51 = %while3A_42 to %while3A_48 step %while3A_49  : i32 {
      %mul3A_52 = arith.constant 40 : i32
      %mul3A_53 = arith.muli %while3A_51, %mul3A_52 : i32
      %add3A = arith.addi %mul3A_2, %mul3A_53 : i32
      "tpu.region"() ({
        %run_scoped3A = tpu.sem_alloc : memref<!tpu.dma_semaphore, #tpu.memory_space<semaphore_mem>>
        %dma_start3A = arith.constant 0 : i32
        %dma_start3A_63 = tpu.memref_slice %arg6[%add3A, %dma_start3A] : memref<10080x128xf32, #tpu.memory_space<vmem_shared>> -> memref<40x128xf32, #tpu.memory_space<vmem_shared>>
        %dma_start3A_64 = arith.constant 0 : i32
        %dma_start3A_65 = tpu.memref_slice %arg6[%add3A, %dma_start3A_64] : memref<10080x128xf32, #tpu.memory_space<vmem_shared>> -> memref<40x128xf32, #tpu.memory_space<vmem_shared>>
        tpu.enqueue_dma source(%dma_start3A_65 : memref<40x128xf32, #tpu.memory_space<vmem_shared>>) target(%arg13 : memref<40x128xf32, #tpu.memory_space<vmem>>) target_semaphore(%run_scoped3A : memref<!tpu.dma_semaphore, #tpu.memory_space<semaphore_mem>>)
        %dma_wait3A_66 = arith.constant 0 : i32
        %dma_wait3A_67 = tpu.memref_slice %arg6[%add3A, %dma_wait3A_66] : memref<10080x128xf32, #tpu.memory_space<vmem_shared>> -> memref<40x128xf32, #tpu.memory_space<vmem_shared>>
        %dma_wait3A_68 = arith.constant 0 : i32
        %dma_wait3A_69 = tpu.memref_slice %arg6[%add3A, %dma_wait3A_68] : memref<10080x128xf32, #tpu.memory_space<vmem_shared>> -> memref<40x128xf32, #tpu.memory_space<vmem_shared>>
        tpu.wait_dma2 semaphore(%run_scoped3A : memref<!tpu.dma_semaphore, #tpu.memory_space<semaphore_mem>>) src(%dma_wait3A_69 : memref<40x128xf32, #tpu.memory_space<vmem_shared>>) dst(%arg13 : memref<40x128xf32, #tpu.memory_space<vmem>>)
        tpu.yield
      }) : () -> ()
      %scan3A_54 = arith.constant 0 : i32
      %scan3A_55 = arith.constant 0 : i32
      %scan3A_56 = arith.constant 40 : i32
      %scan3A_57 = arith.addi %scan3A_55, %scan3A_56 : i32
      %scan3A_58 = arith.constant 1 : i32
      scf.for %scan3A_63 = %scan3A_55 to %scan3A_57 step %scan3A_58  : i32 {
        %get3A = arith.index_cast %scan3A_63 : i32 to index
        %get3A_64 = arith.constant 64 : index
        %get3A_65 = tpu.vector_load %arg13[%get3A, %get3A_64] {strides = array<i32>} : memref<40x128xf32, #tpu.memory_space<vmem>>, vector<1x16xf32>,
        %get3A_66 = vector.shape_cast %get3A_65 : vector<1x16xf32> to vector<16xf32>
        %get3A_67 = arith.index_cast %scan3A_63 : i32 to index
        %get3A_68 = arith.constant 0 : index
        %get3A_69 = tpu.vector_load %arg13[%get3A_67, %get3A_68] {strides = array<i32>} : memref<40x128xf32, #tpu.memory_space<vmem>>, vector<1x16xf32>,
        %get3A_70 = vector.shape_cast %get3A_69 : vector<1x16xf32> to vector<16xf32>
        %add3A_71 = arith.constant 1.000000e-16 : f32
        %add3A_72 = vector.broadcast %add3A_71 : f32 to vector<16xf32>
        %add3A_73 = arith.addf %get3A_70, %add3A_72 : vector<16xf32>
        %div3A = arith.divf %get3A_66, %add3A_73 : vector<16xf32>
        %swap3A = arith.index_cast %scan3A_63 : i32 to index
        %swap3A_74 = arith.constant 0 : index
        %swap3A_75 = tpu.vector_load %arg17[%swap3A, %swap3A_74] {strides = array<i32>} : memref<40x128xf32, #tpu.memory_space<vmem>>, vector<1x16xf32>,
        %swap3A_76 = vector.shape_cast %swap3A_75 : vector<1x16xf32> to vector<16xf32>
        %swap3A_77 = vector.shape_cast %div3A : vector<16xf32> to vector<1x16xf32>
        tpu.vector_store %arg17[%swap3A, %swap3A_74], %swap3A_77 {strides = array<i32>} : memref<40x128xf32, #tpu.memory_space<vmem>>, vector<1x16xf32>,
        %get3A_78 = arith.index_cast %scan3A_63 : i32 to index
        %get3A_79 = arith.constant 80 : index
        %get3A_80 = tpu.vector_load %arg13[%get3A_78, %get3A_79] {strides = array<i32>} : memref<40x128xf32, #tpu.memory_space<vmem>>, vector<1x16xf32>,
        %get3A_81 = vector.shape_cast %get3A_80 : vector<1x16xf32> to vector<16xf32>
        %get3A_82 = arith.index_cast %scan3A_63 : i32 to index
        %get3A_83 = arith.constant 16 : index
        %get3A_84 = tpu.vector_load %arg13[%get3A_82, %get3A_83] {strides = array<i32>} : memref<40x128xf32, #tpu.memory_space<vmem>>, vector<1x16xf32>,
        %get3A_85 = vector.shape_cast %get3A_84 : vector<1x16xf32> to vector<16xf32>
        %add3A_86 = arith.constant 1.000000e-16 : f32
        %add3A_87 = vector.broadcast %add3A_86 : f32 to vector<16xf32>
        %add3A_88 = arith.addf %get3A_85, %add3A_87 : vector<16xf32>
        %div3A_89 = arith.divf %get3A_81, %add3A_88 : vector<16xf32>
        %swap3A_90 = arith.index_cast %scan3A_63 : i32 to index
        %swap3A_91 = arith.constant 16 : index
        %swap3A_92 = tpu.vector_load %arg17[%swap3A_90, %swap3A_91] {strides = array<i32>} : memref<40x128xf32, #tpu.memory_space<vmem>>, vector<1x16xf32>,
        %swap3A_93 = vector.shape_cast %swap3A_92 : vector<1x16xf32> to vector<16xf32>
        %swap3A_94 = vector.shape_cast %div3A_89 : vector<16xf32> to vector<1x16xf32>
        tpu.vector_store %arg17[%swap3A_90, %swap3A_91], %swap3A_94 {strides = array<i32>} : memref<40x128xf32, #tpu.memory_space<vmem>>, vector<1x16xf32>,
        %get3A_95 = arith.index_cast %scan3A_63 : i32 to index
        %get3A_96 = arith.constant 96 : index
        %get3A_97 = tpu.vector_load %arg13[%get3A_95, %get3A_96] {strides = array<i32>} : memref<40x128xf32, #tpu.memory_space<vmem>>, vector<1x16xf32>,
        %get3A_98 = vector.shape_cast %get3A_97 : vector<1x16xf32> to vector<16xf32>
        %get3A_99 = arith.index_cast %scan3A_63 : i32 to index
        %get3A_100 = arith.constant 32 : index
        %get3A_101 = tpu.vector_load %arg13[%get3A_99, %get3A_100] {strides = array<i32>} : memref<40x128xf32, #tpu.memory_space<vmem>>, vector<1x16xf32>,
        %get3A_102 = vector.shape_cast %get3A_101 : vector<1x16xf32> to vector<16xf32>
        %add3A_103 = arith.constant 1.000000e-16 : f32
        %add3A_104 = vector.broadcast %add3A_103 : f32 to vector<16xf32>
        %add3A_105 = arith.addf %get3A_102, %add3A_104 : vector<16xf32>
        %div3A_106 = arith.divf %get3A_98, %add3A_105 : vector<16xf32>
        %swap3A_107 = arith.index_cast %scan3A_63 : i32 to index
        %swap3A_108 = arith.constant 32 : index
        %swap3A_109 = tpu.vector_load %arg17[%swap3A_107, %swap3A_108] {strides = array<i32>} : memref<40x128xf32, #tpu.memory_space<vmem>>, vector<1x16xf32>,
        %swap3A_110 = vector.shape_cast %swap3A_109 : vector<1x16xf32> to vector<16xf32>
        %swap3A_111 = vector.shape_cast %div3A_106 : vector<16xf32> to vector<1x16xf32>
        tpu.vector_store %arg17[%swap3A_107, %swap3A_108], %swap3A_111 {strides = array<i32>} : memref<40x128xf32, #tpu.memory_space<vmem>>, vector<1x16xf32>,
        %get3A_112 = arith.index_cast %scan3A_63 : i32 to index
        %get3A_113 = arith.constant 112 : index
        %get3A_114 = tpu.vector_load %arg13[%get3A_112, %get3A_113] {strides = array<i32>} : memref<40x128xf32, #tpu.memory_space<vmem>>, vector<1x16xf32>,
        %get3A_115 = vector.shape_cast %get3A_114 : vector<1x16xf32> to vector<16xf32>
        %get3A_116 = arith.index_cast %scan3A_63 : i32 to index
        %get3A_117 = arith.constant 48 : index
        %get3A_118 = tpu.vector_load %arg13[%get3A_116, %get3A_117] {strides = array<i32>} : memref<40x128xf32, #tpu.memory_space<vmem>>, vector<1x16xf32>,
        %get3A_119 = vector.shape_cast %get3A_118 : vector<1x16xf32> to vector<16xf32>
        %add3A_120 = arith.constant 1.000000e-16 : f32
        %add3A_121 = vector.broadcast %add3A_120 : f32 to vector<16xf32>
        %add3A_122 = arith.addf %get3A_119, %add3A_121 : vector<16xf32>
        %div3A_123 = arith.divf %get3A_115, %add3A_122 : vector<16xf32>
        %swap3A_124 = arith.index_cast %scan3A_63 : i32 to index
        %swap3A_125 = arith.constant 48 : index
        %swap3A_126 = tpu.vector_load %arg17[%swap3A_124, %swap3A_125] {strides = array<i32>} : memref<40x128xf32, #tpu.memory_space<vmem>>, vector<1x16xf32>,
        %swap3A_127 = vector.shape_cast %swap3A_126 : vector<1x16xf32> to vector<16xf32>
        %swap3A_128 = vector.shape_cast %div3A_123 : vector<16xf32> to vector<1x16xf32>
        tpu.vector_store %arg17[%swap3A_124, %swap3A_125], %swap3A_128 {strides = array<i32>} : memref<40x128xf32, #tpu.memory_space<vmem>>, vector<1x16xf32>,
      }
      %scan3A_59 = arith.constant 40 : i32
      %mul3A_60 = arith.constant 10240 : i32
      %mul3A_61 = arith.muli %arg0, %mul3A_60 : i32
      %add3A_62 = arith.addi %mul3A_61, %add3A : i32
      "tpu.region"() ({
        %run_scoped3A = tpu.sem_alloc : memref<!tpu.dma_semaphore, #tpu.memory_space<semaphore_mem>>
        %dma_start3A = arith.constant 0 : i32
        %dma_start3A_63 = tpu.memref_slice %arg5[%add3A_62, %dma_start3A] : memref<20480x128xf32, #tpu.memory_space<hbm>> -> memref<40x128xf32, #tpu.memory_space<hbm>>
        %dma_start3A_64 = arith.constant 0 : i32
        %dma_start3A_65 = tpu.memref_slice %arg5[%add3A_62, %dma_start3A_64] : memref<20480x128xf32, #tpu.memory_space<hbm>> -> memref<40x128xf32, #tpu.memory_space<hbm>>
        tpu.enqueue_dma source(%arg17 : memref<40x128xf32, #tpu.memory_space<vmem>>) target(%dma_start3A_65 : memref<40x128xf32, #tpu.memory_space<hbm>>) target_semaphore(%run_scoped3A : memref<!tpu.dma_semaphore, #tpu.memory_space<semaphore_mem>>)
        %dma_wait3A_66 = arith.constant 0 : i32
        %dma_wait3A_67 = tpu.memref_slice %arg5[%add3A_62, %dma_wait3A_66] : memref<20480x128xf32, #tpu.memory_space<hbm>> -> memref<40x128xf32, #tpu.memory_space<hbm>>
        %dma_wait3A_68 = arith.constant 0 : i32
        %dma_wait3A_69 = tpu.memref_slice %arg5[%add3A_62, %dma_wait3A_68] : memref<20480x128xf32, #tpu.memory_space<hbm>> -> memref<40x128xf32, #tpu.memory_space<hbm>>
        tpu.wait_dma2 semaphore(%run_scoped3A : memref<!tpu.dma_semaphore, #tpu.memory_space<semaphore_mem>>) src(%arg17 : memref<40x128xf32, #tpu.memory_space<vmem>>) dst(%dma_wait3A_69 : memref<40x128xf32, #tpu.memory_space<hbm>>)
        tpu.yield
      }) : () -> ()
    }
    %while3A_50 = arith.constant 1 : i32
    scf.for %while3A_51 = %while3A_48 to %while3A_44 step %while3A_50  : i32 {
      %mul3A_52 = arith.constant 40 : i32
      %mul3A_53 = arith.muli %while3A_51, %mul3A_52 : i32
      %add3A = arith.addi %mul3A_2, %mul3A_53 : i32
      "tpu.region"() ({
        %run_scoped3A = tpu.sem_alloc : memref<!tpu.dma_semaphore, #tpu.memory_space<semaphore_mem>>
        %dma_start3A = arith.constant 0 : i32
        %dma_start3A_63 = tpu.memref_slice %arg6[%add3A, %dma_start3A] : memref<10080x128xf32, #tpu.memory_space<vmem_shared>> -> memref<40x128xf32, #tpu.memory_space<vmem_shared>>
        %dma_start3A_64 = arith.constant 0 : i32
        %dma_start3A_65 = tpu.memref_slice %arg6[%add3A, %dma_start3A_64] : memref<10080x128xf32, #tpu.memory_space<vmem_shared>> -> memref<40x128xf32, #tpu.memory_space<vmem_shared>>
        tpu.enqueue_dma source(%dma_start3A_65 : memref<40x128xf32, #tpu.memory_space<vmem_shared>>) target(%arg13 : memref<40x128xf32, #tpu.memory_space<vmem>>) target_semaphore(%run_scoped3A : memref<!tpu.dma_semaphore, #tpu.memory_space<semaphore_mem>>)
        %dma_wait3A_66 = arith.constant 0 : i32
        %dma_wait3A_67 = tpu.memref_slice %arg6[%add3A, %dma_wait3A_66] : memref<10080x128xf32, #tpu.memory_space<vmem_shared>> -> memref<40x128xf32, #tpu.memory_space<vmem_shared>>
        %dma_wait3A_68 = arith.constant 0 : i32
        %dma_wait3A_69 = tpu.memref_slice %arg6[%add3A, %dma_wait3A_68] : memref<10080x128xf32, #tpu.memory_space<vmem_shared>> -> memref<40x128xf32, #tpu.memory_space<vmem_shared>>
        tpu.wait_dma2 semaphore(%run_scoped3A : memref<!tpu.dma_semaphore, #tpu.memory_space<semaphore_mem>>) src(%dma_wait3A_69 : memref<40x128xf32, #tpu.memory_space<vmem_shared>>) dst(%arg13 : memref<40x128xf32, #tpu.memory_space<vmem>>)
        tpu.yield
      }) : () -> ()
      %scan3A_54 = arith.constant 0 : i32
      %scan3A_55 = arith.constant 0 : i32
      %scan3A_56 = arith.constant 40 : i32
      %scan3A_57 = arith.addi %scan3A_55, %scan3A_56 : i32
      %scan3A_58 = arith.constant 1 : i32
      scf.for %scan3A_63 = %scan3A_55 to %scan3A_57 step %scan3A_58  : i32 {
        %get3A = arith.index_cast %scan3A_63 : i32 to index
        %get3A_64 = arith.constant 64 : index
        %get3A_65 = tpu.vector_load %arg13[%get3A, %get3A_64] {strides = array<i32>} : memref<40x128xf32, #tpu.memory_space<vmem>>, vector<1x16xf32>,
        %get3A_66 = vector.shape_cast %get3A_65 : vector<1x16xf32> to vector<16xf32>
        %get3A_67 = arith.index_cast %scan3A_63 : i32 to index
        %get3A_68 = arith.constant 0 : index
        %get3A_69 = tpu.vector_load %arg13[%get3A_67, %get3A_68] {strides = array<i32>} : memref<40x128xf32, #tpu.memory_space<vmem>>, vector<1x16xf32>,
        %get3A_70 = vector.shape_cast %get3A_69 : vector<1x16xf32> to vector<16xf32>
        %add3A_71 = arith.constant 1.000000e-16 : f32
        %add3A_72 = vector.broadcast %add3A_71 : f32 to vector<16xf32>
        %add3A_73 = arith.addf %get3A_70, %add3A_72 : vector<16xf32>
        %div3A = arith.divf %get3A_66, %add3A_73 : vector<16xf32>
        %swap3A = arith.index_cast %scan3A_63 : i32 to index
        %swap3A_74 = arith.constant 0 : index
        %swap3A_75 = tpu.vector_load %arg17[%swap3A, %swap3A_74] {strides = array<i32>} : memref<40x128xf32, #tpu.memory_space<vmem>>, vector<1x16xf32>,
        %swap3A_76 = vector.shape_cast %swap3A_75 : vector<1x16xf32> to vector<16xf32>
        %swap3A_77 = vector.shape_cast %div3A : vector<16xf32> to vector<1x16xf32>
        tpu.vector_store %arg17[%swap3A, %swap3A_74], %swap3A_77 {strides = array<i32>} : memref<40x128xf32, #tpu.memory_space<vmem>>, vector<1x16xf32>,
        %get3A_78 = arith.index_cast %scan3A_63 : i32 to index
        %get3A_79 = arith.constant 80 : index
        %get3A_80 = tpu.vector_load %arg13[%get3A_78, %get3A_79] {strides = array<i32>} : memref<40x128xf32, #tpu.memory_space<vmem>>, vector<1x16xf32>,
        %get3A_81 = vector.shape_cast %get3A_80 : vector<1x16xf32> to vector<16xf32>
        %get3A_82 = arith.index_cast %scan3A_63 : i32 to index
        %get3A_83 = arith.constant 16 : index
        %get3A_84 = tpu.vector_load %arg13[%get3A_82, %get3A_83] {strides = array<i32>} : memref<40x128xf32, #tpu.memory_space<vmem>>, vector<1x16xf32>,
        %get3A_85 = vector.shape_cast %get3A_84 : vector<1x16xf32> to vector<16xf32>
        %add3A_86 = arith.constant 1.000000e-16 : f32
        %add3A_87 = vector.broadcast %add3A_86 : f32 to vector<16xf32>
        %add3A_88 = arith.addf %get3A_85, %add3A_87 : vector<16xf32>
        %div3A_89 = arith.divf %get3A_81, %add3A_88 : vector<16xf32>
        %swap3A_90 = arith.index_cast %scan3A_63 : i32 to index
        %swap3A_91 = arith.constant 16 : index
        %swap3A_92 = tpu.vector_load %arg17[%swap3A_90, %swap3A_91] {strides = array<i32>} : memref<40x128xf32, #tpu.memory_space<vmem>>, vector<1x16xf32>,
        %swap3A_93 = vector.shape_cast %swap3A_92 : vector<1x16xf32> to vector<16xf32>
        %swap3A_94 = vector.shape_cast %div3A_89 : vector<16xf32> to vector<1x16xf32>
        tpu.vector_store %arg17[%swap3A_90, %swap3A_91], %swap3A_94 {strides = array<i32>} : memref<40x128xf32, #tpu.memory_space<vmem>>, vector<1x16xf32>,
        %get3A_95 = arith.index_cast %scan3A_63 : i32 to index
        %get3A_96 = arith.constant 96 : index
        %get3A_97 = tpu.vector_load %arg13[%get3A_95, %get3A_96] {strides = array<i32>} : memref<40x128xf32, #tpu.memory_space<vmem>>, vector<1x16xf32>,
        %get3A_98 = vector.shape_cast %get3A_97 : vector<1x16xf32> to vector<16xf32>
        %get3A_99 = arith.index_cast %scan3A_63 : i32 to index
        %get3A_100 = arith.constant 32 : index
        %get3A_101 = tpu.vector_load %arg13[%get3A_99, %get3A_100] {strides = array<i32>} : memref<40x128xf32, #tpu.memory_space<vmem>>, vector<1x16xf32>,
        %get3A_102 = vector.shape_cast %get3A_101 : vector<1x16xf32> to vector<16xf32>
        %add3A_103 = arith.constant 1.000000e-16 : f32
        %add3A_104 = vector.broadcast %add3A_103 : f32 to vector<16xf32>
        %add3A_105 = arith.addf %get3A_102, %add3A_104 : vector<16xf32>
        %div3A_106 = arith.divf %get3A_98, %add3A_105 : vector<16xf32>
        %swap3A_107 = arith.index_cast %scan3A_63 : i32 to index
        %swap3A_108 = arith.constant 32 : index
        %swap3A_109 = tpu.vector_load %arg17[%swap3A_107, %swap3A_108] {strides = array<i32>} : memref<40x128xf32, #tpu.memory_space<vmem>>, vector<1x16xf32>,
        %swap3A_110 = vector.shape_cast %swap3A_109 : vector<1x16xf32> to vector<16xf32>
        %swap3A_111 = vector.shape_cast %div3A_106 : vector<16xf32> to vector<1x16xf32>
        tpu.vector_store %arg17[%swap3A_107, %swap3A_108], %swap3A_111 {strides = array<i32>} : memref<40x128xf32, #tpu.memory_space<vmem>>, vector<1x16xf32>,
        %get3A_112 = arith.index_cast %scan3A_63 : i32 to index
        %get3A_113 = arith.constant 112 : index
        %get3A_114 = tpu.vector_load %arg13[%get3A_112, %get3A_113] {strides = array<i32>} : memref<40x128xf32, #tpu.memory_space<vmem>>, vector<1x16xf32>,
        %get3A_115 = vector.shape_cast %get3A_114 : vector<1x16xf32> to vector<16xf32>
        %get3A_116 = arith.index_cast %scan3A_63 : i32 to index
        %get3A_117 = arith.constant 48 : index
        %get3A_118 = tpu.vector_load %arg13[%get3A_116, %get3A_117] {strides = array<i32>} : memref<40x128xf32, #tpu.memory_space<vmem>>, vector<1x16xf32>,
        %get3A_119 = vector.shape_cast %get3A_118 : vector<1x16xf32> to vector<16xf32>
        %add3A_120 = arith.constant 1.000000e-16 : f32
        %add3A_121 = vector.broadcast %add3A_120 : f32 to vector<16xf32>
        %add3A_122 = arith.addf %get3A_119, %add3A_121 : vector<16xf32>
        %div3A_123 = arith.divf %get3A_115, %add3A_122 : vector<16xf32>
        %swap3A_124 = arith.index_cast %scan3A_63 : i32 to index
        %swap3A_125 = arith.constant 48 : index
        %swap3A_126 = tpu.vector_load %arg17[%swap3A_124, %swap3A_125] {strides = array<i32>} : memref<40x128xf32, #tpu.memory_space<vmem>>, vector<1x16xf32>,
        %swap3A_127 = vector.shape_cast %swap3A_126 : vector<1x16xf32> to vector<16xf32>
        %swap3A_128 = vector.shape_cast %div3A_123 : vector<16xf32> to vector<1x16xf32>
        tpu.vector_store %arg17[%swap3A_124, %swap3A_125], %swap3A_128 {strides = array<i32>} : memref<40x128xf32, #tpu.memory_space<vmem>>, vector<1x16xf32>,
      }
      %scan3A_59 = arith.constant 40 : i32
      %mul3A_60 = arith.constant 10240 : i32
      %mul3A_61 = arith.muli %arg0, %mul3A_60 : i32
      %add3A_62 = arith.addi %mul3A_61, %add3A : i32
      "tpu.region"() ({
        %run_scoped3A = tpu.sem_alloc : memref<!tpu.dma_semaphore, #tpu.memory_space<semaphore_mem>>
        %dma_start3A = arith.constant 0 : i32
        %dma_start3A_63 = tpu.memref_slice %arg5[%add3A_62, %dma_start3A] : memref<20480x128xf32, #tpu.memory_space<hbm>> -> memref<40x128xf32, #tpu.memory_space<hbm>>
        %dma_start3A_64 = arith.constant 0 : i32
        %dma_start3A_65 = tpu.memref_slice %arg5[%add3A_62, %dma_start3A_64] : memref<20480x128xf32, #tpu.memory_space<hbm>> -> memref<40x128xf32, #tpu.memory_space<hbm>>
        tpu.enqueue_dma source(%arg17 : memref<40x128xf32, #tpu.memory_space<vmem>>) target(%dma_start3A_65 : memref<40x128xf32, #tpu.memory_space<hbm>>) target_semaphore(%run_scoped3A : memref<!tpu.dma_semaphore, #tpu.memory_space<semaphore_mem>>)
        %dma_wait3A_66 = arith.constant 0 : i32
        %dma_wait3A_67 = tpu.memref_slice %arg5[%add3A_62, %dma_wait3A_66] : memref<20480x128xf32, #tpu.memory_space<hbm>> -> memref<40x128xf32, #tpu.memory_space<hbm>>
        %dma_wait3A_68 = arith.constant 0 : i32
        %dma_wait3A_69 = tpu.memref_slice %arg5[%add3A_62, %dma_wait3A_68] : memref<20480x128xf32, #tpu.memory_space<hbm>> -> memref<40x128xf32, #tpu.memory_space<hbm>>
        tpu.wait_dma2 semaphore(%run_scoped3A : memref<!tpu.dma_semaphore, #tpu.memory_space<semaphore_mem>>) src(%arg17 : memref<40x128xf32, #tpu.memory_space<vmem>>) dst(%dma_wait3A_69 : memref<40x128xf32, #tpu.memory_space<hbm>>)
        tpu.yield
      }) : () -> ()
    }
    return
  }
}

#map = affine_map<(d0, d1) -> (0, 0)>
#map1 = affine_map<(d0, d1) -> (0)>
module attributes {stable_mosaic.version = 14 : i64} {
  func.func @sc_agg_0(%arg0: i32, %arg1: i32, %arg2: memref<10240x128xf32, #tpu.memory_space<hbm>>, %arg3: memref<512x128xf32, #tpu.memory_space<hbm>>, %arg4: memref<983040xi32, #tpu.memory_space<hbm>>, %arg5: memref<20480x128xf32, #tpu.memory_space<hbm>>, %arg6: memref<10080x128xf32, #tpu.memory_space<vmem_shared>>, %arg7: memref<40xi32, #tpu.memory_space<vmem>>, %arg8: memref<1x40xi32, #tpu.memory_space<vmem>>, %arg9: memref<40xi32, #tpu.memory_space<vmem>>, %arg10: memref<40xi32, #tpu.memory_space<vmem>>, %arg11: memref<1x40xi32, #tpu.memory_space<vmem>>, %arg12: memref<40xi32, #tpu.memory_space<vmem>>, %arg13: memref<40x128xf32, #tpu.memory_space<vmem>>, %arg14: memref<40x128xf32, #tpu.memory_space<vmem>>, %arg15: memref<40x128xf32, #tpu.memory_space<vmem>>, %arg16: memref<40x128xf32, #tpu.memory_space<vmem>>, %arg17: memref<40x128xf32, #tpu.memory_space<vmem>>, %arg18: memref<40x128xf32, #tpu.memory_space<vmem>>, %arg19: memref<!tpu.dma_semaphore, #tpu.memory_space<semaphore_mem>>, %arg20: memref<!tpu.dma_semaphore, #tpu.memory_space<semaphore_mem>>, %arg21: memref<!tpu.dma_semaphore, #tpu.memory_space<semaphore_mem>>) attributes {dimension_semantics = [#tpu.dimension_semantics<core_parallel>, #tpu.dimension_semantics<subcore_parallel>], iteration_bounds = array<i64: 2, 16>, scalar_prefetch = 0 : i64, scratch_operands = 16 : i64, tpu.core_type = #tpu.core_type<sc_vector_subcore>, window_params = [{transform_indices = #map}, {transform_indices = #map}, {transform_indices = #map1}, {transform_indices = #map}]} {
    %mul3A = arith.constant 64 : i32
    %mul3A_0 = arith.muli %arg0, %mul3A : i32
    %mul3A_1 = arith.constant 640 : i32
    %mul3A_2 = arith.muli %arg1, %mul3A_1 : i32
    %eq3A = arith.constant 15 : i32
    %eq3A_3 = arith.cmpi eq, %arg1, %eq3A : i32
    %jit3A = arith.constant 12 : i32
    %jit3A_4 = arith.constant 16 : i32
    %select_n3A = arith.select %eq3A_3, %jit3A, %jit3A_4 : i32
    %scan3A = arith.constant 0 : i32
    %scan3A_5 = arith.constant 0 : i32
    %scan3A_6 = arith.constant 40 : i32
    %scan3A_7 = arith.addi %scan3A_5, %scan3A_6 : i32
    %scan3A_8 = arith.constant 1 : i32
    scf.for %scan3A_51 = %scan3A_5 to %scan3A_7 step %scan3A_8  : i32 {
      %broadcast_in_dim3A = arith.constant 0.000000e+00 : f32
      %broadcast_in_dim3A_52 = vector.broadcast %broadcast_in_dim3A : f32 to vector<16xf32>
      %swap3A = arith.index_cast %scan3A_51 : i32 to index
      %swap3A_53 = arith.constant 0 : index
      %swap3A_54 = tpu.vector_load %arg17[%swap3A, %swap3A_53] {strides = array<i32>} : memref<40x128xf32, #tpu.memory_space<vmem>>, vector<1x16xf32>,
      %swap3A_55 = vector.shape_cast %swap3A_54 : vector<1x16xf32> to vector<16xf32>
      %swap3A_56 = vector.shape_cast %broadcast_in_dim3A_52 : vector<16xf32> to vector<1x16xf32>
      tpu.vector_store %arg17[%swap3A, %swap3A_53], %swap3A_56 {strides = array<i32>} : memref<40x128xf32, #tpu.memory_space<vmem>>, vector<1x16xf32>,
      %broadcast_in_dim3A_57 = arith.constant 0.000000e+00 : f32
      %broadcast_in_dim3A_58 = vector.broadcast %broadcast_in_dim3A_57 : f32 to vector<16xf32>
      %swap3A_59 = arith.index_cast %scan3A_51 : i32 to index
      %swap3A_60 = arith.constant 16 : index
      %swap3A_61 = tpu.vector_load %arg17[%swap3A_59, %swap3A_60] {strides = array<i32>} : memref<40x128xf32, #tpu.memory_space<vmem>>, vector<1x16xf32>,
      %swap3A_62 = vector.shape_cast %swap3A_61 : vector<1x16xf32> to vector<16xf32>
      %swap3A_63 = vector.shape_cast %broadcast_in_dim3A_58 : vector<16xf32> to vector<1x16xf32>
      tpu.vector_store %arg17[%swap3A_59, %swap3A_60], %swap3A_63 {strides = array<i32>} : memref<40x128xf32, #tpu.memory_space<vmem>>, vector<1x16xf32>,
      %broadcast_in_dim3A_64 = arith.constant 0.000000e+00 : f32
      %broadcast_in_dim3A_65 = vector.broadcast %broadcast_in_dim3A_64 : f32 to vector<16xf32>
      %swap3A_66 = arith.index_cast %scan3A_51 : i32 to index
      %swap3A_67 = arith.constant 32 : index
      %swap3A_68 = tpu.vector_load %arg17[%swap3A_66, %swap3A_67] {strides = array<i32>} : memref<40x128xf32, #tpu.memory_space<vmem>>, vector<1x16xf32>,
      %swap3A_69 = vector.shape_cast %swap3A_68 : vector<1x16xf32> to vector<16xf32>
      %swap3A_70 = vector.shape_cast %broadcast_in_dim3A_65 : vector<16xf32> to vector<1x16xf32>
      tpu.vector_store %arg17[%swap3A_66, %swap3A_67], %swap3A_70 {strides = array<i32>} : memref<40x128xf32, #tpu.memory_space<vmem>>, vector<1x16xf32>,
      %broadcast_in_dim3A_71 = arith.constant 0.000000e+00 : f32
      %broadcast_in_dim3A_72 = vector.broadcast %broadcast_in_dim3A_71 : f32 to vector<16xf32>
      %swap3A_73 = arith.index_cast %scan3A_51 : i32 to index
      %swap3A_74 = arith.constant 48 : index
      %swap3A_75 = tpu.vector_load %arg17[%swap3A_73, %swap3A_74] {strides = array<i32>} : memref<40x128xf32, #tpu.memory_space<vmem>>, vector<1x16xf32>,
      %swap3A_76 = vector.shape_cast %swap3A_75 : vector<1x16xf32> to vector<16xf32>
      %swap3A_77 = vector.shape_cast %broadcast_in_dim3A_72 : vector<16xf32> to vector<1x16xf32>
      tpu.vector_store %arg17[%swap3A_73, %swap3A_74], %swap3A_77 {strides = array<i32>} : memref<40x128xf32, #tpu.memory_space<vmem>>, vector<1x16xf32>,
      %broadcast_in_dim3A_78 = arith.constant 0.000000e+00 : f32
      %broadcast_in_dim3A_79 = vector.broadcast %broadcast_in_dim3A_78 : f32 to vector<16xf32>
      %swap3A_80 = arith.index_cast %scan3A_51 : i32 to index
      %swap3A_81 = arith.constant 64 : index
      %swap3A_82 = tpu.vector_load %arg17[%swap3A_80, %swap3A_81] {strides = array<i32>} : memref<40x128xf32, #tpu.memory_space<vmem>>, vector<1x16xf32>,
      %swap3A_83 = vector.shape_cast %swap3A_82 : vector<1x16xf32> to vector<16xf32>
      %swap3A_84 = vector.shape_cast %broadcast_in_dim3A_79 : vector<16xf32> to vector<1x16xf32>
      tpu.vector_store %arg17[%swap3A_80, %swap3A_81], %swap3A_84 {strides = array<i32>} : memref<40x128xf32, #tpu.memory_space<vmem>>, vector<1x16xf32>,
      %broadcast_in_dim3A_85 = arith.constant 0.000000e+00 : f32
      %broadcast_in_dim3A_86 = vector.broadcast %broadcast_in_dim3A_85 : f32 to vector<16xf32>
      %swap3A_87 = arith.index_cast %scan3A_51 : i32 to index
      %swap3A_88 = arith.constant 80 : index
      %swap3A_89 = tpu.vector_load %arg17[%swap3A_87, %swap3A_88] {strides = array<i32>} : memref<40x128xf32, #tpu.memory_space<vmem>>, vector<1x16xf32>,
      %swap3A_90 = vector.shape_cast %swap3A_89 : vector<1x16xf32> to vector<16xf32>
      %swap3A_91 = vector.shape_cast %broadcast_in_dim3A_86 : vector<16xf32> to vector<1x16xf32>
      tpu.vector_store %arg17[%swap3A_87, %swap3A_88], %swap3A_91 {strides = array<i32>} : memref<40x128xf32, #tpu.memory_space<vmem>>, vector<1x16xf32>,
      %broadcast_in_dim3A_92 = arith.constant 0.000000e+00 : f32
      %broadcast_in_dim3A_93 = vector.broadcast %broadcast_in_dim3A_92 : f32 to vector<16xf32>
      %swap3A_94 = arith.index_cast %scan3A_51 : i32 to index
      %swap3A_95 = arith.constant 96 : index
      %swap3A_96 = tpu.vector_load %arg17[%swap3A_94, %swap3A_95] {strides = array<i32>} : memref<40x128xf32, #tpu.memory_space<vmem>>, vector<1x16xf32>,
      %swap3A_97 = vector.shape_cast %swap3A_96 : vector<1x16xf32> to vector<16xf32>
      %swap3A_98 = vector.shape_cast %broadcast_in_dim3A_93 : vector<16xf32> to vector<1x16xf32>
      tpu.vector_store %arg17[%swap3A_94, %swap3A_95], %swap3A_98 {strides = array<i32>} : memref<40x128xf32, #tpu.memory_space<vmem>>, vector<1x16xf32>,
      %broadcast_in_dim3A_99 = arith.constant 0.000000e+00 : f32
      %broadcast_in_dim3A_100 = vector.broadcast %broadcast_in_dim3A_99 : f32 to vector<16xf32>
      %swap3A_101 = arith.index_cast %scan3A_51 : i32 to index
      %swap3A_102 = arith.constant 112 : index
      %swap3A_103 = tpu.vector_load %arg17[%swap3A_101, %swap3A_102] {strides = array<i32>} : memref<40x128xf32, #tpu.memory_space<vmem>>, vector<1x16xf32>,
      %swap3A_104 = vector.shape_cast %swap3A_103 : vector<1x16xf32> to vector<16xf32>
      %swap3A_105 = vector.shape_cast %broadcast_in_dim3A_100 : vector<16xf32> to vector<1x16xf32>
      tpu.vector_store %arg17[%swap3A_101, %swap3A_102], %swap3A_105 {strides = array<i32>} : memref<40x128xf32, #tpu.memory_space<vmem>>, vector<1x16xf32>,
    }
    %scan3A_9 = arith.constant 40 : i32
    %while3A = arith.constant 0 : i32
    %while3A_10 = arith.constant 0 : i32
    %while3A_11 = arith.subi %select_n3A, %while3A_10 : i32
    %while3A_12 = arith.addi %while3A_10, %while3A_11 : i32
    %while3A_13 = arith.constant 1 : i32
    %while3A_14 = arith.divsi %while3A_11, %while3A_13 : i32
    %while3A_15 = arith.muli %while3A_14, %while3A_13 : i32
    %while3A_16 = arith.addi %while3A_10, %while3A_15 : i32
    %while3A_17 = arith.constant 1 : i32
    scf.for %while3A_51 = %while3A_10 to %while3A_16 step %while3A_17  : i32 {
      %mul3A_52 = arith.constant 40 : i32
      %mul3A_53 = arith.muli %while3A_51, %mul3A_52 : i32
      %add3A = arith.addi %mul3A_2, %mul3A_53 : i32
      "tpu.region"() ({
        %run_scoped3A = tpu.sem_alloc : memref<!tpu.dma_semaphore, #tpu.memory_space<semaphore_mem>>
        %dma_start3A = arith.constant 0 : i32
        %dma_start3A_54 = tpu.memref_slice %arg6[%add3A, %dma_start3A] : memref<10080x128xf32, #tpu.memory_space<vmem_shared>> -> memref<40x128xf32, #tpu.memory_space<vmem_shared>>
        %dma_start3A_55 = arith.constant 0 : i32
        %dma_start3A_56 = tpu.memref_slice %arg6[%add3A, %dma_start3A_55] : memref<10080x128xf32, #tpu.memory_space<vmem_shared>> -> memref<40x128xf32, #tpu.memory_space<vmem_shared>>
        tpu.enqueue_dma source(%arg17 : memref<40x128xf32, #tpu.memory_space<vmem>>) target(%dma_start3A_56 : memref<40x128xf32, #tpu.memory_space<vmem_shared>>) target_semaphore(%run_scoped3A : memref<!tpu.dma_semaphore, #tpu.memory_space<semaphore_mem>>)
        %dma_wait3A_57 = arith.constant 0 : i32
        %dma_wait3A_58 = tpu.memref_slice %arg6[%add3A, %dma_wait3A_57] : memref<10080x128xf32, #tpu.memory_space<vmem_shared>> -> memref<40x128xf32, #tpu.memory_space<vmem_shared>>
        %dma_wait3A_59 = arith.constant 0 : i32
        %dma_wait3A_60 = tpu.memref_slice %arg6[%add3A, %dma_wait3A_59] : memref<10080x128xf32, #tpu.memory_space<vmem_shared>> -> memref<40x128xf32, #tpu.memory_space<vmem_shared>>
        tpu.wait_dma2 semaphore(%run_scoped3A : memref<!tpu.dma_semaphore, #tpu.memory_space<semaphore_mem>>) src(%arg17 : memref<40x128xf32, #tpu.memory_space<vmem>>) dst(%dma_wait3A_60 : memref<40x128xf32, #tpu.memory_space<vmem_shared>>)
        tpu.yield
      }) : () -> ()
    }
    %while3A_18 = arith.constant 1 : i32
    scf.for %while3A_51 = %while3A_16 to %while3A_12 step %while3A_18  : i32 {
      %mul3A_52 = arith.constant 40 : i32
      %mul3A_53 = arith.muli %while3A_51, %mul3A_52 : i32
      %add3A = arith.addi %mul3A_2, %mul3A_53 : i32
      "tpu.region"() ({
        %run_scoped3A = tpu.sem_alloc : memref<!tpu.dma_semaphore, #tpu.memory_space<semaphore_mem>>
        %dma_start3A = arith.constant 0 : i32
        %dma_start3A_54 = tpu.memref_slice %arg6[%add3A, %dma_start3A] : memref<10080x128xf32, #tpu.memory_space<vmem_shared>> -> memref<40x128xf32, #tpu.memory_space<vmem_shared>>
        %dma_start3A_55 = arith.constant 0 : i32
        %dma_start3A_56 = tpu.memref_slice %arg6[%add3A, %dma_start3A_55] : memref<10080x128xf32, #tpu.memory_space<vmem_shared>> -> memref<40x128xf32, #tpu.memory_space<vmem_shared>>
        tpu.enqueue_dma source(%arg17 : memref<40x128xf32, #tpu.memory_space<vmem>>) target(%dma_start3A_56 : memref<40x128xf32, #tpu.memory_space<vmem_shared>>) target_semaphore(%run_scoped3A : memref<!tpu.dma_semaphore, #tpu.memory_space<semaphore_mem>>)
        %dma_wait3A_57 = arith.constant 0 : i32
        %dma_wait3A_58 = tpu.memref_slice %arg6[%add3A, %dma_wait3A_57] : memref<10080x128xf32, #tpu.memory_space<vmem_shared>> -> memref<40x128xf32, #tpu.memory_space<vmem_shared>>
        %dma_wait3A_59 = arith.constant 0 : i32
        %dma_wait3A_60 = tpu.memref_slice %arg6[%add3A, %dma_wait3A_59] : memref<10080x128xf32, #tpu.memory_space<vmem_shared>> -> memref<40x128xf32, #tpu.memory_space<vmem_shared>>
        tpu.wait_dma2 semaphore(%run_scoped3A : memref<!tpu.dma_semaphore, #tpu.memory_space<semaphore_mem>>) src(%arg17 : memref<40x128xf32, #tpu.memory_space<vmem>>) dst(%dma_wait3A_60 : memref<40x128xf32, #tpu.memory_space<vmem_shared>>)
        tpu.yield
      }) : () -> ()
    }
    %barrier3A = arith.constant 0 : index
    tpu.barrier barrier_id(%barrier3A)
    %mul3A_19 = arith.constant 20480 : i32
    %mul3A_20 = arith.muli %arg1, %mul3A_19 : i32
    %scan3A_21 = arith.constant 0 : i32
    %scan3A_22 = arith.constant 0 : i32
    %scan3A_23 = arith.constant 256 : i32
    %scan3A_24 = arith.addi %scan3A_22, %scan3A_23 : i32
    %scan3A_25 = arith.constant 1 : i32
    scf.for %scan3A_51 = %scan3A_22 to %scan3A_24 step %scan3A_25  : i32 {
      %mul3A_52 = arith.constant 2 : i32
      %mul3A_53 = arith.muli %mul3A_52, %scan3A_51 : i32
      %mul3A_54 = arith.constant 40 : i32
      %mul3A_55 = arith.muli %mul3A_53, %mul3A_54 : i32
      %add3A = arith.addi %mul3A_20, %mul3A_55 : i32
      %add3A_56 = arith.constant 40 : i32
      %add3A_57 = arith.addi %add3A, %add3A_56 : i32
      %dma_start3A = tpu.memref_slice %arg4[%add3A] : memref<983040xi32, #tpu.memory_space<hbm>> -> memref<40xi32, #tpu.memory_space<hbm>>
      %dma_start3A_58 = tpu.memref_slice %arg4[%add3A] : memref<983040xi32, #tpu.memory_space<hbm>> -> memref<40xi32, #tpu.memory_space<hbm>>
      tpu.enqueue_dma source(%dma_start3A_58 : memref<40xi32, #tpu.memory_space<hbm>>) target(%arg7 : memref<40xi32, #tpu.memory_space<vmem>>) target_semaphore(%arg19 : memref<!tpu.dma_semaphore, #tpu.memory_space<semaphore_mem>>)
      %add3A_59 = arith.constant 327680 : i32
      %add3A_60 = arith.addi %add3A_59, %add3A : i32
      %dma_start3A_61 = arith.constant 0 : i32
      %dma_start3A_62 = arith.constant 0 : i32
      %dma_start3A_63 = tpu.memref_slice %arg8[%dma_start3A_61, %dma_start3A_62] : memref<1x40xi32, #tpu.memory_space<vmem>> -> memref<1x40xi32, #tpu.memory_space<vmem>>
      %dma_start3A_64 = tpu.memref_squeeze %dma_start3A_63 : memref<1x40xi32, #tpu.memory_space<vmem>> -> memref<40xi32, #tpu.memory_space<vmem>>
      %dma_start3A_65 = tpu.memref_slice %arg4[%add3A_60] : memref<983040xi32, #tpu.memory_space<hbm>> -> memref<40xi32, #tpu.memory_space<hbm>>
      %dma_start3A_66 = arith.constant 0 : i32
      %dma_start3A_67 = tpu.memref_slice %arg8[%dma_start3A_61, %dma_start3A_66] : memref<1x40xi32, #tpu.memory_space<vmem>> -> memref<1x40xi32, #tpu.memory_space<vmem>>
      %dma_start3A_68 = tpu.memref_squeeze %dma_start3A_67 : memref<1x40xi32, #tpu.memory_space<vmem>> -> memref<40xi32, #tpu.memory_space<vmem>>
      %dma_start3A_69 = tpu.memref_slice %arg4[%add3A_60] : memref<983040xi32, #tpu.memory_space<hbm>> -> memref<40xi32, #tpu.memory_space<hbm>>
      tpu.enqueue_dma source(%dma_start3A_69 : memref<40xi32, #tpu.memory_space<hbm>>) target(%dma_start3A_68 : memref<40xi32, #tpu.memory_space<vmem>>) target_semaphore(%arg19 : memref<!tpu.dma_semaphore, #tpu.memory_space<semaphore_mem>>)
      %add3A_70 = arith.constant 655360 : i32
      %add3A_71 = arith.addi %add3A_70, %add3A : i32
      %dma_start3A_72 = tpu.memref_slice %arg4[%add3A_71] : memref<983040xi32, #tpu.memory_space<hbm>> -> memref<40xi32, #tpu.memory_space<hbm>>
      %dma_start3A_73 = tpu.memref_slice %arg4[%add3A_71] : memref<983040xi32, #tpu.memory_space<hbm>> -> memref<40xi32, #tpu.memory_space<hbm>>
      tpu.enqueue_dma source(%dma_start3A_73 : memref<40xi32, #tpu.memory_space<hbm>>) target(%arg9 : memref<40xi32, #tpu.memory_space<vmem>>) target_semaphore(%arg19 : memref<!tpu.dma_semaphore, #tpu.memory_space<semaphore_mem>>)
      %dma_start3A_74 = tpu.memref_slice %arg4[%add3A_57] : memref<983040xi32, #tpu.memory_space<hbm>> -> memref<40xi32, #tpu.memory_space<hbm>>
      %dma_start3A_75 = tpu.memref_slice %arg4[%add3A_57] : memref<983040xi32, #tpu.memory_space<hbm>> -> memref<40xi32, #tpu.memory_space<hbm>>
      tpu.enqueue_dma source(%dma_start3A_75 : memref<40xi32, #tpu.memory_space<hbm>>) target(%arg10 : memref<40xi32, #tpu.memory_space<vmem>>) target_semaphore(%arg19 : memref<!tpu.dma_semaphore, #tpu.memory_space<semaphore_mem>>)
      %add3A_76 = arith.constant 327680 : i32
      %add3A_77 = arith.addi %add3A_76, %add3A_57 : i32
      %dma_start3A_78 = arith.constant 0 : i32
      %dma_start3A_79 = arith.constant 0 : i32
      %dma_start3A_80 = tpu.memref_slice %arg11[%dma_start3A_78, %dma_start3A_79] : memref<1x40xi32, #tpu.memory_space<vmem>> -> memref<1x40xi32, #tpu.memory_space<vmem>>
      %dma_start3A_81 = tpu.memref_squeeze %dma_start3A_80 : memref<1x40xi32, #tpu.memory_space<vmem>> -> memref<40xi32, #tpu.memory_space<vmem>>
      %dma_start3A_82 = tpu.memref_slice %arg4[%add3A_77] : memref<983040xi32, #tpu.memory_space<hbm>> -> memref<40xi32, #tpu.memory_space<hbm>>
      %dma_start3A_83 = arith.constant 0 : i32
      %dma_start3A_84 = tpu.memref_slice %arg11[%dma_start3A_78, %dma_start3A_83] : memref<1x40xi32, #tpu.memory_space<vmem>> -> memref<1x40xi32, #tpu.memory_space<vmem>>
      %dma_start3A_85 = tpu.memref_squeeze %dma_start3A_84 : memref<1x40xi32, #tpu.memory_space<vmem>> -> memref<40xi32, #tpu.memory_space<vmem>>
      %dma_start3A_86 = tpu.memref_slice %arg4[%add3A_77] : memref<983040xi32, #tpu.memory_space<hbm>> -> memref<40xi32, #tpu.memory_space<hbm>>
      tpu.enqueue_dma source(%dma_start3A_86 : memref<40xi32, #tpu.memory_space<hbm>>) target(%dma_start3A_85 : memref<40xi32, #tpu.memory_space<vmem>>) target_semaphore(%arg19 : memref<!tpu.dma_semaphore, #tpu.memory_space<semaphore_mem>>)
      %add3A_87 = arith.constant 655360 : i32
      %add3A_88 = arith.addi %add3A_87, %add3A_57 : i32
      %dma_start3A_89 = tpu.memref_slice %arg4[%add3A_88] : memref<983040xi32, #tpu.memory_space<hbm>> -> memref<40xi32, #tpu.memory_space<hbm>>
      %dma_start3A_90 = tpu.memref_slice %arg4[%add3A_88] : memref<983040xi32, #tpu.memory_space<hbm>> -> memref<40xi32, #tpu.memory_space<hbm>>
      tpu.enqueue_dma source(%dma_start3A_90 : memref<40xi32, #tpu.memory_space<hbm>>) target(%arg12 : memref<40xi32, #tpu.memory_space<vmem>>) target_semaphore(%arg19 : memref<!tpu.dma_semaphore, #tpu.memory_space<semaphore_mem>>)
      %dma_wait3A_91 = tpu.memref_slice %arg4[%add3A] : memref<983040xi32, #tpu.memory_space<hbm>> -> memref<40xi32, #tpu.memory_space<hbm>>
      %dma_wait3A_92 = tpu.memref_slice %arg4[%add3A] : memref<983040xi32, #tpu.memory_space<hbm>> -> memref<40xi32, #tpu.memory_space<hbm>>
      tpu.wait_dma2 semaphore(%arg19 : memref<!tpu.dma_semaphore, #tpu.memory_space<semaphore_mem>>) src(%dma_wait3A_92 : memref<40xi32, #tpu.memory_space<hbm>>) dst(%arg7 : memref<40xi32, #tpu.memory_space<vmem>>)
      %dma_wait3A_93 = arith.constant 0 : i32
      %dma_wait3A_94 = arith.constant 0 : i32
      %dma_wait3A_95 = tpu.memref_slice %arg8[%dma_wait3A_93, %dma_wait3A_94] : memref<1x40xi32, #tpu.memory_space<vmem>> -> memref<1x40xi32, #tpu.memory_space<vmem>>
      %dma_wait3A_96 = tpu.memref_squeeze %dma_wait3A_95 : memref<1x40xi32, #tpu.memory_space<vmem>> -> memref<40xi32, #tpu.memory_space<vmem>>
      %dma_wait3A_97 = tpu.memref_slice %arg4[%add3A_60] : memref<983040xi32, #tpu.memory_space<hbm>> -> memref<40xi32, #tpu.memory_space<hbm>>
      %dma_wait3A_98 = arith.constant 0 : i32
      %dma_wait3A_99 = tpu.memref_slice %arg8[%dma_wait3A_93, %dma_wait3A_98] : memref<1x40xi32, #tpu.memory_space<vmem>> -> memref<1x40xi32, #tpu.memory_space<vmem>>
      %dma_wait3A_100 = tpu.memref_squeeze %dma_wait3A_99 : memref<1x40xi32, #tpu.memory_space<vmem>> -> memref<40xi32, #tpu.memory_space<vmem>>
      %dma_wait3A_101 = tpu.memref_slice %arg4[%add3A_60] : memref<983040xi32, #tpu.memory_space<hbm>> -> memref<40xi32, #tpu.memory_space<hbm>>
      tpu.wait_dma2 semaphore(%arg19 : memref<!tpu.dma_semaphore, #tpu.memory_space<semaphore_mem>>) src(%dma_wait3A_101 : memref<40xi32, #tpu.memory_space<hbm>>) dst(%dma_wait3A_100 : memref<40xi32, #tpu.memory_space<vmem>>)
      %dma_wait3A_102 = tpu.memref_slice %arg4[%add3A_71] : memref<983040xi32, #tpu.memory_space<hbm>> -> memref<40xi32, #tpu.memory_space<hbm>>
      %dma_wait3A_103 = tpu.memref_slice %arg4[%add3A_71] : memref<983040xi32, #tpu.memory_space<hbm>> -> memref<40xi32, #tpu.memory_space<hbm>>
      tpu.wait_dma2 semaphore(%arg19 : memref<!tpu.dma_semaphore, #tpu.memory_space<semaphore_mem>>) src(%dma_wait3A_103 : memref<40xi32, #tpu.memory_space<hbm>>) dst(%arg9 : memref<40xi32, #tpu.memory_space<vmem>>)
      %dma_start3A_104 = arith.constant 0 : i32
      %dma_start3A_105 = arith.constant 0 : i32
      %dma_start3A_106 = tpu.memref_slice %arg2[%dma_start3A_104, %dma_start3A_105] : memref<10240x128xf32, #tpu.memory_space<hbm>> -> memref<10240x128xf32, #tpu.memory_space<hbm>>
      tpu.enqueue_indirect_dma source(%dma_start3A_106 : memref<10240x128xf32, #tpu.memory_space<hbm>>) target(%arg13 : memref<40x128xf32, #tpu.memory_space<vmem>>) offsets(%arg7 : memref<40xi32, #tpu.memory_space<vmem>>) semaphore(%arg20 : memref<!tpu.dma_semaphore, #tpu.memory_space<semaphore_mem>>)
      %dma_start3A_107 = arith.constant 0 : i32
      %dma_start3A_108 = arith.constant 0 : i32
      %dma_start3A_109 = tpu.memref_slice %arg3[%dma_start3A_107, %dma_start3A_108] : memref<512x128xf32, #tpu.memory_space<hbm>> -> memref<512x128xf32, #tpu.memory_space<hbm>>
      tpu.enqueue_indirect_dma source(%dma_start3A_109 : memref<512x128xf32, #tpu.memory_space<hbm>>) target(%arg14 : memref<40x128xf32, #tpu.memory_space<vmem>>) offsets(%arg9 : memref<40xi32, #tpu.memory_space<vmem>>) semaphore(%arg20 : memref<!tpu.dma_semaphore, #tpu.memory_space<semaphore_mem>>)
      %dma_wait3A_110 = tpu.memref_slice %arg4[%add3A_57] : memref<983040xi32, #tpu.memory_space<hbm>> -> memref<40xi32, #tpu.memory_space<hbm>>
      %dma_wait3A_111 = tpu.memref_slice %arg4[%add3A_57] : memref<983040xi32, #tpu.memory_space<hbm>> -> memref<40xi32, #tpu.memory_space<hbm>>
      tpu.wait_dma2 semaphore(%arg19 : memref<!tpu.dma_semaphore, #tpu.memory_space<semaphore_mem>>) src(%dma_wait3A_111 : memref<40xi32, #tpu.memory_space<hbm>>) dst(%arg10 : memref<40xi32, #tpu.memory_space<vmem>>)
      %dma_wait3A_112 = arith.constant 0 : i32
      %dma_wait3A_113 = arith.constant 0 : i32
      %dma_wait3A_114 = tpu.memref_slice %arg11[%dma_wait3A_112, %dma_wait3A_113] : memref<1x40xi32, #tpu.memory_space<vmem>> -> memref<1x40xi32, #tpu.memory_space<vmem>>
      %dma_wait3A_115 = tpu.memref_squeeze %dma_wait3A_114 : memref<1x40xi32, #tpu.memory_space<vmem>> -> memref<40xi32, #tpu.memory_space<vmem>>
      %dma_wait3A_116 = tpu.memref_slice %arg4[%add3A_77] : memref<983040xi32, #tpu.memory_space<hbm>> -> memref<40xi32, #tpu.memory_space<hbm>>
      %dma_wait3A_117 = arith.constant 0 : i32
      %dma_wait3A_118 = tpu.memref_slice %arg11[%dma_wait3A_112, %dma_wait3A_117] : memref<1x40xi32, #tpu.memory_space<vmem>> -> memref<1x40xi32, #tpu.memory_space<vmem>>
      %dma_wait3A_119 = tpu.memref_squeeze %dma_wait3A_118 : memref<1x40xi32, #tpu.memory_space<vmem>> -> memref<40xi32, #tpu.memory_space<vmem>>
      %dma_wait3A_120 = tpu.memref_slice %arg4[%add3A_77] : memref<983040xi32, #tpu.memory_space<hbm>> -> memref<40xi32, #tpu.memory_space<hbm>>
      tpu.wait_dma2 semaphore(%arg19 : memref<!tpu.dma_semaphore, #tpu.memory_space<semaphore_mem>>) src(%dma_wait3A_120 : memref<40xi32, #tpu.memory_space<hbm>>) dst(%dma_wait3A_119 : memref<40xi32, #tpu.memory_space<vmem>>)
      %dma_wait3A_121 = tpu.memref_slice %arg4[%add3A_88] : memref<983040xi32, #tpu.memory_space<hbm>> -> memref<40xi32, #tpu.memory_space<hbm>>
      %dma_wait3A_122 = tpu.memref_slice %arg4[%add3A_88] : memref<983040xi32, #tpu.memory_space<hbm>> -> memref<40xi32, #tpu.memory_space<hbm>>
      tpu.wait_dma2 semaphore(%arg19 : memref<!tpu.dma_semaphore, #tpu.memory_space<semaphore_mem>>) src(%dma_wait3A_122 : memref<40xi32, #tpu.memory_space<hbm>>) dst(%arg12 : memref<40xi32, #tpu.memory_space<vmem>>)
      %dma_start3A_123 = arith.constant 0 : i32
      %dma_start3A_124 = arith.constant 0 : i32
      %dma_start3A_125 = tpu.memref_slice %arg2[%dma_start3A_123, %dma_start3A_124] : memref<10240x128xf32, #tpu.memory_space<hbm>> -> memref<10240x128xf32, #tpu.memory_space<hbm>>
      tpu.enqueue_indirect_dma source(%dma_start3A_125 : memref<10240x128xf32, #tpu.memory_space<hbm>>) target(%arg15 : memref<40x128xf32, #tpu.memory_space<vmem>>) offsets(%arg10 : memref<40xi32, #tpu.memory_space<vmem>>) semaphore(%arg20 : memref<!tpu.dma_semaphore, #tpu.memory_space<semaphore_mem>>)
      %dma_start3A_126 = arith.constant 0 : i32
      %dma_start3A_127 = arith.constant 0 : i32
      %dma_start3A_128 = tpu.memref_slice %arg3[%dma_start3A_126, %dma_start3A_127] : memref<512x128xf32, #tpu.memory_space<hbm>> -> memref<512x128xf32, #tpu.memory_space<hbm>>
      tpu.enqueue_indirect_dma source(%dma_start3A_128 : memref<512x128xf32, #tpu.memory_space<hbm>>) target(%arg16 : memref<40x128xf32, #tpu.memory_space<vmem>>) offsets(%arg12 : memref<40xi32, #tpu.memory_space<vmem>>) semaphore(%arg20 : memref<!tpu.dma_semaphore, #tpu.memory_space<semaphore_mem>>)
      %dma_wait3A_129 = arith.constant 0 : i32
      %dma_wait3A_130 = arith.constant 0 : i32
      %dma_wait3A_131 = tpu.memref_slice %arg2[%dma_wait3A_129, %dma_wait3A_130] : memref<10240x128xf32, #tpu.memory_space<hbm>> -> memref<10240x128xf32, #tpu.memory_space<hbm>>
      tpu.wait_indirect_dma semaphore(%arg20 : memref<!tpu.dma_semaphore, #tpu.memory_space<semaphore_mem>>) src(%dma_wait3A_131 : memref<10240x128xf32, #tpu.memory_space<hbm>>) dst(%arg13 : memref<40x128xf32, #tpu.memory_space<vmem>>)
      %dma_wait3A_132 = arith.constant 0 : i32
      %dma_wait3A_133 = arith.constant 0 : i32
      %dma_wait3A_134 = tpu.memref_slice %arg3[%dma_wait3A_132, %dma_wait3A_133] : memref<512x128xf32, #tpu.memory_space<hbm>> -> memref<512x128xf32, #tpu.memory_space<hbm>>
      tpu.wait_indirect_dma semaphore(%arg20 : memref<!tpu.dma_semaphore, #tpu.memory_space<semaphore_mem>>) src(%dma_wait3A_134 : memref<512x128xf32, #tpu.memory_space<hbm>>) dst(%arg14 : memref<40x128xf32, #tpu.memory_space<vmem>>)
      %ne3A = arith.constant 0 : i32
      %ne3A_135 = arith.cmpi ne, %scan3A_51, %ne3A : i32
      %convert_element_type3A = arith.extui %ne3A_135 : i1 to i32
      %cond3A = arith.constant 0 : i32
      %cond3A_136 = arith.cmpi ne, %convert_element_type3A, %cond3A : i32
      scf.if %cond3A_136 {
        %dma_wait3A_169 = arith.constant 0 : i32
        %dma_wait3A_170 = arith.constant 0 : i32
        %dma_wait3A_171 = tpu.memref_slice %arg8[%dma_wait3A_169, %dma_wait3A_170] : memref<1x40xi32, #tpu.memory_space<vmem>> -> memref<1x40xi32, #tpu.memory_space<vmem>>
        %dma_wait3A_172 = tpu.memref_squeeze %dma_wait3A_171 : memref<1x40xi32, #tpu.memory_space<vmem>> -> memref<40xi32, #tpu.memory_space<vmem>>
        %dma_wait3A_173 = arith.constant 0 : i32
        %dma_wait3A_174 = arith.constant 0 : i32
        %dma_wait3A_175 = tpu.memref_slice %arg6[%dma_wait3A_173, %dma_wait3A_174] : memref<10080x128xf32, #tpu.memory_space<vmem_shared>> -> memref<10080x128xf32, #tpu.memory_space<vmem_shared>>
        tpu.wait_indirect_dma semaphore(%arg21 : memref<!tpu.dma_semaphore, #tpu.memory_space<semaphore_mem>>) src(%arg17 : memref<40x128xf32, #tpu.memory_space<vmem>>) dst(%dma_wait3A_175 : memref<10080x128xf32, #tpu.memory_space<vmem_shared>>)
        %dma_wait3A_176 = arith.constant 0 : i32
        %dma_wait3A_177 = arith.constant 0 : i32
        %dma_wait3A_178 = tpu.memref_slice %arg11[%dma_wait3A_176, %dma_wait3A_177] : memref<1x40xi32, #tpu.memory_space<vmem>> -> memref<1x40xi32, #tpu.memory_space<vmem>>
        %dma_wait3A_179 = tpu.memref_squeeze %dma_wait3A_178 : memref<1x40xi32, #tpu.memory_space<vmem>> -> memref<40xi32, #tpu.memory_space<vmem>>
        %dma_wait3A_180 = arith.constant 0 : i32
        %dma_wait3A_181 = arith.constant 0 : i32
        %dma_wait3A_182 = tpu.memref_slice %arg6[%dma_wait3A_180, %dma_wait3A_181] : memref<10080x128xf32, #tpu.memory_space<vmem_shared>> -> memref<10080x128xf32, #tpu.memory_space<vmem_shared>>
        tpu.wait_indirect_dma semaphore(%arg21 : memref<!tpu.dma_semaphore, #tpu.memory_space<semaphore_mem>>) src(%arg18 : memref<40x128xf32, #tpu.memory_space<vmem>>) dst(%dma_wait3A_182 : memref<10080x128xf32, #tpu.memory_space<vmem_shared>>)
      } else {
      }
      %scan3A_137 = arith.constant 0 : i32
      %scan3A_138 = arith.constant 0 : i32
      %scan3A_139 = arith.constant 40 : i32
      %scan3A_140 = arith.addi %scan3A_138, %scan3A_139 : i32
      %scan3A_141 = arith.constant 1 : i32
      scf.for %scan3A_169 = %scan3A_138 to %scan3A_140 step %scan3A_141  : i32 {
        %add3A_170 = arith.constant 0 : i32
        %add3A_171 = arith.addi %mul3A_0, %add3A_170 : i32
        %get3A = arith.index_cast %scan3A_169 : i32 to index
        %get3A_172 = arith.index_cast %add3A_171 : i32 to index
        %get3A_173 = tpu.vector_load %arg13[%get3A, %get3A_172] {strides = array<i32>} : memref<40x128xf32, #tpu.memory_space<vmem>>, vector<1x16xf32>,
        %get3A_174 = vector.shape_cast %get3A_173 : vector<1x16xf32> to vector<16xf32>
        %get3A_175 = arith.index_cast %scan3A_169 : i32 to index
        %get3A_176 = arith.index_cast %add3A_171 : i32 to index
        %get3A_177 = tpu.vector_load %arg14[%get3A_175, %get3A_176] {strides = array<i32>} : memref<40x128xf32, #tpu.memory_space<vmem>>, vector<1x16xf32>,
        %get3A_178 = vector.shape_cast %get3A_177 : vector<1x16xf32> to vector<16xf32>
        %add3A_179 = arith.addf %get3A_174, %get3A_178 : vector<16xf32>
        %max3A = arith.constant 0.000000e+00 : f32
        %max3A_180 = vector.broadcast %max3A : f32 to vector<16xf32>
        %max3A_181 = arith.maximumf %add3A_179, %max3A_180 : vector<16xf32>
        %add3A_182 = arith.constant 1.000000e-07 : f32
        %add3A_183 = vector.broadcast %add3A_182 : f32 to vector<16xf32>
        %add3A_184 = arith.addf %max3A_181, %add3A_183 : vector<16xf32>
        %exp3A = math.exp %add3A_184 : vector<16xf32>
        %swap3A = arith.index_cast %scan3A_169 : i32 to index
        %swap3A_185 = arith.constant 0 : index
        %swap3A_186 = tpu.vector_load %arg17[%swap3A, %swap3A_185] {strides = array<i32>} : memref<40x128xf32, #tpu.memory_space<vmem>>, vector<1x16xf32>,
        %swap3A_187 = vector.shape_cast %swap3A_186 : vector<1x16xf32> to vector<16xf32>
        %swap3A_188 = vector.shape_cast %exp3A : vector<16xf32> to vector<1x16xf32>
        tpu.vector_store %arg17[%swap3A, %swap3A_185], %swap3A_188 {strides = array<i32>} : memref<40x128xf32, #tpu.memory_space<vmem>>, vector<1x16xf32>,
        %mul3A_189 = arith.mulf %exp3A, %add3A_184 : vector<16xf32>
        %swap3A_190 = arith.index_cast %scan3A_169 : i32 to index
        %swap3A_191 = arith.constant 64 : index
        %swap3A_192 = tpu.vector_load %arg17[%swap3A_190, %swap3A_191] {strides = array<i32>} : memref<40x128xf32, #tpu.memory_space<vmem>>, vector<1x16xf32>,
        %swap3A_193 = vector.shape_cast %swap3A_192 : vector<1x16xf32> to vector<16xf32>
        %swap3A_194 = vector.shape_cast %mul3A_189 : vector<16xf32> to vector<1x16xf32>
        tpu.vector_store %arg17[%swap3A_190, %swap3A_191], %swap3A_194 {strides = array<i32>} : memref<40x128xf32, #tpu.memory_space<vmem>>, vector<1x16xf32>,
        %add3A_195 = arith.constant 16 : i32
        %add3A_196 = arith.addi %mul3A_0, %add3A_195 : i32
        %get3A_197 = arith.index_cast %scan3A_169 : i32 to index
        %get3A_198 = arith.index_cast %add3A_196 : i32 to index
        %get3A_199 = tpu.vector_load %arg13[%get3A_197, %get3A_198] {strides = array<i32>} : memref<40x128xf32, #tpu.memory_space<vmem>>, vector<1x16xf32>,
        %get3A_200 = vector.shape_cast %get3A_199 : vector<1x16xf32> to vector<16xf32>
        %get3A_201 = arith.index_cast %scan3A_169 : i32 to index
        %get3A_202 = arith.index_cast %add3A_196 : i32 to index
        %get3A_203 = tpu.vector_load %arg14[%get3A_201, %get3A_202] {strides = array<i32>} : memref<40x128xf32, #tpu.memory_space<vmem>>, vector<1x16xf32>,
        %get3A_204 = vector.shape_cast %get3A_203 : vector<1x16xf32> to vector<16xf32>
        %add3A_205 = arith.addf %get3A_200, %get3A_204 : vector<16xf32>
        %max3A_206 = arith.constant 0.000000e+00 : f32
        %max3A_207 = vector.broadcast %max3A_206 : f32 to vector<16xf32>
        %max3A_208 = arith.maximumf %add3A_205, %max3A_207 : vector<16xf32>
        %add3A_209 = arith.constant 1.000000e-07 : f32
        %add3A_210 = vector.broadcast %add3A_209 : f32 to vector<16xf32>
        %add3A_211 = arith.addf %max3A_208, %add3A_210 : vector<16xf32>
        %exp3A_212 = math.exp %add3A_211 : vector<16xf32>
        %swap3A_213 = arith.index_cast %scan3A_169 : i32 to index
        %swap3A_214 = arith.constant 16 : index
        %swap3A_215 = tpu.vector_load %arg17[%swap3A_213, %swap3A_214] {strides = array<i32>} : memref<40x128xf32, #tpu.memory_space<vmem>>, vector<1x16xf32>,
        %swap3A_216 = vector.shape_cast %swap3A_215 : vector<1x16xf32> to vector<16xf32>
        %swap3A_217 = vector.shape_cast %exp3A_212 : vector<16xf32> to vector<1x16xf32>
        tpu.vector_store %arg17[%swap3A_213, %swap3A_214], %swap3A_217 {strides = array<i32>} : memref<40x128xf32, #tpu.memory_space<vmem>>, vector<1x16xf32>,
        %mul3A_218 = arith.mulf %exp3A_212, %add3A_211 : vector<16xf32>
        %swap3A_219 = arith.index_cast %scan3A_169 : i32 to index
        %swap3A_220 = arith.constant 80 : index
        %swap3A_221 = tpu.vector_load %arg17[%swap3A_219, %swap3A_220] {strides = array<i32>} : memref<40x128xf32, #tpu.memory_space<vmem>>, vector<1x16xf32>,
        %swap3A_222 = vector.shape_cast %swap3A_221 : vector<1x16xf32> to vector<16xf32>
        %swap3A_223 = vector.shape_cast %mul3A_218 : vector<16xf32> to vector<1x16xf32>
        tpu.vector_store %arg17[%swap3A_219, %swap3A_220], %swap3A_223 {strides = array<i32>} : memref<40x128xf32, #tpu.memory_space<vmem>>, vector<1x16xf32>,
        %add3A_224 = arith.constant 32 : i32
        %add3A_225 = arith.addi %mul3A_0, %add3A_224 : i32
        %get3A_226 = arith.index_cast %scan3A_169 : i32 to index
        %get3A_227 = arith.index_cast %add3A_225 : i32 to index
        %get3A_228 = tpu.vector_load %arg13[%get3A_226, %get3A_227] {strides = array<i32>} : memref<40x128xf32, #tpu.memory_space<vmem>>, vector<1x16xf32>,
        %get3A_229 = vector.shape_cast %get3A_228 : vector<1x16xf32> to vector<16xf32>
        %get3A_230 = arith.index_cast %scan3A_169 : i32 to index
        %get3A_231 = arith.index_cast %add3A_225 : i32 to index
        %get3A_232 = tpu.vector_load %arg14[%get3A_230, %get3A_231] {strides = array<i32>} : memref<40x128xf32, #tpu.memory_space<vmem>>, vector<1x16xf32>,
        %get3A_233 = vector.shape_cast %get3A_232 : vector<1x16xf32> to vector<16xf32>
        %add3A_234 = arith.addf %get3A_229, %get3A_233 : vector<16xf32>
        %max3A_235 = arith.constant 0.000000e+00 : f32
        %max3A_236 = vector.broadcast %max3A_235 : f32 to vector<16xf32>
        %max3A_237 = arith.maximumf %add3A_234, %max3A_236 : vector<16xf32>
        %add3A_238 = arith.constant 1.000000e-07 : f32
        %add3A_239 = vector.broadcast %add3A_238 : f32 to vector<16xf32>
        %add3A_240 = arith.addf %max3A_237, %add3A_239 : vector<16xf32>
        %exp3A_241 = math.exp %add3A_240 : vector<16xf32>
        %swap3A_242 = arith.index_cast %scan3A_169 : i32 to index
        %swap3A_243 = arith.constant 32 : index
        %swap3A_244 = tpu.vector_load %arg17[%swap3A_242, %swap3A_243] {strides = array<i32>} : memref<40x128xf32, #tpu.memory_space<vmem>>, vector<1x16xf32>,
        %swap3A_245 = vector.shape_cast %swap3A_244 : vector<1x16xf32> to vector<16xf32>
        %swap3A_246 = vector.shape_cast %exp3A_241 : vector<16xf32> to vector<1x16xf32>
        tpu.vector_store %arg17[%swap3A_242, %swap3A_243], %swap3A_246 {strides = array<i32>} : memref<40x128xf32, #tpu.memory_space<vmem>>, vector<1x16xf32>,
        %mul3A_247 = arith.mulf %exp3A_241, %add3A_240 : vector<16xf32>
        %swap3A_248 = arith.index_cast %scan3A_169 : i32 to index
        %swap3A_249 = arith.constant 96 : index
        %swap3A_250 = tpu.vector_load %arg17[%swap3A_248, %swap3A_249] {strides = array<i32>} : memref<40x128xf32, #tpu.memory_space<vmem>>, vector<1x16xf32>,
        %swap3A_251 = vector.shape_cast %swap3A_250 : vector<1x16xf32> to vector<16xf32>
        %swap3A_252 = vector.shape_cast %mul3A_247 : vector<16xf32> to vector<1x16xf32>
        tpu.vector_store %arg17[%swap3A_248, %swap3A_249], %swap3A_252 {strides = array<i32>} : memref<40x128xf32, #tpu.memory_space<vmem>>, vector<1x16xf32>,
        %add3A_253 = arith.constant 48 : i32
        %add3A_254 = arith.addi %mul3A_0, %add3A_253 : i32
        %get3A_255 = arith.index_cast %scan3A_169 : i32 to index
        %get3A_256 = arith.index_cast %add3A_254 : i32 to index
        %get3A_257 = tpu.vector_load %arg13[%get3A_255, %get3A_256] {strides = array<i32>} : memref<40x128xf32, #tpu.memory_space<vmem>>, vector<1x16xf32>,
        %get3A_258 = vector.shape_cast %get3A_257 : vector<1x16xf32> to vector<16xf32>
        %get3A_259 = arith.index_cast %scan3A_169 : i32 to index
        %get3A_260 = arith.index_cast %add3A_254 : i32 to index
        %get3A_261 = tpu.vector_load %arg14[%get3A_259, %get3A_260] {strides = array<i32>} : memref<40x128xf32, #tpu.memory_space<vmem>>, vector<1x16xf32>,
        %get3A_262 = vector.shape_cast %get3A_261 : vector<1x16xf32> to vector<16xf32>
        %add3A_263 = arith.addf %get3A_258, %get3A_262 : vector<16xf32>
        %max3A_264 = arith.constant 0.000000e+00 : f32
        %max3A_265 = vector.broadcast %max3A_264 : f32 to vector<16xf32>
        %max3A_266 = arith.maximumf %add3A_263, %max3A_265 : vector<16xf32>
        %add3A_267 = arith.constant 1.000000e-07 : f32
        %add3A_268 = vector.broadcast %add3A_267 : f32 to vector<16xf32>
        %add3A_269 = arith.addf %max3A_266, %add3A_268 : vector<16xf32>
        %exp3A_270 = math.exp %add3A_269 : vector<16xf32>
        %swap3A_271 = arith.index_cast %scan3A_169 : i32 to index
        %swap3A_272 = arith.constant 48 : index
        %swap3A_273 = tpu.vector_load %arg17[%swap3A_271, %swap3A_272] {strides = array<i32>} : memref<40x128xf32, #tpu.memory_space<vmem>>, vector<1x16xf32>,
        %swap3A_274 = vector.shape_cast %swap3A_273 : vector<1x16xf32> to vector<16xf32>
        %swap3A_275 = vector.shape_cast %exp3A_270 : vector<16xf32> to vector<1x16xf32>
        tpu.vector_store %arg17[%swap3A_271, %swap3A_272], %swap3A_275 {strides = array<i32>} : memref<40x128xf32, #tpu.memory_space<vmem>>, vector<1x16xf32>,
        %mul3A_276 = arith.mulf %exp3A_270, %add3A_269 : vector<16xf32>
        %swap3A_277 = arith.index_cast %scan3A_169 : i32 to index
        %swap3A_278 = arith.constant 112 : index
        %swap3A_279 = tpu.vector_load %arg17[%swap3A_277, %swap3A_278] {strides = array<i32>} : memref<40x128xf32, #tpu.memory_space<vmem>>, vector<1x16xf32>,
        %swap3A_280 = vector.shape_cast %swap3A_279 : vector<1x16xf32> to vector<16xf32>
        %swap3A_281 = vector.shape_cast %mul3A_276 : vector<16xf32> to vector<1x16xf32>
        tpu.vector_store %arg17[%swap3A_277, %swap3A_278], %swap3A_281 {strides = array<i32>} : memref<40x128xf32, #tpu.memory_space<vmem>>, vector<1x16xf32>,
      }
      %scan3A_142 = arith.constant 40 : i32
      %dma_start3A_143 = arith.constant 0 : i32
      %dma_start3A_144 = arith.constant 0 : i32
      %dma_start3A_145 = tpu.memref_slice %arg8[%dma_start3A_143, %dma_start3A_144] : memref<1x40xi32, #tpu.memory_space<vmem>> -> memref<1x40xi32, #tpu.memory_space<vmem>>
      %dma_start3A_146 = tpu.memref_squeeze %dma_start3A_145 : memref<1x40xi32, #tpu.memory_space<vmem>> -> memref<40xi32, #tpu.memory_space<vmem>>
      %dma_start3A_147 = arith.constant 0 : i32
      %dma_start3A_148 = arith.constant 0 : i32
      %dma_start3A_149 = tpu.memref_slice %arg6[%dma_start3A_147, %dma_start3A_148] : memref<10080x128xf32, #tpu.memory_space<vmem_shared>> -> memref<10080x128xf32, #tpu.memory_space<vmem_shared>>
      tpu.enqueue_indirect_dma source(%arg17 : memref<40x128xf32, #tpu.memory_space<vmem>>) target(%dma_start3A_149 : memref<10080x128xf32, #tpu.memory_space<vmem_shared>>) offsets(%dma_start3A_146 : memref<40xi32, #tpu.memory_space<vmem>>) semaphore(%arg21 : memref<!tpu.dma_semaphore, #tpu.memory_space<semaphore_mem>>) {add = true}
      %dma_wait3A_150 = arith.constant 0 : i32
      %dma_wait3A_151 = arith.constant 0 : i32
      %dma_wait3A_152 = tpu.memref_slice %arg2[%dma_wait3A_150, %dma_wait3A_151] : memref<10240x128xf32, #tpu.memory_space<hbm>> -> memref<10240x128xf32, #tpu.memory_space<hbm>>
      tpu.wait_indirect_dma semaphore(%arg20 : memref<!tpu.dma_semaphore, #tpu.memory_space<semaphore_mem>>) src(%dma_wait3A_152 : memref<10240x128xf32, #tpu.memory_space<hbm>>) dst(%arg15 : memref<40x128xf32, #tpu.memory_space<vmem>>)
      %dma_wait3A_153 = arith.constant 0 : i32
      %dma_wait3A_154 = arith.constant 0 : i32
      %dma_wait3A_155 = tpu.memref_slice %arg3[%dma_wait3A_153, %dma_wait3A_154] : memref<512x128xf32, #tpu.memory_space<hbm>> -> memref<512x128xf32, #tpu.memory_space<hbm>>
      tpu.wait_indirect_dma semaphore(%arg20 : memref<!tpu.dma_semaphore, #tpu.memory_space<semaphore_mem>>) src(%dma_wait3A_155 : memref<512x128xf32, #tpu.memory_space<hbm>>) dst(%arg16 : memref<40x128xf32, #tpu.memory_space<vmem>>)
      %scan3A_156 = arith.constant 0 : i32
      %scan3A_157 = arith.constant 0 : i32
      %scan3A_158 = arith.constant 40 : i32
      %scan3A_159 = arith.addi %scan3A_157, %scan3A_158 : i32
      %scan3A_160 = arith.constant 1 : i32
      scf.for %scan3A_169 = %scan3A_157 to %scan3A_159 step %scan3A_160  : i32 {
        %add3A_170 = arith.constant 0 : i32
        %add3A_171 = arith.addi %mul3A_0, %add3A_170 : i32
        %get3A = arith.index_cast %scan3A_169 : i32 to index
        %get3A_172 = arith.index_cast %add3A_171 : i32 to index
        %get3A_173 = tpu.vector_load %arg15[%get3A, %get3A_172] {strides = array<i32>} : memref<40x128xf32, #tpu.memory_space<vmem>>, vector<1x16xf32>,
        %get3A_174 = vector.shape_cast %get3A_173 : vector<1x16xf32> to vector<16xf32>
        %get3A_175 = arith.index_cast %scan3A_169 : i32 to index
        %get3A_176 = arith.index_cast %add3A_171 : i32 to index
        %get3A_177 = tpu.vector_load %arg16[%get3A_175, %get3A_176] {strides = array<i32>} : memref<40x128xf32, #tpu.memory_space<vmem>>, vector<1x16xf32>,
        %get3A_178 = vector.shape_cast %get3A_177 : vector<1x16xf32> to vector<16xf32>
        %add3A_179 = arith.addf %get3A_174, %get3A_178 : vector<16xf32>
        %max3A = arith.constant 0.000000e+00 : f32
        %max3A_180 = vector.broadcast %max3A : f32 to vector<16xf32>
        %max3A_181 = arith.maximumf %add3A_179, %max3A_180 : vector<16xf32>
        %add3A_182 = arith.constant 1.000000e-07 : f32
        %add3A_183 = vector.broadcast %add3A_182 : f32 to vector<16xf32>
        %add3A_184 = arith.addf %max3A_181, %add3A_183 : vector<16xf32>
        %exp3A = math.exp %add3A_184 : vector<16xf32>
        %swap3A = arith.index_cast %scan3A_169 : i32 to index
        %swap3A_185 = arith.constant 0 : index
        %swap3A_186 = tpu.vector_load %arg18[%swap3A, %swap3A_185] {strides = array<i32>} : memref<40x128xf32, #tpu.memory_space<vmem>>, vector<1x16xf32>,
        %swap3A_187 = vector.shape_cast %swap3A_186 : vector<1x16xf32> to vector<16xf32>
        %swap3A_188 = vector.shape_cast %exp3A : vector<16xf32> to vector<1x16xf32>
        tpu.vector_store %arg18[%swap3A, %swap3A_185], %swap3A_188 {strides = array<i32>} : memref<40x128xf32, #tpu.memory_space<vmem>>, vector<1x16xf32>,
        %mul3A_189 = arith.mulf %exp3A, %add3A_184 : vector<16xf32>
        %swap3A_190 = arith.index_cast %scan3A_169 : i32 to index
        %swap3A_191 = arith.constant 64 : index
        %swap3A_192 = tpu.vector_load %arg18[%swap3A_190, %swap3A_191] {strides = array<i32>} : memref<40x128xf32, #tpu.memory_space<vmem>>, vector<1x16xf32>,
        %swap3A_193 = vector.shape_cast %swap3A_192 : vector<1x16xf32> to vector<16xf32>
        %swap3A_194 = vector.shape_cast %mul3A_189 : vector<16xf32> to vector<1x16xf32>
        tpu.vector_store %arg18[%swap3A_190, %swap3A_191], %swap3A_194 {strides = array<i32>} : memref<40x128xf32, #tpu.memory_space<vmem>>, vector<1x16xf32>,
        %add3A_195 = arith.constant 16 : i32
        %add3A_196 = arith.addi %mul3A_0, %add3A_195 : i32
        %get3A_197 = arith.index_cast %scan3A_169 : i32 to index
        %get3A_198 = arith.index_cast %add3A_196 : i32 to index
        %get3A_199 = tpu.vector_load %arg15[%get3A_197, %get3A_198] {strides = array<i32>} : memref<40x128xf32, #tpu.memory_space<vmem>>, vector<1x16xf32>,
        %get3A_200 = vector.shape_cast %get3A_199 : vector<1x16xf32> to vector<16xf32>
        %get3A_201 = arith.index_cast %scan3A_169 : i32 to index
        %get3A_202 = arith.index_cast %add3A_196 : i32 to index
        %get3A_203 = tpu.vector_load %arg16[%get3A_201, %get3A_202] {strides = array<i32>} : memref<40x128xf32, #tpu.memory_space<vmem>>, vector<1x16xf32>,
        %get3A_204 = vector.shape_cast %get3A_203 : vector<1x16xf32> to vector<16xf32>
        %add3A_205 = arith.addf %get3A_200, %get3A_204 : vector<16xf32>
        %max3A_206 = arith.constant 0.000000e+00 : f32
        %max3A_207 = vector.broadcast %max3A_206 : f32 to vector<16xf32>
        %max3A_208 = arith.maximumf %add3A_205, %max3A_207 : vector<16xf32>
        %add3A_209 = arith.constant 1.000000e-07 : f32
        %add3A_210 = vector.broadcast %add3A_209 : f32 to vector<16xf32>
        %add3A_211 = arith.addf %max3A_208, %add3A_210 : vector<16xf32>
        %exp3A_212 = math.exp %add3A_211 : vector<16xf32>
        %swap3A_213 = arith.index_cast %scan3A_169 : i32 to index
        %swap3A_214 = arith.constant 16 : index
        %swap3A_215 = tpu.vector_load %arg18[%swap3A_213, %swap3A_214] {strides = array<i32>} : memref<40x128xf32, #tpu.memory_space<vmem>>, vector<1x16xf32>,
        %swap3A_216 = vector.shape_cast %swap3A_215 : vector<1x16xf32> to vector<16xf32>
        %swap3A_217 = vector.shape_cast %exp3A_212 : vector<16xf32> to vector<1x16xf32>
        tpu.vector_store %arg18[%swap3A_213, %swap3A_214], %swap3A_217 {strides = array<i32>} : memref<40x128xf32, #tpu.memory_space<vmem>>, vector<1x16xf32>,
        %mul3A_218 = arith.mulf %exp3A_212, %add3A_211 : vector<16xf32>
        %swap3A_219 = arith.index_cast %scan3A_169 : i32 to index
        %swap3A_220 = arith.constant 80 : index
        %swap3A_221 = tpu.vector_load %arg18[%swap3A_219, %swap3A_220] {strides = array<i32>} : memref<40x128xf32, #tpu.memory_space<vmem>>, vector<1x16xf32>,
        %swap3A_222 = vector.shape_cast %swap3A_221 : vector<1x16xf32> to vector<16xf32>
        %swap3A_223 = vector.shape_cast %mul3A_218 : vector<16xf32> to vector<1x16xf32>
        tpu.vector_store %arg18[%swap3A_219, %swap3A_220], %swap3A_223 {strides = array<i32>} : memref<40x128xf32, #tpu.memory_space<vmem>>, vector<1x16xf32>,
        %add3A_224 = arith.constant 32 : i32
        %add3A_225 = arith.addi %mul3A_0, %add3A_224 : i32
        %get3A_226 = arith.index_cast %scan3A_169 : i32 to index
        %get3A_227 = arith.index_cast %add3A_225 : i32 to index
        %get3A_228 = tpu.vector_load %arg15[%get3A_226, %get3A_227] {strides = array<i32>} : memref<40x128xf32, #tpu.memory_space<vmem>>, vector<1x16xf32>,
        %get3A_229 = vector.shape_cast %get3A_228 : vector<1x16xf32> to vector<16xf32>
        %get3A_230 = arith.index_cast %scan3A_169 : i32 to index
        %get3A_231 = arith.index_cast %add3A_225 : i32 to index
        %get3A_232 = tpu.vector_load %arg16[%get3A_230, %get3A_231] {strides = array<i32>} : memref<40x128xf32, #tpu.memory_space<vmem>>, vector<1x16xf32>,
        %get3A_233 = vector.shape_cast %get3A_232 : vector<1x16xf32> to vector<16xf32>
        %add3A_234 = arith.addf %get3A_229, %get3A_233 : vector<16xf32>
        %max3A_235 = arith.constant 0.000000e+00 : f32
        %max3A_236 = vector.broadcast %max3A_235 : f32 to vector<16xf32>
        %max3A_237 = arith.maximumf %add3A_234, %max3A_236 : vector<16xf32>
        %add3A_238 = arith.constant 1.000000e-07 : f32
        %add3A_239 = vector.broadcast %add3A_238 : f32 to vector<16xf32>
        %add3A_240 = arith.addf %max3A_237, %add3A_239 : vector<16xf32>
        %exp3A_241 = math.exp %add3A_240 : vector<16xf32>
        %swap3A_242 = arith.index_cast %scan3A_169 : i32 to index
        %swap3A_243 = arith.constant 32 : index
        %swap3A_244 = tpu.vector_load %arg18[%swap3A_242, %swap3A_243] {strides = array<i32>} : memref<40x128xf32, #tpu.memory_space<vmem>>, vector<1x16xf32>,
        %swap3A_245 = vector.shape_cast %swap3A_244 : vector<1x16xf32> to vector<16xf32>
        %swap3A_246 = vector.shape_cast %exp3A_241 : vector<16xf32> to vector<1x16xf32>
        tpu.vector_store %arg18[%swap3A_242, %swap3A_243], %swap3A_246 {strides = array<i32>} : memref<40x128xf32, #tpu.memory_space<vmem>>, vector<1x16xf32>,
        %mul3A_247 = arith.mulf %exp3A_241, %add3A_240 : vector<16xf32>
        %swap3A_248 = arith.index_cast %scan3A_169 : i32 to index
        %swap3A_249 = arith.constant 96 : index
        %swap3A_250 = tpu.vector_load %arg18[%swap3A_248, %swap3A_249] {strides = array<i32>} : memref<40x128xf32, #tpu.memory_space<vmem>>, vector<1x16xf32>,
        %swap3A_251 = vector.shape_cast %swap3A_250 : vector<1x16xf32> to vector<16xf32>
        %swap3A_252 = vector.shape_cast %mul3A_247 : vector<16xf32> to vector<1x16xf32>
        tpu.vector_store %arg18[%swap3A_248, %swap3A_249], %swap3A_252 {strides = array<i32>} : memref<40x128xf32, #tpu.memory_space<vmem>>, vector<1x16xf32>,
        %add3A_253 = arith.constant 48 : i32
        %add3A_254 = arith.addi %mul3A_0, %add3A_253 : i32
        %get3A_255 = arith.index_cast %scan3A_169 : i32 to index
        %get3A_256 = arith.index_cast %add3A_254 : i32 to index
        %get3A_257 = tpu.vector_load %arg15[%get3A_255, %get3A_256] {strides = array<i32>} : memref<40x128xf32, #tpu.memory_space<vmem>>, vector<1x16xf32>,
        %get3A_258 = vector.shape_cast %get3A_257 : vector<1x16xf32> to vector<16xf32>
        %get3A_259 = arith.index_cast %scan3A_169 : i32 to index
        %get3A_260 = arith.index_cast %add3A_254 : i32 to index
        %get3A_261 = tpu.vector_load %arg16[%get3A_259, %get3A_260] {strides = array<i32>} : memref<40x128xf32, #tpu.memory_space<vmem>>, vector<1x16xf32>,
        %get3A_262 = vector.shape_cast %get3A_261 : vector<1x16xf32> to vector<16xf32>
        %add3A_263 = arith.addf %get3A_258, %get3A_262 : vector<16xf32>
        %max3A_264 = arith.constant 0.000000e+00 : f32
        %max3A_265 = vector.broadcast %max3A_264 : f32 to vector<16xf32>
        %max3A_266 = arith.maximumf %add3A_263, %max3A_265 : vector<16xf32>
        %add3A_267 = arith.constant 1.000000e-07 : f32
        %add3A_268 = vector.broadcast %add3A_267 : f32 to vector<16xf32>
        %add3A_269 = arith.addf %max3A_266, %add3A_268 : vector<16xf32>
        %exp3A_270 = math.exp %add3A_269 : vector<16xf32>
        %swap3A_271 = arith.index_cast %scan3A_169 : i32 to index
        %swap3A_272 = arith.constant 48 : index
        %swap3A_273 = tpu.vector_load %arg18[%swap3A_271, %swap3A_272] {strides = array<i32>} : memref<40x128xf32, #tpu.memory_space<vmem>>, vector<1x16xf32>,
        %swap3A_274 = vector.shape_cast %swap3A_273 : vector<1x16xf32> to vector<16xf32>
        %swap3A_275 = vector.shape_cast %exp3A_270 : vector<16xf32> to vector<1x16xf32>
        tpu.vector_store %arg18[%swap3A_271, %swap3A_272], %swap3A_275 {strides = array<i32>} : memref<40x128xf32, #tpu.memory_space<vmem>>, vector<1x16xf32>,
        %mul3A_276 = arith.mulf %exp3A_270, %add3A_269 : vector<16xf32>
        %swap3A_277 = arith.index_cast %scan3A_169 : i32 to index
        %swap3A_278 = arith.constant 112 : index
        %swap3A_279 = tpu.vector_load %arg18[%swap3A_277, %swap3A_278] {strides = array<i32>} : memref<40x128xf32, #tpu.memory_space<vmem>>, vector<1x16xf32>,
        %swap3A_280 = vector.shape_cast %swap3A_279 : vector<1x16xf32> to vector<16xf32>
        %swap3A_281 = vector.shape_cast %mul3A_276 : vector<16xf32> to vector<1x16xf32>
        tpu.vector_store %arg18[%swap3A_277, %swap3A_278], %swap3A_281 {strides = array<i32>} : memref<40x128xf32, #tpu.memory_space<vmem>>, vector<1x16xf32>,
      }
      %scan3A_161 = arith.constant 40 : i32
      %dma_start3A_162 = arith.constant 0 : i32
      %dma_start3A_163 = arith.constant 0 : i32
      %dma_start3A_164 = tpu.memref_slice %arg11[%dma_start3A_162, %dma_start3A_163] : memref<1x40xi32, #tpu.memory_space<vmem>> -> memref<1x40xi32, #tpu.memory_space<vmem>>
      %dma_start3A_165 = tpu.memref_squeeze %dma_start3A_164 : memref<1x40xi32, #tpu.memory_space<vmem>> -> memref<40xi32, #tpu.memory_space<vmem>>
      %dma_start3A_166 = arith.constant 0 : i32
      %dma_start3A_167 = arith.constant 0 : i32
      %dma_start3A_168 = tpu.memref_slice %arg6[%dma_start3A_166, %dma_start3A_167] : memref<10080x128xf32, #tpu.memory_space<vmem_shared>> -> memref<10080x128xf32, #tpu.memory_space<vmem_shared>>
      tpu.enqueue_indirect_dma source(%arg18 : memref<40x128xf32, #tpu.memory_space<vmem>>) target(%dma_start3A_168 : memref<10080x128xf32, #tpu.memory_space<vmem_shared>>) offsets(%dma_start3A_165 : memref<40xi32, #tpu.memory_space<vmem>>) semaphore(%arg21 : memref<!tpu.dma_semaphore, #tpu.memory_space<semaphore_mem>>) {add = true}
    }
    %scan3A_26 = arith.constant 256 : i32
    %dma_wait3A = arith.constant 0 : i32
    %dma_wait3A_27 = arith.constant 0 : i32
    %dma_wait3A_28 = tpu.memref_slice %arg8[%dma_wait3A, %dma_wait3A_27] : memref<1x40xi32, #tpu.memory_space<vmem>> -> memref<1x40xi32, #tpu.memory_space<vmem>>
    %dma_wait3A_29 = tpu.memref_squeeze %dma_wait3A_28 : memref<1x40xi32, #tpu.memory_space<vmem>> -> memref<40xi32, #tpu.memory_space<vmem>>
    %dma_wait3A_30 = arith.constant 0 : i32
    %dma_wait3A_31 = arith.constant 0 : i32
    %dma_wait3A_32 = tpu.memref_slice %arg6[%dma_wait3A_30, %dma_wait3A_31] : memref<10080x128xf32, #tpu.memory_space<vmem_shared>> -> memref<10080x128xf32, #tpu.memory_space<vmem_shared>>
    tpu.wait_indirect_dma semaphore(%arg21 : memref<!tpu.dma_semaphore, #tpu.memory_space<semaphore_mem>>) src(%arg17 : memref<40x128xf32, #tpu.memory_space<vmem>>) dst(%dma_wait3A_32 : memref<10080x128xf32, #tpu.memory_space<vmem_shared>>)
    %dma_wait3A_33 = arith.constant 0 : i32
    %dma_wait3A_34 = arith.constant 0 : i32
    %dma_wait3A_35 = tpu.memref_slice %arg11[%dma_wait3A_33, %dma_wait3A_34] : memref<1x40xi32, #tpu.memory_space<vmem>> -> memref<1x40xi32, #tpu.memory_space<vmem>>
    %dma_wait3A_36 = tpu.memref_squeeze %dma_wait3A_35 : memref<1x40xi32, #tpu.memory_space<vmem>> -> memref<40xi32, #tpu.memory_space<vmem>>
    %dma_wait3A_37 = arith.constant 0 : i32
    %dma_wait3A_38 = arith.constant 0 : i32
    %dma_wait3A_39 = tpu.memref_slice %arg6[%dma_wait3A_37, %dma_wait3A_38] : memref<10080x128xf32, #tpu.memory_space<vmem_shared>> -> memref<10080x128xf32, #tpu.memory_space<vmem_shared>>
    tpu.wait_indirect_dma semaphore(%arg21 : memref<!tpu.dma_semaphore, #tpu.memory_space<semaphore_mem>>) src(%arg18 : memref<40x128xf32, #tpu.memory_space<vmem>>) dst(%dma_wait3A_39 : memref<10080x128xf32, #tpu.memory_space<vmem_shared>>)
    %barrier3A_40 = arith.constant 0 : index
    tpu.barrier barrier_id(%barrier3A_40)
    %while3A_41 = arith.constant 0 : i32
    %while3A_42 = arith.constant 0 : i32
    %while3A_43 = arith.subi %select_n3A, %while3A_42 : i32
    %while3A_44 = arith.addi %while3A_42, %while3A_43 : i32
    %while3A_45 = arith.constant 1 : i32
    %while3A_46 = arith.divsi %while3A_43, %while3A_45 : i32
    %while3A_47 = arith.muli %while3A_46, %while3A_45 : i32
    %while3A_48 = arith.addi %while3A_42, %while3A_47 : i32
    %while3A_49 = arith.constant 1 : i32
    scf.for %while3A_51 = %while3A_42 to %while3A_48 step %while3A_49  : i32 {
      %mul3A_52 = arith.constant 40 : i32
      %mul3A_53 = arith.muli %while3A_51, %mul3A_52 : i32
      %add3A = arith.addi %mul3A_2, %mul3A_53 : i32
      "tpu.region"() ({
        %run_scoped3A = tpu.sem_alloc : memref<!tpu.dma_semaphore, #tpu.memory_space<semaphore_mem>>
        %dma_start3A = arith.constant 0 : i32
        %dma_start3A_63 = tpu.memref_slice %arg6[%add3A, %dma_start3A] : memref<10080x128xf32, #tpu.memory_space<vmem_shared>> -> memref<40x128xf32, #tpu.memory_space<vmem_shared>>
        %dma_start3A_64 = arith.constant 0 : i32
        %dma_start3A_65 = tpu.memref_slice %arg6[%add3A, %dma_start3A_64] : memref<10080x128xf32, #tpu.memory_space<vmem_shared>> -> memref<40x128xf32, #tpu.memory_space<vmem_shared>>
        tpu.enqueue_dma source(%dma_start3A_65 : memref<40x128xf32, #tpu.memory_space<vmem_shared>>) target(%arg13 : memref<40x128xf32, #tpu.memory_space<vmem>>) target_semaphore(%run_scoped3A : memref<!tpu.dma_semaphore, #tpu.memory_space<semaphore_mem>>)
        %dma_wait3A_66 = arith.constant 0 : i32
        %dma_wait3A_67 = tpu.memref_slice %arg6[%add3A, %dma_wait3A_66] : memref<10080x128xf32, #tpu.memory_space<vmem_shared>> -> memref<40x128xf32, #tpu.memory_space<vmem_shared>>
        %dma_wait3A_68 = arith.constant 0 : i32
        %dma_wait3A_69 = tpu.memref_slice %arg6[%add3A, %dma_wait3A_68] : memref<10080x128xf32, #tpu.memory_space<vmem_shared>> -> memref<40x128xf32, #tpu.memory_space<vmem_shared>>
        tpu.wait_dma2 semaphore(%run_scoped3A : memref<!tpu.dma_semaphore, #tpu.memory_space<semaphore_mem>>) src(%dma_wait3A_69 : memref<40x128xf32, #tpu.memory_space<vmem_shared>>) dst(%arg13 : memref<40x128xf32, #tpu.memory_space<vmem>>)
        tpu.yield
      }) : () -> ()
      %scan3A_54 = arith.constant 0 : i32
      %scan3A_55 = arith.constant 0 : i32
      %scan3A_56 = arith.constant 40 : i32
      %scan3A_57 = arith.addi %scan3A_55, %scan3A_56 : i32
      %scan3A_58 = arith.constant 1 : i32
      scf.for %scan3A_63 = %scan3A_55 to %scan3A_57 step %scan3A_58  : i32 {
        %get3A = arith.index_cast %scan3A_63 : i32 to index
        %get3A_64 = arith.constant 64 : index
        %get3A_65 = tpu.vector_load %arg13[%get3A, %get3A_64] {strides = array<i32>} : memref<40x128xf32, #tpu.memory_space<vmem>>, vector<1x16xf32>,
        %get3A_66 = vector.shape_cast %get3A_65 : vector<1x16xf32> to vector<16xf32>
        %get3A_67 = arith.index_cast %scan3A_63 : i32 to index
        %get3A_68 = arith.constant 0 : index
        %get3A_69 = tpu.vector_load %arg13[%get3A_67, %get3A_68] {strides = array<i32>} : memref<40x128xf32, #tpu.memory_space<vmem>>, vector<1x16xf32>,
        %get3A_70 = vector.shape_cast %get3A_69 : vector<1x16xf32> to vector<16xf32>
        %add3A_71 = arith.constant 1.000000e-16 : f32
        %add3A_72 = vector.broadcast %add3A_71 : f32 to vector<16xf32>
        %add3A_73 = arith.addf %get3A_70, %add3A_72 : vector<16xf32>
        %div3A = arith.divf %get3A_66, %add3A_73 : vector<16xf32>
        %swap3A = arith.index_cast %scan3A_63 : i32 to index
        %swap3A_74 = arith.constant 0 : index
        %swap3A_75 = tpu.vector_load %arg17[%swap3A, %swap3A_74] {strides = array<i32>} : memref<40x128xf32, #tpu.memory_space<vmem>>, vector<1x16xf32>,
        %swap3A_76 = vector.shape_cast %swap3A_75 : vector<1x16xf32> to vector<16xf32>
        %swap3A_77 = vector.shape_cast %div3A : vector<16xf32> to vector<1x16xf32>
        tpu.vector_store %arg17[%swap3A, %swap3A_74], %swap3A_77 {strides = array<i32>} : memref<40x128xf32, #tpu.memory_space<vmem>>, vector<1x16xf32>,
        %get3A_78 = arith.index_cast %scan3A_63 : i32 to index
        %get3A_79 = arith.constant 80 : index
        %get3A_80 = tpu.vector_load %arg13[%get3A_78, %get3A_79] {strides = array<i32>} : memref<40x128xf32, #tpu.memory_space<vmem>>, vector<1x16xf32>,
        %get3A_81 = vector.shape_cast %get3A_80 : vector<1x16xf32> to vector<16xf32>
        %get3A_82 = arith.index_cast %scan3A_63 : i32 to index
        %get3A_83 = arith.constant 16 : index
        %get3A_84 = tpu.vector_load %arg13[%get3A_82, %get3A_83] {strides = array<i32>} : memref<40x128xf32, #tpu.memory_space<vmem>>, vector<1x16xf32>,
        %get3A_85 = vector.shape_cast %get3A_84 : vector<1x16xf32> to vector<16xf32>
        %add3A_86 = arith.constant 1.000000e-16 : f32
        %add3A_87 = vector.broadcast %add3A_86 : f32 to vector<16xf32>
        %add3A_88 = arith.addf %get3A_85, %add3A_87 : vector<16xf32>
        %div3A_89 = arith.divf %get3A_81, %add3A_88 : vector<16xf32>
        %swap3A_90 = arith.index_cast %scan3A_63 : i32 to index
        %swap3A_91 = arith.constant 16 : index
        %swap3A_92 = tpu.vector_load %arg17[%swap3A_90, %swap3A_91] {strides = array<i32>} : memref<40x128xf32, #tpu.memory_space<vmem>>, vector<1x16xf32>,
        %swap3A_93 = vector.shape_cast %swap3A_92 : vector<1x16xf32> to vector<16xf32>
        %swap3A_94 = vector.shape_cast %div3A_89 : vector<16xf32> to vector<1x16xf32>
        tpu.vector_store %arg17[%swap3A_90, %swap3A_91], %swap3A_94 {strides = array<i32>} : memref<40x128xf32, #tpu.memory_space<vmem>>, vector<1x16xf32>,
        %get3A_95 = arith.index_cast %scan3A_63 : i32 to index
        %get3A_96 = arith.constant 96 : index
        %get3A_97 = tpu.vector_load %arg13[%get3A_95, %get3A_96] {strides = array<i32>} : memref<40x128xf32, #tpu.memory_space<vmem>>, vector<1x16xf32>,
        %get3A_98 = vector.shape_cast %get3A_97 : vector<1x16xf32> to vector<16xf32>
        %get3A_99 = arith.index_cast %scan3A_63 : i32 to index
        %get3A_100 = arith.constant 32 : index
        %get3A_101 = tpu.vector_load %arg13[%get3A_99, %get3A_100] {strides = array<i32>} : memref<40x128xf32, #tpu.memory_space<vmem>>, vector<1x16xf32>,
        %get3A_102 = vector.shape_cast %get3A_101 : vector<1x16xf32> to vector<16xf32>
        %add3A_103 = arith.constant 1.000000e-16 : f32
        %add3A_104 = vector.broadcast %add3A_103 : f32 to vector<16xf32>
        %add3A_105 = arith.addf %get3A_102, %add3A_104 : vector<16xf32>
        %div3A_106 = arith.divf %get3A_98, %add3A_105 : vector<16xf32>
        %swap3A_107 = arith.index_cast %scan3A_63 : i32 to index
        %swap3A_108 = arith.constant 32 : index
        %swap3A_109 = tpu.vector_load %arg17[%swap3A_107, %swap3A_108] {strides = array<i32>} : memref<40x128xf32, #tpu.memory_space<vmem>>, vector<1x16xf32>,
        %swap3A_110 = vector.shape_cast %swap3A_109 : vector<1x16xf32> to vector<16xf32>
        %swap3A_111 = vector.shape_cast %div3A_106 : vector<16xf32> to vector<1x16xf32>
        tpu.vector_store %arg17[%swap3A_107, %swap3A_108], %swap3A_111 {strides = array<i32>} : memref<40x128xf32, #tpu.memory_space<vmem>>, vector<1x16xf32>,
        %get3A_112 = arith.index_cast %scan3A_63 : i32 to index
        %get3A_113 = arith.constant 112 : index
        %get3A_114 = tpu.vector_load %arg13[%get3A_112, %get3A_113] {strides = array<i32>} : memref<40x128xf32, #tpu.memory_space<vmem>>, vector<1x16xf32>,
        %get3A_115 = vector.shape_cast %get3A_114 : vector<1x16xf32> to vector<16xf32>
        %get3A_116 = arith.index_cast %scan3A_63 : i32 to index
        %get3A_117 = arith.constant 48 : index
        %get3A_118 = tpu.vector_load %arg13[%get3A_116, %get3A_117] {strides = array<i32>} : memref<40x128xf32, #tpu.memory_space<vmem>>, vector<1x16xf32>,
        %get3A_119 = vector.shape_cast %get3A_118 : vector<1x16xf32> to vector<16xf32>
        %add3A_120 = arith.constant 1.000000e-16 : f32
        %add3A_121 = vector.broadcast %add3A_120 : f32 to vector<16xf32>
        %add3A_122 = arith.addf %get3A_119, %add3A_121 : vector<16xf32>
        %div3A_123 = arith.divf %get3A_115, %add3A_122 : vector<16xf32>
        %swap3A_124 = arith.index_cast %scan3A_63 : i32 to index
        %swap3A_125 = arith.constant 48 : index
        %swap3A_126 = tpu.vector_load %arg17[%swap3A_124, %swap3A_125] {strides = array<i32>} : memref<40x128xf32, #tpu.memory_space<vmem>>, vector<1x16xf32>,
        %swap3A_127 = vector.shape_cast %swap3A_126 : vector<1x16xf32> to vector<16xf32>
        %swap3A_128 = vector.shape_cast %div3A_123 : vector<16xf32> to vector<1x16xf32>
        tpu.vector_store %arg17[%swap3A_124, %swap3A_125], %swap3A_128 {strides = array<i32>} : memref<40x128xf32, #tpu.memory_space<vmem>>, vector<1x16xf32>,
      }
      %scan3A_59 = arith.constant 40 : i32
      %mul3A_60 = arith.constant 10240 : i32
      %mul3A_61 = arith.muli %arg0, %mul3A_60 : i32
      %add3A_62 = arith.addi %mul3A_61, %add3A : i32
      "tpu.region"() ({
        %run_scoped3A = tpu.sem_alloc : memref<!tpu.dma_semaphore, #tpu.memory_space<semaphore_mem>>
        %dma_start3A = arith.constant 0 : i32
        %dma_start3A_63 = tpu.memref_slice %arg5[%add3A_62, %dma_start3A] : memref<20480x128xf32, #tpu.memory_space<hbm>> -> memref<40x128xf32, #tpu.memory_space<hbm>>
        %dma_start3A_64 = arith.constant 0 : i32
        %dma_start3A_65 = tpu.memref_slice %arg5[%add3A_62, %dma_start3A_64] : memref<20480x128xf32, #tpu.memory_space<hbm>> -> memref<40x128xf32, #tpu.memory_space<hbm>>
        tpu.enqueue_dma source(%arg17 : memref<40x128xf32, #tpu.memory_space<vmem>>) target(%dma_start3A_65 : memref<40x128xf32, #tpu.memory_space<hbm>>) target_semaphore(%run_scoped3A : memref<!tpu.dma_semaphore, #tpu.memory_space<semaphore_mem>>)
        %dma_wait3A_66 = arith.constant 0 : i32
        %dma_wait3A_67 = tpu.memref_slice %arg5[%add3A_62, %dma_wait3A_66] : memref<20480x128xf32, #tpu.memory_space<hbm>> -> memref<40x128xf32, #tpu.memory_space<hbm>>
        %dma_wait3A_68 = arith.constant 0 : i32
        %dma_wait3A_69 = tpu.memref_slice %arg5[%add3A_62, %dma_wait3A_68] : memref<20480x128xf32, #tpu.memory_space<hbm>> -> memref<40x128xf32, #tpu.memory_space<hbm>>
        tpu.wait_dma2 semaphore(%run_scoped3A : memref<!tpu.dma_semaphore, #tpu.memory_space<semaphore_mem>>) src(%arg17 : memref<40x128xf32, #tpu.memory_space<vmem>>) dst(%dma_wait3A_69 : memref<40x128xf32, #tpu.memory_space<hbm>>)
        tpu.yield
      }) : () -> ()
    }
    %while3A_50 = arith.constant 1 : i32
    scf.for %while3A_51 = %while3A_48 to %while3A_44 step %while3A_50  : i32 {
      %mul3A_52 = arith.constant 40 : i32
      %mul3A_53 = arith.muli %while3A_51, %mul3A_52 : i32
      %add3A = arith.addi %mul3A_2, %mul3A_53 : i32
      "tpu.region"() ({
        %run_scoped3A = tpu.sem_alloc : memref<!tpu.dma_semaphore, #tpu.memory_space<semaphore_mem>>
        %dma_start3A = arith.constant 0 : i32
        %dma_start3A_63 = tpu.memref_slice %arg6[%add3A, %dma_start3A] : memref<10080x128xf32, #tpu.memory_space<vmem_shared>> -> memref<40x128xf32, #tpu.memory_space<vmem_shared>>
        %dma_start3A_64 = arith.constant 0 : i32
        %dma_start3A_65 = tpu.memref_slice %arg6[%add3A, %dma_start3A_64] : memref<10080x128xf32, #tpu.memory_space<vmem_shared>> -> memref<40x128xf32, #tpu.memory_space<vmem_shared>>
        tpu.enqueue_dma source(%dma_start3A_65 : memref<40x128xf32, #tpu.memory_space<vmem_shared>>) target(%arg13 : memref<40x128xf32, #tpu.memory_space<vmem>>) target_semaphore(%run_scoped3A : memref<!tpu.dma_semaphore, #tpu.memory_space<semaphore_mem>>)
        %dma_wait3A_66 = arith.constant 0 : i32
        %dma_wait3A_67 = tpu.memref_slice %arg6[%add3A, %dma_wait3A_66] : memref<10080x128xf32, #tpu.memory_space<vmem_shared>> -> memref<40x128xf32, #tpu.memory_space<vmem_shared>>
        %dma_wait3A_68 = arith.constant 0 : i32
        %dma_wait3A_69 = tpu.memref_slice %arg6[%add3A, %dma_wait3A_68] : memref<10080x128xf32, #tpu.memory_space<vmem_shared>> -> memref<40x128xf32, #tpu.memory_space<vmem_shared>>
        tpu.wait_dma2 semaphore(%run_scoped3A : memref<!tpu.dma_semaphore, #tpu.memory_space<semaphore_mem>>) src(%dma_wait3A_69 : memref<40x128xf32, #tpu.memory_space<vmem_shared>>) dst(%arg13 : memref<40x128xf32, #tpu.memory_space<vmem>>)
        tpu.yield
      }) : () -> ()
      %scan3A_54 = arith.constant 0 : i32
      %scan3A_55 = arith.constant 0 : i32
      %scan3A_56 = arith.constant 40 : i32
      %scan3A_57 = arith.addi %scan3A_55, %scan3A_56 : i32
      %scan3A_58 = arith.constant 1 : i32
      scf.for %scan3A_63 = %scan3A_55 to %scan3A_57 step %scan3A_58  : i32 {
        %get3A = arith.index_cast %scan3A_63 : i32 to index
        %get3A_64 = arith.constant 64 : index
        %get3A_65 = tpu.vector_load %arg13[%get3A, %get3A_64] {strides = array<i32>} : memref<40x128xf32, #tpu.memory_space<vmem>>, vector<1x16xf32>,
        %get3A_66 = vector.shape_cast %get3A_65 : vector<1x16xf32> to vector<16xf32>
        %get3A_67 = arith.index_cast %scan3A_63 : i32 to index
        %get3A_68 = arith.constant 0 : index
        %get3A_69 = tpu.vector_load %arg13[%get3A_67, %get3A_68] {strides = array<i32>} : memref<40x128xf32, #tpu.memory_space<vmem>>, vector<1x16xf32>,
        %get3A_70 = vector.shape_cast %get3A_69 : vector<1x16xf32> to vector<16xf32>
        %add3A_71 = arith.constant 1.000000e-16 : f32
        %add3A_72 = vector.broadcast %add3A_71 : f32 to vector<16xf32>
        %add3A_73 = arith.addf %get3A_70, %add3A_72 : vector<16xf32>
        %div3A = arith.divf %get3A_66, %add3A_73 : vector<16xf32>
        %swap3A = arith.index_cast %scan3A_63 : i32 to index
        %swap3A_74 = arith.constant 0 : index
        %swap3A_75 = tpu.vector_load %arg17[%swap3A, %swap3A_74] {strides = array<i32>} : memref<40x128xf32, #tpu.memory_space<vmem>>, vector<1x16xf32>,
        %swap3A_76 = vector.shape_cast %swap3A_75 : vector<1x16xf32> to vector<16xf32>
        %swap3A_77 = vector.shape_cast %div3A : vector<16xf32> to vector<1x16xf32>
        tpu.vector_store %arg17[%swap3A, %swap3A_74], %swap3A_77 {strides = array<i32>} : memref<40x128xf32, #tpu.memory_space<vmem>>, vector<1x16xf32>,
        %get3A_78 = arith.index_cast %scan3A_63 : i32 to index
        %get3A_79 = arith.constant 80 : index
        %get3A_80 = tpu.vector_load %arg13[%get3A_78, %get3A_79] {strides = array<i32>} : memref<40x128xf32, #tpu.memory_space<vmem>>, vector<1x16xf32>,
        %get3A_81 = vector.shape_cast %get3A_80 : vector<1x16xf32> to vector<16xf32>
        %get3A_82 = arith.index_cast %scan3A_63 : i32 to index
        %get3A_83 = arith.constant 16 : index
        %get3A_84 = tpu.vector_load %arg13[%get3A_82, %get3A_83] {strides = array<i32>} : memref<40x128xf32, #tpu.memory_space<vmem>>, vector<1x16xf32>,
        %get3A_85 = vector.shape_cast %get3A_84 : vector<1x16xf32> to vector<16xf32>
        %add3A_86 = arith.constant 1.000000e-16 : f32
        %add3A_87 = vector.broadcast %add3A_86 : f32 to vector<16xf32>
        %add3A_88 = arith.addf %get3A_85, %add3A_87 : vector<16xf32>
        %div3A_89 = arith.divf %get3A_81, %add3A_88 : vector<16xf32>
        %swap3A_90 = arith.index_cast %scan3A_63 : i32 to index
        %swap3A_91 = arith.constant 16 : index
        %swap3A_92 = tpu.vector_load %arg17[%swap3A_90, %swap3A_91] {strides = array<i32>} : memref<40x128xf32, #tpu.memory_space<vmem>>, vector<1x16xf32>,
        %swap3A_93 = vector.shape_cast %swap3A_92 : vector<1x16xf32> to vector<16xf32>
        %swap3A_94 = vector.shape_cast %div3A_89 : vector<16xf32> to vector<1x16xf32>
        tpu.vector_store %arg17[%swap3A_90, %swap3A_91], %swap3A_94 {strides = array<i32>} : memref<40x128xf32, #tpu.memory_space<vmem>>, vector<1x16xf32>,
        %get3A_95 = arith.index_cast %scan3A_63 : i32 to index
        %get3A_96 = arith.constant 96 : index
        %get3A_97 = tpu.vector_load %arg13[%get3A_95, %get3A_96] {strides = array<i32>} : memref<40x128xf32, #tpu.memory_space<vmem>>, vector<1x16xf32>,
        %get3A_98 = vector.shape_cast %get3A_97 : vector<1x16xf32> to vector<16xf32>
        %get3A_99 = arith.index_cast %scan3A_63 : i32 to index
        %get3A_100 = arith.constant 32 : index
        %get3A_101 = tpu.vector_load %arg13[%get3A_99, %get3A_100] {strides = array<i32>} : memref<40x128xf32, #tpu.memory_space<vmem>>, vector<1x16xf32>,
        %get3A_102 = vector.shape_cast %get3A_101 : vector<1x16xf32> to vector<16xf32>
        %add3A_103 = arith.constant 1.000000e-16 : f32
        %add3A_104 = vector.broadcast %add3A_103 : f32 to vector<16xf32>
        %add3A_105 = arith.addf %get3A_102, %add3A_104 : vector<16xf32>
        %div3A_106 = arith.divf %get3A_98, %add3A_105 : vector<16xf32>
        %swap3A_107 = arith.index_cast %scan3A_63 : i32 to index
        %swap3A_108 = arith.constant 32 : index
        %swap3A_109 = tpu.vector_load %arg17[%swap3A_107, %swap3A_108] {strides = array<i32>} : memref<40x128xf32, #tpu.memory_space<vmem>>, vector<1x16xf32>,
        %swap3A_110 = vector.shape_cast %swap3A_109 : vector<1x16xf32> to vector<16xf32>
        %swap3A_111 = vector.shape_cast %div3A_106 : vector<16xf32> to vector<1x16xf32>
        tpu.vector_store %arg17[%swap3A_107, %swap3A_108], %swap3A_111 {strides = array<i32>} : memref<40x128xf32, #tpu.memory_space<vmem>>, vector<1x16xf32>,
        %get3A_112 = arith.index_cast %scan3A_63 : i32 to index
        %get3A_113 = arith.constant 112 : index
        %get3A_114 = tpu.vector_load %arg13[%get3A_112, %get3A_113] {strides = array<i32>} : memref<40x128xf32, #tpu.memory_space<vmem>>, vector<1x16xf32>,
        %get3A_115 = vector.shape_cast %get3A_114 : vector<1x16xf32> to vector<16xf32>
        %get3A_116 = arith.index_cast %scan3A_63 : i32 to index
        %get3A_117 = arith.constant 48 : index
        %get3A_118 = tpu.vector_load %arg13[%get3A_116, %get3A_117] {strides = array<i32>} : memref<40x128xf32, #tpu.memory_space<vmem>>, vector<1x16xf32>,
        %get3A_119 = vector.shape_cast %get3A_118 : vector<1x16xf32> to vector<16xf32>
        %add3A_120 = arith.constant 1.000000e-16 : f32
        %add3A_121 = vector.broadcast %add3A_120 : f32 to vector<16xf32>
        %add3A_122 = arith.addf %get3A_119, %add3A_121 : vector<16xf32>
        %div3A_123 = arith.divf %get3A_115, %add3A_122 : vector<16xf32>
        %swap3A_124 = arith.index_cast %scan3A_63 : i32 to index
        %swap3A_125 = arith.constant 48 : index
        %swap3A_126 = tpu.vector_load %arg17[%swap3A_124, %swap3A_125] {strides = array<i32>} : memref<40x128xf32, #tpu.memory_space<vmem>>, vector<1x16xf32>,
        %swap3A_127 = vector.shape_cast %swap3A_126 : vector<1x16xf32> to vector<16xf32>
        %swap3A_128 = vector.shape_cast %div3A_123 : vector<16xf32> to vector<1x16xf32>
        tpu.vector_store %arg17[%swap3A_124, %swap3A_125], %swap3A_128 {strides = array<i32>} : memref<40x128xf32, #tpu.memory_space<vmem>>, vector<1x16xf32>,
      }
      %scan3A_59 = arith.constant 40 : i32
      %mul3A_60 = arith.constant 10240 : i32
      %mul3A_61 = arith.muli %arg0, %mul3A_60 : i32
      %add3A_62 = arith.addi %mul3A_61, %add3A : i32
      "tpu.region"() ({
        %run_scoped3A = tpu.sem_alloc : memref<!tpu.dma_semaphore, #tpu.memory_space<semaphore_mem>>
        %dma_start3A = arith.constant 0 : i32
        %dma_start3A_63 = tpu.memref_slice %arg5[%add3A_62, %dma_start3A] : memref<20480x128xf32, #tpu.memory_space<hbm>> -> memref<40x128xf32, #tpu.memory_space<hbm>>
        %dma_start3A_64 = arith.constant 0 : i32
        %dma_start3A_65 = tpu.memref_slice %arg5[%add3A_62, %dma_start3A_64] : memref<20480x128xf32, #tpu.memory_space<hbm>> -> memref<40x128xf32, #tpu.memory_space<hbm>>
        tpu.enqueue_dma source(%arg17 : memref<40x128xf32, #tpu.memory_space<vmem>>) target(%dma_start3A_65 : memref<40x128xf32, #tpu.memory_space<hbm>>) target_semaphore(%run_scoped3A : memref<!tpu.dma_semaphore, #tpu.memory_space<semaphore_mem>>)
        %dma_wait3A_66 = arith.constant 0 : i32
        %dma_wait3A_67 = tpu.memref_slice %arg5[%add3A_62, %dma_wait3A_66] : memref<20480x128xf32, #tpu.memory_space<hbm>> -> memref<40x128xf32, #tpu.memory_space<hbm>>
        %dma_wait3A_68 = arith.constant 0 : i32
        %dma_wait3A_69 = tpu.memref_slice %arg5[%add3A_62, %dma_wait3A_68] : memref<20480x128xf32, #tpu.memory_space<hbm>> -> memref<40x128xf32, #tpu.memory_space<hbm>>
        tpu.wait_dma2 semaphore(%run_scoped3A : memref<!tpu.dma_semaphore, #tpu.memory_space<semaphore_mem>>) src(%arg17 : memref<40x128xf32, #tpu.memory_space<vmem>>) dst(%dma_wait3A_69 : memref<40x128xf32, #tpu.memory_space<hbm>>)
        tpu.yield
      }) : () -> ()
    }
    return
  }
}

#map = affine_map<(d0, d1) -> (0, 0)>
#map1 = affine_map<(d0, d1) -> (0)>
module attributes {stable_mosaic.version = 14 : i64} {
  func.func @sc_agg_1(%arg0: i32, %arg1: i32, %arg2: memref<10240x128xf32, #tpu.memory_space<hbm>>, %arg3: memref<512x128xf32, #tpu.memory_space<hbm>>, %arg4: memref<983040xi32, #tpu.memory_space<hbm>>, %arg5: memref<20480x128xf32, #tpu.memory_space<hbm>>, %arg6: memref<10080x128xf32, #tpu.memory_space<vmem_shared>>, %arg7: memref<40xi32, #tpu.memory_space<vmem>>, %arg8: memref<1x40xi32, #tpu.memory_space<vmem>>, %arg9: memref<40xi32, #tpu.memory_space<vmem>>, %arg10: memref<40xi32, #tpu.memory_space<vmem>>, %arg11: memref<1x40xi32, #tpu.memory_space<vmem>>, %arg12: memref<40xi32, #tpu.memory_space<vmem>>, %arg13: memref<40x128xf32, #tpu.memory_space<vmem>>, %arg14: memref<40x128xf32, #tpu.memory_space<vmem>>, %arg15: memref<40x128xf32, #tpu.memory_space<vmem>>, %arg16: memref<40x128xf32, #tpu.memory_space<vmem>>, %arg17: memref<40x128xf32, #tpu.memory_space<vmem>>, %arg18: memref<40x128xf32, #tpu.memory_space<vmem>>, %arg19: memref<!tpu.dma_semaphore, #tpu.memory_space<semaphore_mem>>, %arg20: memref<!tpu.dma_semaphore, #tpu.memory_space<semaphore_mem>>, %arg21: memref<!tpu.dma_semaphore, #tpu.memory_space<semaphore_mem>>) attributes {dimension_semantics = [#tpu.dimension_semantics<core_parallel>, #tpu.dimension_semantics<subcore_parallel>], iteration_bounds = array<i64: 2, 16>, scalar_prefetch = 0 : i64, scratch_operands = 16 : i64, tpu.core_type = #tpu.core_type<sc_vector_subcore>, window_params = [{transform_indices = #map}, {transform_indices = #map}, {transform_indices = #map1}, {transform_indices = #map}]} {
    %mul3A = arith.constant 64 : i32
    %mul3A_0 = arith.muli %arg0, %mul3A : i32
    %mul3A_1 = arith.constant 640 : i32
    %mul3A_2 = arith.muli %arg1, %mul3A_1 : i32
    %eq3A = arith.constant 15 : i32
    %eq3A_3 = arith.cmpi eq, %arg1, %eq3A : i32
    %jit3A = arith.constant 12 : i32
    %jit3A_4 = arith.constant 16 : i32
    %select_n3A = arith.select %eq3A_3, %jit3A, %jit3A_4 : i32
    %scan3A = arith.constant 0 : i32
    %scan3A_5 = arith.constant 0 : i32
    %scan3A_6 = arith.constant 40 : i32
    %scan3A_7 = arith.addi %scan3A_5, %scan3A_6 : i32
    %scan3A_8 = arith.constant 1 : i32
    scf.for %scan3A_51 = %scan3A_5 to %scan3A_7 step %scan3A_8  : i32 {
      %broadcast_in_dim3A = arith.constant 0.000000e+00 : f32
      %broadcast_in_dim3A_52 = vector.broadcast %broadcast_in_dim3A : f32 to vector<16xf32>
      %swap3A = arith.index_cast %scan3A_51 : i32 to index
      %swap3A_53 = arith.constant 0 : index
      %swap3A_54 = tpu.vector_load %arg17[%swap3A, %swap3A_53] {strides = array<i32>} : memref<40x128xf32, #tpu.memory_space<vmem>>, vector<1x16xf32>,
      %swap3A_55 = vector.shape_cast %swap3A_54 : vector<1x16xf32> to vector<16xf32>
      %swap3A_56 = vector.shape_cast %broadcast_in_dim3A_52 : vector<16xf32> to vector<1x16xf32>
      tpu.vector_store %arg17[%swap3A, %swap3A_53], %swap3A_56 {strides = array<i32>} : memref<40x128xf32, #tpu.memory_space<vmem>>, vector<1x16xf32>,
      %broadcast_in_dim3A_57 = arith.constant 0.000000e+00 : f32
      %broadcast_in_dim3A_58 = vector.broadcast %broadcast_in_dim3A_57 : f32 to vector<16xf32>
      %swap3A_59 = arith.index_cast %scan3A_51 : i32 to index
      %swap3A_60 = arith.constant 16 : index
      %swap3A_61 = tpu.vector_load %arg17[%swap3A_59, %swap3A_60] {strides = array<i32>} : memref<40x128xf32, #tpu.memory_space<vmem>>, vector<1x16xf32>,
      %swap3A_62 = vector.shape_cast %swap3A_61 : vector<1x16xf32> to vector<16xf32>
      %swap3A_63 = vector.shape_cast %broadcast_in_dim3A_58 : vector<16xf32> to vector<1x16xf32>
      tpu.vector_store %arg17[%swap3A_59, %swap3A_60], %swap3A_63 {strides = array<i32>} : memref<40x128xf32, #tpu.memory_space<vmem>>, vector<1x16xf32>,
      %broadcast_in_dim3A_64 = arith.constant 0.000000e+00 : f32
      %broadcast_in_dim3A_65 = vector.broadcast %broadcast_in_dim3A_64 : f32 to vector<16xf32>
      %swap3A_66 = arith.index_cast %scan3A_51 : i32 to index
      %swap3A_67 = arith.constant 32 : index
      %swap3A_68 = tpu.vector_load %arg17[%swap3A_66, %swap3A_67] {strides = array<i32>} : memref<40x128xf32, #tpu.memory_space<vmem>>, vector<1x16xf32>,
      %swap3A_69 = vector.shape_cast %swap3A_68 : vector<1x16xf32> to vector<16xf32>
      %swap3A_70 = vector.shape_cast %broadcast_in_dim3A_65 : vector<16xf32> to vector<1x16xf32>
      tpu.vector_store %arg17[%swap3A_66, %swap3A_67], %swap3A_70 {strides = array<i32>} : memref<40x128xf32, #tpu.memory_space<vmem>>, vector<1x16xf32>,
      %broadcast_in_dim3A_71 = arith.constant 0.000000e+00 : f32
      %broadcast_in_dim3A_72 = vector.broadcast %broadcast_in_dim3A_71 : f32 to vector<16xf32>
      %swap3A_73 = arith.index_cast %scan3A_51 : i32 to index
      %swap3A_74 = arith.constant 48 : index
      %swap3A_75 = tpu.vector_load %arg17[%swap3A_73, %swap3A_74] {strides = array<i32>} : memref<40x128xf32, #tpu.memory_space<vmem>>, vector<1x16xf32>,
      %swap3A_76 = vector.shape_cast %swap3A_75 : vector<1x16xf32> to vector<16xf32>
      %swap3A_77 = vector.shape_cast %broadcast_in_dim3A_72 : vector<16xf32> to vector<1x16xf32>
      tpu.vector_store %arg17[%swap3A_73, %swap3A_74], %swap3A_77 {strides = array<i32>} : memref<40x128xf32, #tpu.memory_space<vmem>>, vector<1x16xf32>,
      %broadcast_in_dim3A_78 = arith.constant 0.000000e+00 : f32
      %broadcast_in_dim3A_79 = vector.broadcast %broadcast_in_dim3A_78 : f32 to vector<16xf32>
      %swap3A_80 = arith.index_cast %scan3A_51 : i32 to index
      %swap3A_81 = arith.constant 64 : index
      %swap3A_82 = tpu.vector_load %arg17[%swap3A_80, %swap3A_81] {strides = array<i32>} : memref<40x128xf32, #tpu.memory_space<vmem>>, vector<1x16xf32>,
      %swap3A_83 = vector.shape_cast %swap3A_82 : vector<1x16xf32> to vector<16xf32>
      %swap3A_84 = vector.shape_cast %broadcast_in_dim3A_79 : vector<16xf32> to vector<1x16xf32>
      tpu.vector_store %arg17[%swap3A_80, %swap3A_81], %swap3A_84 {strides = array<i32>} : memref<40x128xf32, #tpu.memory_space<vmem>>, vector<1x16xf32>,
      %broadcast_in_dim3A_85 = arith.constant 0.000000e+00 : f32
      %broadcast_in_dim3A_86 = vector.broadcast %broadcast_in_dim3A_85 : f32 to vector<16xf32>
      %swap3A_87 = arith.index_cast %scan3A_51 : i32 to index
      %swap3A_88 = arith.constant 80 : index
      %swap3A_89 = tpu.vector_load %arg17[%swap3A_87, %swap3A_88] {strides = array<i32>} : memref<40x128xf32, #tpu.memory_space<vmem>>, vector<1x16xf32>,
      %swap3A_90 = vector.shape_cast %swap3A_89 : vector<1x16xf32> to vector<16xf32>
      %swap3A_91 = vector.shape_cast %broadcast_in_dim3A_86 : vector<16xf32> to vector<1x16xf32>
      tpu.vector_store %arg17[%swap3A_87, %swap3A_88], %swap3A_91 {strides = array<i32>} : memref<40x128xf32, #tpu.memory_space<vmem>>, vector<1x16xf32>,
      %broadcast_in_dim3A_92 = arith.constant 0.000000e+00 : f32
      %broadcast_in_dim3A_93 = vector.broadcast %broadcast_in_dim3A_92 : f32 to vector<16xf32>
      %swap3A_94 = arith.index_cast %scan3A_51 : i32 to index
      %swap3A_95 = arith.constant 96 : index
      %swap3A_96 = tpu.vector_load %arg17[%swap3A_94, %swap3A_95] {strides = array<i32>} : memref<40x128xf32, #tpu.memory_space<vmem>>, vector<1x16xf32>,
      %swap3A_97 = vector.shape_cast %swap3A_96 : vector<1x16xf32> to vector<16xf32>
      %swap3A_98 = vector.shape_cast %broadcast_in_dim3A_93 : vector<16xf32> to vector<1x16xf32>
      tpu.vector_store %arg17[%swap3A_94, %swap3A_95], %swap3A_98 {strides = array<i32>} : memref<40x128xf32, #tpu.memory_space<vmem>>, vector<1x16xf32>,
      %broadcast_in_dim3A_99 = arith.constant 0.000000e+00 : f32
      %broadcast_in_dim3A_100 = vector.broadcast %broadcast_in_dim3A_99 : f32 to vector<16xf32>
      %swap3A_101 = arith.index_cast %scan3A_51 : i32 to index
      %swap3A_102 = arith.constant 112 : index
      %swap3A_103 = tpu.vector_load %arg17[%swap3A_101, %swap3A_102] {strides = array<i32>} : memref<40x128xf32, #tpu.memory_space<vmem>>, vector<1x16xf32>,
      %swap3A_104 = vector.shape_cast %swap3A_103 : vector<1x16xf32> to vector<16xf32>
      %swap3A_105 = vector.shape_cast %broadcast_in_dim3A_100 : vector<16xf32> to vector<1x16xf32>
      tpu.vector_store %arg17[%swap3A_101, %swap3A_102], %swap3A_105 {strides = array<i32>} : memref<40x128xf32, #tpu.memory_space<vmem>>, vector<1x16xf32>,
    }
    %scan3A_9 = arith.constant 40 : i32
    %while3A = arith.constant 0 : i32
    %while3A_10 = arith.constant 0 : i32
    %while3A_11 = arith.subi %select_n3A, %while3A_10 : i32
    %while3A_12 = arith.addi %while3A_10, %while3A_11 : i32
    %while3A_13 = arith.constant 1 : i32
    %while3A_14 = arith.divsi %while3A_11, %while3A_13 : i32
    %while3A_15 = arith.muli %while3A_14, %while3A_13 : i32
    %while3A_16 = arith.addi %while3A_10, %while3A_15 : i32
    %while3A_17 = arith.constant 1 : i32
    scf.for %while3A_51 = %while3A_10 to %while3A_16 step %while3A_17  : i32 {
      %mul3A_52 = arith.constant 40 : i32
      %mul3A_53 = arith.muli %while3A_51, %mul3A_52 : i32
      %add3A = arith.addi %mul3A_2, %mul3A_53 : i32
      "tpu.region"() ({
        %run_scoped3A = tpu.sem_alloc : memref<!tpu.dma_semaphore, #tpu.memory_space<semaphore_mem>>
        %dma_start3A = arith.constant 0 : i32
        %dma_start3A_54 = tpu.memref_slice %arg6[%add3A, %dma_start3A] : memref<10080x128xf32, #tpu.memory_space<vmem_shared>> -> memref<40x128xf32, #tpu.memory_space<vmem_shared>>
        %dma_start3A_55 = arith.constant 0 : i32
        %dma_start3A_56 = tpu.memref_slice %arg6[%add3A, %dma_start3A_55] : memref<10080x128xf32, #tpu.memory_space<vmem_shared>> -> memref<40x128xf32, #tpu.memory_space<vmem_shared>>
        tpu.enqueue_dma source(%arg17 : memref<40x128xf32, #tpu.memory_space<vmem>>) target(%dma_start3A_56 : memref<40x128xf32, #tpu.memory_space<vmem_shared>>) target_semaphore(%run_scoped3A : memref<!tpu.dma_semaphore, #tpu.memory_space<semaphore_mem>>)
        %dma_wait3A_57 = arith.constant 0 : i32
        %dma_wait3A_58 = tpu.memref_slice %arg6[%add3A, %dma_wait3A_57] : memref<10080x128xf32, #tpu.memory_space<vmem_shared>> -> memref<40x128xf32, #tpu.memory_space<vmem_shared>>
        %dma_wait3A_59 = arith.constant 0 : i32
        %dma_wait3A_60 = tpu.memref_slice %arg6[%add3A, %dma_wait3A_59] : memref<10080x128xf32, #tpu.memory_space<vmem_shared>> -> memref<40x128xf32, #tpu.memory_space<vmem_shared>>
        tpu.wait_dma2 semaphore(%run_scoped3A : memref<!tpu.dma_semaphore, #tpu.memory_space<semaphore_mem>>) src(%arg17 : memref<40x128xf32, #tpu.memory_space<vmem>>) dst(%dma_wait3A_60 : memref<40x128xf32, #tpu.memory_space<vmem_shared>>)
        tpu.yield
      }) : () -> ()
    }
    %while3A_18 = arith.constant 1 : i32
    scf.for %while3A_51 = %while3A_16 to %while3A_12 step %while3A_18  : i32 {
      %mul3A_52 = arith.constant 40 : i32
      %mul3A_53 = arith.muli %while3A_51, %mul3A_52 : i32
      %add3A = arith.addi %mul3A_2, %mul3A_53 : i32
      "tpu.region"() ({
        %run_scoped3A = tpu.sem_alloc : memref<!tpu.dma_semaphore, #tpu.memory_space<semaphore_mem>>
        %dma_start3A = arith.constant 0 : i32
        %dma_start3A_54 = tpu.memref_slice %arg6[%add3A, %dma_start3A] : memref<10080x128xf32, #tpu.memory_space<vmem_shared>> -> memref<40x128xf32, #tpu.memory_space<vmem_shared>>
        %dma_start3A_55 = arith.constant 0 : i32
        %dma_start3A_56 = tpu.memref_slice %arg6[%add3A, %dma_start3A_55] : memref<10080x128xf32, #tpu.memory_space<vmem_shared>> -> memref<40x128xf32, #tpu.memory_space<vmem_shared>>
        tpu.enqueue_dma source(%arg17 : memref<40x128xf32, #tpu.memory_space<vmem>>) target(%dma_start3A_56 : memref<40x128xf32, #tpu.memory_space<vmem_shared>>) target_semaphore(%run_scoped3A : memref<!tpu.dma_semaphore, #tpu.memory_space<semaphore_mem>>)
        %dma_wait3A_57 = arith.constant 0 : i32
        %dma_wait3A_58 = tpu.memref_slice %arg6[%add3A, %dma_wait3A_57] : memref<10080x128xf32, #tpu.memory_space<vmem_shared>> -> memref<40x128xf32, #tpu.memory_space<vmem_shared>>
        %dma_wait3A_59 = arith.constant 0 : i32
        %dma_wait3A_60 = tpu.memref_slice %arg6[%add3A, %dma_wait3A_59] : memref<10080x128xf32, #tpu.memory_space<vmem_shared>> -> memref<40x128xf32, #tpu.memory_space<vmem_shared>>
        tpu.wait_dma2 semaphore(%run_scoped3A : memref<!tpu.dma_semaphore, #tpu.memory_space<semaphore_mem>>) src(%arg17 : memref<40x128xf32, #tpu.memory_space<vmem>>) dst(%dma_wait3A_60 : memref<40x128xf32, #tpu.memory_space<vmem_shared>>)
        tpu.yield
      }) : () -> ()
    }
    %barrier3A = arith.constant 0 : index
    tpu.barrier barrier_id(%barrier3A)
    %mul3A_19 = arith.constant 20480 : i32
    %mul3A_20 = arith.muli %arg1, %mul3A_19 : i32
    %scan3A_21 = arith.constant 0 : i32
    %scan3A_22 = arith.constant 0 : i32
    %scan3A_23 = arith.constant 256 : i32
    %scan3A_24 = arith.addi %scan3A_22, %scan3A_23 : i32
    %scan3A_25 = arith.constant 1 : i32
    scf.for %scan3A_51 = %scan3A_22 to %scan3A_24 step %scan3A_25  : i32 {
      %mul3A_52 = arith.constant 2 : i32
      %mul3A_53 = arith.muli %mul3A_52, %scan3A_51 : i32
      %mul3A_54 = arith.constant 40 : i32
      %mul3A_55 = arith.muli %mul3A_53, %mul3A_54 : i32
      %add3A = arith.addi %mul3A_20, %mul3A_55 : i32
      %add3A_56 = arith.constant 40 : i32
      %add3A_57 = arith.addi %add3A, %add3A_56 : i32
      %dma_start3A = tpu.memref_slice %arg4[%add3A] : memref<983040xi32, #tpu.memory_space<hbm>> -> memref<40xi32, #tpu.memory_space<hbm>>
      %dma_start3A_58 = tpu.memref_slice %arg4[%add3A] : memref<983040xi32, #tpu.memory_space<hbm>> -> memref<40xi32, #tpu.memory_space<hbm>>
      tpu.enqueue_dma source(%dma_start3A_58 : memref<40xi32, #tpu.memory_space<hbm>>) target(%arg7 : memref<40xi32, #tpu.memory_space<vmem>>) target_semaphore(%arg19 : memref<!tpu.dma_semaphore, #tpu.memory_space<semaphore_mem>>)
      %add3A_59 = arith.constant 327680 : i32
      %add3A_60 = arith.addi %add3A_59, %add3A : i32
      %dma_start3A_61 = arith.constant 0 : i32
      %dma_start3A_62 = arith.constant 0 : i32
      %dma_start3A_63 = tpu.memref_slice %arg8[%dma_start3A_61, %dma_start3A_62] : memref<1x40xi32, #tpu.memory_space<vmem>> -> memref<1x40xi32, #tpu.memory_space<vmem>>
      %dma_start3A_64 = tpu.memref_squeeze %dma_start3A_63 : memref<1x40xi32, #tpu.memory_space<vmem>> -> memref<40xi32, #tpu.memory_space<vmem>>
      %dma_start3A_65 = tpu.memref_slice %arg4[%add3A_60] : memref<983040xi32, #tpu.memory_space<hbm>> -> memref<40xi32, #tpu.memory_space<hbm>>
      %dma_start3A_66 = arith.constant 0 : i32
      %dma_start3A_67 = tpu.memref_slice %arg8[%dma_start3A_61, %dma_start3A_66] : memref<1x40xi32, #tpu.memory_space<vmem>> -> memref<1x40xi32, #tpu.memory_space<vmem>>
      %dma_start3A_68 = tpu.memref_squeeze %dma_start3A_67 : memref<1x40xi32, #tpu.memory_space<vmem>> -> memref<40xi32, #tpu.memory_space<vmem>>
      %dma_start3A_69 = tpu.memref_slice %arg4[%add3A_60] : memref<983040xi32, #tpu.memory_space<hbm>> -> memref<40xi32, #tpu.memory_space<hbm>>
      tpu.enqueue_dma source(%dma_start3A_69 : memref<40xi32, #tpu.memory_space<hbm>>) target(%dma_start3A_68 : memref<40xi32, #tpu.memory_space<vmem>>) target_semaphore(%arg19 : memref<!tpu.dma_semaphore, #tpu.memory_space<semaphore_mem>>)
      %add3A_70 = arith.constant 655360 : i32
      %add3A_71 = arith.addi %add3A_70, %add3A : i32
      %dma_start3A_72 = tpu.memref_slice %arg4[%add3A_71] : memref<983040xi32, #tpu.memory_space<hbm>> -> memref<40xi32, #tpu.memory_space<hbm>>
      %dma_start3A_73 = tpu.memref_slice %arg4[%add3A_71] : memref<983040xi32, #tpu.memory_space<hbm>> -> memref<40xi32, #tpu.memory_space<hbm>>
      tpu.enqueue_dma source(%dma_start3A_73 : memref<40xi32, #tpu.memory_space<hbm>>) target(%arg9 : memref<40xi32, #tpu.memory_space<vmem>>) target_semaphore(%arg19 : memref<!tpu.dma_semaphore, #tpu.memory_space<semaphore_mem>>)
      %dma_start3A_74 = tpu.memref_slice %arg4[%add3A_57] : memref<983040xi32, #tpu.memory_space<hbm>> -> memref<40xi32, #tpu.memory_space<hbm>>
      %dma_start3A_75 = tpu.memref_slice %arg4[%add3A_57] : memref<983040xi32, #tpu.memory_space<hbm>> -> memref<40xi32, #tpu.memory_space<hbm>>
      tpu.enqueue_dma source(%dma_start3A_75 : memref<40xi32, #tpu.memory_space<hbm>>) target(%arg10 : memref<40xi32, #tpu.memory_space<vmem>>) target_semaphore(%arg19 : memref<!tpu.dma_semaphore, #tpu.memory_space<semaphore_mem>>)
      %add3A_76 = arith.constant 327680 : i32
      %add3A_77 = arith.addi %add3A_76, %add3A_57 : i32
      %dma_start3A_78 = arith.constant 0 : i32
      %dma_start3A_79 = arith.constant 0 : i32
      %dma_start3A_80 = tpu.memref_slice %arg11[%dma_start3A_78, %dma_start3A_79] : memref<1x40xi32, #tpu.memory_space<vmem>> -> memref<1x40xi32, #tpu.memory_space<vmem>>
      %dma_start3A_81 = tpu.memref_squeeze %dma_start3A_80 : memref<1x40xi32, #tpu.memory_space<vmem>> -> memref<40xi32, #tpu.memory_space<vmem>>
      %dma_start3A_82 = tpu.memref_slice %arg4[%add3A_77] : memref<983040xi32, #tpu.memory_space<hbm>> -> memref<40xi32, #tpu.memory_space<hbm>>
      %dma_start3A_83 = arith.constant 0 : i32
      %dma_start3A_84 = tpu.memref_slice %arg11[%dma_start3A_78, %dma_start3A_83] : memref<1x40xi32, #tpu.memory_space<vmem>> -> memref<1x40xi32, #tpu.memory_space<vmem>>
      %dma_start3A_85 = tpu.memref_squeeze %dma_start3A_84 : memref<1x40xi32, #tpu.memory_space<vmem>> -> memref<40xi32, #tpu.memory_space<vmem>>
      %dma_start3A_86 = tpu.memref_slice %arg4[%add3A_77] : memref<983040xi32, #tpu.memory_space<hbm>> -> memref<40xi32, #tpu.memory_space<hbm>>
      tpu.enqueue_dma source(%dma_start3A_86 : memref<40xi32, #tpu.memory_space<hbm>>) target(%dma_start3A_85 : memref<40xi32, #tpu.memory_space<vmem>>) target_semaphore(%arg19 : memref<!tpu.dma_semaphore, #tpu.memory_space<semaphore_mem>>)
      %add3A_87 = arith.constant 655360 : i32
      %add3A_88 = arith.addi %add3A_87, %add3A_57 : i32
      %dma_start3A_89 = tpu.memref_slice %arg4[%add3A_88] : memref<983040xi32, #tpu.memory_space<hbm>> -> memref<40xi32, #tpu.memory_space<hbm>>
      %dma_start3A_90 = tpu.memref_slice %arg4[%add3A_88] : memref<983040xi32, #tpu.memory_space<hbm>> -> memref<40xi32, #tpu.memory_space<hbm>>
      tpu.enqueue_dma source(%dma_start3A_90 : memref<40xi32, #tpu.memory_space<hbm>>) target(%arg12 : memref<40xi32, #tpu.memory_space<vmem>>) target_semaphore(%arg19 : memref<!tpu.dma_semaphore, #tpu.memory_space<semaphore_mem>>)
      %dma_wait3A_91 = tpu.memref_slice %arg4[%add3A] : memref<983040xi32, #tpu.memory_space<hbm>> -> memref<40xi32, #tpu.memory_space<hbm>>
      %dma_wait3A_92 = tpu.memref_slice %arg4[%add3A] : memref<983040xi32, #tpu.memory_space<hbm>> -> memref<40xi32, #tpu.memory_space<hbm>>
      tpu.wait_dma2 semaphore(%arg19 : memref<!tpu.dma_semaphore, #tpu.memory_space<semaphore_mem>>) src(%dma_wait3A_92 : memref<40xi32, #tpu.memory_space<hbm>>) dst(%arg7 : memref<40xi32, #tpu.memory_space<vmem>>)
      %dma_wait3A_93 = arith.constant 0 : i32
      %dma_wait3A_94 = arith.constant 0 : i32
      %dma_wait3A_95 = tpu.memref_slice %arg8[%dma_wait3A_93, %dma_wait3A_94] : memref<1x40xi32, #tpu.memory_space<vmem>> -> memref<1x40xi32, #tpu.memory_space<vmem>>
      %dma_wait3A_96 = tpu.memref_squeeze %dma_wait3A_95 : memref<1x40xi32, #tpu.memory_space<vmem>> -> memref<40xi32, #tpu.memory_space<vmem>>
      %dma_wait3A_97 = tpu.memref_slice %arg4[%add3A_60] : memref<983040xi32, #tpu.memory_space<hbm>> -> memref<40xi32, #tpu.memory_space<hbm>>
      %dma_wait3A_98 = arith.constant 0 : i32
      %dma_wait3A_99 = tpu.memref_slice %arg8[%dma_wait3A_93, %dma_wait3A_98] : memref<1x40xi32, #tpu.memory_space<vmem>> -> memref<1x40xi32, #tpu.memory_space<vmem>>
      %dma_wait3A_100 = tpu.memref_squeeze %dma_wait3A_99 : memref<1x40xi32, #tpu.memory_space<vmem>> -> memref<40xi32, #tpu.memory_space<vmem>>
      %dma_wait3A_101 = tpu.memref_slice %arg4[%add3A_60] : memref<983040xi32, #tpu.memory_space<hbm>> -> memref<40xi32, #tpu.memory_space<hbm>>
      tpu.wait_dma2 semaphore(%arg19 : memref<!tpu.dma_semaphore, #tpu.memory_space<semaphore_mem>>) src(%dma_wait3A_101 : memref<40xi32, #tpu.memory_space<hbm>>) dst(%dma_wait3A_100 : memref<40xi32, #tpu.memory_space<vmem>>)
      %dma_wait3A_102 = tpu.memref_slice %arg4[%add3A_71] : memref<983040xi32, #tpu.memory_space<hbm>> -> memref<40xi32, #tpu.memory_space<hbm>>
      %dma_wait3A_103 = tpu.memref_slice %arg4[%add3A_71] : memref<983040xi32, #tpu.memory_space<hbm>> -> memref<40xi32, #tpu.memory_space<hbm>>
      tpu.wait_dma2 semaphore(%arg19 : memref<!tpu.dma_semaphore, #tpu.memory_space<semaphore_mem>>) src(%dma_wait3A_103 : memref<40xi32, #tpu.memory_space<hbm>>) dst(%arg9 : memref<40xi32, #tpu.memory_space<vmem>>)
      %dma_start3A_104 = arith.constant 0 : i32
      %dma_start3A_105 = arith.constant 0 : i32
      %dma_start3A_106 = tpu.memref_slice %arg2[%dma_start3A_104, %dma_start3A_105] : memref<10240x128xf32, #tpu.memory_space<hbm>> -> memref<10240x128xf32, #tpu.memory_space<hbm>>
      tpu.enqueue_indirect_dma source(%dma_start3A_106 : memref<10240x128xf32, #tpu.memory_space<hbm>>) target(%arg13 : memref<40x128xf32, #tpu.memory_space<vmem>>) offsets(%arg7 : memref<40xi32, #tpu.memory_space<vmem>>) semaphore(%arg20 : memref<!tpu.dma_semaphore, #tpu.memory_space<semaphore_mem>>)
      %dma_start3A_107 = arith.constant 0 : i32
      %dma_start3A_108 = arith.constant 0 : i32
      %dma_start3A_109 = tpu.memref_slice %arg3[%dma_start3A_107, %dma_start3A_108] : memref<512x128xf32, #tpu.memory_space<hbm>> -> memref<512x128xf32, #tpu.memory_space<hbm>>
      tpu.enqueue_indirect_dma source(%dma_start3A_109 : memref<512x128xf32, #tpu.memory_space<hbm>>) target(%arg14 : memref<40x128xf32, #tpu.memory_space<vmem>>) offsets(%arg9 : memref<40xi32, #tpu.memory_space<vmem>>) semaphore(%arg20 : memref<!tpu.dma_semaphore, #tpu.memory_space<semaphore_mem>>)
      %dma_wait3A_110 = tpu.memref_slice %arg4[%add3A_57] : memref<983040xi32, #tpu.memory_space<hbm>> -> memref<40xi32, #tpu.memory_space<hbm>>
      %dma_wait3A_111 = tpu.memref_slice %arg4[%add3A_57] : memref<983040xi32, #tpu.memory_space<hbm>> -> memref<40xi32, #tpu.memory_space<hbm>>
      tpu.wait_dma2 semaphore(%arg19 : memref<!tpu.dma_semaphore, #tpu.memory_space<semaphore_mem>>) src(%dma_wait3A_111 : memref<40xi32, #tpu.memory_space<hbm>>) dst(%arg10 : memref<40xi32, #tpu.memory_space<vmem>>)
      %dma_wait3A_112 = arith.constant 0 : i32
      %dma_wait3A_113 = arith.constant 0 : i32
      %dma_wait3A_114 = tpu.memref_slice %arg11[%dma_wait3A_112, %dma_wait3A_113] : memref<1x40xi32, #tpu.memory_space<vmem>> -> memref<1x40xi32, #tpu.memory_space<vmem>>
      %dma_wait3A_115 = tpu.memref_squeeze %dma_wait3A_114 : memref<1x40xi32, #tpu.memory_space<vmem>> -> memref<40xi32, #tpu.memory_space<vmem>>
      %dma_wait3A_116 = tpu.memref_slice %arg4[%add3A_77] : memref<983040xi32, #tpu.memory_space<hbm>> -> memref<40xi32, #tpu.memory_space<hbm>>
      %dma_wait3A_117 = arith.constant 0 : i32
      %dma_wait3A_118 = tpu.memref_slice %arg11[%dma_wait3A_112, %dma_wait3A_117] : memref<1x40xi32, #tpu.memory_space<vmem>> -> memref<1x40xi32, #tpu.memory_space<vmem>>
      %dma_wait3A_119 = tpu.memref_squeeze %dma_wait3A_118 : memref<1x40xi32, #tpu.memory_space<vmem>> -> memref<40xi32, #tpu.memory_space<vmem>>
      %dma_wait3A_120 = tpu.memref_slice %arg4[%add3A_77] : memref<983040xi32, #tpu.memory_space<hbm>> -> memref<40xi32, #tpu.memory_space<hbm>>
      tpu.wait_dma2 semaphore(%arg19 : memref<!tpu.dma_semaphore, #tpu.memory_space<semaphore_mem>>) src(%dma_wait3A_120 : memref<40xi32, #tpu.memory_space<hbm>>) dst(%dma_wait3A_119 : memref<40xi32, #tpu.memory_space<vmem>>)
      %dma_wait3A_121 = tpu.memref_slice %arg4[%add3A_88] : memref<983040xi32, #tpu.memory_space<hbm>> -> memref<40xi32, #tpu.memory_space<hbm>>
      %dma_wait3A_122 = tpu.memref_slice %arg4[%add3A_88] : memref<983040xi32, #tpu.memory_space<hbm>> -> memref<40xi32, #tpu.memory_space<hbm>>
      tpu.wait_dma2 semaphore(%arg19 : memref<!tpu.dma_semaphore, #tpu.memory_space<semaphore_mem>>) src(%dma_wait3A_122 : memref<40xi32, #tpu.memory_space<hbm>>) dst(%arg12 : memref<40xi32, #tpu.memory_space<vmem>>)
      %dma_start3A_123 = arith.constant 0 : i32
      %dma_start3A_124 = arith.constant 0 : i32
      %dma_start3A_125 = tpu.memref_slice %arg2[%dma_start3A_123, %dma_start3A_124] : memref<10240x128xf32, #tpu.memory_space<hbm>> -> memref<10240x128xf32, #tpu.memory_space<hbm>>
      tpu.enqueue_indirect_dma source(%dma_start3A_125 : memref<10240x128xf32, #tpu.memory_space<hbm>>) target(%arg15 : memref<40x128xf32, #tpu.memory_space<vmem>>) offsets(%arg10 : memref<40xi32, #tpu.memory_space<vmem>>) semaphore(%arg20 : memref<!tpu.dma_semaphore, #tpu.memory_space<semaphore_mem>>)
      %dma_start3A_126 = arith.constant 0 : i32
      %dma_start3A_127 = arith.constant 0 : i32
      %dma_start3A_128 = tpu.memref_slice %arg3[%dma_start3A_126, %dma_start3A_127] : memref<512x128xf32, #tpu.memory_space<hbm>> -> memref<512x128xf32, #tpu.memory_space<hbm>>
      tpu.enqueue_indirect_dma source(%dma_start3A_128 : memref<512x128xf32, #tpu.memory_space<hbm>>) target(%arg16 : memref<40x128xf32, #tpu.memory_space<vmem>>) offsets(%arg12 : memref<40xi32, #tpu.memory_space<vmem>>) semaphore(%arg20 : memref<!tpu.dma_semaphore, #tpu.memory_space<semaphore_mem>>)
      %dma_wait3A_129 = arith.constant 0 : i32
      %dma_wait3A_130 = arith.constant 0 : i32
      %dma_wait3A_131 = tpu.memref_slice %arg2[%dma_wait3A_129, %dma_wait3A_130] : memref<10240x128xf32, #tpu.memory_space<hbm>> -> memref<10240x128xf32, #tpu.memory_space<hbm>>
      tpu.wait_indirect_dma semaphore(%arg20 : memref<!tpu.dma_semaphore, #tpu.memory_space<semaphore_mem>>) src(%dma_wait3A_131 : memref<10240x128xf32, #tpu.memory_space<hbm>>) dst(%arg13 : memref<40x128xf32, #tpu.memory_space<vmem>>)
      %dma_wait3A_132 = arith.constant 0 : i32
      %dma_wait3A_133 = arith.constant 0 : i32
      %dma_wait3A_134 = tpu.memref_slice %arg3[%dma_wait3A_132, %dma_wait3A_133] : memref<512x128xf32, #tpu.memory_space<hbm>> -> memref<512x128xf32, #tpu.memory_space<hbm>>
      tpu.wait_indirect_dma semaphore(%arg20 : memref<!tpu.dma_semaphore, #tpu.memory_space<semaphore_mem>>) src(%dma_wait3A_134 : memref<512x128xf32, #tpu.memory_space<hbm>>) dst(%arg14 : memref<40x128xf32, #tpu.memory_space<vmem>>)
      %ne3A = arith.constant 0 : i32
      %ne3A_135 = arith.cmpi ne, %scan3A_51, %ne3A : i32
      %convert_element_type3A = arith.extui %ne3A_135 : i1 to i32
      %cond3A = arith.constant 0 : i32
      %cond3A_136 = arith.cmpi ne, %convert_element_type3A, %cond3A : i32
      scf.if %cond3A_136 {
        %dma_wait3A_169 = arith.constant 0 : i32
        %dma_wait3A_170 = arith.constant 0 : i32
        %dma_wait3A_171 = tpu.memref_slice %arg8[%dma_wait3A_169, %dma_wait3A_170] : memref<1x40xi32, #tpu.memory_space<vmem>> -> memref<1x40xi32, #tpu.memory_space<vmem>>
        %dma_wait3A_172 = tpu.memref_squeeze %dma_wait3A_171 : memref<1x40xi32, #tpu.memory_space<vmem>> -> memref<40xi32, #tpu.memory_space<vmem>>
        %dma_wait3A_173 = arith.constant 0 : i32
        %dma_wait3A_174 = arith.constant 0 : i32
        %dma_wait3A_175 = tpu.memref_slice %arg6[%dma_wait3A_173, %dma_wait3A_174] : memref<10080x128xf32, #tpu.memory_space<vmem_shared>> -> memref<10080x128xf32, #tpu.memory_space<vmem_shared>>
        tpu.wait_indirect_dma semaphore(%arg21 : memref<!tpu.dma_semaphore, #tpu.memory_space<semaphore_mem>>) src(%arg17 : memref<40x128xf32, #tpu.memory_space<vmem>>) dst(%dma_wait3A_175 : memref<10080x128xf32, #tpu.memory_space<vmem_shared>>)
        %dma_wait3A_176 = arith.constant 0 : i32
        %dma_wait3A_177 = arith.constant 0 : i32
        %dma_wait3A_178 = tpu.memref_slice %arg11[%dma_wait3A_176, %dma_wait3A_177] : memref<1x40xi32, #tpu.memory_space<vmem>> -> memref<1x40xi32, #tpu.memory_space<vmem>>
        %dma_wait3A_179 = tpu.memref_squeeze %dma_wait3A_178 : memref<1x40xi32, #tpu.memory_space<vmem>> -> memref<40xi32, #tpu.memory_space<vmem>>
        %dma_wait3A_180 = arith.constant 0 : i32
        %dma_wait3A_181 = arith.constant 0 : i32
        %dma_wait3A_182 = tpu.memref_slice %arg6[%dma_wait3A_180, %dma_wait3A_181] : memref<10080x128xf32, #tpu.memory_space<vmem_shared>> -> memref<10080x128xf32, #tpu.memory_space<vmem_shared>>
        tpu.wait_indirect_dma semaphore(%arg21 : memref<!tpu.dma_semaphore, #tpu.memory_space<semaphore_mem>>) src(%arg18 : memref<40x128xf32, #tpu.memory_space<vmem>>) dst(%dma_wait3A_182 : memref<10080x128xf32, #tpu.memory_space<vmem_shared>>)
      } else {
      }
      %scan3A_137 = arith.constant 0 : i32
      %scan3A_138 = arith.constant 0 : i32
      %scan3A_139 = arith.constant 40 : i32
      %scan3A_140 = arith.addi %scan3A_138, %scan3A_139 : i32
      %scan3A_141 = arith.constant 1 : i32
      scf.for %scan3A_169 = %scan3A_138 to %scan3A_140 step %scan3A_141  : i32 {
        %add3A_170 = arith.constant 0 : i32
        %add3A_171 = arith.addi %mul3A_0, %add3A_170 : i32
        %get3A = arith.index_cast %scan3A_169 : i32 to index
        %get3A_172 = arith.index_cast %add3A_171 : i32 to index
        %get3A_173 = tpu.vector_load %arg13[%get3A, %get3A_172] {strides = array<i32>} : memref<40x128xf32, #tpu.memory_space<vmem>>, vector<1x16xf32>,
        %get3A_174 = vector.shape_cast %get3A_173 : vector<1x16xf32> to vector<16xf32>
        %get3A_175 = arith.index_cast %scan3A_169 : i32 to index
        %get3A_176 = arith.index_cast %add3A_171 : i32 to index
        %get3A_177 = tpu.vector_load %arg14[%get3A_175, %get3A_176] {strides = array<i32>} : memref<40x128xf32, #tpu.memory_space<vmem>>, vector<1x16xf32>,
        %get3A_178 = vector.shape_cast %get3A_177 : vector<1x16xf32> to vector<16xf32>
        %add3A_179 = arith.addf %get3A_174, %get3A_178 : vector<16xf32>
        %max3A = arith.constant 0.000000e+00 : f32
        %max3A_180 = vector.broadcast %max3A : f32 to vector<16xf32>
        %max3A_181 = arith.maximumf %add3A_179, %max3A_180 : vector<16xf32>
        %add3A_182 = arith.constant 1.000000e-07 : f32
        %add3A_183 = vector.broadcast %add3A_182 : f32 to vector<16xf32>
        %add3A_184 = arith.addf %max3A_181, %add3A_183 : vector<16xf32>
        %exp3A = math.exp %add3A_184 : vector<16xf32>
        %swap3A = arith.index_cast %scan3A_169 : i32 to index
        %swap3A_185 = arith.constant 0 : index
        %swap3A_186 = tpu.vector_load %arg17[%swap3A, %swap3A_185] {strides = array<i32>} : memref<40x128xf32, #tpu.memory_space<vmem>>, vector<1x16xf32>,
        %swap3A_187 = vector.shape_cast %swap3A_186 : vector<1x16xf32> to vector<16xf32>
        %swap3A_188 = vector.shape_cast %exp3A : vector<16xf32> to vector<1x16xf32>
        tpu.vector_store %arg17[%swap3A, %swap3A_185], %swap3A_188 {strides = array<i32>} : memref<40x128xf32, #tpu.memory_space<vmem>>, vector<1x16xf32>,
        %mul3A_189 = arith.mulf %exp3A, %add3A_184 : vector<16xf32>
        %swap3A_190 = arith.index_cast %scan3A_169 : i32 to index
        %swap3A_191 = arith.constant 64 : index
        %swap3A_192 = tpu.vector_load %arg17[%swap3A_190, %swap3A_191] {strides = array<i32>} : memref<40x128xf32, #tpu.memory_space<vmem>>, vector<1x16xf32>,
        %swap3A_193 = vector.shape_cast %swap3A_192 : vector<1x16xf32> to vector<16xf32>
        %swap3A_194 = vector.shape_cast %mul3A_189 : vector<16xf32> to vector<1x16xf32>
        tpu.vector_store %arg17[%swap3A_190, %swap3A_191], %swap3A_194 {strides = array<i32>} : memref<40x128xf32, #tpu.memory_space<vmem>>, vector<1x16xf32>,
        %add3A_195 = arith.constant 16 : i32
        %add3A_196 = arith.addi %mul3A_0, %add3A_195 : i32
        %get3A_197 = arith.index_cast %scan3A_169 : i32 to index
        %get3A_198 = arith.index_cast %add3A_196 : i32 to index
        %get3A_199 = tpu.vector_load %arg13[%get3A_197, %get3A_198] {strides = array<i32>} : memref<40x128xf32, #tpu.memory_space<vmem>>, vector<1x16xf32>,
        %get3A_200 = vector.shape_cast %get3A_199 : vector<1x16xf32> to vector<16xf32>
        %get3A_201 = arith.index_cast %scan3A_169 : i32 to index
        %get3A_202 = arith.index_cast %add3A_196 : i32 to index
        %get3A_203 = tpu.vector_load %arg14[%get3A_201, %get3A_202] {strides = array<i32>} : memref<40x128xf32, #tpu.memory_space<vmem>>, vector<1x16xf32>,
        %get3A_204 = vector.shape_cast %get3A_203 : vector<1x16xf32> to vector<16xf32>
        %add3A_205 = arith.addf %get3A_200, %get3A_204 : vector<16xf32>
        %max3A_206 = arith.constant 0.000000e+00 : f32
        %max3A_207 = vector.broadcast %max3A_206 : f32 to vector<16xf32>
        %max3A_208 = arith.maximumf %add3A_205, %max3A_207 : vector<16xf32>
        %add3A_209 = arith.constant 1.000000e-07 : f32
        %add3A_210 = vector.broadcast %add3A_209 : f32 to vector<16xf32>
        %add3A_211 = arith.addf %max3A_208, %add3A_210 : vector<16xf32>
        %exp3A_212 = math.exp %add3A_211 : vector<16xf32>
        %swap3A_213 = arith.index_cast %scan3A_169 : i32 to index
        %swap3A_214 = arith.constant 16 : index
        %swap3A_215 = tpu.vector_load %arg17[%swap3A_213, %swap3A_214] {strides = array<i32>} : memref<40x128xf32, #tpu.memory_space<vmem>>, vector<1x16xf32>,
        %swap3A_216 = vector.shape_cast %swap3A_215 : vector<1x16xf32> to vector<16xf32>
        %swap3A_217 = vector.shape_cast %exp3A_212 : vector<16xf32> to vector<1x16xf32>
        tpu.vector_store %arg17[%swap3A_213, %swap3A_214], %swap3A_217 {strides = array<i32>} : memref<40x128xf32, #tpu.memory_space<vmem>>, vector<1x16xf32>,
        %mul3A_218 = arith.mulf %exp3A_212, %add3A_211 : vector<16xf32>
        %swap3A_219 = arith.index_cast %scan3A_169 : i32 to index
        %swap3A_220 = arith.constant 80 : index
        %swap3A_221 = tpu.vector_load %arg17[%swap3A_219, %swap3A_220] {strides = array<i32>} : memref<40x128xf32, #tpu.memory_space<vmem>>, vector<1x16xf32>,
        %swap3A_222 = vector.shape_cast %swap3A_221 : vector<1x16xf32> to vector<16xf32>
        %swap3A_223 = vector.shape_cast %mul3A_218 : vector<16xf32> to vector<1x16xf32>
        tpu.vector_store %arg17[%swap3A_219, %swap3A_220], %swap3A_223 {strides = array<i32>} : memref<40x128xf32, #tpu.memory_space<vmem>>, vector<1x16xf32>,
        %add3A_224 = arith.constant 32 : i32
        %add3A_225 = arith.addi %mul3A_0, %add3A_224 : i32
        %get3A_226 = arith.index_cast %scan3A_169 : i32 to index
        %get3A_227 = arith.index_cast %add3A_225 : i32 to index
        %get3A_228 = tpu.vector_load %arg13[%get3A_226, %get3A_227] {strides = array<i32>} : memref<40x128xf32, #tpu.memory_space<vmem>>, vector<1x16xf32>,
        %get3A_229 = vector.shape_cast %get3A_228 : vector<1x16xf32> to vector<16xf32>
        %get3A_230 = arith.index_cast %scan3A_169 : i32 to index
        %get3A_231 = arith.index_cast %add3A_225 : i32 to index
        %get3A_232 = tpu.vector_load %arg14[%get3A_230, %get3A_231] {strides = array<i32>} : memref<40x128xf32, #tpu.memory_space<vmem>>, vector<1x16xf32>,
        %get3A_233 = vector.shape_cast %get3A_232 : vector<1x16xf32> to vector<16xf32>
        %add3A_234 = arith.addf %get3A_229, %get3A_233 : vector<16xf32>
        %max3A_235 = arith.constant 0.000000e+00 : f32
        %max3A_236 = vector.broadcast %max3A_235 : f32 to vector<16xf32>
        %max3A_237 = arith.maximumf %add3A_234, %max3A_236 : vector<16xf32>
        %add3A_238 = arith.constant 1.000000e-07 : f32
        %add3A_239 = vector.broadcast %add3A_238 : f32 to vector<16xf32>
        %add3A_240 = arith.addf %max3A_237, %add3A_239 : vector<16xf32>
        %exp3A_241 = math.exp %add3A_240 : vector<16xf32>
        %swap3A_242 = arith.index_cast %scan3A_169 : i32 to index
        %swap3A_243 = arith.constant 32 : index
        %swap3A_244 = tpu.vector_load %arg17[%swap3A_242, %swap3A_243] {strides = array<i32>} : memref<40x128xf32, #tpu.memory_space<vmem>>, vector<1x16xf32>,
        %swap3A_245 = vector.shape_cast %swap3A_244 : vector<1x16xf32> to vector<16xf32>
        %swap3A_246 = vector.shape_cast %exp3A_241 : vector<16xf32> to vector<1x16xf32>
        tpu.vector_store %arg17[%swap3A_242, %swap3A_243], %swap3A_246 {strides = array<i32>} : memref<40x128xf32, #tpu.memory_space<vmem>>, vector<1x16xf32>,
        %mul3A_247 = arith.mulf %exp3A_241, %add3A_240 : vector<16xf32>
        %swap3A_248 = arith.index_cast %scan3A_169 : i32 to index
        %swap3A_249 = arith.constant 96 : index
        %swap3A_250 = tpu.vector_load %arg17[%swap3A_248, %swap3A_249] {strides = array<i32>} : memref<40x128xf32, #tpu.memory_space<vmem>>, vector<1x16xf32>,
        %swap3A_251 = vector.shape_cast %swap3A_250 : vector<1x16xf32> to vector<16xf32>
        %swap3A_252 = vector.shape_cast %mul3A_247 : vector<16xf32> to vector<1x16xf32>
        tpu.vector_store %arg17[%swap3A_248, %swap3A_249], %swap3A_252 {strides = array<i32>} : memref<40x128xf32, #tpu.memory_space<vmem>>, vector<1x16xf32>,
        %add3A_253 = arith.constant 48 : i32
        %add3A_254 = arith.addi %mul3A_0, %add3A_253 : i32
        %get3A_255 = arith.index_cast %scan3A_169 : i32 to index
        %get3A_256 = arith.index_cast %add3A_254 : i32 to index
        %get3A_257 = tpu.vector_load %arg13[%get3A_255, %get3A_256] {strides = array<i32>} : memref<40x128xf32, #tpu.memory_space<vmem>>, vector<1x16xf32>,
        %get3A_258 = vector.shape_cast %get3A_257 : vector<1x16xf32> to vector<16xf32>
        %get3A_259 = arith.index_cast %scan3A_169 : i32 to index
        %get3A_260 = arith.index_cast %add3A_254 : i32 to index
        %get3A_261 = tpu.vector_load %arg14[%get3A_259, %get3A_260] {strides = array<i32>} : memref<40x128xf32, #tpu.memory_space<vmem>>, vector<1x16xf32>,
        %get3A_262 = vector.shape_cast %get3A_261 : vector<1x16xf32> to vector<16xf32>
        %add3A_263 = arith.addf %get3A_258, %get3A_262 : vector<16xf32>
        %max3A_264 = arith.constant 0.000000e+00 : f32
        %max3A_265 = vector.broadcast %max3A_264 : f32 to vector<16xf32>
        %max3A_266 = arith.maximumf %add3A_263, %max3A_265 : vector<16xf32>
        %add3A_267 = arith.constant 1.000000e-07 : f32
        %add3A_268 = vector.broadcast %add3A_267 : f32 to vector<16xf32>
        %add3A_269 = arith.addf %max3A_266, %add3A_268 : vector<16xf32>
        %exp3A_270 = math.exp %add3A_269 : vector<16xf32>
        %swap3A_271 = arith.index_cast %scan3A_169 : i32 to index
        %swap3A_272 = arith.constant 48 : index
        %swap3A_273 = tpu.vector_load %arg17[%swap3A_271, %swap3A_272] {strides = array<i32>} : memref<40x128xf32, #tpu.memory_space<vmem>>, vector<1x16xf32>,
        %swap3A_274 = vector.shape_cast %swap3A_273 : vector<1x16xf32> to vector<16xf32>
        %swap3A_275 = vector.shape_cast %exp3A_270 : vector<16xf32> to vector<1x16xf32>
        tpu.vector_store %arg17[%swap3A_271, %swap3A_272], %swap3A_275 {strides = array<i32>} : memref<40x128xf32, #tpu.memory_space<vmem>>, vector<1x16xf32>,
        %mul3A_276 = arith.mulf %exp3A_270, %add3A_269 : vector<16xf32>
        %swap3A_277 = arith.index_cast %scan3A_169 : i32 to index
        %swap3A_278 = arith.constant 112 : index
        %swap3A_279 = tpu.vector_load %arg17[%swap3A_277, %swap3A_278] {strides = array<i32>} : memref<40x128xf32, #tpu.memory_space<vmem>>, vector<1x16xf32>,
        %swap3A_280 = vector.shape_cast %swap3A_279 : vector<1x16xf32> to vector<16xf32>
        %swap3A_281 = vector.shape_cast %mul3A_276 : vector<16xf32> to vector<1x16xf32>
        tpu.vector_store %arg17[%swap3A_277, %swap3A_278], %swap3A_281 {strides = array<i32>} : memref<40x128xf32, #tpu.memory_space<vmem>>, vector<1x16xf32>,
      }
      %scan3A_142 = arith.constant 40 : i32
      %dma_start3A_143 = arith.constant 0 : i32
      %dma_start3A_144 = arith.constant 0 : i32
      %dma_start3A_145 = tpu.memref_slice %arg8[%dma_start3A_143, %dma_start3A_144] : memref<1x40xi32, #tpu.memory_space<vmem>> -> memref<1x40xi32, #tpu.memory_space<vmem>>
      %dma_start3A_146 = tpu.memref_squeeze %dma_start3A_145 : memref<1x40xi32, #tpu.memory_space<vmem>> -> memref<40xi32, #tpu.memory_space<vmem>>
      %dma_start3A_147 = arith.constant 0 : i32
      %dma_start3A_148 = arith.constant 0 : i32
      %dma_start3A_149 = tpu.memref_slice %arg6[%dma_start3A_147, %dma_start3A_148] : memref<10080x128xf32, #tpu.memory_space<vmem_shared>> -> memref<10080x128xf32, #tpu.memory_space<vmem_shared>>
      tpu.enqueue_indirect_dma source(%arg17 : memref<40x128xf32, #tpu.memory_space<vmem>>) target(%dma_start3A_149 : memref<10080x128xf32, #tpu.memory_space<vmem_shared>>) offsets(%dma_start3A_146 : memref<40xi32, #tpu.memory_space<vmem>>) semaphore(%arg21 : memref<!tpu.dma_semaphore, #tpu.memory_space<semaphore_mem>>) {add = true}
      %dma_wait3A_150 = arith.constant 0 : i32
      %dma_wait3A_151 = arith.constant 0 : i32
      %dma_wait3A_152 = tpu.memref_slice %arg2[%dma_wait3A_150, %dma_wait3A_151] : memref<10240x128xf32, #tpu.memory_space<hbm>> -> memref<10240x128xf32, #tpu.memory_space<hbm>>
      tpu.wait_indirect_dma semaphore(%arg20 : memref<!tpu.dma_semaphore, #tpu.memory_space<semaphore_mem>>) src(%dma_wait3A_152 : memref<10240x128xf32, #tpu.memory_space<hbm>>) dst(%arg15 : memref<40x128xf32, #tpu.memory_space<vmem>>)
      %dma_wait3A_153 = arith.constant 0 : i32
      %dma_wait3A_154 = arith.constant 0 : i32
      %dma_wait3A_155 = tpu.memref_slice %arg3[%dma_wait3A_153, %dma_wait3A_154] : memref<512x128xf32, #tpu.memory_space<hbm>> -> memref<512x128xf32, #tpu.memory_space<hbm>>
      tpu.wait_indirect_dma semaphore(%arg20 : memref<!tpu.dma_semaphore, #tpu.memory_space<semaphore_mem>>) src(%dma_wait3A_155 : memref<512x128xf32, #tpu.memory_space<hbm>>) dst(%arg16 : memref<40x128xf32, #tpu.memory_space<vmem>>)
      %scan3A_156 = arith.constant 0 : i32
      %scan3A_157 = arith.constant 0 : i32
      %scan3A_158 = arith.constant 40 : i32
      %scan3A_159 = arith.addi %scan3A_157, %scan3A_158 : i32
      %scan3A_160 = arith.constant 1 : i32
      scf.for %scan3A_169 = %scan3A_157 to %scan3A_159 step %scan3A_160  : i32 {
        %add3A_170 = arith.constant 0 : i32
        %add3A_171 = arith.addi %mul3A_0, %add3A_170 : i32
        %get3A = arith.index_cast %scan3A_169 : i32 to index
        %get3A_172 = arith.index_cast %add3A_171 : i32 to index
        %get3A_173 = tpu.vector_load %arg15[%get3A, %get3A_172] {strides = array<i32>} : memref<40x128xf32, #tpu.memory_space<vmem>>, vector<1x16xf32>,
        %get3A_174 = vector.shape_cast %get3A_173 : vector<1x16xf32> to vector<16xf32>
        %get3A_175 = arith.index_cast %scan3A_169 : i32 to index
        %get3A_176 = arith.index_cast %add3A_171 : i32 to index
        %get3A_177 = tpu.vector_load %arg16[%get3A_175, %get3A_176] {strides = array<i32>} : memref<40x128xf32, #tpu.memory_space<vmem>>, vector<1x16xf32>,
        %get3A_178 = vector.shape_cast %get3A_177 : vector<1x16xf32> to vector<16xf32>
        %add3A_179 = arith.addf %get3A_174, %get3A_178 : vector<16xf32>
        %max3A = arith.constant 0.000000e+00 : f32
        %max3A_180 = vector.broadcast %max3A : f32 to vector<16xf32>
        %max3A_181 = arith.maximumf %add3A_179, %max3A_180 : vector<16xf32>
        %add3A_182 = arith.constant 1.000000e-07 : f32
        %add3A_183 = vector.broadcast %add3A_182 : f32 to vector<16xf32>
        %add3A_184 = arith.addf %max3A_181, %add3A_183 : vector<16xf32>
        %exp3A = math.exp %add3A_184 : vector<16xf32>
        %swap3A = arith.index_cast %scan3A_169 : i32 to index
        %swap3A_185 = arith.constant 0 : index
        %swap3A_186 = tpu.vector_load %arg18[%swap3A, %swap3A_185] {strides = array<i32>} : memref<40x128xf32, #tpu.memory_space<vmem>>, vector<1x16xf32>,
        %swap3A_187 = vector.shape_cast %swap3A_186 : vector<1x16xf32> to vector<16xf32>
        %swap3A_188 = vector.shape_cast %exp3A : vector<16xf32> to vector<1x16xf32>
        tpu.vector_store %arg18[%swap3A, %swap3A_185], %swap3A_188 {strides = array<i32>} : memref<40x128xf32, #tpu.memory_space<vmem>>, vector<1x16xf32>,
        %mul3A_189 = arith.mulf %exp3A, %add3A_184 : vector<16xf32>
        %swap3A_190 = arith.index_cast %scan3A_169 : i32 to index
        %swap3A_191 = arith.constant 64 : index
        %swap3A_192 = tpu.vector_load %arg18[%swap3A_190, %swap3A_191] {strides = array<i32>} : memref<40x128xf32, #tpu.memory_space<vmem>>, vector<1x16xf32>,
        %swap3A_193 = vector.shape_cast %swap3A_192 : vector<1x16xf32> to vector<16xf32>
        %swap3A_194 = vector.shape_cast %mul3A_189 : vector<16xf32> to vector<1x16xf32>
        tpu.vector_store %arg18[%swap3A_190, %swap3A_191], %swap3A_194 {strides = array<i32>} : memref<40x128xf32, #tpu.memory_space<vmem>>, vector<1x16xf32>,
        %add3A_195 = arith.constant 16 : i32
        %add3A_196 = arith.addi %mul3A_0, %add3A_195 : i32
        %get3A_197 = arith.index_cast %scan3A_169 : i32 to index
        %get3A_198 = arith.index_cast %add3A_196 : i32 to index
        %get3A_199 = tpu.vector_load %arg15[%get3A_197, %get3A_198] {strides = array<i32>} : memref<40x128xf32, #tpu.memory_space<vmem>>, vector<1x16xf32>,
        %get3A_200 = vector.shape_cast %get3A_199 : vector<1x16xf32> to vector<16xf32>
        %get3A_201 = arith.index_cast %scan3A_169 : i32 to index
        %get3A_202 = arith.index_cast %add3A_196 : i32 to index
        %get3A_203 = tpu.vector_load %arg16[%get3A_201, %get3A_202] {strides = array<i32>} : memref<40x128xf32, #tpu.memory_space<vmem>>, vector<1x16xf32>,
        %get3A_204 = vector.shape_cast %get3A_203 : vector<1x16xf32> to vector<16xf32>
        %add3A_205 = arith.addf %get3A_200, %get3A_204 : vector<16xf32>
        %max3A_206 = arith.constant 0.000000e+00 : f32
        %max3A_207 = vector.broadcast %max3A_206 : f32 to vector<16xf32>
        %max3A_208 = arith.maximumf %add3A_205, %max3A_207 : vector<16xf32>
        %add3A_209 = arith.constant 1.000000e-07 : f32
        %add3A_210 = vector.broadcast %add3A_209 : f32 to vector<16xf32>
        %add3A_211 = arith.addf %max3A_208, %add3A_210 : vector<16xf32>
        %exp3A_212 = math.exp %add3A_211 : vector<16xf32>
        %swap3A_213 = arith.index_cast %scan3A_169 : i32 to index
        %swap3A_214 = arith.constant 16 : index
        %swap3A_215 = tpu.vector_load %arg18[%swap3A_213, %swap3A_214] {strides = array<i32>} : memref<40x128xf32, #tpu.memory_space<vmem>>, vector<1x16xf32>,
        %swap3A_216 = vector.shape_cast %swap3A_215 : vector<1x16xf32> to vector<16xf32>
        %swap3A_217 = vector.shape_cast %exp3A_212 : vector<16xf32> to vector<1x16xf32>
        tpu.vector_store %arg18[%swap3A_213, %swap3A_214], %swap3A_217 {strides = array<i32>} : memref<40x128xf32, #tpu.memory_space<vmem>>, vector<1x16xf32>,
        %mul3A_218 = arith.mulf %exp3A_212, %add3A_211 : vector<16xf32>
        %swap3A_219 = arith.index_cast %scan3A_169 : i32 to index
        %swap3A_220 = arith.constant 80 : index
        %swap3A_221 = tpu.vector_load %arg18[%swap3A_219, %swap3A_220] {strides = array<i32>} : memref<40x128xf32, #tpu.memory_space<vmem>>, vector<1x16xf32>,
        %swap3A_222 = vector.shape_cast %swap3A_221 : vector<1x16xf32> to vector<16xf32>
        %swap3A_223 = vector.shape_cast %mul3A_218 : vector<16xf32> to vector<1x16xf32>
        tpu.vector_store %arg18[%swap3A_219, %swap3A_220], %swap3A_223 {strides = array<i32>} : memref<40x128xf32, #tpu.memory_space<vmem>>, vector<1x16xf32>,
        %add3A_224 = arith.constant 32 : i32
        %add3A_225 = arith.addi %mul3A_0, %add3A_224 : i32
        %get3A_226 = arith.index_cast %scan3A_169 : i32 to index
        %get3A_227 = arith.index_cast %add3A_225 : i32 to index
        %get3A_228 = tpu.vector_load %arg15[%get3A_226, %get3A_227] {strides = array<i32>} : memref<40x128xf32, #tpu.memory_space<vmem>>, vector<1x16xf32>,
        %get3A_229 = vector.shape_cast %get3A_228 : vector<1x16xf32> to vector<16xf32>
        %get3A_230 = arith.index_cast %scan3A_169 : i32 to index
        %get3A_231 = arith.index_cast %add3A_225 : i32 to index
        %get3A_232 = tpu.vector_load %arg16[%get3A_230, %get3A_231] {strides = array<i32>} : memref<40x128xf32, #tpu.memory_space<vmem>>, vector<1x16xf32>,
        %get3A_233 = vector.shape_cast %get3A_232 : vector<1x16xf32> to vector<16xf32>
        %add3A_234 = arith.addf %get3A_229, %get3A_233 : vector<16xf32>
        %max3A_235 = arith.constant 0.000000e+00 : f32
        %max3A_236 = vector.broadcast %max3A_235 : f32 to vector<16xf32>
        %max3A_237 = arith.maximumf %add3A_234, %max3A_236 : vector<16xf32>
        %add3A_238 = arith.constant 1.000000e-07 : f32
        %add3A_239 = vector.broadcast %add3A_238 : f32 to vector<16xf32>
        %add3A_240 = arith.addf %max3A_237, %add3A_239 : vector<16xf32>
        %exp3A_241 = math.exp %add3A_240 : vector<16xf32>
        %swap3A_242 = arith.index_cast %scan3A_169 : i32 to index
        %swap3A_243 = arith.constant 32 : index
        %swap3A_244 = tpu.vector_load %arg18[%swap3A_242, %swap3A_243] {strides = array<i32>} : memref<40x128xf32, #tpu.memory_space<vmem>>, vector<1x16xf32>,
        %swap3A_245 = vector.shape_cast %swap3A_244 : vector<1x16xf32> to vector<16xf32>
        %swap3A_246 = vector.shape_cast %exp3A_241 : vector<16xf32> to vector<1x16xf32>
        tpu.vector_store %arg18[%swap3A_242, %swap3A_243], %swap3A_246 {strides = array<i32>} : memref<40x128xf32, #tpu.memory_space<vmem>>, vector<1x16xf32>,
        %mul3A_247 = arith.mulf %exp3A_241, %add3A_240 : vector<16xf32>
        %swap3A_248 = arith.index_cast %scan3A_169 : i32 to index
        %swap3A_249 = arith.constant 96 : index
        %swap3A_250 = tpu.vector_load %arg18[%swap3A_248, %swap3A_249] {strides = array<i32>} : memref<40x128xf32, #tpu.memory_space<vmem>>, vector<1x16xf32>,
        %swap3A_251 = vector.shape_cast %swap3A_250 : vector<1x16xf32> to vector<16xf32>
        %swap3A_252 = vector.shape_cast %mul3A_247 : vector<16xf32> to vector<1x16xf32>
        tpu.vector_store %arg18[%swap3A_248, %swap3A_249], %swap3A_252 {strides = array<i32>} : memref<40x128xf32, #tpu.memory_space<vmem>>, vector<1x16xf32>,
        %add3A_253 = arith.constant 48 : i32
        %add3A_254 = arith.addi %mul3A_0, %add3A_253 : i32
        %get3A_255 = arith.index_cast %scan3A_169 : i32 to index
        %get3A_256 = arith.index_cast %add3A_254 : i32 to index
        %get3A_257 = tpu.vector_load %arg15[%get3A_255, %get3A_256] {strides = array<i32>} : memref<40x128xf32, #tpu.memory_space<vmem>>, vector<1x16xf32>,
        %get3A_258 = vector.shape_cast %get3A_257 : vector<1x16xf32> to vector<16xf32>
        %get3A_259 = arith.index_cast %scan3A_169 : i32 to index
        %get3A_260 = arith.index_cast %add3A_254 : i32 to index
        %get3A_261 = tpu.vector_load %arg16[%get3A_259, %get3A_260] {strides = array<i32>} : memref<40x128xf32, #tpu.memory_space<vmem>>, vector<1x16xf32>,
        %get3A_262 = vector.shape_cast %get3A_261 : vector<1x16xf32> to vector<16xf32>
        %add3A_263 = arith.addf %get3A_258, %get3A_262 : vector<16xf32>
        %max3A_264 = arith.constant 0.000000e+00 : f32
        %max3A_265 = vector.broadcast %max3A_264 : f32 to vector<16xf32>
        %max3A_266 = arith.maximumf %add3A_263, %max3A_265 : vector<16xf32>
        %add3A_267 = arith.constant 1.000000e-07 : f32
        %add3A_268 = vector.broadcast %add3A_267 : f32 to vector<16xf32>
        %add3A_269 = arith.addf %max3A_266, %add3A_268 : vector<16xf32>
        %exp3A_270 = math.exp %add3A_269 : vector<16xf32>
        %swap3A_271 = arith.index_cast %scan3A_169 : i32 to index
        %swap3A_272 = arith.constant 48 : index
        %swap3A_273 = tpu.vector_load %arg18[%swap3A_271, %swap3A_272] {strides = array<i32>} : memref<40x128xf32, #tpu.memory_space<vmem>>, vector<1x16xf32>,
        %swap3A_274 = vector.shape_cast %swap3A_273 : vector<1x16xf32> to vector<16xf32>
        %swap3A_275 = vector.shape_cast %exp3A_270 : vector<16xf32> to vector<1x16xf32>
        tpu.vector_store %arg18[%swap3A_271, %swap3A_272], %swap3A_275 {strides = array<i32>} : memref<40x128xf32, #tpu.memory_space<vmem>>, vector<1x16xf32>,
        %mul3A_276 = arith.mulf %exp3A_270, %add3A_269 : vector<16xf32>
        %swap3A_277 = arith.index_cast %scan3A_169 : i32 to index
        %swap3A_278 = arith.constant 112 : index
        %swap3A_279 = tpu.vector_load %arg18[%swap3A_277, %swap3A_278] {strides = array<i32>} : memref<40x128xf32, #tpu.memory_space<vmem>>, vector<1x16xf32>,
        %swap3A_280 = vector.shape_cast %swap3A_279 : vector<1x16xf32> to vector<16xf32>
        %swap3A_281 = vector.shape_cast %mul3A_276 : vector<16xf32> to vector<1x16xf32>
        tpu.vector_store %arg18[%swap3A_277, %swap3A_278], %swap3A_281 {strides = array<i32>} : memref<40x128xf32, #tpu.memory_space<vmem>>, vector<1x16xf32>,
      }
      %scan3A_161 = arith.constant 40 : i32
      %dma_start3A_162 = arith.constant 0 : i32
      %dma_start3A_163 = arith.constant 0 : i32
      %dma_start3A_164 = tpu.memref_slice %arg11[%dma_start3A_162, %dma_start3A_163] : memref<1x40xi32, #tpu.memory_space<vmem>> -> memref<1x40xi32, #tpu.memory_space<vmem>>
      %dma_start3A_165 = tpu.memref_squeeze %dma_start3A_164 : memref<1x40xi32, #tpu.memory_space<vmem>> -> memref<40xi32, #tpu.memory_space<vmem>>
      %dma_start3A_166 = arith.constant 0 : i32
      %dma_start3A_167 = arith.constant 0 : i32
      %dma_start3A_168 = tpu.memref_slice %arg6[%dma_start3A_166, %dma_start3A_167] : memref<10080x128xf32, #tpu.memory_space<vmem_shared>> -> memref<10080x128xf32, #tpu.memory_space<vmem_shared>>
      tpu.enqueue_indirect_dma source(%arg18 : memref<40x128xf32, #tpu.memory_space<vmem>>) target(%dma_start3A_168 : memref<10080x128xf32, #tpu.memory_space<vmem_shared>>) offsets(%dma_start3A_165 : memref<40xi32, #tpu.memory_space<vmem>>) semaphore(%arg21 : memref<!tpu.dma_semaphore, #tpu.memory_space<semaphore_mem>>) {add = true}
    }
    %scan3A_26 = arith.constant 256 : i32
    %dma_wait3A = arith.constant 0 : i32
    %dma_wait3A_27 = arith.constant 0 : i32
    %dma_wait3A_28 = tpu.memref_slice %arg8[%dma_wait3A, %dma_wait3A_27] : memref<1x40xi32, #tpu.memory_space<vmem>> -> memref<1x40xi32, #tpu.memory_space<vmem>>
    %dma_wait3A_29 = tpu.memref_squeeze %dma_wait3A_28 : memref<1x40xi32, #tpu.memory_space<vmem>> -> memref<40xi32, #tpu.memory_space<vmem>>
    %dma_wait3A_30 = arith.constant 0 : i32
    %dma_wait3A_31 = arith.constant 0 : i32
    %dma_wait3A_32 = tpu.memref_slice %arg6[%dma_wait3A_30, %dma_wait3A_31] : memref<10080x128xf32, #tpu.memory_space<vmem_shared>> -> memref<10080x128xf32, #tpu.memory_space<vmem_shared>>
    tpu.wait_indirect_dma semaphore(%arg21 : memref<!tpu.dma_semaphore, #tpu.memory_space<semaphore_mem>>) src(%arg17 : memref<40x128xf32, #tpu.memory_space<vmem>>) dst(%dma_wait3A_32 : memref<10080x128xf32, #tpu.memory_space<vmem_shared>>)
    %dma_wait3A_33 = arith.constant 0 : i32
    %dma_wait3A_34 = arith.constant 0 : i32
    %dma_wait3A_35 = tpu.memref_slice %arg11[%dma_wait3A_33, %dma_wait3A_34] : memref<1x40xi32, #tpu.memory_space<vmem>> -> memref<1x40xi32, #tpu.memory_space<vmem>>
    %dma_wait3A_36 = tpu.memref_squeeze %dma_wait3A_35 : memref<1x40xi32, #tpu.memory_space<vmem>> -> memref<40xi32, #tpu.memory_space<vmem>>
    %dma_wait3A_37 = arith.constant 0 : i32
    %dma_wait3A_38 = arith.constant 0 : i32
    %dma_wait3A_39 = tpu.memref_slice %arg6[%dma_wait3A_37, %dma_wait3A_38] : memref<10080x128xf32, #tpu.memory_space<vmem_shared>> -> memref<10080x128xf32, #tpu.memory_space<vmem_shared>>
    tpu.wait_indirect_dma semaphore(%arg21 : memref<!tpu.dma_semaphore, #tpu.memory_space<semaphore_mem>>) src(%arg18 : memref<40x128xf32, #tpu.memory_space<vmem>>) dst(%dma_wait3A_39 : memref<10080x128xf32, #tpu.memory_space<vmem_shared>>)
    %barrier3A_40 = arith.constant 0 : index
    tpu.barrier barrier_id(%barrier3A_40)
    %while3A_41 = arith.constant 0 : i32
    %while3A_42 = arith.constant 0 : i32
    %while3A_43 = arith.subi %select_n3A, %while3A_42 : i32
    %while3A_44 = arith.addi %while3A_42, %while3A_43 : i32
    %while3A_45 = arith.constant 1 : i32
    %while3A_46 = arith.divsi %while3A_43, %while3A_45 : i32
    %while3A_47 = arith.muli %while3A_46, %while3A_45 : i32
    %while3A_48 = arith.addi %while3A_42, %while3A_47 : i32
    %while3A_49 = arith.constant 1 : i32
    scf.for %while3A_51 = %while3A_42 to %while3A_48 step %while3A_49  : i32 {
      %mul3A_52 = arith.constant 40 : i32
      %mul3A_53 = arith.muli %while3A_51, %mul3A_52 : i32
      %add3A = arith.addi %mul3A_2, %mul3A_53 : i32
      "tpu.region"() ({
        %run_scoped3A = tpu.sem_alloc : memref<!tpu.dma_semaphore, #tpu.memory_space<semaphore_mem>>
        %dma_start3A = arith.constant 0 : i32
        %dma_start3A_63 = tpu.memref_slice %arg6[%add3A, %dma_start3A] : memref<10080x128xf32, #tpu.memory_space<vmem_shared>> -> memref<40x128xf32, #tpu.memory_space<vmem_shared>>
        %dma_start3A_64 = arith.constant 0 : i32
        %dma_start3A_65 = tpu.memref_slice %arg6[%add3A, %dma_start3A_64] : memref<10080x128xf32, #tpu.memory_space<vmem_shared>> -> memref<40x128xf32, #tpu.memory_space<vmem_shared>>
        tpu.enqueue_dma source(%dma_start3A_65 : memref<40x128xf32, #tpu.memory_space<vmem_shared>>) target(%arg13 : memref<40x128xf32, #tpu.memory_space<vmem>>) target_semaphore(%run_scoped3A : memref<!tpu.dma_semaphore, #tpu.memory_space<semaphore_mem>>)
        %dma_wait3A_66 = arith.constant 0 : i32
        %dma_wait3A_67 = tpu.memref_slice %arg6[%add3A, %dma_wait3A_66] : memref<10080x128xf32, #tpu.memory_space<vmem_shared>> -> memref<40x128xf32, #tpu.memory_space<vmem_shared>>
        %dma_wait3A_68 = arith.constant 0 : i32
        %dma_wait3A_69 = tpu.memref_slice %arg6[%add3A, %dma_wait3A_68] : memref<10080x128xf32, #tpu.memory_space<vmem_shared>> -> memref<40x128xf32, #tpu.memory_space<vmem_shared>>
        tpu.wait_dma2 semaphore(%run_scoped3A : memref<!tpu.dma_semaphore, #tpu.memory_space<semaphore_mem>>) src(%dma_wait3A_69 : memref<40x128xf32, #tpu.memory_space<vmem_shared>>) dst(%arg13 : memref<40x128xf32, #tpu.memory_space<vmem>>)
        tpu.yield
      }) : () -> ()
      %scan3A_54 = arith.constant 0 : i32
      %scan3A_55 = arith.constant 0 : i32
      %scan3A_56 = arith.constant 40 : i32
      %scan3A_57 = arith.addi %scan3A_55, %scan3A_56 : i32
      %scan3A_58 = arith.constant 1 : i32
      scf.for %scan3A_63 = %scan3A_55 to %scan3A_57 step %scan3A_58  : i32 {
        %get3A = arith.index_cast %scan3A_63 : i32 to index
        %get3A_64 = arith.constant 64 : index
        %get3A_65 = tpu.vector_load %arg13[%get3A, %get3A_64] {strides = array<i32>} : memref<40x128xf32, #tpu.memory_space<vmem>>, vector<1x16xf32>,
        %get3A_66 = vector.shape_cast %get3A_65 : vector<1x16xf32> to vector<16xf32>
        %get3A_67 = arith.index_cast %scan3A_63 : i32 to index
        %get3A_68 = arith.constant 0 : index
        %get3A_69 = tpu.vector_load %arg13[%get3A_67, %get3A_68] {strides = array<i32>} : memref<40x128xf32, #tpu.memory_space<vmem>>, vector<1x16xf32>,
        %get3A_70 = vector.shape_cast %get3A_69 : vector<1x16xf32> to vector<16xf32>
        %add3A_71 = arith.constant 1.000000e-16 : f32
        %add3A_72 = vector.broadcast %add3A_71 : f32 to vector<16xf32>
        %add3A_73 = arith.addf %get3A_70, %add3A_72 : vector<16xf32>
        %div3A = arith.divf %get3A_66, %add3A_73 : vector<16xf32>
        %swap3A = arith.index_cast %scan3A_63 : i32 to index
        %swap3A_74 = arith.constant 0 : index
        %swap3A_75 = tpu.vector_load %arg17[%swap3A, %swap3A_74] {strides = array<i32>} : memref<40x128xf32, #tpu.memory_space<vmem>>, vector<1x16xf32>,
        %swap3A_76 = vector.shape_cast %swap3A_75 : vector<1x16xf32> to vector<16xf32>
        %swap3A_77 = vector.shape_cast %div3A : vector<16xf32> to vector<1x16xf32>
        tpu.vector_store %arg17[%swap3A, %swap3A_74], %swap3A_77 {strides = array<i32>} : memref<40x128xf32, #tpu.memory_space<vmem>>, vector<1x16xf32>,
        %get3A_78 = arith.index_cast %scan3A_63 : i32 to index
        %get3A_79 = arith.constant 80 : index
        %get3A_80 = tpu.vector_load %arg13[%get3A_78, %get3A_79] {strides = array<i32>} : memref<40x128xf32, #tpu.memory_space<vmem>>, vector<1x16xf32>,
        %get3A_81 = vector.shape_cast %get3A_80 : vector<1x16xf32> to vector<16xf32>
        %get3A_82 = arith.index_cast %scan3A_63 : i32 to index
        %get3A_83 = arith.constant 16 : index
        %get3A_84 = tpu.vector_load %arg13[%get3A_82, %get3A_83] {strides = array<i32>} : memref<40x128xf32, #tpu.memory_space<vmem>>, vector<1x16xf32>,
        %get3A_85 = vector.shape_cast %get3A_84 : vector<1x16xf32> to vector<16xf32>
        %add3A_86 = arith.constant 1.000000e-16 : f32
        %add3A_87 = vector.broadcast %add3A_86 : f32 to vector<16xf32>
        %add3A_88 = arith.addf %get3A_85, %add3A_87 : vector<16xf32>
        %div3A_89 = arith.divf %get3A_81, %add3A_88 : vector<16xf32>
        %swap3A_90 = arith.index_cast %scan3A_63 : i32 to index
        %swap3A_91 = arith.constant 16 : index
        %swap3A_92 = tpu.vector_load %arg17[%swap3A_90, %swap3A_91] {strides = array<i32>} : memref<40x128xf32, #tpu.memory_space<vmem>>, vector<1x16xf32>,
        %swap3A_93 = vector.shape_cast %swap3A_92 : vector<1x16xf32> to vector<16xf32>
        %swap3A_94 = vector.shape_cast %div3A_89 : vector<16xf32> to vector<1x16xf32>
        tpu.vector_store %arg17[%swap3A_90, %swap3A_91], %swap3A_94 {strides = array<i32>} : memref<40x128xf32, #tpu.memory_space<vmem>>, vector<1x16xf32>,
        %get3A_95 = arith.index_cast %scan3A_63 : i32 to index
        %get3A_96 = arith.constant 96 : index
        %get3A_97 = tpu.vector_load %arg13[%get3A_95, %get3A_96] {strides = array<i32>} : memref<40x128xf32, #tpu.memory_space<vmem>>, vector<1x16xf32>,
        %get3A_98 = vector.shape_cast %get3A_97 : vector<1x16xf32> to vector<16xf32>
        %get3A_99 = arith.index_cast %scan3A_63 : i32 to index
        %get3A_100 = arith.constant 32 : index
        %get3A_101 = tpu.vector_load %arg13[%get3A_99, %get3A_100] {strides = array<i32>} : memref<40x128xf32, #tpu.memory_space<vmem>>, vector<1x16xf32>,
        %get3A_102 = vector.shape_cast %get3A_101 : vector<1x16xf32> to vector<16xf32>
        %add3A_103 = arith.constant 1.000000e-16 : f32
        %add3A_104 = vector.broadcast %add3A_103 : f32 to vector<16xf32>
        %add3A_105 = arith.addf %get3A_102, %add3A_104 : vector<16xf32>
        %div3A_106 = arith.divf %get3A_98, %add3A_105 : vector<16xf32>
        %swap3A_107 = arith.index_cast %scan3A_63 : i32 to index
        %swap3A_108 = arith.constant 32 : index
        %swap3A_109 = tpu.vector_load %arg17[%swap3A_107, %swap3A_108] {strides = array<i32>} : memref<40x128xf32, #tpu.memory_space<vmem>>, vector<1x16xf32>,
        %swap3A_110 = vector.shape_cast %swap3A_109 : vector<1x16xf32> to vector<16xf32>
        %swap3A_111 = vector.shape_cast %div3A_106 : vector<16xf32> to vector<1x16xf32>
        tpu.vector_store %arg17[%swap3A_107, %swap3A_108], %swap3A_111 {strides = array<i32>} : memref<40x128xf32, #tpu.memory_space<vmem>>, vector<1x16xf32>,
        %get3A_112 = arith.index_cast %scan3A_63 : i32 to index
        %get3A_113 = arith.constant 112 : index
        %get3A_114 = tpu.vector_load %arg13[%get3A_112, %get3A_113] {strides = array<i32>} : memref<40x128xf32, #tpu.memory_space<vmem>>, vector<1x16xf32>,
        %get3A_115 = vector.shape_cast %get3A_114 : vector<1x16xf32> to vector<16xf32>
        %get3A_116 = arith.index_cast %scan3A_63 : i32 to index
        %get3A_117 = arith.constant 48 : index
        %get3A_118 = tpu.vector_load %arg13[%get3A_116, %get3A_117] {strides = array<i32>} : memref<40x128xf32, #tpu.memory_space<vmem>>, vector<1x16xf32>,
        %get3A_119 = vector.shape_cast %get3A_118 : vector<1x16xf32> to vector<16xf32>
        %add3A_120 = arith.constant 1.000000e-16 : f32
        %add3A_121 = vector.broadcast %add3A_120 : f32 to vector<16xf32>
        %add3A_122 = arith.addf %get3A_119, %add3A_121 : vector<16xf32>
        %div3A_123 = arith.divf %get3A_115, %add3A_122 : vector<16xf32>
        %swap3A_124 = arith.index_cast %scan3A_63 : i32 to index
        %swap3A_125 = arith.constant 48 : index
        %swap3A_126 = tpu.vector_load %arg17[%swap3A_124, %swap3A_125] {strides = array<i32>} : memref<40x128xf32, #tpu.memory_space<vmem>>, vector<1x16xf32>,
        %swap3A_127 = vector.shape_cast %swap3A_126 : vector<1x16xf32> to vector<16xf32>
        %swap3A_128 = vector.shape_cast %div3A_123 : vector<16xf32> to vector<1x16xf32>
        tpu.vector_store %arg17[%swap3A_124, %swap3A_125], %swap3A_128 {strides = array<i32>} : memref<40x128xf32, #tpu.memory_space<vmem>>, vector<1x16xf32>,
      }
      %scan3A_59 = arith.constant 40 : i32
      %mul3A_60 = arith.constant 10240 : i32
      %mul3A_61 = arith.muli %arg0, %mul3A_60 : i32
      %add3A_62 = arith.addi %mul3A_61, %add3A : i32
      "tpu.region"() ({
        %run_scoped3A = tpu.sem_alloc : memref<!tpu.dma_semaphore, #tpu.memory_space<semaphore_mem>>
        %dma_start3A = arith.constant 0 : i32
        %dma_start3A_63 = tpu.memref_slice %arg5[%add3A_62, %dma_start3A] : memref<20480x128xf32, #tpu.memory_space<hbm>> -> memref<40x128xf32, #tpu.memory_space<hbm>>
        %dma_start3A_64 = arith.constant 0 : i32
        %dma_start3A_65 = tpu.memref_slice %arg5[%add3A_62, %dma_start3A_64] : memref<20480x128xf32, #tpu.memory_space<hbm>> -> memref<40x128xf32, #tpu.memory_space<hbm>>
        tpu.enqueue_dma source(%arg17 : memref<40x128xf32, #tpu.memory_space<vmem>>) target(%dma_start3A_65 : memref<40x128xf32, #tpu.memory_space<hbm>>) target_semaphore(%run_scoped3A : memref<!tpu.dma_semaphore, #tpu.memory_space<semaphore_mem>>)
        %dma_wait3A_66 = arith.constant 0 : i32
        %dma_wait3A_67 = tpu.memref_slice %arg5[%add3A_62, %dma_wait3A_66] : memref<20480x128xf32, #tpu.memory_space<hbm>> -> memref<40x128xf32, #tpu.memory_space<hbm>>
        %dma_wait3A_68 = arith.constant 0 : i32
        %dma_wait3A_69 = tpu.memref_slice %arg5[%add3A_62, %dma_wait3A_68] : memref<20480x128xf32, #tpu.memory_space<hbm>> -> memref<40x128xf32, #tpu.memory_space<hbm>>
        tpu.wait_dma2 semaphore(%run_scoped3A : memref<!tpu.dma_semaphore, #tpu.memory_space<semaphore_mem>>) src(%arg17 : memref<40x128xf32, #tpu.memory_space<vmem>>) dst(%dma_wait3A_69 : memref<40x128xf32, #tpu.memory_space<hbm>>)
        tpu.yield
      }) : () -> ()
    }
    %while3A_50 = arith.constant 1 : i32
    scf.for %while3A_51 = %while3A_48 to %while3A_44 step %while3A_50  : i32 {
      %mul3A_52 = arith.constant 40 : i32
      %mul3A_53 = arith.muli %while3A_51, %mul3A_52 : i32
      %add3A = arith.addi %mul3A_2, %mul3A_53 : i32
      "tpu.region"() ({
        %run_scoped3A = tpu.sem_alloc : memref<!tpu.dma_semaphore, #tpu.memory_space<semaphore_mem>>
        %dma_start3A = arith.constant 0 : i32
        %dma_start3A_63 = tpu.memref_slice %arg6[%add3A, %dma_start3A] : memref<10080x128xf32, #tpu.memory_space<vmem_shared>> -> memref<40x128xf32, #tpu.memory_space<vmem_shared>>
        %dma_start3A_64 = arith.constant 0 : i32
        %dma_start3A_65 = tpu.memref_slice %arg6[%add3A, %dma_start3A_64] : memref<10080x128xf32, #tpu.memory_space<vmem_shared>> -> memref<40x128xf32, #tpu.memory_space<vmem_shared>>
        tpu.enqueue_dma source(%dma_start3A_65 : memref<40x128xf32, #tpu.memory_space<vmem_shared>>) target(%arg13 : memref<40x128xf32, #tpu.memory_space<vmem>>) target_semaphore(%run_scoped3A : memref<!tpu.dma_semaphore, #tpu.memory_space<semaphore_mem>>)
        %dma_wait3A_66 = arith.constant 0 : i32
        %dma_wait3A_67 = tpu.memref_slice %arg6[%add3A, %dma_wait3A_66] : memref<10080x128xf32, #tpu.memory_space<vmem_shared>> -> memref<40x128xf32, #tpu.memory_space<vmem_shared>>
        %dma_wait3A_68 = arith.constant 0 : i32
        %dma_wait3A_69 = tpu.memref_slice %arg6[%add3A, %dma_wait3A_68] : memref<10080x128xf32, #tpu.memory_space<vmem_shared>> -> memref<40x128xf32, #tpu.memory_space<vmem_shared>>
        tpu.wait_dma2 semaphore(%run_scoped3A : memref<!tpu.dma_semaphore, #tpu.memory_space<semaphore_mem>>) src(%dma_wait3A_69 : memref<40x128xf32, #tpu.memory_space<vmem_shared>>) dst(%arg13 : memref<40x128xf32, #tpu.memory_space<vmem>>)
        tpu.yield
      }) : () -> ()
      %scan3A_54 = arith.constant 0 : i32
      %scan3A_55 = arith.constant 0 : i32
      %scan3A_56 = arith.constant 40 : i32
      %scan3A_57 = arith.addi %scan3A_55, %scan3A_56 : i32
      %scan3A_58 = arith.constant 1 : i32
      scf.for %scan3A_63 = %scan3A_55 to %scan3A_57 step %scan3A_58  : i32 {
        %get3A = arith.index_cast %scan3A_63 : i32 to index
        %get3A_64 = arith.constant 64 : index
        %get3A_65 = tpu.vector_load %arg13[%get3A, %get3A_64] {strides = array<i32>} : memref<40x128xf32, #tpu.memory_space<vmem>>, vector<1x16xf32>,
        %get3A_66 = vector.shape_cast %get3A_65 : vector<1x16xf32> to vector<16xf32>
        %get3A_67 = arith.index_cast %scan3A_63 : i32 to index
        %get3A_68 = arith.constant 0 : index
        %get3A_69 = tpu.vector_load %arg13[%get3A_67, %get3A_68] {strides = array<i32>} : memref<40x128xf32, #tpu.memory_space<vmem>>, vector<1x16xf32>,
        %get3A_70 = vector.shape_cast %get3A_69 : vector<1x16xf32> to vector<16xf32>
        %add3A_71 = arith.constant 1.000000e-16 : f32
        %add3A_72 = vector.broadcast %add3A_71 : f32 to vector<16xf32>
        %add3A_73 = arith.addf %get3A_70, %add3A_72 : vector<16xf32>
        %div3A = arith.divf %get3A_66, %add3A_73 : vector<16xf32>
        %swap3A = arith.index_cast %scan3A_63 : i32 to index
        %swap3A_74 = arith.constant 0 : index
        %swap3A_75 = tpu.vector_load %arg17[%swap3A, %swap3A_74] {strides = array<i32>} : memref<40x128xf32, #tpu.memory_space<vmem>>, vector<1x16xf32>,
        %swap3A_76 = vector.shape_cast %swap3A_75 : vector<1x16xf32> to vector<16xf32>
        %swap3A_77 = vector.shape_cast %div3A : vector<16xf32> to vector<1x16xf32>
        tpu.vector_store %arg17[%swap3A, %swap3A_74], %swap3A_77 {strides = array<i32>} : memref<40x128xf32, #tpu.memory_space<vmem>>, vector<1x16xf32>,
        %get3A_78 = arith.index_cast %scan3A_63 : i32 to index
        %get3A_79 = arith.constant 80 : index
        %get3A_80 = tpu.vector_load %arg13[%get3A_78, %get3A_79] {strides = array<i32>} : memref<40x128xf32, #tpu.memory_space<vmem>>, vector<1x16xf32>,
        %get3A_81 = vector.shape_cast %get3A_80 : vector<1x16xf32> to vector<16xf32>
        %get3A_82 = arith.index_cast %scan3A_63 : i32 to index
        %get3A_83 = arith.constant 16 : index
        %get3A_84 = tpu.vector_load %arg13[%get3A_82, %get3A_83] {strides = array<i32>} : memref<40x128xf32, #tpu.memory_space<vmem>>, vector<1x16xf32>,
        %get3A_85 = vector.shape_cast %get3A_84 : vector<1x16xf32> to vector<16xf32>
        %add3A_86 = arith.constant 1.000000e-16 : f32
        %add3A_87 = vector.broadcast %add3A_86 : f32 to vector<16xf32>
        %add3A_88 = arith.addf %get3A_85, %add3A_87 : vector<16xf32>
        %div3A_89 = arith.divf %get3A_81, %add3A_88 : vector<16xf32>
        %swap3A_90 = arith.index_cast %scan3A_63 : i32 to index
        %swap3A_91 = arith.constant 16 : index
        %swap3A_92 = tpu.vector_load %arg17[%swap3A_90, %swap3A_91] {strides = array<i32>} : memref<40x128xf32, #tpu.memory_space<vmem>>, vector<1x16xf32>,
        %swap3A_93 = vector.shape_cast %swap3A_92 : vector<1x16xf32> to vector<16xf32>
        %swap3A_94 = vector.shape_cast %div3A_89 : vector<16xf32> to vector<1x16xf32>
        tpu.vector_store %arg17[%swap3A_90, %swap3A_91], %swap3A_94 {strides = array<i32>} : memref<40x128xf32, #tpu.memory_space<vmem>>, vector<1x16xf32>,
        %get3A_95 = arith.index_cast %scan3A_63 : i32 to index
        %get3A_96 = arith.constant 96 : index
        %get3A_97 = tpu.vector_load %arg13[%get3A_95, %get3A_96] {strides = array<i32>} : memref<40x128xf32, #tpu.memory_space<vmem>>, vector<1x16xf32>,
        %get3A_98 = vector.shape_cast %get3A_97 : vector<1x16xf32> to vector<16xf32>
        %get3A_99 = arith.index_cast %scan3A_63 : i32 to index
        %get3A_100 = arith.constant 32 : index
        %get3A_101 = tpu.vector_load %arg13[%get3A_99, %get3A_100] {strides = array<i32>} : memref<40x128xf32, #tpu.memory_space<vmem>>, vector<1x16xf32>,
        %get3A_102 = vector.shape_cast %get3A_101 : vector<1x16xf32> to vector<16xf32>
        %add3A_103 = arith.constant 1.000000e-16 : f32
        %add3A_104 = vector.broadcast %add3A_103 : f32 to vector<16xf32>
        %add3A_105 = arith.addf %get3A_102, %add3A_104 : vector<16xf32>
        %div3A_106 = arith.divf %get3A_98, %add3A_105 : vector<16xf32>
        %swap3A_107 = arith.index_cast %scan3A_63 : i32 to index
        %swap3A_108 = arith.constant 32 : index
        %swap3A_109 = tpu.vector_load %arg17[%swap3A_107, %swap3A_108] {strides = array<i32>} : memref<40x128xf32, #tpu.memory_space<vmem>>, vector<1x16xf32>,
        %swap3A_110 = vector.shape_cast %swap3A_109 : vector<1x16xf32> to vector<16xf32>
        %swap3A_111 = vector.shape_cast %div3A_106 : vector<16xf32> to vector<1x16xf32>
        tpu.vector_store %arg17[%swap3A_107, %swap3A_108], %swap3A_111 {strides = array<i32>} : memref<40x128xf32, #tpu.memory_space<vmem>>, vector<1x16xf32>,
        %get3A_112 = arith.index_cast %scan3A_63 : i32 to index
        %get3A_113 = arith.constant 112 : index
        %get3A_114 = tpu.vector_load %arg13[%get3A_112, %get3A_113] {strides = array<i32>} : memref<40x128xf32, #tpu.memory_space<vmem>>, vector<1x16xf32>,
        %get3A_115 = vector.shape_cast %get3A_114 : vector<1x16xf32> to vector<16xf32>
        %get3A_116 = arith.index_cast %scan3A_63 : i32 to index
        %get3A_117 = arith.constant 48 : index
        %get3A_118 = tpu.vector_load %arg13[%get3A_116, %get3A_117] {strides = array<i32>} : memref<40x128xf32, #tpu.memory_space<vmem>>, vector<1x16xf32>,
        %get3A_119 = vector.shape_cast %get3A_118 : vector<1x16xf32> to vector<16xf32>
        %add3A_120 = arith.constant 1.000000e-16 : f32
        %add3A_121 = vector.broadcast %add3A_120 : f32 to vector<16xf32>
        %add3A_122 = arith.addf %get3A_119, %add3A_121 : vector<16xf32>
        %div3A_123 = arith.divf %get3A_115, %add3A_122 : vector<16xf32>
        %swap3A_124 = arith.index_cast %scan3A_63 : i32 to index
        %swap3A_125 = arith.constant 48 : index
        %swap3A_126 = tpu.vector_load %arg17[%swap3A_124, %swap3A_125] {strides = array<i32>} : memref<40x128xf32, #tpu.memory_space<vmem>>, vector<1x16xf32>,
        %swap3A_127 = vector.shape_cast %swap3A_126 : vector<1x16xf32> to vector<16xf32>
        %swap3A_128 = vector.shape_cast %div3A_123 : vector<16xf32> to vector<1x16xf32>
        tpu.vector_store %arg17[%swap3A_124, %swap3A_125], %swap3A_128 {strides = array<i32>} : memref<40x128xf32, #tpu.memory_space<vmem>>, vector<1x16xf32>,
      }
      %scan3A_59 = arith.constant 40 : i32
      %mul3A_60 = arith.constant 10240 : i32
      %mul3A_61 = arith.muli %arg0, %mul3A_60 : i32
      %add3A_62 = arith.addi %mul3A_61, %add3A : i32
      "tpu.region"() ({
        %run_scoped3A = tpu.sem_alloc : memref<!tpu.dma_semaphore, #tpu.memory_space<semaphore_mem>>
        %dma_start3A = arith.constant 0 : i32
        %dma_start3A_63 = tpu.memref_slice %arg5[%add3A_62, %dma_start3A] : memref<20480x128xf32, #tpu.memory_space<hbm>> -> memref<40x128xf32, #tpu.memory_space<hbm>>
        %dma_start3A_64 = arith.constant 0 : i32
        %dma_start3A_65 = tpu.memref_slice %arg5[%add3A_62, %dma_start3A_64] : memref<20480x128xf32, #tpu.memory_space<hbm>> -> memref<40x128xf32, #tpu.memory_space<hbm>>
        tpu.enqueue_dma source(%arg17 : memref<40x128xf32, #tpu.memory_space<vmem>>) target(%dma_start3A_65 : memref<40x128xf32, #tpu.memory_space<hbm>>) target_semaphore(%run_scoped3A : memref<!tpu.dma_semaphore, #tpu.memory_space<semaphore_mem>>)
        %dma_wait3A_66 = arith.constant 0 : i32
        %dma_wait3A_67 = tpu.memref_slice %arg5[%add3A_62, %dma_wait3A_66] : memref<20480x128xf32, #tpu.memory_space<hbm>> -> memref<40x128xf32, #tpu.memory_space<hbm>>
        %dma_wait3A_68 = arith.constant 0 : i32
        %dma_wait3A_69 = tpu.memref_slice %arg5[%add3A_62, %dma_wait3A_68] : memref<20480x128xf32, #tpu.memory_space<hbm>> -> memref<40x128xf32, #tpu.memory_space<hbm>>
        tpu.wait_dma2 semaphore(%run_scoped3A : memref<!tpu.dma_semaphore, #tpu.memory_space<semaphore_mem>>) src(%arg17 : memref<40x128xf32, #tpu.memory_space<vmem>>) dst(%dma_wait3A_69 : memref<40x128xf32, #tpu.memory_space<hbm>>)
        tpu.yield
      }) : () -> ()
    }
    return
  }
}

module attributes {stable_mosaic.version = 14 : i64} {
  func.func @_tc_update_body(%arg0: memref<10240x128xf32, #tpu.memory_space<vmem>>, %arg1: memref<20480x128xf32, #tpu.memory_space<vmem>>, %arg2: memref<128x128xf32, #tpu.memory_space<vmem>>, %arg3: memref<1x128xf32, #tpu.memory_space<vmem>>, %arg4: memref<1x128xf32, #tpu.memory_space<vmem>>, %arg5: memref<1x128xf32, #tpu.memory_space<vmem>>, %arg6: memref<10240x128xf32, #tpu.memory_space<vmem>>, %arg7: memref<10240x128xf32, #tpu.memory_space<vmem>>, %arg8: memref<10240x128xf32, #tpu.memory_space<vmem>>) attributes {dimension_semantics = [], scalar_prefetch = 0 : i64, scratch_operands = 0 : i64, tpu.core_type = #tpu.core_type<tc>} {
    %get3A = arith.constant 0 : index
    %get3A_0 = arith.constant 0 : index
    %get3A_1 = vector.load %arg1[%get3A, %get3A_0] : memref<20480x128xf32, #tpu.memory_space<vmem>>, vector<20480x128xf32>
    %slice3A = vector.extract_strided_slice %get3A_1 {offsets = [0, 0], sizes = [10240, 64], strides = [1, 1]} : vector<20480x128xf32> to vector<10240x64xf32>
    %slice3A_2 = vector.extract_strided_slice %get3A_1 {offsets = [10240, 0], sizes = [10240, 64], strides = [1, 1]} : vector<20480x128xf32> to vector<10240x64xf32>
    %concatenate3A = tpu.concatenate %slice3A, %slice3A_2 in 1 : vector<10240x64xf32>, vector<10240x64xf32> -> vector<10240x128xf32>
    %get3A_3 = arith.constant 0 : index
    %get3A_4 = arith.constant 0 : index
    %get3A_5 = vector.load %arg0[%get3A_3, %get3A_4] : memref<10240x128xf32, #tpu.memory_space<vmem>>, vector<10240x128xf32>
    %add3A = arith.addf %get3A_5, %concatenate3A : vector<10240x128xf32>
    %get3A_6 = arith.constant 0 : index
    %get3A_7 = arith.constant 0 : index
    %get3A_8 = vector.load %arg2[%get3A_6, %get3A_7] : memref<128x128xf32, #tpu.memory_space<vmem>>, vector<128x128xf32>
    %dot_general3A = arith.constant dense<0.000000e+00> : vector<10240x128xf32>
    %dot_general3A_9 = tpu.matmul %add3A, %get3A_8, %dot_general3A {dimension_numbers = #tpu.dot_dimension_numbers<[1], [0], [0], [1], [0, 0, 1, 1], [], []>, transpose_lhs_hint = false} : vector<10240x128xf32>, vector<128x128xf32>, vector<10240x128xf32> -> vector<10240x128xf32>
    %get3A_10 = arith.constant 0 : index
    %get3A_11 = arith.constant 0 : index
    %get3A_12 = vector.load %arg3[%get3A_10, %get3A_11] : memref<1x128xf32, #tpu.memory_space<vmem>>, vector<1x128xf32>
    %add3A_13 = vector.broadcast %get3A_12 : vector<1x128xf32> to vector<10240x128xf32>
    %add3A_14 = arith.addf %dot_general3A_9, %add3A_13 : vector<10240x128xf32>
    %get3A_15 = arith.constant 0 : index
    %get3A_16 = arith.constant 0 : index
    %get3A_17 = vector.load %arg6[%get3A_15, %get3A_16] : memref<10240x128xf32, #tpu.memory_space<vmem>>, vector<10240x128xf32>
    %add3A_18 = arith.addf %add3A_14, %get3A_17 : vector<10240x128xf32>
    %swap3A = arith.constant 0 : index
    %swap3A_19 = arith.constant 0 : index
    %swap3A_20 = vector.load %arg7[%swap3A, %swap3A_19] : memref<10240x128xf32, #tpu.memory_space<vmem>>, vector<10240x128xf32>
    tpu.vector_store %arg7[%swap3A, %swap3A_19], %add3A_18 {strides = array<i32>} : memref<10240x128xf32, #tpu.memory_space<vmem>>, vector<10240x128xf32>,
    %get3A_21 = arith.constant 0 : index
    %get3A_22 = arith.constant 0 : index
    %get3A_23 = vector.load %arg4[%get3A_21, %get3A_22] : memref<1x128xf32, #tpu.memory_space<vmem>>, vector<1x128xf32>
    %get3A_24 = arith.constant 0 : index
    %get3A_25 = arith.constant 0 : index
    %get3A_26 = vector.load %arg5[%get3A_24, %get3A_25] : memref<1x128xf32, #tpu.memory_space<vmem>>, vector<1x128xf32>
    %reduce_sum3A = arith.constant dense<0.000000e+00> : vector<10240xf32>
    %reduce_sum3A_27 = vector.multi_reduction <add>, %add3A_18, %reduce_sum3A [1] : vector<10240x128xf32> to vector<10240xf32>
    %broadcast_in_dim3A = vector.shape_cast %reduce_sum3A_27 : vector<10240xf32> to vector<10240x1xf32>
    %div3A = arith.constant 1.280000e+02 : f32
    %div3A_28 = vector.broadcast %div3A : f32 to vector<10240x1xf32>
    %div3A_29 = arith.divf %broadcast_in_dim3A, %div3A_28 : vector<10240x1xf32>
    %sub3A = vector.broadcast %div3A_29 : vector<10240x1xf32> to vector<10240x128xf32>
    %sub3A_30 = arith.subf %add3A_18, %sub3A : vector<10240x128xf32>
    %square3A = arith.mulf %sub3A_30, %sub3A_30 : vector<10240x128xf32>
    %reduce_sum3A_31 = arith.constant dense<0.000000e+00> : vector<10240xf32>
    %reduce_sum3A_32 = vector.multi_reduction <add>, %square3A, %reduce_sum3A_31 [1] : vector<10240x128xf32> to vector<10240xf32>
    %broadcast_in_dim3A_33 = vector.shape_cast %reduce_sum3A_32 : vector<10240xf32> to vector<10240x1xf32>
    %div3A_34 = arith.constant 1.280000e+02 : f32
    %div3A_35 = vector.broadcast %div3A_34 : f32 to vector<10240x1xf32>
    %div3A_36 = arith.divf %broadcast_in_dim3A_33, %div3A_35 : vector<10240x1xf32>
    %sub3A_37 = vector.broadcast %div3A_29 : vector<10240x1xf32> to vector<10240x128xf32>
    %sub3A_38 = arith.subf %add3A_18, %sub3A_37 : vector<10240x128xf32>
    %add3A_39 = arith.constant 9.99999974E-6 : f32
    %add3A_40 = vector.broadcast %add3A_39 : f32 to vector<10240x1xf32>
    %add3A_41 = arith.addf %div3A_36, %add3A_40 : vector<10240x1xf32>
    %sqrt3A = math.sqrt %add3A_41 : vector<10240x1xf32>
    %div3A_42 = vector.broadcast %sqrt3A : vector<10240x1xf32> to vector<10240x128xf32>
    %div3A_43 = arith.divf %sub3A_38, %div3A_42 : vector<10240x128xf32>
    %mul3A = vector.broadcast %get3A_23 : vector<1x128xf32> to vector<10240x128xf32>
    %mul3A_44 = arith.mulf %div3A_43, %mul3A : vector<10240x128xf32>
    %add3A_45 = vector.broadcast %get3A_26 : vector<1x128xf32> to vector<10240x128xf32>
    %add3A_46 = arith.addf %mul3A_44, %add3A_45 : vector<10240x128xf32>
    %max3A = arith.constant 0.000000e+00 : f32
    %max3A_47 = vector.broadcast %max3A : f32 to vector<10240x128xf32>
    %max3A_48 = arith.maximumf %add3A_46, %max3A_47 : vector<10240x128xf32>
    %swap3A_49 = arith.constant 0 : index
    %swap3A_50 = arith.constant 0 : index
    %swap3A_51 = vector.load %arg8[%swap3A_49, %swap3A_50] : memref<10240x128xf32, #tpu.memory_space<vmem>>, vector<10240x128xf32>
    tpu.vector_store %arg8[%swap3A_49, %swap3A_50], %max3A_48 {strides = array<i32>} : memref<10240x128xf32, #tpu.memory_space<vmem>>, vector<10240x128xf32>,
    return
  }
}

module attributes {stable_mosaic.version = 14 : i64} {
  func.func @_tc_update_body(%arg0: memref<10240x128xf32, #tpu.memory_space<vmem>>, %arg1: memref<20480x128xf32, #tpu.memory_space<vmem>>, %arg2: memref<128x128xf32, #tpu.memory_space<vmem>>, %arg3: memref<1x128xf32, #tpu.memory_space<vmem>>, %arg4: memref<1x128xf32, #tpu.memory_space<vmem>>, %arg5: memref<1x128xf32, #tpu.memory_space<vmem>>, %arg6: memref<10240x128xf32, #tpu.memory_space<vmem>>, %arg7: memref<10240x128xf32, #tpu.memory_space<vmem>>) attributes {dimension_semantics = [], scalar_prefetch = 0 : i64, scratch_operands = 0 : i64, tpu.core_type = #tpu.core_type<tc>} {
    %get3A = arith.constant 0 : index
    %get3A_0 = arith.constant 0 : index
    %get3A_1 = vector.load %arg1[%get3A, %get3A_0] : memref<20480x128xf32, #tpu.memory_space<vmem>>, vector<20480x128xf32>
    %slice3A = vector.extract_strided_slice %get3A_1 {offsets = [0, 0], sizes = [10240, 64], strides = [1, 1]} : vector<20480x128xf32> to vector<10240x64xf32>
    %slice3A_2 = vector.extract_strided_slice %get3A_1 {offsets = [10240, 0], sizes = [10240, 64], strides = [1, 1]} : vector<20480x128xf32> to vector<10240x64xf32>
    %concatenate3A = tpu.concatenate %slice3A, %slice3A_2 in 1 : vector<10240x64xf32>, vector<10240x64xf32> -> vector<10240x128xf32>
    %get3A_3 = arith.constant 0 : index
    %get3A_4 = arith.constant 0 : index
    %get3A_5 = vector.load %arg0[%get3A_3, %get3A_4] : memref<10240x128xf32, #tpu.memory_space<vmem>>, vector<10240x128xf32>
    %add3A = arith.addf %get3A_5, %concatenate3A : vector<10240x128xf32>
    %get3A_6 = arith.constant 0 : index
    %get3A_7 = arith.constant 0 : index
    %get3A_8 = vector.load %arg2[%get3A_6, %get3A_7] : memref<128x128xf32, #tpu.memory_space<vmem>>, vector<128x128xf32>
    %dot_general3A = arith.constant dense<0.000000e+00> : vector<10240x128xf32>
    %dot_general3A_9 = tpu.matmul %add3A, %get3A_8, %dot_general3A {dimension_numbers = #tpu.dot_dimension_numbers<[1], [0], [0], [1], [0, 0, 1, 1], [], []>, transpose_lhs_hint = false} : vector<10240x128xf32>, vector<128x128xf32>, vector<10240x128xf32> -> vector<10240x128xf32>
    %get3A_10 = arith.constant 0 : index
    %get3A_11 = arith.constant 0 : index
    %get3A_12 = vector.load %arg3[%get3A_10, %get3A_11] : memref<1x128xf32, #tpu.memory_space<vmem>>, vector<1x128xf32>
    %add3A_13 = vector.broadcast %get3A_12 : vector<1x128xf32> to vector<10240x128xf32>
    %add3A_14 = arith.addf %dot_general3A_9, %add3A_13 : vector<10240x128xf32>
    %swap3A = arith.constant 0 : index
    %swap3A_15 = arith.constant 0 : index
    %swap3A_16 = vector.load %arg6[%swap3A, %swap3A_15] : memref<10240x128xf32, #tpu.memory_space<vmem>>, vector<10240x128xf32>
    tpu.vector_store %arg6[%swap3A, %swap3A_15], %add3A_14 {strides = array<i32>} : memref<10240x128xf32, #tpu.memory_space<vmem>>, vector<10240x128xf32>,
    %get3A_17 = arith.constant 0 : index
    %get3A_18 = arith.constant 0 : index
    %get3A_19 = vector.load %arg4[%get3A_17, %get3A_18] : memref<1x128xf32, #tpu.memory_space<vmem>>, vector<1x128xf32>
    %get3A_20 = arith.constant 0 : index
    %get3A_21 = arith.constant 0 : index
    %get3A_22 = vector.load %arg5[%get3A_20, %get3A_21] : memref<1x128xf32, #tpu.memory_space<vmem>>, vector<1x128xf32>
    %reduce_sum3A = arith.constant dense<0.000000e+00> : vector<10240xf32>
    %reduce_sum3A_23 = vector.multi_reduction <add>, %add3A_14, %reduce_sum3A [1] : vector<10240x128xf32> to vector<10240xf32>
    %broadcast_in_dim3A = vector.shape_cast %reduce_sum3A_23 : vector<10240xf32> to vector<10240x1xf32>
    %div3A = arith.constant 1.280000e+02 : f32
    %div3A_24 = vector.broadcast %div3A : f32 to vector<10240x1xf32>
    %div3A_25 = arith.divf %broadcast_in_dim3A, %div3A_24 : vector<10240x1xf32>
    %sub3A = vector.broadcast %div3A_25 : vector<10240x1xf32> to vector<10240x128xf32>
    %sub3A_26 = arith.subf %add3A_14, %sub3A : vector<10240x128xf32>
    %square3A = arith.mulf %sub3A_26, %sub3A_26 : vector<10240x128xf32>
    %reduce_sum3A_27 = arith.constant dense<0.000000e+00> : vector<10240xf32>
    %reduce_sum3A_28 = vector.multi_reduction <add>, %square3A, %reduce_sum3A_27 [1] : vector<10240x128xf32> to vector<10240xf32>
    %broadcast_in_dim3A_29 = vector.shape_cast %reduce_sum3A_28 : vector<10240xf32> to vector<10240x1xf32>
    %div3A_30 = arith.constant 1.280000e+02 : f32
    %div3A_31 = vector.broadcast %div3A_30 : f32 to vector<10240x1xf32>
    %div3A_32 = arith.divf %broadcast_in_dim3A_29, %div3A_31 : vector<10240x1xf32>
    %sub3A_33 = vector.broadcast %div3A_25 : vector<10240x1xf32> to vector<10240x128xf32>
    %sub3A_34 = arith.subf %add3A_14, %sub3A_33 : vector<10240x128xf32>
    %add3A_35 = arith.constant 9.99999974E-6 : f32
    %add3A_36 = vector.broadcast %add3A_35 : f32 to vector<10240x1xf32>
    %add3A_37 = arith.addf %div3A_32, %add3A_36 : vector<10240x1xf32>
    %sqrt3A = math.sqrt %add3A_37 : vector<10240x1xf32>
    %div3A_38 = vector.broadcast %sqrt3A : vector<10240x1xf32> to vector<10240x128xf32>
    %div3A_39 = arith.divf %sub3A_34, %div3A_38 : vector<10240x128xf32>
    %mul3A = vector.broadcast %get3A_19 : vector<1x128xf32> to vector<10240x128xf32>
    %mul3A_40 = arith.mulf %div3A_39, %mul3A : vector<10240x128xf32>
    %add3A_41 = vector.broadcast %get3A_22 : vector<1x128xf32> to vector<10240x128xf32>
    %add3A_42 = arith.addf %mul3A_40, %add3A_41 : vector<10240x128xf32>
    %max3A = arith.constant 0.000000e+00 : f32
    %max3A_43 = vector.broadcast %max3A : f32 to vector<10240x128xf32>
    %max3A_44 = arith.maximumf %add3A_42, %max3A_43 : vector<10240x128xf32>
    %swap3A_45 = arith.constant 0 : index
    %swap3A_46 = arith.constant 0 : index
    %swap3A_47 = vector.load %arg7[%swap3A_45, %swap3A_46] : memref<10240x128xf32, #tpu.memory_space<vmem>>, vector<10240x128xf32>
    tpu.vector_store %arg7[%swap3A_45, %swap3A_46], %max3A_44 {strides = array<i32>} : memref<10240x128xf32, #tpu.memory_space<vmem>>, vector<10240x128xf32>,
    return
  }
}

module attributes {stable_mosaic.version = 14 : i64} {
  func.func @_tc_prep_body(%arg0: memref<3x10000xi32, #tpu.memory_space<vmem>>, %arg1: memref<2x320000xi32, #tpu.memory_space<vmem>>, %arg2: memref<3x320000xi32, #tpu.memory_space<vmem>>, %arg3: memref<3x64x128xf32, #tpu.memory_space<vmem>>, %arg4: memref<3x8x128xf32, #tpu.memory_space<vmem>>, %arg5: memref<10240x128xf32, #tpu.memory_space<vmem>>, %arg6: memref<512x128xf32, #tpu.memory_space<vmem>>, %arg7: memref<983040xi32, #tpu.memory_space<vmem>>) attributes {dimension_semantics = [], scalar_prefetch = 0 : i64, scratch_operands = 0 : i64, tpu.core_type = #tpu.core_type<tc>} {
    %broadcast_in_dim3A = arith.constant 0.000000e+00 : f32
    %broadcast_in_dim3A_0 = vector.broadcast %broadcast_in_dim3A : f32 to vector<10000x128xf32>
    %get3A = arith.constant 0 : index
    %get3A_1 = arith.constant 0 : index
    %get3A_2 = vector.load %arg0[%get3A, %get3A_1] : memref<3x10000xi32, #tpu.memory_space<vmem>>, vector<1x10000xi32>
    %get3A_3 = vector.shape_cast %get3A_2 : vector<1x10000xi32> to vector<10000xi32>
    %reshape3A = vector.shape_cast %get3A_3 : vector<10000xi32> to vector<10000x1xi32>
    %iota3A = tpu.iota {dimensions = array<i32: 1>} : vector<10000x64xi32>
    %eq3A = vector.broadcast %reshape3A : vector<10000x1xi32> to vector<10000x64xi32>
    %eq3A_4 = arith.cmpi eq, %eq3A, %iota3A : vector<10000x64xi32>
    %convert_element_type3A = arith.extui %eq3A_4 : vector<10000x64xi1> to vector<10000x64xi32>
    %convert_element_type3A_5 = arith.sitofp %convert_element_type3A : vector<10000x64xi32> to vector<10000x64xf32>
    %get3A_6 = arith.constant 0 : index
    %get3A_7 = arith.constant 0 : index
    %get3A_8 = arith.constant 0 : index
    %get3A_9 = vector.load %arg3[%get3A_6, %get3A_7, %get3A_8] : memref<3x64x128xf32, #tpu.memory_space<vmem>>, vector<1x64x128xf32>
    %get3A_10 = vector.shape_cast %get3A_9 : vector<1x64x128xf32> to vector<64x128xf32>
    %dot_general3A = arith.constant dense<0.000000e+00> : vector<10000x128xf32>
    %dot_general3A_11 = tpu.matmul %convert_element_type3A_5, %get3A_10, %dot_general3A {dimension_numbers = #tpu.dot_dimension_numbers<[1], [0], [0], [1], [0, 0, 1, 1], [], []>, transpose_lhs_hint = false} : vector<10000x64xf32>, vector<64x128xf32>, vector<10000x128xf32> -> vector<10000x128xf32>
    %add3A = arith.addf %broadcast_in_dim3A_0, %dot_general3A_11 : vector<10000x128xf32>
    %get3A_12 = arith.constant 1 : index
    %get3A_13 = arith.constant 0 : index
    %get3A_14 = vector.load %arg0[%get3A_12, %get3A_13] : memref<3x10000xi32, #tpu.memory_space<vmem>>, vector<1x10000xi32>
    %get3A_15 = vector.shape_cast %get3A_14 : vector<1x10000xi32> to vector<10000xi32>
    %reshape3A_16 = vector.shape_cast %get3A_15 : vector<10000xi32> to vector<10000x1xi32>
    %iota3A_17 = tpu.iota {dimensions = array<i32: 1>} : vector<10000x64xi32>
    %eq3A_18 = vector.broadcast %reshape3A_16 : vector<10000x1xi32> to vector<10000x64xi32>
    %eq3A_19 = arith.cmpi eq, %eq3A_18, %iota3A_17 : vector<10000x64xi32>
    %convert_element_type3A_20 = arith.extui %eq3A_19 : vector<10000x64xi1> to vector<10000x64xi32>
    %convert_element_type3A_21 = arith.sitofp %convert_element_type3A_20 : vector<10000x64xi32> to vector<10000x64xf32>
    %get3A_22 = arith.constant 1 : index
    %get3A_23 = arith.constant 0 : index
    %get3A_24 = arith.constant 0 : index
    %get3A_25 = vector.load %arg3[%get3A_22, %get3A_23, %get3A_24] : memref<3x64x128xf32, #tpu.memory_space<vmem>>, vector<1x64x128xf32>
    %get3A_26 = vector.shape_cast %get3A_25 : vector<1x64x128xf32> to vector<64x128xf32>
    %dot_general3A_27 = arith.constant dense<0.000000e+00> : vector<10000x128xf32>
    %dot_general3A_28 = tpu.matmul %convert_element_type3A_21, %get3A_26, %dot_general3A_27 {dimension_numbers = #tpu.dot_dimension_numbers<[1], [0], [0], [1], [0, 0, 1, 1], [], []>, transpose_lhs_hint = false} : vector<10000x64xf32>, vector<64x128xf32>, vector<10000x128xf32> -> vector<10000x128xf32>
    %add3A_29 = arith.addf %add3A, %dot_general3A_28 : vector<10000x128xf32>
    %get3A_30 = arith.constant 2 : index
    %get3A_31 = arith.constant 0 : index
    %get3A_32 = vector.load %arg0[%get3A_30, %get3A_31] : memref<3x10000xi32, #tpu.memory_space<vmem>>, vector<1x10000xi32>
    %get3A_33 = vector.shape_cast %get3A_32 : vector<1x10000xi32> to vector<10000xi32>
    %reshape3A_34 = vector.shape_cast %get3A_33 : vector<10000xi32> to vector<10000x1xi32>
    %iota3A_35 = tpu.iota {dimensions = array<i32: 1>} : vector<10000x64xi32>
    %eq3A_36 = vector.broadcast %reshape3A_34 : vector<10000x1xi32> to vector<10000x64xi32>
    %eq3A_37 = arith.cmpi eq, %eq3A_36, %iota3A_35 : vector<10000x64xi32>
    %convert_element_type3A_38 = arith.extui %eq3A_37 : vector<10000x64xi1> to vector<10000x64xi32>
    %convert_element_type3A_39 = arith.sitofp %convert_element_type3A_38 : vector<10000x64xi32> to vector<10000x64xf32>
    %get3A_40 = arith.constant 2 : index
    %get3A_41 = arith.constant 0 : index
    %get3A_42 = arith.constant 0 : index
    %get3A_43 = vector.load %arg3[%get3A_40, %get3A_41, %get3A_42] : memref<3x64x128xf32, #tpu.memory_space<vmem>>, vector<1x64x128xf32>
    %get3A_44 = vector.shape_cast %get3A_43 : vector<1x64x128xf32> to vector<64x128xf32>
    %dot_general3A_45 = arith.constant dense<0.000000e+00> : vector<10000x128xf32>
    %dot_general3A_46 = tpu.matmul %convert_element_type3A_39, %get3A_44, %dot_general3A_45 {dimension_numbers = #tpu.dot_dimension_numbers<[1], [0], [0], [1], [0, 0, 1, 1], [], []>, transpose_lhs_hint = false} : vector<10000x64xf32>, vector<64x128xf32>, vector<10000x128xf32> -> vector<10000x128xf32>
    %add3A_47 = arith.addf %add3A_29, %dot_general3A_46 : vector<10000x128xf32>
    %swap3A = arith.constant 0 : index
    %swap3A_48 = arith.constant 0 : index
    %swap3A_49 = vector.load %arg5[%swap3A, %swap3A_48] : memref<10240x128xf32, #tpu.memory_space<vmem>>, vector<10000x128xf32>
    tpu.vector_store %arg5[%swap3A, %swap3A_48], %add3A_47 {strides = array<i32>} : memref<10240x128xf32, #tpu.memory_space<vmem>>, vector<10000x128xf32>,
    %broadcast_in_dim3A_50 = arith.constant 0.000000e+00 : f32
    %broadcast_in_dim3A_51 = vector.broadcast %broadcast_in_dim3A_50 : f32 to vector<240x128xf32>
    %swap3A_52 = arith.constant 10000 : index
    %swap3A_53 = arith.constant 0 : index
    %swap3A_54 = vector.load %arg5[%swap3A_52, %swap3A_53] : memref<10240x128xf32, #tpu.memory_space<vmem>>, vector<240x128xf32>
    tpu.vector_store %arg5[%swap3A_52, %swap3A_53], %broadcast_in_dim3A_51 {strides = array<i32>} : memref<10240x128xf32, #tpu.memory_space<vmem>>, vector<240x128xf32>,
    %iota3A_55 = tpu.iota {dimensions = array<i32: 0>} : vector<512x1xi32>
    %broadcast_in_dim3A_56 = arith.constant 0.000000e+00 : f32
    %broadcast_in_dim3A_57 = vector.broadcast %broadcast_in_dim3A_56 : f32 to vector<512x128xf32>
    %jit3A = arith.constant 64 : i32
    %div3A = vector.broadcast %jit3A : i32 to vector<512x1xi32>
    %div3A_58 = arith.divsi %iota3A_55, %div3A : vector<512x1xi32>
    %sign3A = arith.constant 0 : i32
    %sign3A_59 = vector.broadcast %sign3A : i32 to vector<512x1xi32>
    %sign3A_60 = arith.cmpi sgt, %iota3A_55, %sign3A_59 : vector<512x1xi32>
    %sign3A_61 = arith.extui %sign3A_60 : vector<512x1xi1> to vector<512x1xi32>
    %sign3A_62 = arith.constant 0 : i32
    %sign3A_63 = vector.broadcast %sign3A_62 : i32 to vector<512x1xi32>
    %sign3A_64 = arith.cmpi slt, %iota3A_55, %sign3A_63 : vector<512x1xi32>
    %sign3A_65 = arith.extui %sign3A_64 : vector<512x1xi1> to vector<512x1xi32>
    %sign3A_66 = arith.subi %sign3A_61, %sign3A_65 : vector<512x1xi32>
    %sign3A_67 = arith.constant 0 : i32
    %sign3A_68 = arith.cmpi sgt, %jit3A, %sign3A_67 : i32
    %sign3A_69 = arith.extui %sign3A_68 : i1 to i32
    %sign3A_70 = arith.constant 0 : i32
    %sign3A_71 = arith.cmpi slt, %jit3A, %sign3A_70 : i32
    %sign3A_72 = arith.extui %sign3A_71 : i1 to i32
    %sign3A_73 = arith.subi %sign3A_69, %sign3A_72 : i32
    %ne3A = vector.broadcast %sign3A_73 : i32 to vector<512x1xi32>
    %ne3A_74 = arith.cmpi ne, %sign3A_66, %ne3A : vector<512x1xi32>
    %rem3A = vector.broadcast %jit3A : i32 to vector<512x1xi32>
    %rem3A_75 = arith.remsi %iota3A_55, %rem3A : vector<512x1xi32>
    %ne3A_76 = arith.constant 0 : i32
    %ne3A_77 = vector.broadcast %ne3A_76 : i32 to vector<512x1xi32>
    %ne3A_78 = arith.cmpi ne, %rem3A_75, %ne3A_77 : vector<512x1xi32>
    %and3A = arith.andi %ne3A_74, %ne3A_78 : vector<512x1xi1>
    %sub3A = arith.constant 1 : i32
    %sub3A_79 = vector.broadcast %sub3A : i32 to vector<512x1xi32>
    %sub3A_80 = arith.subi %div3A_58, %sub3A_79 : vector<512x1xi32>
    %select_n3A = arith.select %and3A, %sub3A_80, %div3A_58 : vector<512x1xi1>, vector<512x1xi32>
    %jit3A_81 = arith.constant 8 : i32
    %div3A_82 = vector.broadcast %jit3A_81 : i32 to vector<512x1xi32>
    %div3A_83 = arith.divsi %iota3A_55, %div3A_82 : vector<512x1xi32>
    %sign3A_84 = arith.constant 0 : i32
    %sign3A_85 = vector.broadcast %sign3A_84 : i32 to vector<512x1xi32>
    %sign3A_86 = arith.cmpi sgt, %iota3A_55, %sign3A_85 : vector<512x1xi32>
    %sign3A_87 = arith.extui %sign3A_86 : vector<512x1xi1> to vector<512x1xi32>
    %sign3A_88 = arith.constant 0 : i32
    %sign3A_89 = vector.broadcast %sign3A_88 : i32 to vector<512x1xi32>
    %sign3A_90 = arith.cmpi slt, %iota3A_55, %sign3A_89 : vector<512x1xi32>
    %sign3A_91 = arith.extui %sign3A_90 : vector<512x1xi1> to vector<512x1xi32>
    %sign3A_92 = arith.subi %sign3A_87, %sign3A_91 : vector<512x1xi32>
    %sign3A_93 = arith.constant 0 : i32
    %sign3A_94 = arith.cmpi sgt, %jit3A_81, %sign3A_93 : i32
    %sign3A_95 = arith.extui %sign3A_94 : i1 to i32
    %sign3A_96 = arith.constant 0 : i32
    %sign3A_97 = arith.cmpi slt, %jit3A_81, %sign3A_96 : i32
    %sign3A_98 = arith.extui %sign3A_97 : i1 to i32
    %sign3A_99 = arith.subi %sign3A_95, %sign3A_98 : i32
    %ne3A_100 = vector.broadcast %sign3A_99 : i32 to vector<512x1xi32>
    %ne3A_101 = arith.cmpi ne, %sign3A_92, %ne3A_100 : vector<512x1xi32>
    %rem3A_102 = vector.broadcast %jit3A_81 : i32 to vector<512x1xi32>
    %rem3A_103 = arith.remsi %iota3A_55, %rem3A_102 : vector<512x1xi32>
    %ne3A_104 = arith.constant 0 : i32
    %ne3A_105 = vector.broadcast %ne3A_104 : i32 to vector<512x1xi32>
    %ne3A_106 = arith.cmpi ne, %rem3A_103, %ne3A_105 : vector<512x1xi32>
    %and3A_107 = arith.andi %ne3A_101, %ne3A_106 : vector<512x1xi1>
    %sub3A_108 = arith.constant 1 : i32
    %sub3A_109 = vector.broadcast %sub3A_108 : i32 to vector<512x1xi32>
    %sub3A_110 = arith.subi %div3A_83, %sub3A_109 : vector<512x1xi32>
    %select_n3A_111 = arith.select %and3A_107, %sub3A_110, %div3A_83 : vector<512x1xi1>, vector<512x1xi32>
    %jit3A_112 = arith.constant 8 : i32
    %eq3A_113 = arith.constant 0 : i32
    %eq3A_114 = arith.cmpi eq, %jit3A_112, %eq3A_113 : i32
    %jit3A_115 = arith.constant 1 : i32
    %select_n3A_116 = arith.select %eq3A_114, %jit3A_115, %jit3A_112 : i32
    %rem3A_117 = vector.broadcast %select_n3A_116 : i32 to vector<512x1xi32>
    %rem3A_118 = arith.remsi %select_n3A_111, %rem3A_117 : vector<512x1xi32>
    %ne3A_119 = arith.constant 0 : i32
    %ne3A_120 = vector.broadcast %ne3A_119 : i32 to vector<512x1xi32>
    %ne3A_121 = arith.cmpi ne, %rem3A_118, %ne3A_120 : vector<512x1xi32>
    %lt3A = arith.constant 0 : i32
    %lt3A_122 = vector.broadcast %lt3A : i32 to vector<512x1xi32>
    %lt3A_123 = arith.cmpi slt, %rem3A_118, %lt3A_122 : vector<512x1xi32>
    %lt3A_124 = arith.constant 0 : i32
    %lt3A_125 = arith.cmpi slt, %select_n3A_116, %lt3A_124 : i32
    %ne3A_126 = vector.broadcast %lt3A_125 : i1 to vector<512x1xi1>
    %ne3A_127 = vector.broadcast %ne3A_126 : vector<512x1xi1> to vector<512x1xi1>
    %ne3A_128 = arith.xori %lt3A_123, %ne3A_127 : vector<512x1xi1>
    %and3A_129 = arith.andi %ne3A_128, %ne3A_121 : vector<512x1xi1>
    %add3A_130 = vector.broadcast %select_n3A_116 : i32 to vector<512x1xi32>
    %add3A_131 = arith.addi %rem3A_118, %add3A_130 : vector<512x1xi32>
    %select_n3A_132 = arith.select %and3A_129, %add3A_131, %rem3A_118 : vector<512x1xi1>, vector<512x1xi32>
    %jit3A_133 = arith.constant 8 : i32
    %eq3A_134 = arith.constant 0 : i32
    %eq3A_135 = arith.cmpi eq, %jit3A_133, %eq3A_134 : i32
    %jit3A_136 = arith.constant 1 : i32
    %select_n3A_137 = arith.select %eq3A_135, %jit3A_136, %jit3A_133 : i32
    %rem3A_138 = vector.broadcast %select_n3A_137 : i32 to vector<512x1xi32>
    %rem3A_139 = arith.remsi %iota3A_55, %rem3A_138 : vector<512x1xi32>
    %ne3A_140 = arith.constant 0 : i32
    %ne3A_141 = vector.broadcast %ne3A_140 : i32 to vector<512x1xi32>
    %ne3A_142 = arith.cmpi ne, %rem3A_139, %ne3A_141 : vector<512x1xi32>
    %lt3A_143 = arith.constant 0 : i32
    %lt3A_144 = vector.broadcast %lt3A_143 : i32 to vector<512x1xi32>
    %lt3A_145 = arith.cmpi slt, %rem3A_139, %lt3A_144 : vector<512x1xi32>
    %lt3A_146 = arith.constant 0 : i32
    %lt3A_147 = arith.cmpi slt, %select_n3A_137, %lt3A_146 : i32
    %ne3A_148 = vector.broadcast %lt3A_147 : i1 to vector<512x1xi1>
    %ne3A_149 = vector.broadcast %ne3A_148 : vector<512x1xi1> to vector<512x1xi1>
    %ne3A_150 = arith.xori %lt3A_145, %ne3A_149 : vector<512x1xi1>
    %and3A_151 = arith.andi %ne3A_150, %ne3A_142 : vector<512x1xi1>
    %add3A_152 = vector.broadcast %select_n3A_137 : i32 to vector<512x1xi32>
    %add3A_153 = arith.addi %rem3A_139, %add3A_152 : vector<512x1xi32>
    %select_n3A_154 = arith.select %and3A_151, %add3A_153, %rem3A_139 : vector<512x1xi1>, vector<512x1xi32>
    %iota3A_155 = tpu.iota {dimensions = array<i32: 1>} : vector<512x8xi32>
    %eq3A_156 = vector.broadcast %select_n3A : vector<512x1xi32> to vector<512x8xi32>
    %eq3A_157 = arith.cmpi eq, %eq3A_156, %iota3A_155 : vector<512x8xi32>
    %convert_element_type3A_158 = arith.extui %eq3A_157 : vector<512x8xi1> to vector<512x8xi32>
    %convert_element_type3A_159 = arith.sitofp %convert_element_type3A_158 : vector<512x8xi32> to vector<512x8xf32>
    %get3A_160 = arith.constant 0 : index
    %get3A_161 = arith.constant 0 : index
    %get3A_162 = arith.constant 0 : index
    %get3A_163 = vector.load %arg4[%get3A_160, %get3A_161, %get3A_162] : memref<3x8x128xf32, #tpu.memory_space<vmem>>, vector<1x8x128xf32>
    %get3A_164 = vector.shape_cast %get3A_163 : vector<1x8x128xf32> to vector<8x128xf32>
    %dot_general3A_165 = arith.constant dense<0.000000e+00> : vector<512x128xf32>
    %dot_general3A_166 = tpu.matmul %convert_element_type3A_159, %get3A_164, %dot_general3A_165 {dimension_numbers = #tpu.dot_dimension_numbers<[1], [0], [0], [1], [0, 0, 1, 1], [], []>, transpose_lhs_hint = false} : vector<512x8xf32>, vector<8x128xf32>, vector<512x128xf32> -> vector<512x128xf32>
    %add3A_167 = arith.addf %broadcast_in_dim3A_57, %dot_general3A_166 : vector<512x128xf32>
    %iota3A_168 = tpu.iota {dimensions = array<i32: 1>} : vector<512x8xi32>
    %eq3A_169 = vector.broadcast %select_n3A_132 : vector<512x1xi32> to vector<512x8xi32>
    %eq3A_170 = arith.cmpi eq, %eq3A_169, %iota3A_168 : vector<512x8xi32>
    %convert_element_type3A_171 = arith.extui %eq3A_170 : vector<512x8xi1> to vector<512x8xi32>
    %convert_element_type3A_172 = arith.sitofp %convert_element_type3A_171 : vector<512x8xi32> to vector<512x8xf32>
    %get3A_173 = arith.constant 1 : index
    %get3A_174 = arith.constant 0 : index
    %get3A_175 = arith.constant 0 : index
    %get3A_176 = vector.load %arg4[%get3A_173, %get3A_174, %get3A_175] : memref<3x8x128xf32, #tpu.memory_space<vmem>>, vector<1x8x128xf32>
    %get3A_177 = vector.shape_cast %get3A_176 : vector<1x8x128xf32> to vector<8x128xf32>
    %dot_general3A_178 = arith.constant dense<0.000000e+00> : vector<512x128xf32>
    %dot_general3A_179 = tpu.matmul %convert_element_type3A_172, %get3A_177, %dot_general3A_178 {dimension_numbers = #tpu.dot_dimension_numbers<[1], [0], [0], [1], [0, 0, 1, 1], [], []>, transpose_lhs_hint = false} : vector<512x8xf32>, vector<8x128xf32>, vector<512x128xf32> -> vector<512x128xf32>
    %add3A_180 = arith.addf %add3A_167, %dot_general3A_179 : vector<512x128xf32>
    %iota3A_181 = tpu.iota {dimensions = array<i32: 1>} : vector<512x8xi32>
    %eq3A_182 = vector.broadcast %select_n3A_154 : vector<512x1xi32> to vector<512x8xi32>
    %eq3A_183 = arith.cmpi eq, %eq3A_182, %iota3A_181 : vector<512x8xi32>
    %convert_element_type3A_184 = arith.extui %eq3A_183 : vector<512x8xi1> to vector<512x8xi32>
    %convert_element_type3A_185 = arith.sitofp %convert_element_type3A_184 : vector<512x8xi32> to vector<512x8xf32>
    %get3A_186 = arith.constant 2 : index
    %get3A_187 = arith.constant 0 : index
    %get3A_188 = arith.constant 0 : index
    %get3A_189 = vector.load %arg4[%get3A_186, %get3A_187, %get3A_188] : memref<3x8x128xf32, #tpu.memory_space<vmem>>, vector<1x8x128xf32>
    %get3A_190 = vector.shape_cast %get3A_189 : vector<1x8x128xf32> to vector<8x128xf32>
    %dot_general3A_191 = arith.constant dense<0.000000e+00> : vector<512x128xf32>
    %dot_general3A_192 = tpu.matmul %convert_element_type3A_185, %get3A_190, %dot_general3A_191 {dimension_numbers = #tpu.dot_dimension_numbers<[1], [0], [0], [1], [0, 0, 1, 1], [], []>, transpose_lhs_hint = false} : vector<512x8xf32>, vector<8x128xf32>, vector<512x128xf32> -> vector<512x128xf32>
    %add3A_193 = arith.addf %add3A_180, %dot_general3A_192 : vector<512x128xf32>
    %swap3A_194 = arith.constant 0 : index
    %swap3A_195 = arith.constant 0 : index
    %swap3A_196 = vector.load %arg6[%swap3A_194, %swap3A_195] : memref<512x128xf32, #tpu.memory_space<vmem>>, vector<512x128xf32>
    tpu.vector_store %arg6[%swap3A_194, %swap3A_195], %add3A_193 {strides = array<i32>} : memref<512x128xf32, #tpu.memory_space<vmem>>, vector<512x128xf32>,
    %get3A_197 = arith.constant 0 : index
    %get3A_198 = arith.constant 0 : index
    %get3A_199 = vector.load %arg1[%get3A_197, %get3A_198] : memref<2x320000xi32, #tpu.memory_space<vmem>>, vector<1x320000xi32>
    %get3A_200 = vector.shape_cast %get3A_199 : vector<1x320000xi32> to vector<320000xi32>
    %swap3A_201 = arith.constant 0 : index
    %swap3A_202 = vector.load %arg7[%swap3A_201] : memref<983040xi32, #tpu.memory_space<vmem>>, vector<320000xi32>
    tpu.vector_store %arg7[%swap3A_201], %get3A_200 {strides = array<i32>} : memref<983040xi32, #tpu.memory_space<vmem>>, vector<320000xi32>,
    %broadcast_in_dim3A_203 = arith.constant 0 : i32
    %broadcast_in_dim3A_204 = vector.broadcast %broadcast_in_dim3A_203 : i32 to vector<7680xi32>
    %swap3A_205 = arith.constant 320000 : index
    %swap3A_206 = vector.load %arg7[%swap3A_205] : memref<983040xi32, #tpu.memory_space<vmem>>, vector<7680xi32>
    tpu.vector_store %arg7[%swap3A_205], %broadcast_in_dim3A_204 {strides = array<i32>} : memref<983040xi32, #tpu.memory_space<vmem>>, vector<7680xi32>,
    %get3A_207 = arith.constant 1 : index
    %get3A_208 = arith.constant 0 : index
    %get3A_209 = vector.load %arg1[%get3A_207, %get3A_208] : memref<2x320000xi32, #tpu.memory_space<vmem>>, vector<1x320000xi32>
    %get3A_210 = vector.shape_cast %get3A_209 : vector<1x320000xi32> to vector<320000xi32>
    %swap3A_211 = arith.constant 327680 : index
    %swap3A_212 = vector.load %arg7[%swap3A_211] : memref<983040xi32, #tpu.memory_space<vmem>>, vector<320000xi32>
    tpu.vector_store %arg7[%swap3A_211], %get3A_210 {strides = array<i32>} : memref<983040xi32, #tpu.memory_space<vmem>>, vector<320000xi32>,
    %broadcast_in_dim3A_213 = arith.constant 10000 : i32
    %broadcast_in_dim3A_214 = vector.broadcast %broadcast_in_dim3A_213 : i32 to vector<7680xi32>
    %swap3A_215 = arith.constant 647680 : index
    %swap3A_216 = vector.load %arg7[%swap3A_215] : memref<983040xi32, #tpu.memory_space<vmem>>, vector<7680xi32>
    tpu.vector_store %arg7[%swap3A_215], %broadcast_in_dim3A_214 {strides = array<i32>} : memref<983040xi32, #tpu.memory_space<vmem>>, vector<7680xi32>,
    %get3A_217 = arith.constant 0 : index
    %get3A_218 = arith.constant 0 : index
    %get3A_219 = vector.load %arg2[%get3A_217, %get3A_218] : memref<3x320000xi32, #tpu.memory_space<vmem>>, vector<1x320000xi32>
    %get3A_220 = vector.shape_cast %get3A_219 : vector<1x320000xi32> to vector<320000xi32>
    %mul3A = arith.constant 64 : i32
    %mul3A_221 = vector.broadcast %mul3A : i32 to vector<320000xi32>
    %mul3A_222 = arith.muli %get3A_220, %mul3A_221 : vector<320000xi32>
    %get3A_223 = arith.constant 1 : index
    %get3A_224 = arith.constant 0 : index
    %get3A_225 = vector.load %arg2[%get3A_223, %get3A_224] : memref<3x320000xi32, #tpu.memory_space<vmem>>, vector<1x320000xi32>
    %get3A_226 = vector.shape_cast %get3A_225 : vector<1x320000xi32> to vector<320000xi32>
    %mul3A_227 = arith.constant 8 : i32
    %mul3A_228 = vector.broadcast %mul3A_227 : i32 to vector<320000xi32>
    %mul3A_229 = arith.muli %get3A_226, %mul3A_228 : vector<320000xi32>
    %add3A_230 = arith.addi %mul3A_222, %mul3A_229 : vector<320000xi32>
    %get3A_231 = arith.constant 2 : index
    %get3A_232 = arith.constant 0 : index
    %get3A_233 = vector.load %arg2[%get3A_231, %get3A_232] : memref<3x320000xi32, #tpu.memory_space<vmem>>, vector<1x320000xi32>
    %get3A_234 = vector.shape_cast %get3A_233 : vector<1x320000xi32> to vector<320000xi32>
    %add3A_235 = arith.addi %add3A_230, %get3A_234 : vector<320000xi32>
    %swap3A_236 = arith.constant 655360 : index
    %swap3A_237 = vector.load %arg7[%swap3A_236] : memref<983040xi32, #tpu.memory_space<vmem>>, vector<320000xi32>
    tpu.vector_store %arg7[%swap3A_236], %add3A_235 {strides = array<i32>} : memref<983040xi32, #tpu.memory_space<vmem>>, vector<320000xi32>,
    %broadcast_in_dim3A_238 = arith.constant 0 : i32
    %broadcast_in_dim3A_239 = vector.broadcast %broadcast_in_dim3A_238 : i32 to vector<7680xi32>
    %swap3A_240 = arith.constant 975360 : index
    %swap3A_241 = vector.load %arg7[%swap3A_240] : memref<983040xi32, #tpu.memory_space<vmem>>, vector<7680xi32>
    tpu.vector_store %arg7[%swap3A_240], %broadcast_in_dim3A_239 {strides = array<i32>} : memref<983040xi32, #tpu.memory_space<vmem>>, vector<7680xi32>,
    return
  }
}

module attributes {stable_mosaic.version = 14 : i64} {
  func.func @_tc_final_body(%arg0: memref<10240x128xf32, #tpu.memory_space<vmem>>, %arg1: memref<20480x128xf32, #tpu.memory_space<vmem>>, %arg2: memref<128x128xf32, #tpu.memory_space<vmem>>, %arg3: memref<1x128xf32, #tpu.memory_space<vmem>>, %arg4: memref<10240x128xf32, #tpu.memory_space<vmem>>, %arg5: memref<1x128xf32, #tpu.memory_space<vmem>>, %arg6: memref<1x128xf32, #tpu.memory_space<vmem>>, %arg7: memref<10000x1xi32, #tpu.memory_space<vmem>>, %arg8: memref<64x128xf32, #tpu.memory_space<vmem>>) attributes {dimension_semantics = [], scalar_prefetch = 0 : i64, scratch_operands = 0 : i64, tpu.core_type = #tpu.core_type<tc>} {
    %get3A = arith.constant 0 : index
    %get3A_0 = arith.constant 0 : index
    %get3A_1 = vector.load %arg1[%get3A, %get3A_0] : memref<20480x128xf32, #tpu.memory_space<vmem>>, vector<20480x128xf32>
    %slice3A = vector.extract_strided_slice %get3A_1 {offsets = [0, 0], sizes = [10240, 64], strides = [1, 1]} : vector<20480x128xf32> to vector<10240x64xf32>
    %slice3A_2 = vector.extract_strided_slice %get3A_1 {offsets = [10240, 0], sizes = [10240, 64], strides = [1, 1]} : vector<20480x128xf32> to vector<10240x64xf32>
    %concatenate3A = tpu.concatenate %slice3A, %slice3A_2 in 1 : vector<10240x64xf32>, vector<10240x64xf32> -> vector<10240x128xf32>
    %get3A_3 = arith.constant 0 : index
    %get3A_4 = arith.constant 0 : index
    %get3A_5 = vector.load %arg0[%get3A_3, %get3A_4] : memref<10240x128xf32, #tpu.memory_space<vmem>>, vector<10240x128xf32>
    %add3A = arith.addf %get3A_5, %concatenate3A : vector<10240x128xf32>
    %get3A_6 = arith.constant 0 : index
    %get3A_7 = arith.constant 0 : index
    %get3A_8 = vector.load %arg2[%get3A_6, %get3A_7] : memref<128x128xf32, #tpu.memory_space<vmem>>, vector<128x128xf32>
    %dot_general3A = arith.constant dense<0.000000e+00> : vector<10240x128xf32>
    %dot_general3A_9 = tpu.matmul %add3A, %get3A_8, %dot_general3A {dimension_numbers = #tpu.dot_dimension_numbers<[1], [0], [0], [1], [0, 0, 1, 1], [], []>, transpose_lhs_hint = false} : vector<10240x128xf32>, vector<128x128xf32>, vector<10240x128xf32> -> vector<10240x128xf32>
    %get3A_10 = arith.constant 0 : index
    %get3A_11 = arith.constant 0 : index
    %get3A_12 = vector.load %arg3[%get3A_10, %get3A_11] : memref<1x128xf32, #tpu.memory_space<vmem>>, vector<1x128xf32>
    %add3A_13 = vector.broadcast %get3A_12 : vector<1x128xf32> to vector<10240x128xf32>
    %add3A_14 = arith.addf %dot_general3A_9, %add3A_13 : vector<10240x128xf32>
    %get3A_15 = arith.constant 0 : index
    %get3A_16 = arith.constant 0 : index
    %get3A_17 = vector.load %arg4[%get3A_15, %get3A_16] : memref<10240x128xf32, #tpu.memory_space<vmem>>, vector<10240x128xf32>
    %add3A_18 = arith.addf %add3A_14, %get3A_17 : vector<10240x128xf32>
    %get3A_19 = arith.constant 0 : index
    %get3A_20 = arith.constant 0 : index
    %get3A_21 = vector.load %arg5[%get3A_19, %get3A_20] : memref<1x128xf32, #tpu.memory_space<vmem>>, vector<1x128xf32>
    %get3A_22 = arith.constant 0 : index
    %get3A_23 = arith.constant 0 : index
    %get3A_24 = vector.load %arg6[%get3A_22, %get3A_23] : memref<1x128xf32, #tpu.memory_space<vmem>>, vector<1x128xf32>
    %reduce_sum3A = arith.constant dense<0.000000e+00> : vector<10240xf32>
    %reduce_sum3A_25 = vector.multi_reduction <add>, %add3A_18, %reduce_sum3A [1] : vector<10240x128xf32> to vector<10240xf32>
    %broadcast_in_dim3A = vector.shape_cast %reduce_sum3A_25 : vector<10240xf32> to vector<10240x1xf32>
    %div3A = arith.constant 1.280000e+02 : f32
    %div3A_26 = vector.broadcast %div3A : f32 to vector<10240x1xf32>
    %div3A_27 = arith.divf %broadcast_in_dim3A, %div3A_26 : vector<10240x1xf32>
    %sub3A = vector.broadcast %div3A_27 : vector<10240x1xf32> to vector<10240x128xf32>
    %sub3A_28 = arith.subf %add3A_18, %sub3A : vector<10240x128xf32>
    %square3A = arith.mulf %sub3A_28, %sub3A_28 : vector<10240x128xf32>
    %reduce_sum3A_29 = arith.constant dense<0.000000e+00> : vector<10240xf32>
    %reduce_sum3A_30 = vector.multi_reduction <add>, %square3A, %reduce_sum3A_29 [1] : vector<10240x128xf32> to vector<10240xf32>
    %broadcast_in_dim3A_31 = vector.shape_cast %reduce_sum3A_30 : vector<10240xf32> to vector<10240x1xf32>
    %div3A_32 = arith.constant 1.280000e+02 : f32
    %div3A_33 = vector.broadcast %div3A_32 : f32 to vector<10240x1xf32>
    %div3A_34 = arith.divf %broadcast_in_dim3A_31, %div3A_33 : vector<10240x1xf32>
    %sub3A_35 = vector.broadcast %div3A_27 : vector<10240x1xf32> to vector<10240x128xf32>
    %sub3A_36 = arith.subf %add3A_18, %sub3A_35 : vector<10240x128xf32>
    %add3A_37 = arith.constant 9.99999974E-6 : f32
    %add3A_38 = vector.broadcast %add3A_37 : f32 to vector<10240x1xf32>
    %add3A_39 = arith.addf %div3A_34, %add3A_38 : vector<10240x1xf32>
    %sqrt3A = math.sqrt %add3A_39 : vector<10240x1xf32>
    %div3A_40 = vector.broadcast %sqrt3A : vector<10240x1xf32> to vector<10240x128xf32>
    %div3A_41 = arith.divf %sub3A_36, %div3A_40 : vector<10240x128xf32>
    %mul3A = vector.broadcast %get3A_21 : vector<1x128xf32> to vector<10240x128xf32>
    %mul3A_42 = arith.mulf %div3A_41, %mul3A : vector<10240x128xf32>
    %add3A_43 = vector.broadcast %get3A_24 : vector<1x128xf32> to vector<10240x128xf32>
    %add3A_44 = arith.addf %mul3A_42, %add3A_43 : vector<10240x128xf32>
    %slice3A_45 = vector.extract_strided_slice %add3A_44 {offsets = [0, 0], sizes = [10000, 128], strides = [1, 1]} : vector<10240x128xf32> to vector<10000x128xf32>
    %get3A_46 = arith.constant 0 : index
    %get3A_47 = arith.constant 0 : index
    %get3A_48 = vector.load %arg7[%get3A_46, %get3A_47] : memref<10000x1xi32, #tpu.memory_space<vmem>>, vector<10000x1xi32>
    %iota3A = tpu.iota {dimensions = array<i32: 1>} : vector<10000x64xi32>
    %eq3A = vector.broadcast %get3A_48 : vector<10000x1xi32> to vector<10000x64xi32>
    %eq3A_49 = arith.cmpi eq, %eq3A, %iota3A : vector<10000x64xi32>
    %convert_element_type3A = arith.extui %eq3A_49 : vector<10000x64xi1> to vector<10000x64xi32>
    %convert_element_type3A_50 = arith.sitofp %convert_element_type3A : vector<10000x64xi32> to vector<10000x64xf32>
    %dot_general3A_51 = arith.constant dense<0.000000e+00> : vector<64x128xf32>
    %dot_general3A_52 = tpu.matmul %convert_element_type3A_50, %slice3A_45, %dot_general3A_51 {dimension_numbers = #tpu.dot_dimension_numbers<[0], [0], [1], [1], [0, 1, 1, 1], [], []>, transpose_lhs_hint = false} : vector<10000x64xf32>, vector<10000x128xf32>, vector<64x128xf32> -> vector<64x128xf32>
    %broadcast_in_dim3A_53 = arith.constant 1.000000e+00 : f32
    %broadcast_in_dim3A_54 = vector.broadcast %broadcast_in_dim3A_53 : f32 to vector<10000x1xf32>
    %dot_general3A_55 = arith.constant dense<0.000000e+00> : vector<64x1xf32>
    %dot_general3A_56 = tpu.matmul %convert_element_type3A_50, %broadcast_in_dim3A_54, %dot_general3A_55 {dimension_numbers = #tpu.dot_dimension_numbers<[0], [0], [1], [1], [0, 1, 1, 1], [], []>, transpose_lhs_hint = false} : vector<10000x64xf32>, vector<10000x1xf32>, vector<64x1xf32> -> vector<64x1xf32>
    %max3A = arith.constant 1.000000e+00 : f32
    %max3A_57 = vector.broadcast %max3A : f32 to vector<64x1xf32>
    %max3A_58 = arith.maximumf %dot_general3A_56, %max3A_57 : vector<64x1xf32>
    %div3A_59 = vector.broadcast %max3A_58 : vector<64x1xf32> to vector<64x128xf32>
    %div3A_60 = arith.divf %dot_general3A_52, %div3A_59 : vector<64x128xf32>
    %swap3A = arith.constant 0 : index
    %swap3A_61 = arith.constant 0 : index
    %swap3A_62 = vector.load %arg8[%swap3A, %swap3A_61] : memref<64x128xf32, #tpu.memory_space<vmem>>, vector<64x128xf32>
    tpu.vector_store %arg8[%swap3A, %swap3A_61], %div3A_60 {strides = array<i32>} : memref<64x128xf32, #tpu.memory_space<vmem>>, vector<64x128xf32>,
    return
  }
}

</mosaic_0001>

<sc_bundles>
// kernel: sc_agg_0.3.cloned.1.call-start
scs
__scs_entry_jumppad:
0x0: {  	(pc) =	sbr.rel $0x88, $3  }
0x1: {  	(tag) =	ssettag $0x0;
	lr =	simm.s32 $0x1  }
0x2: {  	[smem:$0x3F97] =	sst lr;
	_ =	strace $0xD0000000  }
0x3: {  	_ = 	snop  }
0x4: {  	_ = 	snop  }
0x5: {  	_ = 	snop  }
0x6: {  	_ = 	snop  }
0x7: {  	_ = 	snop  }
__scs_overlays_trampoline_lowered:
0x8: {  	[smem:$0x3FA6] =	sst s0  }
0x9: {  	[smem:$0x3FA7] =	sst s1  }
0xa: {  	[smem:$0x3FA8] =	sst s2  }
0xb: {  	[smem:$0x3FA9] =	sst s3  }
0xc: {  	[smem:$0x3FAA] =	sst s4  }
0xd: {  	[smem:$0x3FAB] =	sst s5  }
0xe: {  	[smem:$0x3FAC] =	sst s6  }
0xf: {  	[smem:$0x3FAD] =	sst s7  }
0x10: {  	[smem:$0x3FAE] =	sst s8  }
0x11: {  	[smem:$0x3FAF] =	sst s9;
	s0 =	simm.s32 @!p0 $0x0  }
0x12: {  	s1 =	sld [smem:$0x3F95];
	s0 =	simm.s32 @p0 $0x1  }
0x13: {  	[smem:$0x3FB0] =	sst s0;
	s0 =	simm.s32 @!p1 $0x0  }
0x14: {  	s2 =	sld [smem:$0x3F94];
	s0 =	simm.s32 @p1 $0x1  }
0x15: {  	[smem:$0x3FB1] =	sst s0;
	s0 =	simm.s32 @!p2 $0x0  }
0x16: {  	s3 =	sld [smem:$0x3FDB];
	s0 =	simm.s32 @p2 $0x1  }
0x17: {  	s4 =	simm.s32 $0x1BF5;
	[smem:$0x3FB3] =	sst s0  }
0x18: {  	s0 =	sld [smem:$0x3F96];
	_ =	swait.ge [sflag:s4], $0x0  }
0x19: {  	s7 =	sld [smem:$0x3F97]  }
0x1a: {  	s8 =	sadd.s32 $0xFFFFE003, lr  }
0x1b: {  	s9 =	sadd.s32 $0xFFFFFEF7, lr;
	s5 =	simm.s32 $0xFFFFFFFF;
	p2 =	slt.u32 s8, $0xFFFFF086  }
0x1c: {  	p1 =	slt.u32 s9, $0xF7A;
	s5 =	simm.s32 @!p2 $0x0  }
0x1d: {  	s5 =	simm.s32 @p1 $0x1;
	p0 =	seq.s32 s7, s2  }
0x1e: {  	s7 =	smul.u32 @!p0 $0xF7A, s2;
	p2 =	seq.s32 @!p0 s5, $0x0  }
0x1f: {  	s9 =	smul.u32 $0xF7A, s1;
	s8 =	simm.s32 @!p0 $0x1BF5;
	p2 =	por !p2, p0  }
0x20: {  	[sflag:s8] =	ssyncset.s32 @!p0 $0xFFFFF086;
	s6 =	sadd.s32 @!p0 s3, s7;
	s7 =	simm.s32 @!p0 $0x108  }
0x21: {  	s3 =	sadd.s32 s3, s9;
	s6 =	sadd.s32 @!p0 $0x88, s6;
	s7 =	simm.s32 @p2 $0x1082  }
0x22: {  	[simem:s7], [sflag:s8] =	dma.local @!p0 [hbm:s6], $0xF7A  }
0x23: {  	s9 =	sor.u32 $0xD0000000, s2;
	s6 =	simm.s32 $0x108;
	_ =	swait.ge @!p0 [sflag:s8], $0x0  }
0x24: {  	s3 =	sadd.s32 $0x88, s3;
	s6 =	simm.s32 @!p1 $0x1082;
	[sflag:s4] =	ssyncset.s32 $0xFFFFF086  }
0x25: {  	[simem:s6], [sflag:s4] =	dma.local [hbm:s3], $0xF7A  }
0x26: {  	[smem:$0x3F97] =	sst s1;
	(tag) =	ssettag s2;
	_ =	strace s9  }
0x27: {  	s1 =	sld [smem:$0x3FA7]  }
0x28: {  	s2 =	sld [smem:$0x3FA8]  }
0x29: {  	s4 =	sld [smem:$0x3FAA]  }
0x2a: {  	p0 =	seq.s32 s5, $0x0;
	s5 =	sld [smem:$0x3FAB]  }
0x2b: {  	s6 =	sld [smem:$0x3FAC]  }
0x2c: {  	s7 =	sld [smem:$0x3FAD]  }
0x2d: {  	s3 =	simm.s32 $0x108;
	s8 =	sld [smem:$0x3FAE]  }
0x2e: {  	s3 =	simm.s32 @!p0 $0x1082;
	s9 =	sld [smem:$0x3FAF]  }
0x2f: {  	lr =	sadd.s32 s0, s3;
	s0 =	sld [smem:$0x3FA6]  }
0x30: {  	s3 =	sld [smem:$0x3FA9]  }
0x31: {  	[smem:$0x3FB2] =	sst s10  }
0x32: {  	s10 =	sld [smem:$0x3FB0];
	_ =	sdelay $0x3  }
0x33: {  	p0 =	seq.s32 s10, $0x1;
	s10 =	sld [smem:$0x3FB2];
	_ =	sdelay $0x3  }
0x34: {  	[smem:$0x3FB2] =	sst s10  }
0x35: {  	s10 =	sld [smem:$0x3FB1];
	_ =	sdelay $0x3  }
0x36: {  	p1 =	seq.s32 s10, $0x1;
	s10 =	sld [smem:$0x3FB2];
	_ =	sdelay $0x3  }
0x37: {  	[smem:$0x3FB2] =	sst s10  }
0x38: {  	s10 =	sld [smem:$0x3FB3]  }
0x39: {  	_ = 	snop;
	(pc) =	sbr.ind lr, $3  }
0x3a: {  	_ = 	snop  }
0x3b: {  	_ = 	snop  }
0x3c: {  	p2 =	seq.s32 s10, $0x1;
	s10 =	sld [smem:$0x3FB2]  }
0x3d: {  	_ =	shalt  }
0x3e: {  	_ =	shalt  }
0x3f: {  	_ =	shalt  }
0x40: {  	_ =	shalt  }
0x41: {  	_ =	shalt  }
0x42: {  	_ =	shalt  }
0x43: {  	_ =	shalt  }
0x44: {  	_ =	shalt  }
0x45: {  	_ =	shalt  }
0x46: {  	_ =	shalt  }
0x47: {  	_ =	shalt  }
0x48: {  	_ =	shalt  }
0x49: {  	_ =	shalt  }
0x4a: {  	_ =	shalt  }
0x4b: {  	_ =	shalt  }
0x4c: {  	_ =	shalt  }
0x4d: {  	_ =	shalt  }
0x4e: {  	_ =	shalt  }
0x4f: {  	_ =	shalt  }
0x50: {  	_ =	shalt  }
0x51: {  	_ =	shalt  }
0x52: {  	_ =	shalt  }
0x53: {  	_ =	shalt  }
0x54: {  	_ =	shalt  }
0x55: {  	_ =	shalt  }
0x56: {  	_ =	shalt  }
0x57: {  	_ =	shalt  }
0x58: {  	_ =	shalt  }
0x59: {  	_ =	shalt  }
0x5a: {  	_ =	shalt  }
0x5b: {  	_ =	shalt  }
0x5c: {  	_ =	shalt  }
0x5d: {  	_ =	shalt  }
0x5e: {  	_ =	shalt  }
0x5f: {  	_ =	shalt  }
0x60: {  	_ =	shalt  }
0x61: {  	_ =	shalt  }
0x62: {  	_ =	shalt  }
0x63: {  	_ =	shalt  }
0x64: {  	_ =	shalt  }
0x65: {  	_ =	shalt  }
0x66: {  	_ =	shalt  }
0x67: {  	_ =	shalt  }
0x68: {  	_ =	shalt  }
0x69: {  	_ =	shalt  }
0x6a: {  	_ =	shalt  }
0x6b: {  	_ =	shalt  }
0x6c: {  	_ =	shalt  }
0x6d: {  	_ =	shalt  }
0x6e: {  	_ =	shalt  }
0x6f: {  	_ =	shalt  }
0x70: {  	_ =	shalt  }
0x71: {  	_ =	shalt  }
0x72: {  	_ =	shalt  }
0x73: {  	_ =	shalt  }
0x74: {  	_ =	shalt  }
0x75: {  	_ =	shalt  }
0x76: {  	_ =	shalt  }
0x77: {  	_ =	shalt  }
0x78: {  	_ =	shalt  }
0x79: {  	_ =	shalt  }
0x7a: {  	_ =	shalt  }
0x7b: {  	_ =	shalt  }
0x7c: {  	_ =	shalt  }
0x7d: {  	_ =	shalt  }
0x7e: {  	_ =	shalt  }
0x7f: {  	_ =	shalt  }
0x80: {  	_ =	shalt  }
0x81: {  	_ =	shalt  }
0x82: {  	_ =	shalt  }
0x83: {  	_ =	shalt  }
0x84: {  	_ =	shalt  }
0x85: {  	_ =	shalt  }
0x86: {  	_ =	shalt  }
0x87: {  	_ =	shalt  }
.Lfunc_end0:
.L_simem_size_0:
called_computation_lowered:
.L_overlay_start_0:
0x88: {  	s2 =	sld [smem:$0x3FD9]  }
0x89: {  	s3 =	sld [smem:$0x3FFE];
	_ =	sdelay $0x1  }
0x8a: {  	s1 =	srdreg.scid  }
0x8b: {  	s0 =	sand.u32 $0x1, s1  }
0x8c: {  	s16 =	sshll.u32 s0, $0xA;
	s2 =	sadd.s32 s3, s2  }
0x8d: {  	s2 =	sadd.s32 s2, s16  }
0x8e: {  	[smem:$0x3FBE] =	sst s2  }
0x8f: {  	_ = 	snop  }
0x90: {  	(tm) =	ssettm $0x1  }
0x91: {  	s17 =	sld [smem:$0x3FFB];
	_ =	sdelay $0x3  }
0x92: {  	_ =	strace s17  }
0x93: {  	s2 =	sld [smem:$0x3FFC];
	_ =	sdelay $0x3  }
0x94: {  	_ =	strace s2  }
0x95: {  	s2 =	sld [smem:$0x3FFD];
	_ =	sdelay $0x3  }
0x96: {  	_ =	strace s2  }
0x97: {  	_ =	strace $0x8FFFFFFF  }
0x98: {  	s18 =	sld [smem:$0x3FDB];
	_ =	sdelay $0x1  }
0x99: {  	s19 =	simm.s32 $_scs_section_size  }
0x9a: {  	s4 =	simm.s32 $_size__tile_overlayer_lowered;
	s5 =	simm.s32 $_tile_overlayer_lowered  }
0x9b: {  	s22 =	simm.s32 $0x1BFF;
	s21 =	sshll.u32 s5, $0x1;
	s2 =	sadd.s32 s19, s18  }
0x9c: {  	s6 =	simm.s32 $0x0;
	s20 =	sshll.u32 s4, $0x1;
	s4 =	sadd.s32 s21, s2  }
0x9d: {  	[timem:s6], [sflag:s22] =	dma.local [hbm:s4], s20  }
0x9e: {  	_ =	swait.ge [sflag:s22], s20  }
0x9f: {  	s3 =	ssub.s32 $0x0, s20;
	[sflag:s22] =	ssyncset.done $0x0  }
0xa0: {  	[sflag:s22] =	ssyncadd.s32 s3;
	_ =	sdelay $0x1  }
0xa1: {  	s23 =	simm.s32 $0x1B8B  }
0xa2: {  	_ =	swait.ge [sflag:s23], $0x1  }
0xa3: {  	[sflag:s23] =	ssyncset.done $0x0  }
0xa4: {  	s25 =	simm.s32 $0x1B8E;
	s24 =	sld [smem:$0x3FFE];
	[sflag:s23] =	ssyncadd.s32 $0xFFFFFFFF  }
0xa5: {  	s26 =	simm.s32 $execute0_lowered;
	[smem:$0x3FD2] =	sst s25  }
0xa6: {  	s4 =	sshll.u32 s26, $0x1;
	_ =	strace $0x80000046;
	[dreg:$0x1] =	wrdreg $0xFFFFFFFF  }
0xa7: {  	s28 =	simm.s32 $_size_execute0_lowered;
	s2 =	sadd.s32 s2, s4;
	[dreg:$0x0] =	wrdreg $0x0  }
0xa8: {  	s4 =	sshll.u32 s28, $0x1;
	[dreg:$0x2] =	wrdreg s2  }
0xa9: {  	[dreg:$0x3] =	wrdreg s4  }
0xaa: {  	[dreg:$0x4] =	wrdreg $0xC0  }
0xab: {  	_ =	task [dreg:s6], $0x5FFFF  }
0xac: {  	[dreg:$0x1] =	wrdreg $0xFFFFFFFF  }
0xad: {  	[dreg:$0x0] =	wrdreg $0x60  }
0xae: {  	[dreg:$0x2] =	wrdreg s24  }
0xaf: {  	[dreg:$0x3] =	wrdreg $0x0  }
0xb0: {  	[dreg:$0x4] =	wrdreg $0x9  }
0xb1: {  	_ =	task.clear_ibuf [dreg:s6], $0x5FFFF;
	_ =	strace $0x90000046  }
0xb2: {  	s29 =	simm.s32 $0x9;
	_ =	strace $0x80000048  }
0xb3: {  	_ =	swait.ge [sflag:s29], $0x1  }
0xb4: {  	[sflag:s29] =	ssyncadd.s32 $0xFFFFFFFF  }
0xb5: {  	_ =	strace $0x90000048  }
0xb6: {  	_ =	sfence  }
0xb7: {  	s30 =	sld [smem:$0x0];
	_ =	sdelay $0x2  }
0xb8: {  	s31 =	sshll.u32 s1, $0xD;
	s1 =	sshrl.u32 s1, $0x2  }
0xb9: {  	s3 =	sand.u32 $0x4000, s31;
	s1 =	sadd.s32 s1, s30  }
0xba: {  	s0 =	sor.u32 s3, s0;
	s1 =	sshll.u32 s1, $0x11  }
0xbb: {  	s0 =	sor.u32 s1, s0  }
0xbc: {  	s0 =	sadd.s32 $0x8F2B, s0  }
0xbd: {  	[sflag:s0] =	ssyncadd.remote.s32 $0x1  }
0xbe: {  	_ =	sfence.sel $0xFFFF  }
0xbf: {  	[dreg:$0x0] =	wrdreg $0xFFFFFFFF;
	(pc) =	sbr.abs _section_cstart, $3  }
0xc0: {  	[dreg:$0x1] =	wrdreg $0xFFFFFFFF  }
0xc1: {  	_ =	task.clear_ibuf [dreg:s6], $0x2FFFF;
	_ =	strace $0x9FFFFFFF  }
0xc2: {  	(tm) =	ssettm $0x7FFFFFFF  }
0xc3: {  	_ =	shalt  }
tec
execute0_lowered:
.L_overlay_start_1:
0x0: {  	(tag) =	ssettag $0x1  }
0x1: {  	s0 =	rddreg [dreg:$0x0]  }
0x2: {  	s1 =	rddreg [dreg:$0x1];
	s2 =	simm.s32 $0x0;
	s3 =	srdreg.scid  }
0x3: {  	s11 =	stileid.u32;
	s9 =	simm.s32 $0xC;
	s14 =	simm.s32 $0x18E00  }
0x4: {  	s15 =	simm.s32 $0x4;
	s16 =	simm.s32 $0x13B00;
	s17 =	simm.s32 $0x13B80  }
0x5: {  	s18 =	simm.s32 $0x13C00;
	s19 =	simm.s32 $0x13C80;
	s20 =	simm.s32 $0x13D00  }
0x6: {  	s21 =	simm.s32 $0x13D80;
	s22 =	simm.s32 $0x1;
	s23 =	simm.s32 $0x28  }
0x7: {  	s28 =	simm.s32 $0x17A00;
	s29 =	simm.s32 $0x2;
	s30 =	simm.s32 $0x1A200  }
0x8: {  	[smem:$0x7FF] =	sst s2;
	s4 =	sadd.s32 $0x21C00, s0;
	s5 =	sadd.s32 $0x49C00, s0  }
0x9: {  	s3 =	sand.u32 $0x1, s3;
	s6 =	sadd.s32 $0x3C00, s0;
	s7 =	sadd.s32 $0x4BC00, s0  }
0xa: {  	s8 =	smul.u32 $0x280, s11;
	p0 =	seq.s32 s11, $0xF;
	s10 =	ssub.s32 $0x2, s3  }
0xb: {  	s12 =	smul.u32 $0x50000, s11;
	_ =	strace $0x80000047;
	s24 =	sshrl.u32 s10, $0x1  }
0xc: {  	s9 =	simm.s32 @!p0 $0x10;
	s0 =	ssub.s32 s10, s24;
	s10 =	smul.u32 $0x5000, s11  }
0xd: {  	s12 =	sshrl.u32 s12, $0x2;
	s11 =	smul.u32 $0x2800, s3;
	s3 =	sshll.u32 s3, $0x6  }
0xe: {  	s25 =	sadd.s32 s12, s1;
	s24 =	simm.s32 $0x13E00;
	s0 =	smax.u32 s0, $0x1  }
0xf: {  	[dreg:$0x4] =	wrdreg s25;
	s26 =	sor.u32 $0x13E20, s3;
	s31 =	sor.u32 $0x15220, s3  }
0x10: {  	v4 =	vimm.f32 $0.0e+00;
	s13 =	sor.u32 $0x16620, s3;
	s3 =	sor.u32 $0x17A20, s3;
	s25 =	simm.s32 $0x15200;
	v0 =	vmov s26  }
0x11: {  	[dreg:$0x3] =	wrdreg s0;
	v1 =	vmov s31;
	s26 =	simm.s32 $0x16600;
	v2 =	vmov s13;
	v3 =	vmov s3;
	s3 =	simm.s32 $0x0  }
.LBB2_1:
0x12: {  	[dreg:$0x5] =	wrdreg s3;
	s0 =	simm.s32 $0x0;
	s3 =	simm.s32 $0x200  }
.LBB2_2:
0x13: {  	p0 =	sne.s32 s3, $0x4E00;
	[tilespmem:s0+$0x18E70] =	vst v4  }
0x14: {  	[tilespmem:s0+$0x18E00] =	vst v4  }
0x15: {  	[tilespmem:s0+$0x18E10] =	vst v4  }
.Ltmp0:
0x16: {  	[tilespmem:s0+$0x18E20] =	vst v4;
	(pc) =	sbr.rel @p0 .LBB2_2-.Ltmp0, $4  }
0x17: {  	[tilespmem:s0+$0x18E30] =	vst v4  }
0x18: {  	[tilespmem:s0+$0x18E40] =	vst v4  }
0x19: {  	[tilespmem:s0+$0x18E50] =	vst v4  }
0x1a: {  	[tilespmem:s0+$0x18E60] =	vst v4;
	s0 =	sshra.s32 s3, $0x2;
	s3 =	sadd.s32 $0x200, s3  }
0x1b: {  	[tilespmem:s0+$0x18E70] =	vst v4  }
0x1c: {  	[tilespmem:s0+$0x18E00] =	vst v4  }
0x1d: {  	[tilespmem:s0+$0x18E10] =	vst v4  }
0x1e: {  	[tilespmem:s0+$0x18E20] =	vst v4  }
0x1f: {  	[tilespmem:s0+$0x18E30] =	vst v4  }
0x20: {  	[tilespmem:s0+$0x18E40] =	vst v4;
	p0 =	sne.s32 s9, $0x1  }
.Ltmp1:
0x21: {  	[tilespmem:s0+$0x18E50] =	vst v4;
	(pc) =	sbr.rel @!p0 .LBB2_5-.Ltmp1, $4  }
0x22: {  	[tilespmem:s0+$0x18E60] =	vst v4;
	s3 =	rddreg [dreg:$0x4]  }
0x23: {  	[spmem:s3] =	stream.linear.scatter [tilespmem:s14], [sflag:$0x4], $0x1400, $0x38;
	[tilespmem:$0x1B600] =	vst v63  }
0x24: {  	_ =	swait.ge [sflag:s15], $0x1400  }
0x25: {  	s0 =	sadd.s32 $0xFFFFFFFF, s9;
	[sflag:s15] =	ssyncset.done $0x0  }
.LBB2_4:
0x26: {  	p0 =	sne.s32 s0, $0x1;
	[sflag:s15] =	ssyncadd.s32 $0xFFFFEC00;
	s3 =	sadd.s32 $0x1400, s3  }
.Ltmp2:
0x27: {  	s0 =	sadd.s32 $0xFFFFFFFF, s0;
	(pc) =	sbr.rel @p0 .LBB2_4-.Ltmp2, $4  }
0x28: {  	_ = 	snop  }
0x29: {  	[spmem:s3] =	stream.linear.scatter [tilespmem:s14], [sflag:$0x4], $0x1400, $0x38;
	[tilespmem:$0x1B600] =	vst v63  }
0x2a: {  	_ =	swait.ge [sflag:s15], $0x1400  }
0x2b: {  	[sflag:s15] =	ssyncset.done $0x0  }
.LBB2_5:
0x2c: {  	[sflag:s15] =	ssyncadd.s32 $0xFFFFEC00  }
0x2d: {  	s3 =	simm.s32 $0x0;
	[bflag:$0x0] =	sbarrier.arrive $0xFFFF  }
.LBB2_6:
0x2e: {  	s0 =	smul.u32 $0x50, s3;
	_ =	sdelay $0x1  }
0x2f: {  	s0 =	sadd.s32 s10, s0  }
0x30: {  	s12 =	sshrl.u32 s0, $0x3  }
0x31: {  	s12 =	sadd.s32 s6, s12  }
0x32: {  	[tilespmem:s16], [sflag:$0x1] =	stream.linear.gather [hbm4b:s12+s2], $0x28, $0x38;
	[tilespmem:$0x1B600] =	vst v63  }
0x33: {  	s31 =	sadd.s32 $0x28, s0;
	s13 =	sadd.s32 $0xA000, s12  }
0x34: {  	[tilespmem:s17], [sflag:$0x1] =	stream.linear.gather [hbm4b:s13+s2], $0x28, $0x38;
	[tilespmem:$0x1B600] =	vst v63  }
0x35: {  	s12 =	sadd.s32 $0x14000, s12;
	s13 =	sshrl.u32 s31, $0x3  }
0x36: {  	[tilespmem:s18], [sflag:$0x1] =	stream.linear.gather [hbm4b:s12+s2], $0x28, $0x38;
	[tilespmem:$0x1B600] =	vst v63  }
0x37: {  	s31 =	sadd.s32 $0x50028, s0;
	s12 =	sadd.s32 s6, s13  }
0x38: {  	[tilespmem:s19], [sflag:$0x1] =	stream.linear.gather [hbm4b:s12+s2], $0x28, $0x38;
	[tilespmem:$0x1B600] =	vst v63  }
0x39: {  	s0 =	sadd.s32 $0xA0028, s0;
	s12 =	sshrl.u32 s31, $0x3  }
0x3a: {  	s0 =	sshrl.u32 s0, $0x3;
	s12 =	sadd.s32 s6, s12  }
0x3b: {  	[tilespmem:s20], [sflag:$0x1] =	stream.linear.gather [hbm4b:s12+s2], $0x28, $0x38;
	[tilespmem:$0x1B600] =	vst v63  }
0x3c: {  	s0 =	sadd.s32 s6, s0  }
0x3d: {  	[tilespmem:s21], [sflag:$0x1] =	stream.linear.gather [hbm4b:s0+s2], $0x28, $0x38;
	[tilespmem:$0x1B600] =	vst v63  }
0x3e: {  	_ =	swait.ge [sflag:s22], $0x28  }
0x3f: {  	[sflag:s22] =	ssyncset.done $0x0  }
0x40: {  	[sflag:s22] =	ssyncadd.s32 $0xFFFFFFD8  }
0x41: {  	_ =	swait.ge [sflag:s22], $0x28  }
0x42: {  	[sflag:s22] =	ssyncset.done $0x0  }
0x43: {  	[sflag:s22] =	ssyncadd.s32 $0xFFFFFFD8  }
0x44: {  	_ =	swait.ge [sflag:s22], $0x28  }
0x45: {  	[sflag:s22] =	ssyncset.done $0x0  }
0x46: {  	[sflag:s22] =	ssyncadd.s32 $0xFFFFFFD8  }
0x47: {  	[tilespmem:s24], [sflag:$0x2] =	stream.indirect.gather [hbm4b:s4+s23], $0x80, s16, s23, $0xb8;
	[tilespmem:$0x1B600] =	vst v63  }
0x48: {  	_ = 	snop  }
0x49: {  	[tilespmem:s25], [sflag:$0x2] =	stream.indirect.gather [hbm4b:s5+s23], $0x80, s18, s23, $0xb8;
	[tilespmem:$0x1B600] =	vst v63  }
0x4a: {  	_ =	swait.ge [sflag:s22], $0x28  }
0x4b: {  	[sflag:s22] =	ssyncset.done $0x0  }
0x4c: {  	[sflag:s22] =	ssyncadd.s32 $0xFFFFFFD8  }
0x4d: {  	_ =	swait.ge [sflag:s22], $0x28  }
0x4e: {  	[sflag:s22] =	ssyncset.done $0x0  }
0x4f: {  	[sflag:s22] =	ssyncadd.s32 $0xFFFFFFD8  }
0x50: {  	_ =	swait.ge [sflag:s22], $0x28  }
0x51: {  	[sflag:s22] =	ssyncset.done $0x0  }
0x52: {  	[sflag:s22] =	ssyncadd.s32 $0xFFFFFFD8  }
0x53: {  	[tilespmem:s26], [sflag:$0x2] =	stream.indirect.gather [hbm4b:s4+s23], $0x80, s19, s23, $0xb8;
	[tilespmem:$0x1B600] =	vst v63  }
0x54: {  	_ = 	snop  }
0x55: {  	[tilespmem:s28], [sflag:$0x2] =	stream.indirect.gather [hbm4b:s5+s23], $0x80, s21, s23, $0xb8;
	[tilespmem:$0x1B600] =	vst v63  }
0x56: {  	_ =	swait.ge [sflag:s29], $0x1400  }
0x57: {  	[sflag:s29] =	ssyncset.done $0x0  }
0x58: {  	[sflag:s29] =	ssyncadd.s32 $0xFFFFEC00  }
0x59: {  	_ =	swait.ge [sflag:s29], $0x1400  }
0x5a: {  	p0 =	seq.s32 s3, $0x0;
	[sflag:s29] =	ssyncset.done $0x0  }
0x5b: {  	s0 =	simm.s32 @!p0 $0x3;
	[sflag:s29] =	ssyncadd.s32 $0xFFFFEC00  }
0x5c: {  	_ =	swait.ge @!p0 [sflag:s0], $0x1400  }
0x5d: {  	[sflag:s0] =	ssyncset.done @!p0 $0x0  }
0x5e: {  	[sflag:s0] =	ssyncadd.s32 @!p0 $0xFFFFEC00  }
0x5f: {  	_ =	swait.ge @!p0 [sflag:s0], $0x1400  }
0x60: {  	[sflag:s0] =	ssyncset.done @!p0 $0x0  }
0x61: {  	s12 =	simm.s32 $0x0;
	[sflag:s0] =	ssyncadd.s32 @!p0 $0xFFFFEC00  }
0x62: {  	v5 =	vld.idx.msk [tilespmem:v0+s12+$0xFFFFFFE0 ss:$0x1], $0xffff  }
0x63: {  	v6 =	vld.idx.msk [tilespmem:v1+s12+$0xFFFFFFE0 ss:$0x1], $0xffff;
	_ =	sdelay $0x4  }
0x64: {  	v5 =	vadd.f32 v6, v5;
	_ =	sdelay $0x1  }
0x65: {  	v5 =	vmax.f32 v5, $0.0e+00  }
0x66: {  	v5 =	vadd.f32 $1.000000010e-07, v5;
	_ =	sdelay $0x1  }
0x67: {  	v6 =	vmul.f32 $1.442695020e+00, v5;
	_ =	sdelay $0x1  }
0x68: {  	(erf) = vpow2.f32 v6;
	_ =	sdelay $0x8  }
0x69: {  	v6 =	vpop (erf)  }
0x6a: {  	v5 =	vmul.f32 v6, v5  }
0x6b: {  	[tilespmem:s12+$0x18E00] =	vst v6  }
0x6c: {  	[tilespmem:s12+$0x18E40] =	vst v5  }
0x6d: {  	v5 =	vld.idx.msk [tilespmem:v0+s12+$0xFFFFFFF0 ss:$0x1], $0xffff  }
0x6e: {  	v6 =	vld.idx.msk [tilespmem:v1+s12+$0xFFFFFFF0 ss:$0x1], $0xffff;
	_ =	sdelay $0x4  }
0x6f: {  	v5 =	vadd.f32 v6, v5;
	_ =	sdelay $0x1  }
0x70: {  	v5 =	vmax.f32 v5, $0.0e+00  }
0x71: {  	v5 =	vadd.f32 $1.000000010e-07, v5;
	_ =	sdelay $0x1  }
0x72: {  	v6 =	vmul.f32 $1.442695020e+00, v5;
	_ =	sdelay $0x1  }
0x73: {  	(erf) = vpow2.f32 v6;
	_ =	sdelay $0x8  }
0x74: {  	v6 =	vpop (erf)  }
0x75: {  	v5 =	vmul.f32 v6, v5  }
0x76: {  	[tilespmem:s12+$0x18E10] =	vst v6  }
0x77: {  	[tilespmem:s12+$0x18E50] =	vst v5  }
0x78: {  	v5 =	vld.idx.msk [tilespmem:v0+s12+$0x0 ss:$0x1], $0xffff  }
0x79: {  	v6 =	vld.idx.msk [tilespmem:v1+s12+$0x0 ss:$0x1], $0xffff;
	_ =	sdelay $0x4  }
0x7a: {  	v5 =	vadd.f32 v6, v5;
	_ =	sdelay $0x1  }
0x7b: {  	v5 =	vmax.f32 v5, $0.0e+00  }
0x7c: {  	v5 =	vadd.f32 $1.000000010e-07, v5;
	_ =	sdelay $0x1  }
0x7d: {  	v6 =	vmul.f32 $1.442695020e+00, v5;
	_ =	sdelay $0x1  }
0x7e: {  	(erf) = vpow2.f32 v6;
	_ =	sdelay $0x8  }
0x7f: {  	v6 =	vpop (erf)  }
0x80: {  	v5 =	vmul.f32 v6, v5  }
0x81: {  	[tilespmem:s12+$0x18E20] =	vst v6  }
0x82: {  	[tilespmem:s12+$0x18E60] =	vst v5  }
0x83: {  	v5 =	vld.idx.msk [tilespmem:v0+s12+$0x10 ss:$0x1], $0xffff  }
0x84: {  	v6 =	vld.idx.msk [tilespmem:v1+s12+$0x10 ss:$0x1], $0xffff;
	_ =	sdelay $0x4  }
0x85: {  	v5 =	vadd.f32 v6, v5;
	_ =	sdelay $0x1  }
0x86: {  	v5 =	vmax.f32 v5, $0.0e+00  }
0x87: {  	v5 =	vadd.f32 $1.000000010e-07, v5;
	_ =	sdelay $0x1  }
0x88: {  	v6 =	vmul.f32 $1.442695020e+00, v5;
	_ =	sdelay $0x1  }
0x89: {  	s13 =	simm.s32 $0x200;
	(erf) = vpow2.f32 v6  }
.LBB2_7:
0x8a: {  	_ =	sdelay $0x6  }
0x8b: {  	p0 =	sne.s32 s13, $0x4E00;
	s0 =	smov.u32 s13;
	s13 =	sadd.s32 $0x200, s13  }
0x8c: {  	v6 =	vpop (erf)  }
0x8d: {  	[tilespmem:s12+$0x18E30] =	vst v6;
	v5 =	vmul.f32 v6, v5;
	_ =	sdelay $0x1  }
0x8e: {  	[tilespmem:s12+$0x18E70] =	vst v5;
	s12 =	sshra.s32 s0, $0x2  }
0x8f: {  	v5 =	vld.idx.msk [tilespmem:v0+s12+$0xFFFFFFE0 ss:$0x1], $0xffff  }
0x90: {  	v6 =	vld.idx.msk [tilespmem:v1+s12+$0xFFFFFFE0 ss:$0x1], $0xffff;
	_ =	sdelay $0x5  }
0x91: {  	v5 =	vadd.f32 v6, v5;
	_ =	sdelay $0x1  }
0x92: {  	v5 =	vmax.f32 v5, $0.0e+00  }
0x93: {  	v5 =	vadd.f32 $1.000000010e-07, v5;
	_ =	sdelay $0x1  }
0x94: {  	v6 =	vmul.f32 $1.442695020e+00, v5;
	_ =	sdelay $0x1  }
0x95: {  	(erf) = vpow2.f32 v6;
	_ =	sdelay $0x8  }
0x96: {  	v6 =	vpop (erf)  }
0x97: {  	v5 =	vmul.f32 v6, v5  }
0x98: {  	[tilespmem:s12+$0x18E00] =	vst v6  }
0x99: {  	[tilespmem:s12+$0x18E40] =	vst v5  }
0x9a: {  	v5 =	vld.idx.msk [tilespmem:v0+s12+$0xFFFFFFF0 ss:$0x1], $0xffff  }
0x9b: {  	v6 =	vld.idx.msk [tilespmem:v1+s12+$0xFFFFFFF0 ss:$0x1], $0xffff;
	_ =	sdelay $0x5  }
0x9c: {  	v5 =	vadd.f32 v6, v5;
	_ =	sdelay $0x1  }
0x9d: {  	v5 =	vmax.f32 v5, $0.0e+00  }
0x9e: {  	v5 =	vadd.f32 $1.000000010e-07, v5;
	_ =	sdelay $0x1  }
0x9f: {  	v6 =	vmul.f32 $1.442695020e+00, v5;
	_ =	sdelay $0x1  }
0xa0: {  	(erf) = vpow2.f32 v6;
	_ =	sdelay $0x8  }
0xa1: {  	v6 =	vpop (erf)  }
0xa2: {  	[tilespmem:s12+$0x18E10] =	vst v6;
	v5 =	vmul.f32 v6, v5;
	_ =	sdelay $0x1  }
0xa3: {  	[tilespmem:s12+$0x18E50] =	vst v5  }
0xa4: {  	v5 =	vld.idx.msk [tilespmem:v0+s12+$0x0 ss:$0x1], $0xffff  }
0xa5: {  	v6 =	vld.idx.msk [tilespmem:v1+s12+$0x0 ss:$0x1], $0xffff;
	_ =	sdelay $0x5  }
0xa6: {  	v5 =	vadd.f32 v6, v5;
	_ =	sdelay $0x1  }
0xa7: {  	v5 =	vmax.f32 v5, $0.0e+00  }
0xa8: {  	v5 =	vadd.f32 $1.000000010e-07, v5;
	_ =	sdelay $0x1  }
0xa9: {  	v6 =	vmul.f32 $1.442695020e+00, v5;
	_ =	sdelay $0x1  }
0xaa: {  	(erf) = vpow2.f32 v6;
	_ =	sdelay $0x8  }
0xab: {  	v6 =	vpop (erf)  }
0xac: {  	[tilespmem:s12+$0x18E20] =	vst v6;
	v5 =	vmul.f32 v6, v5;
	_ =	sdelay $0x1  }
0xad: {  	[tilespmem:s12+$0x18E60] =	vst v5  }
0xae: {  	v5 =	vld.idx.msk [tilespmem:v0+s12+$0x10 ss:$0x1], $0xffff  }
0xaf: {  	v6 =	vld.idx.msk [tilespmem:v1+s12+$0x10 ss:$0x1], $0xffff;
	_ =	sdelay $0x5  }
0xb0: {  	v5 =	vadd.f32 v6, v5;
	_ =	sdelay $0x1  }
0xb1: {  	v5 =	vmax.f32 v5, $0.0e+00  }
.Ltmp3:
0xb2: {  	v5 =	vadd.f32 $1.000000010e-07, v5;
	(pc) =	sbr.rel @p0 .LBB2_7-.Ltmp3, $3  }
0xb3: {  	_ = 	snop  }
0xb4: {  	v6 =	vmul.f32 $1.442695020e+00, v5;
	_ =	sdelay $0x1  }
0xb5: {  	(erf) = vpow2.f32 v6  }
0xb6: {  	_ =	sdelay $0x7  }
0xb7: {  	v6 =	vpop (erf)  }
0xb8: {  	v5 =	vmul.f32 v6, v5  }
0xb9: {  	[tilespmem:s12+$0x18E30] =	vst v6  }
0xba: {  	[tilespmem:s12+$0x18E70] =	vst v5  }
0xbb: {  	[spmem:s1] =	stream.indirect.scatter.add.f32 [tilespmem:s14], [sflag:$0x3], $0x80, s17, s23, $0xb8;
	[tilespmem:$0x1B600] =	vst v63  }
0xbc: {  	_ =	swait.ge [sflag:s29], $0x1400  }
0xbd: {  	[sflag:s29] =	ssyncset.done $0x0  }
0xbe: {  	[sflag:s29] =	ssyncadd.s32 $0xFFFFEC00  }
0xbf: {  	_ =	swait.ge [sflag:s29], $0x1400  }
0xc0: {  	[sflag:s29] =	ssyncset.done $0x0  }
0xc1: {  	s12 =	simm.s32 $0x0;
	[sflag:s29] =	ssyncadd.s32 $0xFFFFEC00  }
0xc2: {  	v5 =	vld.idx.msk [tilespmem:v2+s12+$0xFFFFFFE0 ss:$0x1], $0xffff  }
0xc3: {  	v6 =	vld.idx.msk [tilespmem:v3+s12+$0xFFFFFFE0 ss:$0x1], $0xffff;
	_ =	sdelay $0x4  }
0xc4: {  	v5 =	vadd.f32 v6, v5;
	_ =	sdelay $0x1  }
0xc5: {  	v5 =	vmax.f32 v5, $0.0e+00  }
0xc6: {  	v5 =	vadd.f32 $1.000000010e-07, v5;
	_ =	sdelay $0x1  }
0xc7: {  	v6 =	vmul.f32 $1.442695020e+00, v5;
	_ =	sdelay $0x1  }
0xc8: {  	(erf) = vpow2.f32 v6;
	_ =	sdelay $0x8  }
0xc9: {  	v6 =	vpop (erf)  }
0xca: {  	v5 =	vmul.f32 v6, v5  }
0xcb: {  	[tilespmem:s12+$0x1A200] =	vst v6  }
0xcc: {  	[tilespmem:s12+$0x1A240] =	vst v5  }
0xcd: {  	v5 =	vld.idx.msk [tilespmem:v2+s12+$0xFFFFFFF0 ss:$0x1], $0xffff  }
0xce: {  	v6 =	vld.idx.msk [tilespmem:v3+s12+$0xFFFFFFF0 ss:$0x1], $0xffff;
	_ =	sdelay $0x4  }
0xcf: {  	v5 =	vadd.f32 v6, v5;
	_ =	sdelay $0x1  }
0xd0: {  	v5 =	vmax.f32 v5, $0.0e+00  }
0xd1: {  	v5 =	vadd.f32 $1.000000010e-07, v5;
	_ =	sdelay $0x1  }
0xd2: {  	v6 =	vmul.f32 $1.442695020e+00, v5;
	_ =	sdelay $0x1  }
0xd3: {  	(erf) = vpow2.f32 v6;
	_ =	sdelay $0x8  }
0xd4: {  	v6 =	vpop (erf)  }
0xd5: {  	v5 =	vmul.f32 v6, v5  }
0xd6: {  	[tilespmem:s12+$0x1A210] =	vst v6  }
0xd7: {  	[tilespmem:s12+$0x1A250] =	vst v5  }
0xd8: {  	v5 =	vld.idx.msk [tilespmem:v2+s12+$0x0 ss:$0x1], $0xffff  }
0xd9: {  	v6 =	vld.idx.msk [tilespmem:v3+s12+$0x0 ss:$0x1], $0xffff;
	_ =	sdelay $0x4  }
0xda: {  	v5 =	vadd.f32 v6, v5;
	_ =	sdelay $0x1  }
0xdb: {  	v5 =	vmax.f32 v5, $0.0e+00  }
0xdc: {  	v5 =	vadd.f32 $1.000000010e-07, v5;
	_ =	sdelay $0x1  }
0xdd: {  	v6 =	vmul.f32 $1.442695020e+00, v5;
	_ =	sdelay $0x1  }
0xde: {  	(erf) = vpow2.f32 v6;
	_ =	sdelay $0x8  }
0xdf: {  	v6 =	vpop (erf)  }
0xe0: {  	v5 =	vmul.f32 v6, v5  }
0xe1: {  	[tilespmem:s12+$0x1A220] =	vst v6  }
0xe2: {  	[tilespmem:s12+$0x1A260] =	vst v5  }
0xe3: {  	v5 =	vld.idx.msk [tilespmem:v2+s12+$0x10 ss:$0x1], $0xffff  }
0xe4: {  	v6 =	vld.idx.msk [tilespmem:v3+s12+$0x10 ss:$0x1], $0xffff;
	_ =	sdelay $0x4  }
0xe5: {  	v5 =	vadd.f32 v6, v5;
	_ =	sdelay $0x1  }
0xe6: {  	v5 =	vmax.f32 v5, $0.0e+00  }
0xe7: {  	v5 =	vadd.f32 $1.000000010e-07, v5;
	_ =	sdelay $0x1  }
0xe8: {  	v6 =	vmul.f32 $1.442695020e+00, v5;
	_ =	sdelay $0x1  }
0xe9: {  	s13 =	simm.s32 $0x200;
	(erf) = vpow2.f32 v6  }
.LBB2_9:
0xea: {  	_ =	sdelay $0x6  }
0xeb: {  	p0 =	sne.s32 s13, $0x4E00;
	s0 =	smov.u32 s13;
	s13 =	sadd.s32 $0x200, s13  }
0xec: {  	v6 =	vpop (erf)  }
0xed: {  	[tilespmem:s12+$0x1A230] =	vst v6;
	v5 =	vmul.f32 v6, v5;
	_ =	sdelay $0x1  }
0xee: {  	[tilespmem:s12+$0x1A270] =	vst v5;
	s12 =	sshra.s32 s0, $0x2  }
0xef: {  	v5 =	vld.idx.msk [tilespmem:v2+s12+$0xFFFFFFE0 ss:$0x1], $0xffff  }
0xf0: {  	v6 =	vld.idx.msk [tilespmem:v3+s12+$0xFFFFFFE0 ss:$0x1], $0xffff;
	_ =	sdelay $0x5  }
0xf1: {  	v5 =	vadd.f32 v6, v5;
	_ =	sdelay $0x1  }
0xf2: {  	v5 =	vmax.f32 v5, $0.0e+00  }
0xf3: {  	v5 =	vadd.f32 $1.000000010e-07, v5;
	_ =	sdelay $0x1  }
0xf4: {  	v6 =	vmul.f32 $1.442695020e+00, v5;
	_ =	sdelay $0x1  }
0xf5: {  	(erf) = vpow2.f32 v6;
	_ =	sdelay $0x8  }
0xf6: {  	v6 =	vpop (erf)  }
0xf7: {  	v5 =	vmul.f32 v6, v5  }
0xf8: {  	[tilespmem:s12+$0x1A200] =	vst v6  }
0xf9: {  	[tilespmem:s12+$0x1A240] =	vst v5  }
0xfa: {  	v5 =	vld.idx.msk [tilespmem:v2+s12+$0xFFFFFFF0 ss:$0x1], $0xffff  }
0xfb: {  	v6 =	vld.idx.msk [tilespmem:v3+s12+$0xFFFFFFF0 ss:$0x1], $0xffff;
	_ =	sdelay $0x5  }
0xfc: {  	v5 =	vadd.f32 v6, v5;
	_ =	sdelay $0x1  }
0xfd: {  	v5 =	vmax.f32 v5, $0.0e+00  }
0xfe: {  	v5 =	vadd.f32 $1.000000010e-07, v5;
	_ =	sdelay $0x1  }
0xff: {  	v6 =	vmul.f32 $1.442695020e+00, v5;
	_ =	sdelay $0x1  }
0x100: {  	(erf) = vpow2.f32 v6;
	_ =	sdelay $0x8  }
0x101: {  	v6 =	vpop (erf)  }
0x102: {  	[tilespmem:s12+$0x1A210] =	vst v6;
	v5 =	vmul.f32 v6, v5;
	_ =	sdelay $0x1  }
0x103: {  	[tilespmem:s12+$0x1A250] =	vst v5  }
0x104: {  	v5 =	vld.idx.msk [tilespmem:v2+s12+$0x0 ss:$0x1], $0xffff  }
0x105: {  	v6 =	vld.idx.msk [tilespmem:v3+s12+$0x0 ss:$0x1], $0xffff;
	_ =	sdelay $0x5  }
0x106: {  	v5 =	vadd.f32 v6, v5;
	_ =	sdelay $0x1  }
0x107: {  	v5 =	vmax.f32 v5, $0.0e+00  }
0x108: {  	v5 =	vadd.f32 $1.000000010e-07, v5;
	_ =	sdelay $0x1  }
0x109: {  	v6 =	vmul.f32 $1.442695020e+00, v5;
	_ =	sdelay $0x1  }
0x10a: {  	(erf) = vpow2.f32 v6;
	_ =	sdelay $0x8  }
0x10b: {  	v6 =	vpop (erf)  }
0x10c: {  	[tilespmem:s12+$0x1A220] =	vst v6;
	v5 =	vmul.f32 v6, v5;
	_ =	sdelay $0x1  }
0x10d: {  	[tilespmem:s12+$0x1A260] =	vst v5  }
0x10e: {  	v5 =	vld.idx.msk [tilespmem:v2+s12+$0x10 ss:$0x1], $0xffff  }
0x10f: {  	v6 =	vld.idx.msk [tilespmem:v3+s12+$0x10 ss:$0x1], $0xffff;
	_ =	sdelay $0x5  }
0x110: {  	v5 =	vadd.f32 v6, v5;
	_ =	sdelay $0x1  }
0x111: {  	v5 =	vmax.f32 v5, $0.0e+00  }
.Ltmp4:
0x112: {  	v5 =	vadd.f32 $1.000000010e-07, v5;
	(pc) =	sbr.rel @p0 .LBB2_9-.Ltmp4, $3  }
0x113: {  	_ = 	snop  }
0x114: {  	v6 =	vmul.f32 $1.442695020e+00, v5;
	_ =	sdelay $0x1  }
0x115: {  	(erf) = vpow2.f32 v6  }
0x116: {  	_ =	sdelay $0x5  }
0x117: {  	s3 =	sadd.s32 $0x1, s3  }
0x118: {  	p0 =	sne.s32 s3, $0x100  }
.Ltmp5:
0x119: {  	v6 =	vpop (erf);
	(pc) =	sbr.rel @p0 .LBB2_6-.Ltmp5, $4  }
0x11a: {  	v5 =	vmul.f32 v6, v5  }
0x11b: {  	[tilespmem:s12+$0x1A230] =	vst v6  }
0x11c: {  	[tilespmem:s12+$0x1A270] =	vst v5  }
0x11d: {  	[spmem:s1] =	stream.indirect.scatter.add.f32 [tilespmem:s30], [sflag:$0x3], $0x80, s20, s23, $0xb8;
	[tilespmem:$0x1B600] =	vst v63  }
0x11e: {  	s0 =	simm.s32 $0x3  }
0x11f: {  	_ =	swait.ge [sflag:s0], $0x1400  }
0x120: {  	[sflag:s0] =	ssyncset.done $0x0  }
0x121: {  	[sflag:s0] =	ssyncadd.s32 $0xFFFFEC00  }
0x122: {  	_ =	swait.ge [sflag:s0], $0x1400  }
0x123: {  	[sflag:s0] =	ssyncset.done $0x0  }
0x124: {  	[sflag:s0] =	ssyncadd.s32 $0xFFFFEC00  }
0x125: {  	s3 =	simm.s32 $0x0;
	[bflag:$0x0] =	sbarrier.arrive $0xFFFF  }
.LBB2_12:
0x126: {  	s0 =	smul.u32 $0x28, s3;
	_ =	sdelay $0x1  }
0x127: {  	s12 =	sadd.s32 s8, s0  }
0x128: {  	s0 =	sshll.u32 s12, $0x9  }
0x129: {  	s0 =	sshra.s32 s0, $0x2  }
0x12a: {  	s0 =	sadd.s32 s0, s1  }
0x12b: {  	[tilespmem:s24], [sflag:$0x4] =	stream.linear.gather [spmem:s0], $0x1400, $0x38;
	[tilespmem:$0x1B600] =	vst v63  }
0x12c: {  	_ =	swait.ge [sflag:s15], $0x1400  }
0x12d: {  	[sflag:s15] =	ssyncset.done $0x0  }
0x12e: {  	s0 =	simm.s32 $0x0;
	[sflag:s15] =	ssyncadd.s32 $0xFFFFEC00  }
0x12f: {  	v7 =	vld [tilespmem:s0+$0x13E30]  }
0x130: {  	v8 =	vld [tilespmem:s0+$0x13E00]  }
0x131: {  	v10 =	vld [tilespmem:s0+$0x13E10]  }
0x132: {  	v12 =	vld [tilespmem:s0+$0x13E20];
	_ =	sdelay $0x1  }
0x133: {  	v9 =	vld [tilespmem:s0+$0x13E40];
	v7 =	vadd.f32 $1.000000020e-16, v7  }
0x134: {  	s13 =	simm.s32 $0x80;
	v6 =	vld [tilespmem:s0+$0x13E50];
	v8 =	vadd.f32 $1.000000020e-16, v8  }
0x135: {  	v13 =	vld [tilespmem:s13+$0x13E30];
	v10 =	vadd.f32 $1.000000020e-16, v10;
	(erf) = vrcp.f32 v7  }
0x136: {  	v5 =	vld [tilespmem:s0+$0x13E60];
	v16 =	vadd.f32 $1.000000020e-16, v12;
	(erf) = vrcp.f32 v8  }
0x137: {  	v14 =	vld [tilespmem:s13+$0x13E00];
	(erf) = vrcp.f32 v10  }
0x138: {  	v15 =	vld [tilespmem:s13+$0x13E10];
	(erf) = vrcp.f32 v16  }
0x139: {  	v11 =	vld [tilespmem:s13+$0x13E20]  }
0x13a: {  	v12 =	vld [tilespmem:s0+$0x13E70];
	v17 =	vadd.f32 $1.000000020e-16, v13  }
0x13b: {  	v7 =	vld [tilespmem:s13+$0x13E40]  }
0x13c: {  	v13 =	vadd.f32 $1.000000020e-16, v14;
	v8 =	vld [tilespmem:s13+$0x13E50];
	(erf) = vrcp.f32 v17  }
0x13d: {  	s31 =	simm.s32 $0x100;
	s25 =	simm.s32 $0x600;
	v14 =	vadd.f32 $1.000000020e-16, v15;
	v10 =	vld [tilespmem:s13+$0x13E60]  }
.LBB2_13:
0x13e: {  	p0 =	sne.s32 s25, $0x4E00;
	v15 =	vld [tilespmem:s31+$0x13E30];
	v11 =	vadd.f32 $1.000000020e-16, v11;
	(erf) = vrcp.f32 v13;
	v13 =	vpop (erf)  }
0x13f: {  	v16 =	vld [tilespmem:s31+$0x13E00];
	(erf) = vrcp.f32 v14;
	v12 =	vmul.f32 v13, v12;
	v13 =	vpop (erf)  }
0x140: {  	v14 =	vld [tilespmem:s31+$0x13E10];
	(erf) = vrcp.f32 v11;
	v13 =	vmul.f32 v13, v9;
	v17 =	vpop (erf);
	v9 =	vmov v7  }
.Ltmp6:
0x141: {  	v11 =	vld [tilespmem:s31+$0x13E20];
	v17 =	vmul.f32 v17, v6;
	[tilespmem:s0+$0x18E30] =	vst v12;
	v7 =	vpop (erf);
	v6 =	vmov v8;
	(pc) =	sbr.rel @p0 .LBB2_13-.Ltmp6, $4  }
0x142: {  	v12 =	vld [tilespmem:s13+$0x13E70];
	[tilespmem:s0+$0x18E00] =	vst v13;
	v18 =	vmul.f32 v7, v5;
	v5 =	vmov v10  }
0x143: {  	v7 =	vld [tilespmem:s31+$0x13E40];
	v15 =	vadd.f32 $1.000000020e-16, v15;
	[tilespmem:s0+$0x18E10] =	vst v17  }
0x144: {  	v13 =	vadd.f32 $1.000000020e-16, v16;
	v8 =	vld [tilespmem:s31+$0x13E50];
	[tilespmem:s0+$0x18E20] =	vst v18;
	s0 =	smov.u32 s13;
	s13 =	smov.u32 s31  }
0x145: {  	s31 =	sshra.s32 s25, $0x2;
	s25 =	sadd.s32 $0x200, s25;
	v14 =	vadd.f32 $1.000000020e-16, v14;
	v10 =	vld [tilespmem:s13+$0x13E60];
	(erf) = vrcp.f32 v15  }
0x146: {  	v15 =	vld [tilespmem:s31+$0x13E30];
	v16 =	vpop (erf)  }
0x147: {  	v17 =	vld [tilespmem:s31+$0x13E00];
	v12 =	vmul.f32 v16, v12  }
0x148: {  	v48 =	vld [tilespmem:s31+$0x13E10]  }
0x149: {  	v19 =	vld [tilespmem:s31+$0x13E20];
	[tilespmem:s0+$0x18E30] =	vst v12  }
0x14a: {  	v11 =	vadd.f32 $1.000000020e-16, v11;
	(erf) = vrcp.f32 v13;
	v18 =	vpop (erf);
	v50 =	vld [tilespmem:s13+$0x13E70]  }
0x14b: {  	(erf) = vrcp.f32 v14;
	v9 =	vmul.f32 v18, v9;
	v49 =	vpop (erf);
	v51 =	vadd.f32 $1.000000020e-16, v15  }
0x14c: {  	(erf) = vrcp.f32 v11;
	v6 =	vmul.f32 v49, v6;
	v52 =	vpop (erf)  }
0x14d: {  	[tilespmem:s0+$0x18E00] =	vst v9;
	v5 =	vmul.f32 v52, v5;
	(erf) = vrcp.f32 v51  }
0x14e: {  	v53 =	vld [tilespmem:s31+$0x13E40];
	v54 =	vadd.f32 $1.000000020e-16, v17;
	[tilespmem:s0+$0x18E10] =	vst v6;
	v57 =	vpop (erf)  }
0x14f: {  	v6 =	vadd.f32 $1.000000020e-16, v48;
	v55 =	vld [tilespmem:s31+$0x13E50];
	[tilespmem:s0+$0x18E20] =	vst v5;
	v5 =	vmul.f32 v57, v50  }
0x150: {  	v56 =	vadd.f32 $1.000000020e-16, v19;
	(erf) = vrcp.f32 v54  }
0x151: {  	(erf) = vrcp.f32 v6;
	v6 =	vld [tilespmem:s31+$0x13E60];
	[tilespmem:s13+$0x18E30] =	vst v5  }
0x152: {  	(erf) = vrcp.f32 v56;
	v5 =	vld [tilespmem:s31+$0x13E70]  }
0x153: {  	v58 =	vpop (erf)  }
0x154: {  	v59 =	vpop (erf)  }
0x155: {  	v60 =	vpop (erf)  }
0x156: {  	v7 =	vmul.f32 v58, v7;
	v61 =	vpop (erf)  }
0x157: {  	v8 =	vmul.f32 v59, v8;
	v5 =	vmul.f32 v61, v5  }
0x158: {  	[tilespmem:s13+$0x18E00] =	vst v7;
	v7 =	vmul.f32 v60, v10  }
0x159: {  	[tilespmem:s13+$0x18E10] =	vst v8;
	v62 =	vpop (erf)  }
0x15a: {  	[tilespmem:s13+$0x18E20] =	vst v7;
	v7 =	vmul.f32 v62, v53;
	v63 =	vpop (erf)  }
0x15b: {  	v8 =	vmul.f32 v63, v55;
	[tilespmem:s31+$0x18E30] =	vst v5;
	v5 =	vpop (erf)  }
0x15c: {  	s25 =	sadd.s32 s11, s12;
	s3 =	sadd.s32 $0x1, s3;
	[tilespmem:s31+$0x18E00] =	vst v7;
	v5 =	vmul.f32 v5, v6  }
0x15d: {  	p0 =	sne.s32 s3, s9;
	s0 =	sshll.u32 s25, $0x4;
	[tilespmem:s31+$0x18E10] =	vst v8  }
.Ltmp7:
0x15e: {  	s0 =	sadd.s32 s7, s0;
	[tilespmem:s31+$0x18E20] =	vst v5;
	(pc) =	sbr.rel @p0 .LBB2_12-.Ltmp7, $4  }
0x15f: {  	[hbm4b:s0+s2] =	stream.linear.scatter [tilespmem:s14], [sflag:$0x4], $0x1400, $0x38;
	[tilespmem:$0x1B600] =	vst v63  }
0x160: {  	_ =	swait.ge [sflag:s15], $0x1400  }
0x161: {  	[sflag:s15] =	ssyncset.done $0x0  }
0x162: {  	[sflag:s15] =	ssyncadd.s32 $0xFFFFEC00  }
0x163: {  	s3 =	rddreg [dreg:$0x5]  }
0x164: {  	s0 =	rddreg [dreg:$0x3];
	s3 =	sadd.s32 $0x1, s3  }
0x165: {  	p0 =	sne.s32 s3, s0  }
.Ltmp8:
0x166: {  	_ = 	snop;
	(pc) =	sbr.rel @p0 .LBB2_1-.Ltmp8, $2  }
0x167: {  	_ =	sdelay $0x2  }
0x168: {  	s25 =	simm.s32 $0x15200  }
0x169: {  	_ =	sfence.sel $0x180000  }
0x16a: {  	[bflag:$0x0] =	sbarrier.arrive $0xFFFF  }
0x16b: {  	_ =	strace $0x90000047  }
0x16c: {  	s0 =	stileid.u32;
	[bflag:$0x2] =	sbarrier.arrive $0xFFFF  }
0x16d: {  	p0 =	sne.s32 s0, $0x0;
	s0 =	rddreg [dreg:$0x2]  }
0x16e: {  	s0 =	sadd.s32 @!p0 $0x100000, s0  }
0x16f: {  	[sflag:s0] =	ssyncadd.tile.s32 @!p0 $0x1;
	_ =	shalt  }
.Lfunc_end2:
_tile_overlayer_lowered:
.L_overlay_start_2:
0x170: {  	(tag) =	ssettag $0x2  }
0x171: {  	s0 =	rddreg [dreg:$0x0];
	s2 =	stileid.u32  }
0x172: {  	s1 =	rddreg [dreg:$0x1];
	p0 =	sne.s32 s2, $0x0  }
0x173: {  	s3 =	rddreg [dreg:$0x2];
	[bflag:$0x3] =	sbarrier.arrive $0xFFFF;
	s2 =	simm.s32 @!p0 $0x1C04  }
0x174: {  	[timem:s3], [sflag:s2] =	dma.local @!p0 [hbm:s0], s1  }
0x175: {  	s0 =	simm.s32 @!p0 $0x4  }
0x176: {  	_ =	swait.ge @!p0 [sflag:s0], s1  }
0x177: {  	s1 =	ssub.s32 @!p0 $0x0, s1;
	[sflag:s0] =	ssyncset.done @!p0 $0x0  }
0x178: {  	[sflag:s0] =	ssyncadd.s32 @!p0 s1  }
0x179: {  	[bflag:$0x3] =	sbarrier.arrive $0xFFFF  }
0x17a: {  	_ =	shalt  }

// kernel: sc_agg_1.3.cloned.1.call-start
scs
__scs_entry_jumppad:
0x0: {  	(pc) =	sbr.rel $0x88, $3  }
0x1: {  	(tag) =	ssettag $0x0;
	lr =	simm.s32 $0x1  }
0x2: {  	[smem:$0x3F97] =	sst lr;
	_ =	strace $0xD0000000  }
0x3: {  	_ = 	snop  }
0x4: {  	_ = 	snop  }
0x5: {  	_ = 	snop  }
0x6: {  	_ = 	snop  }
0x7: {  	_ = 	snop  }
__scs_overlays_trampoline_lowered:
0x8: {  	[smem:$0x3FA6] =	sst s0  }
0x9: {  	[smem:$0x3FA7] =	sst s1  }
0xa: {  	[smem:$0x3FA8] =	sst s2  }
0xb: {  	[smem:$0x3FA9] =	sst s3  }
0xc: {  	[smem:$0x3FAA] =	sst s4  }
0xd: {  	[smem:$0x3FAB] =	sst s5  }
0xe: {  	[smem:$0x3FAC] =	sst s6  }
0xf: {  	[smem:$0x3FAD] =	sst s7  }
0x10: {  	[smem:$0x3FAE] =	sst s8  }
0x11: {  	[smem:$0x3FAF] =	sst s9;
	s0 =	simm.s32 @!p0 $0x0  }
0x12: {  	s1 =	sld [smem:$0x3F95];
	s0 =	simm.s32 @p0 $0x1  }
0x13: {  	[smem:$0x3FB0] =	sst s0;
	s0 =	simm.s32 @!p1 $0x0  }
0x14: {  	s2 =	sld [smem:$0x3F94];
	s0 =	simm.s32 @p1 $0x1  }
0x15: {  	[smem:$0x3FB1] =	sst s0;
	s0 =	simm.s32 @!p2 $0x0  }
0x16: {  	s3 =	sld [smem:$0x3FDB];
	s0 =	simm.s32 @p2 $0x1  }
0x17: {  	s4 =	simm.s32 $0x1BF5;
	[smem:$0x3FB3] =	sst s0  }
0x18: {  	s0 =	sld [smem:$0x3F96];
	_ =	swait.ge [sflag:s4], $0x0  }
0x19: {  	s7 =	sld [smem:$0x3F97]  }
0x1a: {  	s8 =	sadd.s32 $0xFFFFE003, lr  }
0x1b: {  	s9 =	sadd.s32 $0xFFFFFEF7, lr;
	s5 =	simm.s32 $0xFFFFFFFF;
	p2 =	slt.u32 s8, $0xFFFFF086  }
0x1c: {  	p1 =	slt.u32 s9, $0xF7A;
	s5 =	simm.s32 @!p2 $0x0  }
0x1d: {  	s5 =	simm.s32 @p1 $0x1;
	p0 =	seq.s32 s7, s2  }
0x1e: {  	s7 =	smul.u32 @!p0 $0xF7A, s2;
	p2 =	seq.s32 @!p0 s5, $0x0  }
0x1f: {  	s9 =	smul.u32 $0xF7A, s1;
	s8 =	simm.s32 @!p0 $0x1BF5;
	p2 =	por !p2, p0  }
0x20: {  	[sflag:s8] =	ssyncset.s32 @!p0 $0xFFFFF086;
	s6 =	sadd.s32 @!p0 s3, s7;
	s7 =	simm.s32 @!p0 $0x108  }
0x21: {  	s3 =	sadd.s32 s3, s9;
	s6 =	sadd.s32 @!p0 $0x88, s6;
	s7 =	simm.s32 @p2 $0x1082  }
0x22: {  	[simem:s7], [sflag:s8] =	dma.local @!p0 [hbm:s6], $0xF7A  }
0x23: {  	s9 =	sor.u32 $0xD0000000, s2;
	s6 =	simm.s32 $0x108;
	_ =	swait.ge @!p0 [sflag:s8], $0x0  }
0x24: {  	s3 =	sadd.s32 $0x88, s3;
	s6 =	simm.s32 @!p1 $0x1082;
	[sflag:s4] =	ssyncset.s32 $0xFFFFF086  }
0x25: {  	[simem:s6], [sflag:s4] =	dma.local [hbm:s3], $0xF7A  }
0x26: {  	[smem:$0x3F97] =	sst s1;
	(tag) =	ssettag s2;
	_ =	strace s9  }
0x27: {  	s1 =	sld [smem:$0x3FA7]  }
0x28: {  	s2 =	sld [smem:$0x3FA8]  }
0x29: {  	s4 =	sld [smem:$0x3FAA]  }
0x2a: {  	p0 =	seq.s32 s5, $0x0;
	s5 =	sld [smem:$0x3FAB]  }
0x2b: {  	s6 =	sld [smem:$0x3FAC]  }
0x2c: {  	s7 =	sld [smem:$0x3FAD]  }
0x2d: {  	s3 =	simm.s32 $0x108;
	s8 =	sld [smem:$0x3FAE]  }
0x2e: {  	s3 =	simm.s32 @!p0 $0x1082;
	s9 =	sld [smem:$0x3FAF]  }
0x2f: {  	lr =	sadd.s32 s0, s3;
	s0 =	sld [smem:$0x3FA6]  }
0x30: {  	s3 =	sld [smem:$0x3FA9]  }
0x31: {  	[smem:$0x3FB2] =	sst s10  }
0x32: {  	s10 =	sld [smem:$0x3FB0];
	_ =	sdelay $0x3  }
0x33: {  	p0 =	seq.s32 s10, $0x1;
	s10 =	sld [smem:$0x3FB2];
	_ =	sdelay $0x3  }
0x34: {  	[smem:$0x3FB2] =	sst s10  }
0x35: {  	s10 =	sld [smem:$0x3FB1];
	_ =	sdelay $0x3  }
0x36: {  	p1 =	seq.s32 s10, $0x1;
	s10 =	sld [smem:$0x3FB2];
	_ =	sdelay $0x3  }
0x37: {  	[smem:$0x3FB2] =	sst s10  }
0x38: {  	s10 =	sld [smem:$0x3FB3]  }
0x39: {  	_ = 	snop;
	(pc) =	sbr.ind lr, $3  }
0x3a: {  	_ = 	snop  }
0x3b: {  	_ = 	snop  }
0x3c: {  	p2 =	seq.s32 s10, $0x1;
	s10 =	sld [smem:$0x3FB2]  }
0x3d: {  	_ =	shalt  }
0x3e: {  	_ =	shalt  }
0x3f: {  	_ =	shalt  }
0x40: {  	_ =	shalt  }
0x41: {  	_ =	shalt  }
0x42: {  	_ =	shalt  }
0x43: {  	_ =	shalt  }
0x44: {  	_ =	shalt  }
0x45: {  	_ =	shalt  }
0x46: {  	_ =	shalt  }
0x47: {  	_ =	shalt  }
0x48: {  	_ =	shalt  }
0x49: {  	_ =	shalt  }
0x4a: {  	_ =	shalt  }
0x4b: {  	_ =	shalt  }
0x4c: {  	_ =	shalt  }
0x4d: {  	_ =	shalt  }
0x4e: {  	_ =	shalt  }
0x4f: {  	_ =	shalt  }
0x50: {  	_ =	shalt  }
0x51: {  	_ =	shalt  }
0x52: {  	_ =	shalt  }
0x53: {  	_ =	shalt  }
0x54: {  	_ =	shalt  }
0x55: {  	_ =	shalt  }
0x56: {  	_ =	shalt  }
0x57: {  	_ =	shalt  }
0x58: {  	_ =	shalt  }
0x59: {  	_ =	shalt  }
0x5a: {  	_ =	shalt  }
0x5b: {  	_ =	shalt  }
0x5c: {  	_ =	shalt  }
0x5d: {  	_ =	shalt  }
0x5e: {  	_ =	shalt  }
0x5f: {  	_ =	shalt  }
0x60: {  	_ =	shalt  }
0x61: {  	_ =	shalt  }
0x62: {  	_ =	shalt  }
0x63: {  	_ =	shalt  }
0x64: {  	_ =	shalt  }
0x65: {  	_ =	shalt  }
0x66: {  	_ =	shalt  }
0x67: {  	_ =	shalt  }
0x68: {  	_ =	shalt  }
0x69: {  	_ =	shalt  }
0x6a: {  	_ =	shalt  }
0x6b: {  	_ =	shalt  }
0x6c: {  	_ =	shalt  }
0x6d: {  	_ =	shalt  }
0x6e: {  	_ =	shalt  }
0x6f: {  	_ =	shalt  }
0x70: {  	_ =	shalt  }
0x71: {  	_ =	shalt  }
0x72: {  	_ =	shalt  }
0x73: {  	_ =	shalt  }
0x74: {  	_ =	shalt  }
0x75: {  	_ =	shalt  }
0x76: {  	_ =	shalt  }
0x77: {  	_ =	shalt  }
0x78: {  	_ =	shalt  }
0x79: {  	_ =	shalt  }
0x7a: {  	_ =	shalt  }
0x7b: {  	_ =	shalt  }
0x7c: {  	_ =	shalt  }
0x7d: {  	_ =	shalt  }
0x7e: {  	_ =	shalt  }
0x7f: {  	_ =	shalt  }
0x80: {  	_ =	shalt  }
0x81: {  	_ =	shalt  }
0x82: {  	_ =	shalt  }
0x83: {  	_ =	shalt  }
0x84: {  	_ =	shalt  }
0x85: {  	_ =	shalt  }
0x86: {  	_ =	shalt  }
0x87: {  	_ =	shalt  }
.Lfunc_end0:
.L_simem_size_0:
called_computation.1_lowered:
.L_overlay_start_0:
0x88: {  	s2 =	sld [smem:$0x3FD9]  }
0x89: {  	s3 =	sld [smem:$0x3FFE];
	_ =	sdelay $0x1  }
0x8a: {  	s1 =	srdreg.scid  }
0x8b: {  	s0 =	sand.u32 $0x1, s1  }
0x8c: {  	s16 =	sshll.u32 s0, $0xA;
	s2 =	sadd.s32 s3, s2  }
0x8d: {  	s2 =	sadd.s32 s2, s16  }
0x8e: {  	[smem:$0x3FBE] =	sst s2  }
0x8f: {  	_ = 	snop  }
0x90: {  	(tm) =	ssettm $0x1  }
0x91: {  	s17 =	sld [smem:$0x3FFB];
	_ =	sdelay $0x3  }
0x92: {  	_ =	strace s17  }
0x93: {  	s2 =	sld [smem:$0x3FFC];
	_ =	sdelay $0x3  }
0x94: {  	_ =	strace s2  }
0x95: {  	s2 =	sld [smem:$0x3FFD];
	_ =	sdelay $0x3  }
0x96: {  	_ =	strace s2  }
0x97: {  	_ =	strace $0x8FFFFFFF  }
0x98: {  	s18 =	sld [smem:$0x3FDB];
	_ =	sdelay $0x1  }
0x99: {  	s19 =	simm.s32 $_scs_section_size  }
0x9a: {  	s4 =	simm.s32 $_size__tile_overlayer_lowered;
	s5 =	simm.s32 $_tile_overlayer_lowered  }
0x9b: {  	s22 =	simm.s32 $0x1BFF;
	s21 =	sshll.u32 s5, $0x1;
	s2 =	sadd.s32 s19, s18  }
0x9c: {  	s6 =	simm.s32 $0x0;
	s20 =	sshll.u32 s4, $0x1;
	s4 =	sadd.s32 s21, s2  }
0x9d: {  	[timem:s6], [sflag:s22] =	dma.local [hbm:s4], s20  }
0x9e: {  	_ =	swait.ge [sflag:s22], s20  }
0x9f: {  	s3 =	ssub.s32 $0x0, s20;
	[sflag:s22] =	ssyncset.done $0x0  }
0xa0: {  	[sflag:s22] =	ssyncadd.s32 s3;
	_ =	sdelay $0x1  }
0xa1: {  	s23 =	simm.s32 $0x1B8B  }
0xa2: {  	_ =	swait.ge [sflag:s23], $0x1  }
0xa3: {  	[sflag:s23] =	ssyncset.done $0x0  }
0xa4: {  	s25 =	simm.s32 $0x1B8E;
	s24 =	sld [smem:$0x3FFE];
	[sflag:s23] =	ssyncadd.s32 $0xFFFFFFFF  }
0xa5: {  	s26 =	simm.s32 $execute0_lowered;
	[smem:$0x3FD2] =	sst s25  }
0xa6: {  	s4 =	sshll.u32 s26, $0x1;
	_ =	strace $0x80000049;
	[dreg:$0x1] =	wrdreg $0xFFFFFFFF  }
0xa7: {  	s28 =	simm.s32 $_size_execute0_lowered;
	s2 =	sadd.s32 s2, s4;
	[dreg:$0x0] =	wrdreg $0x0  }
0xa8: {  	s4 =	sshll.u32 s28, $0x1;
	[dreg:$0x2] =	wrdreg s2  }
0xa9: {  	[dreg:$0x3] =	wrdreg s4  }
0xaa: {  	[dreg:$0x4] =	wrdreg $0xC0  }
0xab: {  	_ =	task [dreg:s6], $0x5FFFF  }
0xac: {  	[dreg:$0x1] =	wrdreg $0xFFFFFFFF  }
0xad: {  	[dreg:$0x0] =	wrdreg $0x60  }
0xae: {  	[dreg:$0x2] =	wrdreg s24  }
0xaf: {  	[dreg:$0x3] =	wrdreg $0x0  }
0xb0: {  	[dreg:$0x4] =	wrdreg $0x9  }
0xb1: {  	_ =	task.clear_ibuf [dreg:s6], $0x5FFFF;
	_ =	strace $0x90000049  }
0xb2: {  	s29 =	simm.s32 $0x9;
	_ =	strace $0x8000004B  }
0xb3: {  	_ =	swait.ge [sflag:s29], $0x1  }
0xb4: {  	[sflag:s29] =	ssyncadd.s32 $0xFFFFFFFF  }
0xb5: {  	_ =	strace $0x9000004B  }
0xb6: {  	_ =	sfence  }
0xb7: {  	s30 =	sld [smem:$0x0];
	_ =	sdelay $0x2  }
0xb8: {  	s31 =	sshll.u32 s1, $0xD;
	s1 =	sshrl.u32 s1, $0x2  }
0xb9: {  	s3 =	sand.u32 $0x4000, s31;
	s1 =	sadd.s32 s1, s30  }
0xba: {  	s0 =	sor.u32 s3, s0;
	s1 =	sshll.u32 s1, $0x11  }
0xbb: {  	s0 =	sor.u32 s1, s0  }
0xbc: {  	s0 =	sadd.s32 $0x8F2B, s0  }
0xbd: {  	[sflag:s0] =	ssyncadd.remote.s32 $0x1  }
0xbe: {  	_ =	sfence.sel $0xFFFF  }
0xbf: {  	[dreg:$0x0] =	wrdreg $0xFFFFFFFF;
	(pc) =	sbr.abs _section_cstart, $3  }
0xc0: {  	[dreg:$0x1] =	wrdreg $0xFFFFFFFF  }
0xc1: {  	_ =	task.clear_ibuf [dreg:s6], $0x2FFFF;
	_ =	strace $0x9FFFFFFF  }
0xc2: {  	(tm) =	ssettm $0x7FFFFFFF  }
0xc3: {  	_ =	shalt  }
tec
execute0_lowered:
.L_overlay_start_1:
0x0: {  	(tag) =	ssettag $0x1  }
0x1: {  	s0 =	rddreg [dreg:$0x0]  }
0x2: {  	s1 =	rddreg [dreg:$0x1];
	s2 =	simm.s32 $0x0;
	s3 =	srdreg.scid  }
0x3: {  	s11 =	stileid.u32;
	s9 =	simm.s32 $0xC;
	s14 =	simm.s32 $0x18E00  }
0x4: {  	s15 =	simm.s32 $0x4;
	s16 =	simm.s32 $0x13B00;
	s17 =	simm.s32 $0x13B80  }
0x5: {  	s18 =	simm.s32 $0x13C00;
	s19 =	simm.s32 $0x13C80;
	s20 =	simm.s32 $0x13D00  }
0x6: {  	s21 =	simm.s32 $0x13D80;
	s22 =	simm.s32 $0x1;
	s23 =	simm.s32 $0x28  }
0x7: {  	s28 =	simm.s32 $0x17A00;
	s29 =	simm.s32 $0x2;
	s30 =	simm.s32 $0x1A200  }
0x8: {  	[smem:$0x7FF] =	sst s2;
	s4 =	sadd.s32 $0x21C00, s0;
	s5 =	sadd.s32 $0x49C00, s0  }
0x9: {  	s3 =	sand.u32 $0x1, s3;
	s6 =	sadd.s32 $0x3C00, s0;
	s7 =	sadd.s32 $0x4BC00, s0  }
0xa: {  	s8 =	smul.u32 $0x280, s11;
	p0 =	seq.s32 s11, $0xF;
	s10 =	ssub.s32 $0x2, s3  }
0xb: {  	s12 =	smul.u32 $0x50000, s11;
	_ =	strace $0x8000004A;
	s24 =	sshrl.u32 s10, $0x1  }
0xc: {  	s9 =	simm.s32 @!p0 $0x10;
	s0 =	ssub.s32 s10, s24;
	s10 =	smul.u32 $0x5000, s11  }
0xd: {  	s12 =	sshrl.u32 s12, $0x2;
	s11 =	smul.u32 $0x2800, s3;
	s3 =	sshll.u32 s3, $0x6  }
0xe: {  	s25 =	sadd.s32 s12, s1;
	s24 =	simm.s32 $0x13E00;
	s0 =	smax.u32 s0, $0x1  }
0xf: {  	[dreg:$0x4] =	wrdreg s25;
	s26 =	sor.u32 $0x13E20, s3;
	s31 =	sor.u32 $0x15220, s3  }
0x10: {  	v4 =	vimm.f32 $0.0e+00;
	s13 =	sor.u32 $0x16620, s3;
	s3 =	sor.u32 $0x17A20, s3;
	s25 =	simm.s32 $0x15200;
	v0 =	vmov s26  }
0x11: {  	[dreg:$0x3] =	wrdreg s0;
	v1 =	vmov s31;
	s26 =	simm.s32 $0x16600;
	v2 =	vmov s13;
	v3 =	vmov s3;
	s3 =	simm.s32 $0x0  }
.LBB2_1:
0x12: {  	[dreg:$0x5] =	wrdreg s3;
	s0 =	simm.s32 $0x0;
	s3 =	simm.s32 $0x200  }
.LBB2_2:
0x13: {  	p0 =	sne.s32 s3, $0x4E00;
	[tilespmem:s0+$0x18E70] =	vst v4  }
0x14: {  	[tilespmem:s0+$0x18E00] =	vst v4  }
0x15: {  	[tilespmem:s0+$0x18E10] =	vst v4  }
.Ltmp0:
0x16: {  	[tilespmem:s0+$0x18E20] =	vst v4;
	(pc) =	sbr.rel @p0 .LBB2_2-.Ltmp0, $4  }
0x17: {  	[tilespmem:s0+$0x18E30] =	vst v4  }
0x18: {  	[tilespmem:s0+$0x18E40] =	vst v4  }
0x19: {  	[tilespmem:s0+$0x18E50] =	vst v4  }
0x1a: {  	[tilespmem:s0+$0x18E60] =	vst v4;
	s0 =	sshra.s32 s3, $0x2;
	s3 =	sadd.s32 $0x200, s3  }
0x1b: {  	[tilespmem:s0+$0x18E70] =	vst v4  }
0x1c: {  	[tilespmem:s0+$0x18E00] =	vst v4  }
0x1d: {  	[tilespmem:s0+$0x18E10] =	vst v4  }
0x1e: {  	[tilespmem:s0+$0x18E20] =	vst v4  }
0x1f: {  	[tilespmem:s0+$0x18E30] =	vst v4  }
0x20: {  	[tilespmem:s0+$0x18E40] =	vst v4;
	p0 =	sne.s32 s9, $0x1  }
.Ltmp1:
0x21: {  	[tilespmem:s0+$0x18E50] =	vst v4;
	(pc) =	sbr.rel @!p0 .LBB2_5-.Ltmp1, $4  }
0x22: {  	[tilespmem:s0+$0x18E60] =	vst v4;
	s3 =	rddreg [dreg:$0x4]  }
0x23: {  	[spmem:s3] =	stream.linear.scatter [tilespmem:s14], [sflag:$0x4], $0x1400, $0x38;
	[tilespmem:$0x1B600] =	vst v63  }
0x24: {  	_ =	swait.ge [sflag:s15], $0x1400  }
0x25: {  	s0 =	sadd.s32 $0xFFFFFFFF, s9;
	[sflag:s15] =	ssyncset.done $0x0  }
.LBB2_4:
0x26: {  	p0 =	sne.s32 s0, $0x1;
	[sflag:s15] =	ssyncadd.s32 $0xFFFFEC00;
	s3 =	sadd.s32 $0x1400, s3  }
.Ltmp2:
0x27: {  	s0 =	sadd.s32 $0xFFFFFFFF, s0;
	(pc) =	sbr.rel @p0 .LBB2_4-.Ltmp2, $4  }
0x28: {  	_ = 	snop  }
0x29: {  	[spmem:s3] =	stream.linear.scatter [tilespmem:s14], [sflag:$0x4], $0x1400, $0x38;
	[tilespmem:$0x1B600] =	vst v63  }
0x2a: {  	_ =	swait.ge [sflag:s15], $0x1400  }
0x2b: {  	[sflag:s15] =	ssyncset.done $0x0  }
.LBB2_5:
0x2c: {  	[sflag:s15] =	ssyncadd.s32 $0xFFFFEC00  }
0x2d: {  	s3 =	simm.s32 $0x0;
	[bflag:$0x0] =	sbarrier.arrive $0xFFFF  }
.LBB2_6:
0x2e: {  	s0 =	smul.u32 $0x50, s3;
	_ =	sdelay $0x1  }
0x2f: {  	s0 =	sadd.s32 s10, s0  }
0x30: {  	s12 =	sshrl.u32 s0, $0x3  }
0x31: {  	s12 =	sadd.s32 s6, s12  }
0x32: {  	[tilespmem:s16], [sflag:$0x1] =	stream.linear.gather [hbm4b:s12+s2], $0x28, $0x38;
	[tilespmem:$0x1B600] =	vst v63  }
0x33: {  	s31 =	sadd.s32 $0x28, s0;
	s13 =	sadd.s32 $0xA000, s12  }
0x34: {  	[tilespmem:s17], [sflag:$0x1] =	stream.linear.gather [hbm4b:s13+s2], $0x28, $0x38;
	[tilespmem:$0x1B600] =	vst v63  }
0x35: {  	s12 =	sadd.s32 $0x14000, s12;
	s13 =	sshrl.u32 s31, $0x3  }
0x36: {  	[tilespmem:s18], [sflag:$0x1] =	stream.linear.gather [hbm4b:s12+s2], $0x28, $0x38;
	[tilespmem:$0x1B600] =	vst v63  }
0x37: {  	s31 =	sadd.s32 $0x50028, s0;
	s12 =	sadd.s32 s6, s13  }
0x38: {  	[tilespmem:s19], [sflag:$0x1] =	stream.linear.gather [hbm4b:s12+s2], $0x28, $0x38;
	[tilespmem:$0x1B600] =	vst v63  }
0x39: {  	s0 =	sadd.s32 $0xA0028, s0;
	s12 =	sshrl.u32 s31, $0x3  }
0x3a: {  	s0 =	sshrl.u32 s0, $0x3;
	s12 =	sadd.s32 s6, s12  }
0x3b: {  	[tilespmem:s20], [sflag:$0x1] =	stream.linear.gather [hbm4b:s12+s2], $0x28, $0x38;
	[tilespmem:$0x1B600] =	vst v63  }
0x3c: {  	s0 =	sadd.s32 s6, s0  }
0x3d: {  	[tilespmem:s21], [sflag:$0x1] =	stream.linear.gather [hbm4b:s0+s2], $0x28, $0x38;
	[tilespmem:$0x1B600] =	vst v63  }
0x3e: {  	_ =	swait.ge [sflag:s22], $0x28  }
0x3f: {  	[sflag:s22] =	ssyncset.done $0x0  }
0x40: {  	[sflag:s22] =	ssyncadd.s32 $0xFFFFFFD8  }
0x41: {  	_ =	swait.ge [sflag:s22], $0x28  }
0x42: {  	[sflag:s22] =	ssyncset.done $0x0  }
0x43: {  	[sflag:s22] =	ssyncadd.s32 $0xFFFFFFD8  }
0x44: {  	_ =	swait.ge [sflag:s22], $0x28  }
0x45: {  	[sflag:s22] =	ssyncset.done $0x0  }
0x46: {  	[sflag:s22] =	ssyncadd.s32 $0xFFFFFFD8  }
0x47: {  	[tilespmem:s24], [sflag:$0x2] =	stream.indirect.gather [hbm4b:s4+s23], $0x80, s16, s23, $0xb8;
	[tilespmem:$0x1B600] =	vst v63  }
0x48: {  	_ = 	snop  }
0x49: {  	[tilespmem:s25], [sflag:$0x2] =	stream.indirect.gather [hbm4b:s5+s23], $0x80, s18, s23, $0xb8;
	[tilespmem:$0x1B600] =	vst v63  }
0x4a: {  	_ =	swait.ge [sflag:s22], $0x28  }
0x4b: {  	[sflag:s22] =	ssyncset.done $0x0  }
0x4c: {  	[sflag:s22] =	ssyncadd.s32 $0xFFFFFFD8  }
0x4d: {  	_ =	swait.ge [sflag:s22], $0x28  }
0x4e: {  	[sflag:s22] =	ssyncset.done $0x0  }
0x4f: {  	[sflag:s22] =	ssyncadd.s32 $0xFFFFFFD8  }
0x50: {  	_ =	swait.ge [sflag:s22], $0x28  }
0x51: {  	[sflag:s22] =	ssyncset.done $0x0  }
0x52: {  	[sflag:s22] =	ssyncadd.s32 $0xFFFFFFD8  }
0x53: {  	[tilespmem:s26], [sflag:$0x2] =	stream.indirect.gather [hbm4b:s4+s23], $0x80, s19, s23, $0xb8;
	[tilespmem:$0x1B600] =	vst v63  }
0x54: {  	_ = 	snop  }
0x55: {  	[tilespmem:s28], [sflag:$0x2] =	stream.indirect.gather [hbm4b:s5+s23], $0x80, s21, s23, $0xb8;
	[tilespmem:$0x1B600] =	vst v63  }
0x56: {  	_ =	swait.ge [sflag:s29], $0x1400  }
0x57: {  	[sflag:s29] =	ssyncset.done $0x0  }
0x58: {  	[sflag:s29] =	ssyncadd.s32 $0xFFFFEC00  }
0x59: {  	_ =	swait.ge [sflag:s29], $0x1400  }
0x5a: {  	p0 =	seq.s32 s3, $0x0;
	[sflag:s29] =	ssyncset.done $0x0  }
0x5b: {  	s0 =	simm.s32 @!p0 $0x3;
	[sflag:s29] =	ssyncadd.s32 $0xFFFFEC00  }
0x5c: {  	_ =	swait.ge @!p0 [sflag:s0], $0x1400  }
0x5d: {  	[sflag:s0] =	ssyncset.done @!p0 $0x0  }
0x5e: {  	[sflag:s0] =	ssyncadd.s32 @!p0 $0xFFFFEC00  }
0x5f: {  	_ =	swait.ge @!p0 [sflag:s0], $0x1400  }
0x60: {  	[sflag:s0] =	ssyncset.done @!p0 $0x0  }
0x61: {  	s12 =	simm.s32 $0x0;
	[sflag:s0] =	ssyncadd.s32 @!p0 $0xFFFFEC00  }
0x62: {  	v5 =	vld.idx.msk [tilespmem:v0+s12+$0xFFFFFFE0 ss:$0x1], $0xffff  }
0x63: {  	v6 =	vld.idx.msk [tilespmem:v1+s12+$0xFFFFFFE0 ss:$0x1], $0xffff;
	_ =	sdelay $0x4  }
0x64: {  	v5 =	vadd.f32 v6, v5;
	_ =	sdelay $0x1  }
0x65: {  	v5 =	vmax.f32 v5, $0.0e+00  }
0x66: {  	v5 =	vadd.f32 $1.000000010e-07, v5;
	_ =	sdelay $0x1  }
0x67: {  	v6 =	vmul.f32 $1.442695020e+00, v5;
	_ =	sdelay $0x1  }
0x68: {  	(erf) = vpow2.f32 v6;
	_ =	sdelay $0x8  }
0x69: {  	v6 =	vpop (erf)  }
0x6a: {  	v5 =	vmul.f32 v6, v5  }
0x6b: {  	[tilespmem:s12+$0x18E00] =	vst v6  }
0x6c: {  	[tilespmem:s12+$0x18E40] =	vst v5  }
0x6d: {  	v5 =	vld.idx.msk [tilespmem:v0+s12+$0xFFFFFFF0 ss:$0x1], $0xffff  }
0x6e: {  	v6 =	vld.idx.msk [tilespmem:v1+s12+$0xFFFFFFF0 ss:$0x1], $0xffff;
	_ =	sdelay $0x4  }
0x6f: {  	v5 =	vadd.f32 v6, v5;
	_ =	sdelay $0x1  }
0x70: {  	v5 =	vmax.f32 v5, $0.0e+00  }
0x71: {  	v5 =	vadd.f32 $1.000000010e-07, v5;
	_ =	sdelay $0x1  }
0x72: {  	v6 =	vmul.f32 $1.442695020e+00, v5;
	_ =	sdelay $0x1  }
0x73: {  	(erf) = vpow2.f32 v6;
	_ =	sdelay $0x8  }
0x74: {  	v6 =	vpop (erf)  }
0x75: {  	v5 =	vmul.f32 v6, v5  }
0x76: {  	[tilespmem:s12+$0x18E10] =	vst v6  }
0x77: {  	[tilespmem:s12+$0x18E50] =	vst v5  }
0x78: {  	v5 =	vld.idx.msk [tilespmem:v0+s12+$0x0 ss:$0x1], $0xffff  }
0x79: {  	v6 =	vld.idx.msk [tilespmem:v1+s12+$0x0 ss:$0x1], $0xffff;
	_ =	sdelay $0x4  }
0x7a: {  	v5 =	vadd.f32 v6, v5;
	_ =	sdelay $0x1  }
0x7b: {  	v5 =	vmax.f32 v5, $0.0e+00  }
0x7c: {  	v5 =	vadd.f32 $1.000000010e-07, v5;
	_ =	sdelay $0x1  }
0x7d: {  	v6 =	vmul.f32 $1.442695020e+00, v5;
	_ =	sdelay $0x1  }
0x7e: {  	(erf) = vpow2.f32 v6;
	_ =	sdelay $0x8  }
0x7f: {  	v6 =	vpop (erf)  }
0x80: {  	v5 =	vmul.f32 v6, v5  }
0x81: {  	[tilespmem:s12+$0x18E20] =	vst v6  }
0x82: {  	[tilespmem:s12+$0x18E60] =	vst v5  }
0x83: {  	v5 =	vld.idx.msk [tilespmem:v0+s12+$0x10 ss:$0x1], $0xffff  }
0x84: {  	v6 =	vld.idx.msk [tilespmem:v1+s12+$0x10 ss:$0x1], $0xffff;
	_ =	sdelay $0x4  }
0x85: {  	v5 =	vadd.f32 v6, v5;
	_ =	sdelay $0x1  }
0x86: {  	v5 =	vmax.f32 v5, $0.0e+00  }
0x87: {  	v5 =	vadd.f32 $1.000000010e-07, v5;
	_ =	sdelay $0x1  }
0x88: {  	v6 =	vmul.f32 $1.442695020e+00, v5;
	_ =	sdelay $0x1  }
0x89: {  	s13 =	simm.s32 $0x200;
	(erf) = vpow2.f32 v6  }
.LBB2_7:
0x8a: {  	_ =	sdelay $0x6  }
0x8b: {  	p0 =	sne.s32 s13, $0x4E00;
	s0 =	smov.u32 s13;
	s13 =	sadd.s32 $0x200, s13  }
0x8c: {  	v6 =	vpop (erf)  }
0x8d: {  	[tilespmem:s12+$0x18E30] =	vst v6;
	v5 =	vmul.f32 v6, v5;
	_ =	sdelay $0x1  }
0x8e: {  	[tilespmem:s12+$0x18E70] =	vst v5;
	s12 =	sshra.s32 s0, $0x2  }
0x8f: {  	v5 =	vld.idx.msk [tilespmem:v0+s12+$0xFFFFFFE0 ss:$0x1], $0xffff  }
0x90: {  	v6 =	vld.idx.msk [tilespmem:v1+s12+$0xFFFFFFE0 ss:$0x1], $0xffff;
	_ =	sdelay $0x5  }
0x91: {  	v5 =	vadd.f32 v6, v5;
	_ =	sdelay $0x1  }
0x92: {  	v5 =	vmax.f32 v5, $0.0e+00  }
0x93: {  	v5 =	vadd.f32 $1.000000010e-07, v5;
	_ =	sdelay $0x1  }
0x94: {  	v6 =	vmul.f32 $1.442695020e+00, v5;
	_ =	sdelay $0x1  }
0x95: {  	(erf) = vpow2.f32 v6;
	_ =	sdelay $0x8  }
0x96: {  	v6 =	vpop (erf)  }
0x97: {  	v5 =	vmul.f32 v6, v5  }
0x98: {  	[tilespmem:s12+$0x18E00] =	vst v6  }
0x99: {  	[tilespmem:s12+$0x18E40] =	vst v5  }
0x9a: {  	v5 =	vld.idx.msk [tilespmem:v0+s12+$0xFFFFFFF0 ss:$0x1], $0xffff  }
0x9b: {  	v6 =	vld.idx.msk [tilespmem:v1+s12+$0xFFFFFFF0 ss:$0x1], $0xffff;
	_ =	sdelay $0x5  }
0x9c: {  	v5 =	vadd.f32 v6, v5;
	_ =	sdelay $0x1  }
0x9d: {  	v5 =	vmax.f32 v5, $0.0e+00  }
0x9e: {  	v5 =	vadd.f32 $1.000000010e-07, v5;
	_ =	sdelay $0x1  }
0x9f: {  	v6 =	vmul.f32 $1.442695020e+00, v5;
	_ =	sdelay $0x1  }
0xa0: {  	(erf) = vpow2.f32 v6;
	_ =	sdelay $0x8  }
0xa1: {  	v6 =	vpop (erf)  }
0xa2: {  	[tilespmem:s12+$0x18E10] =	vst v6;
	v5 =	vmul.f32 v6, v5;
	_ =	sdelay $0x1  }
0xa3: {  	[tilespmem:s12+$0x18E50] =	vst v5  }
0xa4: {  	v5 =	vld.idx.msk [tilespmem:v0+s12+$0x0 ss:$0x1], $0xffff  }
0xa5: {  	v6 =	vld.idx.msk [tilespmem:v1+s12+$0x0 ss:$0x1], $0xffff;
	_ =	sdelay $0x5  }
0xa6: {  	v5 =	vadd.f32 v6, v5;
	_ =	sdelay $0x1  }
0xa7: {  	v5 =	vmax.f32 v5, $0.0e+00  }
0xa8: {  	v5 =	vadd.f32 $1.000000010e-07, v5;
	_ =	sdelay $0x1  }
0xa9: {  	v6 =	vmul.f32 $1.442695020e+00, v5;
	_ =	sdelay $0x1  }
0xaa: {  	(erf) = vpow2.f32 v6;
	_ =	sdelay $0x8  }
0xab: {  	v6 =	vpop (erf)  }
0xac: {  	[tilespmem:s12+$0x18E20] =	vst v6;
	v5 =	vmul.f32 v6, v5;
	_ =	sdelay $0x1  }
0xad: {  	[tilespmem:s12+$0x18E60] =	vst v5  }
0xae: {  	v5 =	vld.idx.msk [tilespmem:v0+s12+$0x10 ss:$0x1], $0xffff  }
0xaf: {  	v6 =	vld.idx.msk [tilespmem:v1+s12+$0x10 ss:$0x1], $0xffff;
	_ =	sdelay $0x5  }
0xb0: {  	v5 =	vadd.f32 v6, v5;
	_ =	sdelay $0x1  }
0xb1: {  	v5 =	vmax.f32 v5, $0.0e+00  }
.Ltmp3:
0xb2: {  	v5 =	vadd.f32 $1.000000010e-07, v5;
	(pc) =	sbr.rel @p0 .LBB2_7-.Ltmp3, $3  }
0xb3: {  	_ = 	snop  }
0xb4: {  	v6 =	vmul.f32 $1.442695020e+00, v5;
	_ =	sdelay $0x1  }
0xb5: {  	(erf) = vpow2.f32 v6  }
0xb6: {  	_ =	sdelay $0x7  }
0xb7: {  	v6 =	vpop (erf)  }
0xb8: {  	v5 =	vmul.f32 v6, v5  }
0xb9: {  	[tilespmem:s12+$0x18E30] =	vst v6  }
0xba: {  	[tilespmem:s12+$0x18E70] =	vst v5  }
0xbb: {  	[spmem:s1] =	stream.indirect.scatter.add.f32 [tilespmem:s14], [sflag:$0x3], $0x80, s17, s23, $0xb8;
	[tilespmem:$0x1B600] =	vst v63  }
0xbc: {  	_ =	swait.ge [sflag:s29], $0x1400  }
0xbd: {  	[sflag:s29] =	ssyncset.done $0x0  }
0xbe: {  	[sflag:s29] =	ssyncadd.s32 $0xFFFFEC00  }
0xbf: {  	_ =	swait.ge [sflag:s29], $0x1400  }
0xc0: {  	[sflag:s29] =	ssyncset.done $0x0  }
0xc1: {  	s12 =	simm.s32 $0x0;
	[sflag:s29] =	ssyncadd.s32 $0xFFFFEC00  }
0xc2: {  	v5 =	vld.idx.msk [tilespmem:v2+s12+$0xFFFFFFE0 ss:$0x1], $0xffff  }
0xc3: {  	v6 =	vld.idx.msk [tilespmem:v3+s12+$0xFFFFFFE0 ss:$0x1], $0xffff;
	_ =	sdelay $0x4  }
0xc4: {  	v5 =	vadd.f32 v6, v5;
	_ =	sdelay $0x1  }
0xc5: {  	v5 =	vmax.f32 v5, $0.0e+00  }
0xc6: {  	v5 =	vadd.f32 $1.000000010e-07, v5;
	_ =	sdelay $0x1  }
0xc7: {  	v6 =	vmul.f32 $1.442695020e+00, v5;
	_ =	sdelay $0x1  }
0xc8: {  	(erf) = vpow2.f32 v6;
	_ =	sdelay $0x8  }
0xc9: {  	v6 =	vpop (erf)  }
0xca: {  	v5 =	vmul.f32 v6, v5  }
0xcb: {  	[tilespmem:s12+$0x1A200] =	vst v6  }
0xcc: {  	[tilespmem:s12+$0x1A240] =	vst v5  }
0xcd: {  	v5 =	vld.idx.msk [tilespmem:v2+s12+$0xFFFFFFF0 ss:$0x1], $0xffff  }
0xce: {  	v6 =	vld.idx.msk [tilespmem:v3+s12+$0xFFFFFFF0 ss:$0x1], $0xffff;
	_ =	sdelay $0x4  }
0xcf: {  	v5 =	vadd.f32 v6, v5;
	_ =	sdelay $0x1  }
0xd0: {  	v5 =	vmax.f32 v5, $0.0e+00  }
0xd1: {  	v5 =	vadd.f32 $1.000000010e-07, v5;
	_ =	sdelay $0x1  }
0xd2: {  	v6 =	vmul.f32 $1.442695020e+00, v5;
	_ =	sdelay $0x1  }
0xd3: {  	(erf) = vpow2.f32 v6;
	_ =	sdelay $0x8  }
0xd4: {  	v6 =	vpop (erf)  }
0xd5: {  	v5 =	vmul.f32 v6, v5  }
0xd6: {  	[tilespmem:s12+$0x1A210] =	vst v6  }
0xd7: {  	[tilespmem:s12+$0x1A250] =	vst v5  }
0xd8: {  	v5 =	vld.idx.msk [tilespmem:v2+s12+$0x0 ss:$0x1], $0xffff  }
0xd9: {  	v6 =	vld.idx.msk [tilespmem:v3+s12+$0x0 ss:$0x1], $0xffff;
	_ =	sdelay $0x4  }
0xda: {  	v5 =	vadd.f32 v6, v5;
	_ =	sdelay $0x1  }
0xdb: {  	v5 =	vmax.f32 v5, $0.0e+00  }
0xdc: {  	v5 =	vadd.f32 $1.000000010e-07, v5;
	_ =	sdelay $0x1  }
0xdd: {  	v6 =	vmul.f32 $1.442695020e+00, v5;
	_ =	sdelay $0x1  }
0xde: {  	(erf) = vpow2.f32 v6;
	_ =	sdelay $0x8  }
0xdf: {  	v6 =	vpop (erf)  }
0xe0: {  	v5 =	vmul.f32 v6, v5  }
0xe1: {  	[tilespmem:s12+$0x1A220] =	vst v6  }
0xe2: {  	[tilespmem:s12+$0x1A260] =	vst v5  }
0xe3: {  	v5 =	vld.idx.msk [tilespmem:v2+s12+$0x10 ss:$0x1], $0xffff  }
0xe4: {  	v6 =	vld.idx.msk [tilespmem:v3+s12+$0x10 ss:$0x1], $0xffff;
	_ =	sdelay $0x4  }
0xe5: {  	v5 =	vadd.f32 v6, v5;
	_ =	sdelay $0x1  }
0xe6: {  	v5 =	vmax.f32 v5, $0.0e+00  }
0xe7: {  	v5 =	vadd.f32 $1.000000010e-07, v5;
	_ =	sdelay $0x1  }
0xe8: {  	v6 =	vmul.f32 $1.442695020e+00, v5;
	_ =	sdelay $0x1  }
0xe9: {  	s13 =	simm.s32 $0x200;
	(erf) = vpow2.f32 v6  }
.LBB2_9:
0xea: {  	_ =	sdelay $0x6  }
0xeb: {  	p0 =	sne.s32 s13, $0x4E00;
	s0 =	smov.u32 s13;
	s13 =	sadd.s32 $0x200, s13  }
0xec: {  	v6 =	vpop (erf)  }
0xed: {  	[tilespmem:s12+$0x1A230] =	vst v6;
	v5 =	vmul.f32 v6, v5;
	_ =	sdelay $0x1  }
0xee: {  	[tilespmem:s12+$0x1A270] =	vst v5;
	s12 =	sshra.s32 s0, $0x2  }
0xef: {  	v5 =	vld.idx.msk [tilespmem:v2+s12+$0xFFFFFFE0 ss:$0x1], $0xffff  }
0xf0: {  	v6 =	vld.idx.msk [tilespmem:v3+s12+$0xFFFFFFE0 ss:$0x1], $0xffff;
	_ =	sdelay $0x5  }
0xf1: {  	v5 =	vadd.f32 v6, v5;
	_ =	sdelay $0x1  }
0xf2: {  	v5 =	vmax.f32 v5, $0.0e+00  }
0xf3: {  	v5 =	vadd.f32 $1.000000010e-07, v5;
	_ =	sdelay $0x1  }
0xf4: {  	v6 =	vmul.f32 $1.442695020e+00, v5;
	_ =	sdelay $0x1  }
0xf5: {  	(erf) = vpow2.f32 v6;
	_ =	sdelay $0x8  }
0xf6: {  	v6 =	vpop (erf)  }
0xf7: {  	v5 =	vmul.f32 v6, v5  }
0xf8: {  	[tilespmem:s12+$0x1A200] =	vst v6  }
0xf9: {  	[tilespmem:s12+$0x1A240] =	vst v5  }
0xfa: {  	v5 =	vld.idx.msk [tilespmem:v2+s12+$0xFFFFFFF0 ss:$0x1], $0xffff  }
0xfb: {  	v6 =	vld.idx.msk [tilespmem:v3+s12+$0xFFFFFFF0 ss:$0x1], $0xffff;
	_ =	sdelay $0x5  }
0xfc: {  	v5 =	vadd.f32 v6, v5;
	_ =	sdelay $0x1  }
0xfd: {  	v5 =	vmax.f32 v5, $0.0e+00  }
0xfe: {  	v5 =	vadd.f32 $1.000000010e-07, v5;
	_ =	sdelay $0x1  }
0xff: {  	v6 =	vmul.f32 $1.442695020e+00, v5;
	_ =	sdelay $0x1  }
0x100: {  	(erf) = vpow2.f32 v6;
	_ =	sdelay $0x8  }
0x101: {  	v6 =	vpop (erf)  }
0x102: {  	[tilespmem:s12+$0x1A210] =	vst v6;
	v5 =	vmul.f32 v6, v5;
	_ =	sdelay $0x1  }
0x103: {  	[tilespmem:s12+$0x1A250] =	vst v5  }
0x104: {  	v5 =	vld.idx.msk [tilespmem:v2+s12+$0x0 ss:$0x1], $0xffff  }
0x105: {  	v6 =	vld.idx.msk [tilespmem:v3+s12+$0x0 ss:$0x1], $0xffff;
	_ =	sdelay $0x5  }
0x106: {  	v5 =	vadd.f32 v6, v5;
	_ =	sdelay $0x1  }
0x107: {  	v5 =	vmax.f32 v5, $0.0e+00  }
0x108: {  	v5 =	vadd.f32 $1.000000010e-07, v5;
	_ =	sdelay $0x1  }
0x109: {  	v6 =	vmul.f32 $1.442695020e+00, v5;
	_ =	sdelay $0x1  }
0x10a: {  	(erf) = vpow2.f32 v6;
	_ =	sdelay $0x8  }
0x10b: {  	v6 =	vpop (erf)  }
0x10c: {  	[tilespmem:s12+$0x1A220] =	vst v6;
	v5 =	vmul.f32 v6, v5;
	_ =	sdelay $0x1  }
0x10d: {  	[tilespmem:s12+$0x1A260] =	vst v5  }
0x10e: {  	v5 =	vld.idx.msk [tilespmem:v2+s12+$0x10 ss:$0x1], $0xffff  }
0x10f: {  	v6 =	vld.idx.msk [tilespmem:v3+s12+$0x10 ss:$0x1], $0xffff;
	_ =	sdelay $0x5  }
0x110: {  	v5 =	vadd.f32 v6, v5;
	_ =	sdelay $0x1  }
0x111: {  	v5 =	vmax.f32 v5, $0.0e+00  }
.Ltmp4:
0x112: {  	v5 =	vadd.f32 $1.000000010e-07, v5;
	(pc) =	sbr.rel @p0 .LBB2_9-.Ltmp4, $3  }
0x113: {  	_ = 	snop  }
0x114: {  	v6 =	vmul.f32 $1.442695020e+00, v5;
	_ =	sdelay $0x1  }
0x115: {  	(erf) = vpow2.f32 v6  }
0x116: {  	_ =	sdelay $0x5  }
0x117: {  	s3 =	sadd.s32 $0x1, s3  }
0x118: {  	p0 =	sne.s32 s3, $0x100  }
.Ltmp5:
0x119: {  	v6 =	vpop (erf);
	(pc) =	sbr.rel @p0 .LBB2_6-.Ltmp5, $4  }
0x11a: {  	v5 =	vmul.f32 v6, v5  }
0x11b: {  	[tilespmem:s12+$0x1A230] =	vst v6  }
0x11c: {  	[tilespmem:s12+$0x1A270] =	vst v5  }
0x11d: {  	[spmem:s1] =	stream.indirect.scatter.add.f32 [tilespmem:s30], [sflag:$0x3], $0x80, s20, s23, $0xb8;
	[tilespmem:$0x1B600] =	vst v63  }
0x11e: {  	s0 =	simm.s32 $0x3  }
0x11f: {  	_ =	swait.ge [sflag:s0], $0x1400  }
0x120: {  	[sflag:s0] =	ssyncset.done $0x0  }
0x121: {  	[sflag:s0] =	ssyncadd.s32 $0xFFFFEC00  }
0x122: {  	_ =	swait.ge [sflag:s0], $0x1400  }
0x123: {  	[sflag:s0] =	ssyncset.done $0x0  }
0x124: {  	[sflag:s0] =	ssyncadd.s32 $0xFFFFEC00  }
0x125: {  	s3 =	simm.s32 $0x0;
	[bflag:$0x0] =	sbarrier.arrive $0xFFFF  }
.LBB2_12:
0x126: {  	s0 =	smul.u32 $0x28, s3;
	_ =	sdelay $0x1  }
0x127: {  	s12 =	sadd.s32 s8, s0  }
0x128: {  	s0 =	sshll.u32 s12, $0x9  }
0x129: {  	s0 =	sshra.s32 s0, $0x2  }
0x12a: {  	s0 =	sadd.s32 s0, s1  }
0x12b: {  	[tilespmem:s24], [sflag:$0x4] =	stream.linear.gather [spmem:s0], $0x1400, $0x38;
	[tilespmem:$0x1B600] =	vst v63  }
0x12c: {  	_ =	swait.ge [sflag:s15], $0x1400  }
0x12d: {  	[sflag:s15] =	ssyncset.done $0x0  }
0x12e: {  	s0 =	simm.s32 $0x0;
	[sflag:s15] =	ssyncadd.s32 $0xFFFFEC00  }
0x12f: {  	v7 =	vld [tilespmem:s0+$0x13E30]  }
0x130: {  	v8 =	vld [tilespmem:s0+$0x13E00]  }
0x131: {  	v10 =	vld [tilespmem:s0+$0x13E10]  }
0x132: {  	v12 =	vld [tilespmem:s0+$0x13E20];
	_ =	sdelay $0x1  }
0x133: {  	v9 =	vld [tilespmem:s0+$0x13E40];
	v7 =	vadd.f32 $1.000000020e-16, v7  }
0x134: {  	s13 =	simm.s32 $0x80;
	v6 =	vld [tilespmem:s0+$0x13E50];
	v8 =	vadd.f32 $1.000000020e-16, v8  }
0x135: {  	v13 =	vld [tilespmem:s13+$0x13E30];
	v10 =	vadd.f32 $1.000000020e-16, v10;
	(erf) = vrcp.f32 v7  }
0x136: {  	v5 =	vld [tilespmem:s0+$0x13E60];
	v16 =	vadd.f32 $1.000000020e-16, v12;
	(erf) = vrcp.f32 v8  }
0x137: {  	v14 =	vld [tilespmem:s13+$0x13E00];
	(erf) = vrcp.f32 v10  }
0x138: {  	v15 =	vld [tilespmem:s13+$0x13E10];
	(erf) = vrcp.f32 v16  }
0x139: {  	v11 =	vld [tilespmem:s13+$0x13E20]  }
0x13a: {  	v12 =	vld [tilespmem:s0+$0x13E70];
	v17 =	vadd.f32 $1.000000020e-16, v13  }
0x13b: {  	v7 =	vld [tilespmem:s13+$0x13E40]  }
0x13c: {  	v13 =	vadd.f32 $1.000000020e-16, v14;
	v8 =	vld [tilespmem:s13+$0x13E50];
	(erf) = vrcp.f32 v17  }
0x13d: {  	s31 =	simm.s32 $0x100;
	s25 =	simm.s32 $0x600;
	v14 =	vadd.f32 $1.000000020e-16, v15;
	v10 =	vld [tilespmem:s13+$0x13E60]  }
.LBB2_13:
0x13e: {  	p0 =	sne.s32 s25, $0x4E00;
	v15 =	vld [tilespmem:s31+$0x13E30];
	v11 =	vadd.f32 $1.000000020e-16, v11;
	(erf) = vrcp.f32 v13;
	v13 =	vpop (erf)  }
0x13f: {  	v16 =	vld [tilespmem:s31+$0x13E00];
	(erf) = vrcp.f32 v14;
	v12 =	vmul.f32 v13, v12;
	v13 =	vpop (erf)  }
0x140: {  	v14 =	vld [tilespmem:s31+$0x13E10];
	(erf) = vrcp.f32 v11;
	v13 =	vmul.f32 v13, v9;
	v17 =	vpop (erf);
	v9 =	vmov v7  }
.Ltmp6:
0x141: {  	v11 =	vld [tilespmem:s31+$0x13E20];
	v17 =	vmul.f32 v17, v6;
	[tilespmem:s0+$0x18E30] =	vst v12;
	v7 =	vpop (erf);
	v6 =	vmov v8;
	(pc) =	sbr.rel @p0 .LBB2_13-.Ltmp6, $4  }
0x142: {  	v12 =	vld [tilespmem:s13+$0x13E70];
	[tilespmem:s0+$0x18E00] =	vst v13;
	v18 =	vmul.f32 v7, v5;
	v5 =	vmov v10  }
0x143: {  	v7 =	vld [tilespmem:s31+$0x13E40];
	v15 =	vadd.f32 $1.000000020e-16, v15;
	[tilespmem:s0+$0x18E10] =	vst v17  }
0x144: {  	v13 =	vadd.f32 $1.000000020e-16, v16;
	v8 =	vld [tilespmem:s31+$0x13E50];
	[tilespmem:s0+$0x18E20] =	vst v18;
	s0 =	smov.u32 s13;
	s13 =	smov.u32 s31  }
0x145: {  	s31 =	sshra.s32 s25, $0x2;
	s25 =	sadd.s32 $0x200, s25;
	v14 =	vadd.f32 $1.000000020e-16, v14;
	v10 =	vld [tilespmem:s13+$0x13E60];
	(erf) = vrcp.f32 v15  }
0x146: {  	v15 =	vld [tilespmem:s31+$0x13E30];
	v16 =	vpop (erf)  }
0x147: {  	v17 =	vld [tilespmem:s31+$0x13E00];
	v12 =	vmul.f32 v16, v12  }
0x148: {  	v48 =	vld [tilespmem:s31+$0x13E10]  }
0x149: {  	v19 =	vld [tilespmem:s31+$0x13E20];
	[tilespmem:s0+$0x18E30] =	vst v12  }
0x14a: {  	v11 =	vadd.f32 $1.000000020e-16, v11;
	(erf) = vrcp.f32 v13;
	v18 =	vpop (erf);
	v50 =	vld [tilespmem:s13+$0x13E70]  }
0x14b: {  	(erf) = vrcp.f32 v14;
	v9 =	vmul.f32 v18, v9;
	v49 =	vpop (erf);
	v51 =	vadd.f32 $1.000000020e-16, v15  }
0x14c: {  	(erf) = vrcp.f32 v11;
	v6 =	vmul.f32 v49, v6;
	v52 =	vpop (erf)  }
0x14d: {  	[tilespmem:s0+$0x18E00] =	vst v9;
	v5 =	vmul.f32 v52, v5;
	(erf) = vrcp.f32 v51  }
0x14e: {  	v53 =	vld [tilespmem:s31+$0x13E40];
	v54 =	vadd.f32 $1.000000020e-16, v17;
	[tilespmem:s0+$0x18E10] =	vst v6;
	v57 =	vpop (erf)  }
0x14f: {  	v6 =	vadd.f32 $1.000000020e-16, v48;
	v55 =	vld [tilespmem:s31+$0x13E50];
	[tilespmem:s0+$0x18E20] =	vst v5;
	v5 =	vmul.f32 v57, v50  }
0x150: {  	v56 =	vadd.f32 $1.000000020e-16, v19;
	(erf) = vrcp.f32 v54  }
0x151: {  	(erf) = vrcp.f32 v6;
	v6 =	vld [tilespmem:s31+$0x13E60];
	[tilespmem:s13+$0x18E30] =	vst v5  }
0x152: {  	(erf) = vrcp.f32 v56;
	v5 =	vld [tilespmem:s31+$0x13E70]  }
0x153: {  	v58 =	vpop (erf)  }
0x154: {  	v59 =	vpop (erf)  }
0x155: {  	v60 =	vpop (erf)  }
0x156: {  	v7 =	vmul.f32 v58, v7;
	v61 =	vpop (erf)  }
0x157: {  	v8 =	vmul.f32 v59, v8;
	v5 =	vmul.f32 v61, v5  }
0x158: {  	[tilespmem:s13+$0x18E00] =	vst v7;
	v7 =	vmul.f32 v60, v10  }
0x159: {  	[tilespmem:s13+$0x18E10] =	vst v8;
	v62 =	vpop (erf)  }
0x15a: {  	[tilespmem:s13+$0x18E20] =	vst v7;
	v7 =	vmul.f32 v62, v53;
	v63 =	vpop (erf)  }
0x15b: {  	v8 =	vmul.f32 v63, v55;
	[tilespmem:s31+$0x18E30] =	vst v5;
	v5 =	vpop (erf)  }
0x15c: {  	s25 =	sadd.s32 s11, s12;
	s3 =	sadd.s32 $0x1, s3;
	[tilespmem:s31+$0x18E00] =	vst v7;
	v5 =	vmul.f32 v5, v6  }
0x15d: {  	p0 =	sne.s32 s3, s9;
	s0 =	sshll.u32 s25, $0x4;
	[tilespmem:s31+$0x18E10] =	vst v8  }
.Ltmp7:
0x15e: {  	s0 =	sadd.s32 s7, s0;
	[tilespmem:s31+$0x18E20] =	vst v5;
	(pc) =	sbr.rel @p0 .LBB2_12-.Ltmp7, $4  }
0x15f: {  	[hbm4b:s0+s2] =	stream.linear.scatter [tilespmem:s14], [sflag:$0x4], $0x1400, $0x38;
	[tilespmem:$0x1B600] =	vst v63  }
0x160: {  	_ =	swait.ge [sflag:s15], $0x1400  }
0x161: {  	[sflag:s15] =	ssyncset.done $0x0  }
0x162: {  	[sflag:s15] =	ssyncadd.s32 $0xFFFFEC00  }
0x163: {  	s3 =	rddreg [dreg:$0x5]  }
0x164: {  	s0 =	rddreg [dreg:$0x3];
	s3 =	sadd.s32 $0x1, s3  }
0x165: {  	p0 =	sne.s32 s3, s0  }
.Ltmp8:
0x166: {  	_ = 	snop;
	(pc) =	sbr.rel @p0 .LBB2_1-.Ltmp8, $2  }
0x167: {  	_ =	sdelay $0x2  }
0x168: {  	s25 =	simm.s32 $0x15200  }
0x169: {  	_ =	sfence.sel $0x180000  }
0x16a: {  	[bflag:$0x0] =	sbarrier.arrive $0xFFFF  }
0x16b: {  	_ =	strace $0x9000004A  }
0x16c: {  	s0 =	stileid.u32;
	[bflag:$0x2] =	sbarrier.arrive $0xFFFF  }
0x16d: {  	p0 =	sne.s32 s0, $0x0;
	s0 =	rddreg [dreg:$0x2]  }
0x16e: {  	s0 =	sadd.s32 @!p0 $0x100000, s0  }
0x16f: {  	[sflag:s0] =	ssyncadd.tile.s32 @!p0 $0x1;
	_ =	shalt  }
.Lfunc_end2:
_tile_overlayer_lowered:
.L_overlay_start_2:
0x170: {  	(tag) =	ssettag $0x2  }
0x171: {  	s0 =	rddreg [dreg:$0x0];
	s2 =	stileid.u32  }
0x172: {  	s1 =	rddreg [dreg:$0x1];
	p0 =	sne.s32 s2, $0x0  }
0x173: {  	s3 =	rddreg [dreg:$0x2];
	[bflag:$0x3] =	sbarrier.arrive $0xFFFF;
	s2 =	simm.s32 @!p0 $0x1C04  }
0x174: {  	[timem:s3], [sflag:s2] =	dma.local @!p0 [hbm:s0], s1  }
0x175: {  	s0 =	simm.s32 @!p0 $0x4  }
0x176: {  	_ =	swait.ge @!p0 [sflag:s0], s1  }
0x177: {  	s1 =	ssub.s32 @!p0 $0x0, s1;
	[sflag:s0] =	ssyncset.done @!p0 $0x0  }
0x178: {  	[sflag:s0] =	ssyncadd.s32 @!p0 s1  }
0x179: {  	[bflag:$0x3] =	sbarrier.arrive $0xFFFF  }
0x17a: {  	_ =	shalt  }

// kernel: sc_agg_2.3.cloned.1.call-start
scs
__scs_entry_jumppad:
0x0: {  	(pc) =	sbr.rel $0x88, $3  }
0x1: {  	(tag) =	ssettag $0x0;
	lr =	simm.s32 $0x1  }
0x2: {  	[smem:$0x3F97] =	sst lr;
	_ =	strace $0xD0000000  }
0x3: {  	_ = 	snop  }
0x4: {  	_ = 	snop  }
0x5: {  	_ = 	snop  }
0x6: {  	_ = 	snop  }
0x7: {  	_ = 	snop  }
__scs_overlays_trampoline_lowered:
0x8: {  	[smem:$0x3FA6] =	sst s0  }
0x9: {  	[smem:$0x3FA7] =	sst s1  }
0xa: {  	[smem:$0x3FA8] =	sst s2  }
0xb: {  	[smem:$0x3FA9] =	sst s3  }
0xc: {  	[smem:$0x3FAA] =	sst s4  }
0xd: {  	[smem:$0x3FAB] =	sst s5  }
0xe: {  	[smem:$0x3FAC] =	sst s6  }
0xf: {  	[smem:$0x3FAD] =	sst s7  }
0x10: {  	[smem:$0x3FAE] =	sst s8  }
0x11: {  	[smem:$0x3FAF] =	sst s9;
	s0 =	simm.s32 @!p0 $0x0  }
0x12: {  	s1 =	sld [smem:$0x3F95];
	s0 =	simm.s32 @p0 $0x1  }
0x13: {  	[smem:$0x3FB0] =	sst s0;
	s0 =	simm.s32 @!p1 $0x0  }
0x14: {  	s2 =	sld [smem:$0x3F94];
	s0 =	simm.s32 @p1 $0x1  }
0x15: {  	[smem:$0x3FB1] =	sst s0;
	s0 =	simm.s32 @!p2 $0x0  }
0x16: {  	s3 =	sld [smem:$0x3FDB];
	s0 =	simm.s32 @p2 $0x1  }
0x17: {  	s4 =	simm.s32 $0x1BF5;
	[smem:$0x3FB3] =	sst s0  }
0x18: {  	s0 =	sld [smem:$0x3F96];
	_ =	swait.ge [sflag:s4], $0x0  }
0x19: {  	s7 =	sld [smem:$0x3F97]  }
0x1a: {  	s8 =	sadd.s32 $0xFFFFE003, lr  }
0x1b: {  	s9 =	sadd.s32 $0xFFFFFEF7, lr;
	s5 =	simm.s32 $0xFFFFFFFF;
	p2 =	slt.u32 s8, $0xFFFFF086  }
0x1c: {  	p1 =	slt.u32 s9, $0xF7A;
	s5 =	simm.s32 @!p2 $0x0  }
0x1d: {  	s5 =	simm.s32 @p1 $0x1;
	p0 =	seq.s32 s7, s2  }
0x1e: {  	s7 =	smul.u32 @!p0 $0xF7A, s2;
	p2 =	seq.s32 @!p0 s5, $0x0  }
0x1f: {  	s9 =	smul.u32 $0xF7A, s1;
	s8 =	simm.s32 @!p0 $0x1BF5;
	p2 =	por !p2, p0  }
0x20: {  	[sflag:s8] =	ssyncset.s32 @!p0 $0xFFFFF086;
	s6 =	sadd.s32 @!p0 s3, s7;
	s7 =	simm.s32 @!p0 $0x108  }
0x21: {  	s3 =	sadd.s32 s3, s9;
	s6 =	sadd.s32 @!p0 $0x88, s6;
	s7 =	simm.s32 @p2 $0x1082  }
0x22: {  	[simem:s7], [sflag:s8] =	dma.local @!p0 [hbm:s6], $0xF7A  }
0x23: {  	s9 =	sor.u32 $0xD0000000, s2;
	s6 =	simm.s32 $0x108;
	_ =	swait.ge @!p0 [sflag:s8], $0x0  }
0x24: {  	s3 =	sadd.s32 $0x88, s3;
	s6 =	simm.s32 @!p1 $0x1082;
	[sflag:s4] =	ssyncset.s32 $0xFFFFF086  }
0x25: {  	[simem:s6], [sflag:s4] =	dma.local [hbm:s3], $0xF7A  }
0x26: {  	[smem:$0x3F97] =	sst s1;
	(tag) =	ssettag s2;
	_ =	strace s9  }
0x27: {  	s1 =	sld [smem:$0x3FA7]  }
0x28: {  	s2 =	sld [smem:$0x3FA8]  }
0x29: {  	s4 =	sld [smem:$0x3FAA]  }
0x2a: {  	p0 =	seq.s32 s5, $0x0;
	s5 =	sld [smem:$0x3FAB]  }
0x2b: {  	s6 =	sld [smem:$0x3FAC]  }
0x2c: {  	s7 =	sld [smem:$0x3FAD]  }
0x2d: {  	s3 =	simm.s32 $0x108;
	s8 =	sld [smem:$0x3FAE]  }
0x2e: {  	s3 =	simm.s32 @!p0 $0x1082;
	s9 =	sld [smem:$0x3FAF]  }
0x2f: {  	lr =	sadd.s32 s0, s3;
	s0 =	sld [smem:$0x3FA6]  }
0x30: {  	s3 =	sld [smem:$0x3FA9]  }
0x31: {  	[smem:$0x3FB2] =	sst s10  }
0x32: {  	s10 =	sld [smem:$0x3FB0];
	_ =	sdelay $0x3  }
0x33: {  	p0 =	seq.s32 s10, $0x1;
	s10 =	sld [smem:$0x3FB2];
	_ =	sdelay $0x3  }
0x34: {  	[smem:$0x3FB2] =	sst s10  }
0x35: {  	s10 =	sld [smem:$0x3FB1];
	_ =	sdelay $0x3  }
0x36: {  	p1 =	seq.s32 s10, $0x1;
	s10 =	sld [smem:$0x3FB2];
	_ =	sdelay $0x3  }
0x37: {  	[smem:$0x3FB2] =	sst s10  }
0x38: {  	s10 =	sld [smem:$0x3FB3]  }
0x39: {  	_ = 	snop;
	(pc) =	sbr.ind lr, $3  }
0x3a: {  	_ = 	snop  }
0x3b: {  	_ = 	snop  }
0x3c: {  	p2 =	seq.s32 s10, $0x1;
	s10 =	sld [smem:$0x3FB2]  }
0x3d: {  	_ =	shalt  }
0x3e: {  	_ =	shalt  }
0x3f: {  	_ =	shalt  }
0x40: {  	_ =	shalt  }
0x41: {  	_ =	shalt  }
0x42: {  	_ =	shalt  }
0x43: {  	_ =	shalt  }
0x44: {  	_ =	shalt  }
0x45: {  	_ =	shalt  }
0x46: {  	_ =	shalt  }
0x47: {  	_ =	shalt  }
0x48: {  	_ =	shalt  }
0x49: {  	_ =	shalt  }
0x4a: {  	_ =	shalt  }
0x4b: {  	_ =	shalt  }
0x4c: {  	_ =	shalt  }
0x4d: {  	_ =	shalt  }
0x4e: {  	_ =	shalt  }
0x4f: {  	_ =	shalt  }
0x50: {  	_ =	shalt  }
0x51: {  	_ =	shalt  }
0x52: {  	_ =	shalt  }
0x53: {  	_ =	shalt  }
0x54: {  	_ =	shalt  }
0x55: {  	_ =	shalt  }
0x56: {  	_ =	shalt  }
0x57: {  	_ =	shalt  }
0x58: {  	_ =	shalt  }
0x59: {  	_ =	shalt  }
0x5a: {  	_ =	shalt  }
0x5b: {  	_ =	shalt  }
0x5c: {  	_ =	shalt  }
0x5d: {  	_ =	shalt  }
0x5e: {  	_ =	shalt  }
0x5f: {  	_ =	shalt  }
0x60: {  	_ =	shalt  }
0x61: {  	_ =	shalt  }
0x62: {  	_ =	shalt  }
0x63: {  	_ =	shalt  }
0x64: {  	_ =	shalt  }
0x65: {  	_ =	shalt  }
0x66: {  	_ =	shalt  }
0x67: {  	_ =	shalt  }
0x68: {  	_ =	shalt  }
0x69: {  	_ =	shalt  }
0x6a: {  	_ =	shalt  }
0x6b: {  	_ =	shalt  }
0x6c: {  	_ =	shalt  }
0x6d: {  	_ =	shalt  }
0x6e: {  	_ =	shalt  }
0x6f: {  	_ =	shalt  }
0x70: {  	_ =	shalt  }
0x71: {  	_ =	shalt  }
0x72: {  	_ =	shalt  }
0x73: {  	_ =	shalt  }
0x74: {  	_ =	shalt  }
0x75: {  	_ =	shalt  }
0x76: {  	_ =	shalt  }
0x77: {  	_ =	shalt  }
0x78: {  	_ =	shalt  }
0x79: {  	_ =	shalt  }
0x7a: {  	_ =	shalt  }
0x7b: {  	_ =	shalt  }
0x7c: {  	_ =	shalt  }
0x7d: {  	_ =	shalt  }
0x7e: {  	_ =	shalt  }
0x7f: {  	_ =	shalt  }
0x80: {  	_ =	shalt  }
0x81: {  	_ =	shalt  }
0x82: {  	_ =	shalt  }
0x83: {  	_ =	shalt  }
0x84: {  	_ =	shalt  }
0x85: {  	_ =	shalt  }
0x86: {  	_ =	shalt  }
0x87: {  	_ =	shalt  }
.Lfunc_end0:
.L_simem_size_0:
called_computation.2_lowered:
.L_overlay_start_0:
0x88: {  	s2 =	sld [smem:$0x3FD9]  }
0x89: {  	s3 =	sld [smem:$0x3FFE];
	_ =	sdelay $0x1  }
0x8a: {  	s1 =	srdreg.scid  }
0x8b: {  	s0 =	sand.u32 $0x1, s1  }
0x8c: {  	s16 =	sshll.u32 s0, $0xA;
	s2 =	sadd.s32 s3, s2  }
0x8d: {  	s2 =	sadd.s32 s2, s16  }
0x8e: {  	[smem:$0x3FBE] =	sst s2  }
0x8f: {  	_ = 	snop  }
0x90: {  	(tm) =	ssettm $0x1  }
0x91: {  	s17 =	sld [smem:$0x3FFB];
	_ =	sdelay $0x3  }
0x92: {  	_ =	strace s17  }
0x93: {  	s2 =	sld [smem:$0x3FFC];
	_ =	sdelay $0x3  }
0x94: {  	_ =	strace s2  }
0x95: {  	s2 =	sld [smem:$0x3FFD];
	_ =	sdelay $0x3  }
0x96: {  	_ =	strace s2  }
0x97: {  	_ =	strace $0x8FFFFFFF  }
0x98: {  	s18 =	sld [smem:$0x3FDB];
	_ =	sdelay $0x1  }
0x99: {  	s19 =	simm.s32 $_scs_section_size  }
0x9a: {  	s4 =	simm.s32 $_size__tile_overlayer_lowered;
	s5 =	simm.s32 $_tile_overlayer_lowered  }
0x9b: {  	s22 =	simm.s32 $0x1BFF;
	s21 =	sshll.u32 s5, $0x1;
	s2 =	sadd.s32 s19, s18  }
0x9c: {  	s6 =	simm.s32 $0x0;
	s20 =	sshll.u32 s4, $0x1;
	s4 =	sadd.s32 s21, s2  }
0x9d: {  	[timem:s6], [sflag:s22] =	dma.local [hbm:s4], s20  }
0x9e: {  	_ =	swait.ge [sflag:s22], s20  }
0x9f: {  	s3 =	ssub.s32 $0x0, s20;
	[sflag:s22] =	ssyncset.done $0x0  }
0xa0: {  	[sflag:s22] =	ssyncadd.s32 s3;
	_ =	sdelay $0x1  }
0xa1: {  	s23 =	simm.s32 $0x1B8B  }
0xa2: {  	_ =	swait.ge [sflag:s23], $0x1  }
0xa3: {  	[sflag:s23] =	ssyncset.done $0x0  }
0xa4: {  	s25 =	simm.s32 $0x1B8E;
	s24 =	sld [smem:$0x3FFE];
	[sflag:s23] =	ssyncadd.s32 $0xFFFFFFFF  }
0xa5: {  	s26 =	simm.s32 $execute0_lowered;
	[smem:$0x3FD2] =	sst s25  }
0xa6: {  	s4 =	sshll.u32 s26, $0x1;
	_ =	strace $0x8000004C;
	[dreg:$0x1] =	wrdreg $0xFFFFFFFF  }
0xa7: {  	s28 =	simm.s32 $_size_execute0_lowered;
	s2 =	sadd.s32 s2, s4;
	[dreg:$0x0] =	wrdreg $0x0  }
0xa8: {  	s4 =	sshll.u32 s28, $0x1;
	[dreg:$0x2] =	wrdreg s2  }
0xa9: {  	[dreg:$0x3] =	wrdreg s4  }
0xaa: {  	[dreg:$0x4] =	wrdreg $0xC0  }
0xab: {  	_ =	task [dreg:s6], $0x5FFFF  }
0xac: {  	[dreg:$0x1] =	wrdreg $0xFFFFFFFF  }
0xad: {  	[dreg:$0x0] =	wrdreg $0x60  }
0xae: {  	[dreg:$0x2] =	wrdreg s24  }
0xaf: {  	[dreg:$0x3] =	wrdreg $0x0  }
0xb0: {  	[dreg:$0x4] =	wrdreg $0x9  }
0xb1: {  	_ =	task.clear_ibuf [dreg:s6], $0x5FFFF;
	_ =	strace $0x9000004C  }
0xb2: {  	s29 =	simm.s32 $0x9;
	_ =	strace $0x8000004E  }
0xb3: {  	_ =	swait.ge [sflag:s29], $0x1  }
0xb4: {  	[sflag:s29] =	ssyncadd.s32 $0xFFFFFFFF  }
0xb5: {  	_ =	strace $0x9000004E  }
0xb6: {  	_ =	sfence  }
0xb7: {  	s30 =	sld [smem:$0x0];
	_ =	sdelay $0x2  }
0xb8: {  	s31 =	sshll.u32 s1, $0xD;
	s1 =	sshrl.u32 s1, $0x2  }
0xb9: {  	s3 =	sand.u32 $0x4000, s31;
	s1 =	sadd.s32 s1, s30  }
0xba: {  	s0 =	sor.u32 s3, s0;
	s1 =	sshll.u32 s1, $0x11  }
0xbb: {  	s0 =	sor.u32 s1, s0  }
0xbc: {  	s0 =	sadd.s32 $0x8F2B, s0  }
0xbd: {  	[sflag:s0] =	ssyncadd.remote.s32 $0x1  }
0xbe: {  	_ =	sfence.sel $0xFFFF  }
0xbf: {  	[dreg:$0x0] =	wrdreg $0xFFFFFFFF;
	(pc) =	sbr.abs _section_cstart, $3  }
0xc0: {  	[dreg:$0x1] =	wrdreg $0xFFFFFFFF  }
0xc1: {  	_ =	task.clear_ibuf [dreg:s6], $0x2FFFF;
	_ =	strace $0x9FFFFFFF  }
0xc2: {  	(tm) =	ssettm $0x7FFFFFFF  }
0xc3: {  	_ =	shalt  }
tec
execute0_lowered:
.L_overlay_start_1:
0x0: {  	(tag) =	ssettag $0x1  }
0x1: {  	s0 =	rddreg [dreg:$0x0]  }
0x2: {  	s1 =	rddreg [dreg:$0x1];
	s2 =	simm.s32 $0x0;
	s3 =	srdreg.scid  }
0x3: {  	s11 =	stileid.u32;
	s9 =	simm.s32 $0xC;
	s14 =	simm.s32 $0x18E00  }
0x4: {  	s15 =	simm.s32 $0x4;
	s16 =	simm.s32 $0x13B00;
	s17 =	simm.s32 $0x13B80  }
0x5: {  	s18 =	simm.s32 $0x13C00;
	s19 =	simm.s32 $0x13C80;
	s20 =	simm.s32 $0x13D00  }
0x6: {  	s21 =	simm.s32 $0x13D80;
	s22 =	simm.s32 $0x1;
	s23 =	simm.s32 $0x28  }
0x7: {  	s28 =	simm.s32 $0x17A00;
	s29 =	simm.s32 $0x2;
	s30 =	simm.s32 $0x1A200  }
0x8: {  	[smem:$0x7FF] =	sst s2;
	s4 =	sadd.s32 $0x21C00, s0;
	s5 =	sadd.s32 $0x49C00, s0  }
0x9: {  	s3 =	sand.u32 $0x1, s3;
	s6 =	sadd.s32 $0x3C00, s0;
	s7 =	sadd.s32 $0x4BC00, s0  }
0xa: {  	s8 =	smul.u32 $0x280, s11;
	p0 =	seq.s32 s11, $0xF;
	s10 =	ssub.s32 $0x2, s3  }
0xb: {  	s12 =	smul.u32 $0x50000, s11;
	_ =	strace $0x8000004D;
	s24 =	sshrl.u32 s10, $0x1  }
0xc: {  	s9 =	simm.s32 @!p0 $0x10;
	s0 =	ssub.s32 s10, s24;
	s10 =	smul.u32 $0x5000, s11  }
0xd: {  	s12 =	sshrl.u32 s12, $0x2;
	s11 =	smul.u32 $0x2800, s3;
	s3 =	sshll.u32 s3, $0x6  }
0xe: {  	s25 =	sadd.s32 s12, s1;
	s24 =	simm.s32 $0x13E00;
	s0 =	smax.u32 s0, $0x1  }
0xf: {  	[dreg:$0x4] =	wrdreg s25;
	s26 =	sor.u32 $0x13E20, s3;
	s31 =	sor.u32 $0x15220, s3  }
0x10: {  	v4 =	vimm.f32 $0.0e+00;
	s13 =	sor.u32 $0x16620, s3;
	s3 =	sor.u32 $0x17A20, s3;
	s25 =	simm.s32 $0x15200;
	v0 =	vmov s26  }
0x11: {  	[dreg:$0x3] =	wrdreg s0;
	v1 =	vmov s31;
	s26 =	simm.s32 $0x16600;
	v2 =	vmov s13;
	v3 =	vmov s3;
	s3 =	simm.s32 $0x0  }
.LBB2_1:
0x12: {  	[dreg:$0x5] =	wrdreg s3;
	s0 =	simm.s32 $0x0;
	s3 =	simm.s32 $0x200  }
.LBB2_2:
0x13: {  	p0 =	sne.s32 s3, $0x4E00;
	[tilespmem:s0+$0x18E70] =	vst v4  }
0x14: {  	[tilespmem:s0+$0x18E00] =	vst v4  }
0x15: {  	[tilespmem:s0+$0x18E10] =	vst v4  }
.Ltmp0:
0x16: {  	[tilespmem:s0+$0x18E20] =	vst v4;
	(pc) =	sbr.rel @p0 .LBB2_2-.Ltmp0, $4  }
0x17: {  	[tilespmem:s0+$0x18E30] =	vst v4  }
0x18: {  	[tilespmem:s0+$0x18E40] =	vst v4  }
0x19: {  	[tilespmem:s0+$0x18E50] =	vst v4  }
0x1a: {  	[tilespmem:s0+$0x18E60] =	vst v4;
	s0 =	sshra.s32 s3, $0x2;
	s3 =	sadd.s32 $0x200, s3  }
0x1b: {  	[tilespmem:s0+$0x18E70] =	vst v4  }
0x1c: {  	[tilespmem:s0+$0x18E00] =	vst v4  }
0x1d: {  	[tilespmem:s0+$0x18E10] =	vst v4  }
0x1e: {  	[tilespmem:s0+$0x18E20] =	vst v4  }
0x1f: {  	[tilespmem:s0+$0x18E30] =	vst v4  }
0x20: {  	[tilespmem:s0+$0x18E40] =	vst v4;
	p0 =	sne.s32 s9, $0x1  }
.Ltmp1:
0x21: {  	[tilespmem:s0+$0x18E50] =	vst v4;
	(pc) =	sbr.rel @!p0 .LBB2_5-.Ltmp1, $4  }
0x22: {  	[tilespmem:s0+$0x18E60] =	vst v4;
	s3 =	rddreg [dreg:$0x4]  }
0x23: {  	[spmem:s3] =	stream.linear.scatter [tilespmem:s14], [sflag:$0x4], $0x1400, $0x38;
	[tilespmem:$0x1B600] =	vst v63  }
0x24: {  	_ =	swait.ge [sflag:s15], $0x1400  }
0x25: {  	s0 =	sadd.s32 $0xFFFFFFFF, s9;
	[sflag:s15] =	ssyncset.done $0x0  }
.LBB2_4:
0x26: {  	p0 =	sne.s32 s0, $0x1;
	[sflag:s15] =	ssyncadd.s32 $0xFFFFEC00;
	s3 =	sadd.s32 $0x1400, s3  }
.Ltmp2:
0x27: {  	s0 =	sadd.s32 $0xFFFFFFFF, s0;
	(pc) =	sbr.rel @p0 .LBB2_4-.Ltmp2, $4  }
0x28: {  	_ = 	snop  }
0x29: {  	[spmem:s3] =	stream.linear.scatter [tilespmem:s14], [sflag:$0x4], $0x1400, $0x38;
	[tilespmem:$0x1B600] =	vst v63  }
0x2a: {  	_ =	swait.ge [sflag:s15], $0x1400  }
0x2b: {  	[sflag:s15] =	ssyncset.done $0x0  }
.LBB2_5:
0x2c: {  	[sflag:s15] =	ssyncadd.s32 $0xFFFFEC00  }
0x2d: {  	s3 =	simm.s32 $0x0;
	[bflag:$0x0] =	sbarrier.arrive $0xFFFF  }
.LBB2_6:
0x2e: {  	s0 =	smul.u32 $0x50, s3;
	_ =	sdelay $0x1  }
0x2f: {  	s0 =	sadd.s32 s10, s0  }
0x30: {  	s12 =	sshrl.u32 s0, $0x3  }
0x31: {  	s12 =	sadd.s32 s6, s12  }
0x32: {  	[tilespmem:s16], [sflag:$0x1] =	stream.linear.gather [hbm4b:s12+s2], $0x28, $0x38;
	[tilespmem:$0x1B600] =	vst v63  }
0x33: {  	s31 =	sadd.s32 $0x28, s0;
	s13 =	sadd.s32 $0xA000, s12  }
0x34: {  	[tilespmem:s17], [sflag:$0x1] =	stream.linear.gather [hbm4b:s13+s2], $0x28, $0x38;
	[tilespmem:$0x1B600] =	vst v63  }
0x35: {  	s12 =	sadd.s32 $0x14000, s12;
	s13 =	sshrl.u32 s31, $0x3  }
0x36: {  	[tilespmem:s18], [sflag:$0x1] =	stream.linear.gather [hbm4b:s12+s2], $0x28, $0x38;
	[tilespmem:$0x1B600] =	vst v63  }
0x37: {  	s31 =	sadd.s32 $0x50028, s0;
	s12 =	sadd.s32 s6, s13  }
0x38: {  	[tilespmem:s19], [sflag:$0x1] =	stream.linear.gather [hbm4b:s12+s2], $0x28, $0x38;
	[tilespmem:$0x1B600] =	vst v63  }
0x39: {  	s0 =	sadd.s32 $0xA0028, s0;
	s12 =	sshrl.u32 s31, $0x3  }
0x3a: {  	s0 =	sshrl.u32 s0, $0x3;
	s12 =	sadd.s32 s6, s12  }
0x3b: {  	[tilespmem:s20], [sflag:$0x1] =	stream.linear.gather [hbm4b:s12+s2], $0x28, $0x38;
	[tilespmem:$0x1B600] =	vst v63  }
0x3c: {  	s0 =	sadd.s32 s6, s0  }
0x3d: {  	[tilespmem:s21], [sflag:$0x1] =	stream.linear.gather [hbm4b:s0+s2], $0x28, $0x38;
	[tilespmem:$0x1B600] =	vst v63  }
0x3e: {  	_ =	swait.ge [sflag:s22], $0x28  }
0x3f: {  	[sflag:s22] =	ssyncset.done $0x0  }
0x40: {  	[sflag:s22] =	ssyncadd.s32 $0xFFFFFFD8  }
0x41: {  	_ =	swait.ge [sflag:s22], $0x28  }
0x42: {  	[sflag:s22] =	ssyncset.done $0x0  }
0x43: {  	[sflag:s22] =	ssyncadd.s32 $0xFFFFFFD8  }
0x44: {  	_ =	swait.ge [sflag:s22], $0x28  }
0x45: {  	[sflag:s22] =	ssyncset.done $0x0  }
0x46: {  	[sflag:s22] =	ssyncadd.s32 $0xFFFFFFD8  }
0x47: {  	[tilespmem:s24], [sflag:$0x2] =	stream.indirect.gather [hbm4b:s4+s23], $0x80, s16, s23, $0xb8;
	[tilespmem:$0x1B600] =	vst v63  }
0x48: {  	_ = 	snop  }
0x49: {  	[tilespmem:s25], [sflag:$0x2] =	stream.indirect.gather [hbm4b:s5+s23], $0x80, s18, s23, $0xb8;
	[tilespmem:$0x1B600] =	vst v63  }
0x4a: {  	_ =	swait.ge [sflag:s22], $0x28  }
0x4b: {  	[sflag:s22] =	ssyncset.done $0x0  }
0x4c: {  	[sflag:s22] =	ssyncadd.s32 $0xFFFFFFD8  }
0x4d: {  	_ =	swait.ge [sflag:s22], $0x28  }
0x4e: {  	[sflag:s22] =	ssyncset.done $0x0  }
0x4f: {  	[sflag:s22] =	ssyncadd.s32 $0xFFFFFFD8  }
0x50: {  	_ =	swait.ge [sflag:s22], $0x28  }
0x51: {  	[sflag:s22] =	ssyncset.done $0x0  }
0x52: {  	[sflag:s22] =	ssyncadd.s32 $0xFFFFFFD8  }
0x53: {  	[tilespmem:s26], [sflag:$0x2] =	stream.indirect.gather [hbm4b:s4+s23], $0x80, s19, s23, $0xb8;
	[tilespmem:$0x1B600] =	vst v63  }
0x54: {  	_ = 	snop  }
0x55: {  	[tilespmem:s28], [sflag:$0x2] =	stream.indirect.gather [hbm4b:s5+s23], $0x80, s21, s23, $0xb8;
	[tilespmem:$0x1B600] =	vst v63  }
0x56: {  	_ =	swait.ge [sflag:s29], $0x1400  }
0x57: {  	[sflag:s29] =	ssyncset.done $0x0  }
0x58: {  	[sflag:s29] =	ssyncadd.s32 $0xFFFFEC00  }
0x59: {  	_ =	swait.ge [sflag:s29], $0x1400  }
0x5a: {  	p0 =	seq.s32 s3, $0x0;
	[sflag:s29] =	ssyncset.done $0x0  }
0x5b: {  	s0 =	simm.s32 @!p0 $0x3;
	[sflag:s29] =	ssyncadd.s32 $0xFFFFEC00  }
0x5c: {  	_ =	swait.ge @!p0 [sflag:s0], $0x1400  }
0x5d: {  	[sflag:s0] =	ssyncset.done @!p0 $0x0  }
0x5e: {  	[sflag:s0] =	ssyncadd.s32 @!p0 $0xFFFFEC00  }
0x5f: {  	_ =	swait.ge @!p0 [sflag:s0], $0x1400  }
0x60: {  	[sflag:s0] =	ssyncset.done @!p0 $0x0  }
0x61: {  	s12 =	simm.s32 $0x0;
	[sflag:s0] =	ssyncadd.s32 @!p0 $0xFFFFEC00  }
0x62: {  	v5 =	vld.idx.msk [tilespmem:v0+s12+$0xFFFFFFE0 ss:$0x1], $0xffff  }
0x63: {  	v6 =	vld.idx.msk [tilespmem:v1+s12+$0xFFFFFFE0 ss:$0x1], $0xffff;
	_ =	sdelay $0x4  }
0x64: {  	v5 =	vadd.f32 v6, v5;
	_ =	sdelay $0x1  }
0x65: {  	v5 =	vmax.f32 v5, $0.0e+00  }
0x66: {  	v5 =	vadd.f32 $1.000000010e-07, v5;
	_ =	sdelay $0x1  }
0x67: {  	v6 =	vmul.f32 $1.442695020e+00, v5;
	_ =	sdelay $0x1  }
0x68: {  	(erf) = vpow2.f32 v6;
	_ =	sdelay $0x8  }
0x69: {  	v6 =	vpop (erf)  }
0x6a: {  	v5 =	vmul.f32 v6, v5  }
0x6b: {  	[tilespmem:s12+$0x18E00] =	vst v6  }
0x6c: {  	[tilespmem:s12+$0x18E40] =	vst v5  }
0x6d: {  	v5 =	vld.idx.msk [tilespmem:v0+s12+$0xFFFFFFF0 ss:$0x1], $0xffff  }
0x6e: {  	v6 =	vld.idx.msk [tilespmem:v1+s12+$0xFFFFFFF0 ss:$0x1], $0xffff;
	_ =	sdelay $0x4  }
0x6f: {  	v5 =	vadd.f32 v6, v5;
	_ =	sdelay $0x1  }
0x70: {  	v5 =	vmax.f32 v5, $0.0e+00  }
0x71: {  	v5 =	vadd.f32 $1.000000010e-07, v5;
	_ =	sdelay $0x1  }
0x72: {  	v6 =	vmul.f32 $1.442695020e+00, v5;
	_ =	sdelay $0x1  }
0x73: {  	(erf) = vpow2.f32 v6;
	_ =	sdelay $0x8  }
0x74: {  	v6 =	vpop (erf)  }
0x75: {  	v5 =	vmul.f32 v6, v5  }
0x76: {  	[tilespmem:s12+$0x18E10] =	vst v6  }
0x77: {  	[tilespmem:s12+$0x18E50] =	vst v5  }
0x78: {  	v5 =	vld.idx.msk [tilespmem:v0+s12+$0x0 ss:$0x1], $0xffff  }
0x79: {  	v6 =	vld.idx.msk [tilespmem:v1+s12+$0x0 ss:$0x1], $0xffff;
	_ =	sdelay $0x4  }
0x7a: {  	v5 =	vadd.f32 v6, v5;
	_ =	sdelay $0x1  }
0x7b: {  	v5 =	vmax.f32 v5, $0.0e+00  }
0x7c: {  	v5 =	vadd.f32 $1.000000010e-07, v5;
	_ =	sdelay $0x1  }
0x7d: {  	v6 =	vmul.f32 $1.442695020e+00, v5;
	_ =	sdelay $0x1  }
0x7e: {  	(erf) = vpow2.f32 v6;
	_ =	sdelay $0x8  }
0x7f: {  	v6 =	vpop (erf)  }
0x80: {  	v5 =	vmul.f32 v6, v5  }
0x81: {  	[tilespmem:s12+$0x18E20] =	vst v6  }
0x82: {  	[tilespmem:s12+$0x18E60] =	vst v5  }
0x83: {  	v5 =	vld.idx.msk [tilespmem:v0+s12+$0x10 ss:$0x1], $0xffff  }
0x84: {  	v6 =	vld.idx.msk [tilespmem:v1+s12+$0x10 ss:$0x1], $0xffff;
	_ =	sdelay $0x4  }
0x85: {  	v5 =	vadd.f32 v6, v5;
	_ =	sdelay $0x1  }
0x86: {  	v5 =	vmax.f32 v5, $0.0e+00  }
0x87: {  	v5 =	vadd.f32 $1.000000010e-07, v5;
	_ =	sdelay $0x1  }
0x88: {  	v6 =	vmul.f32 $1.442695020e+00, v5;
	_ =	sdelay $0x1  }
0x89: {  	s13 =	simm.s32 $0x200;
	(erf) = vpow2.f32 v6  }
.LBB2_7:
0x8a: {  	_ =	sdelay $0x6  }
0x8b: {  	p0 =	sne.s32 s13, $0x4E00;
	s0 =	smov.u32 s13;
	s13 =	sadd.s32 $0x200, s13  }
0x8c: {  	v6 =	vpop (erf)  }
0x8d: {  	[tilespmem:s12+$0x18E30] =	vst v6;
	v5 =	vmul.f32 v6, v5;
	_ =	sdelay $0x1  }
0x8e: {  	[tilespmem:s12+$0x18E70] =	vst v5;
	s12 =	sshra.s32 s0, $0x2  }
0x8f: {  	v5 =	vld.idx.msk [tilespmem:v0+s12+$0xFFFFFFE0 ss:$0x1], $0xffff  }
0x90: {  	v6 =	vld.idx.msk [tilespmem:v1+s12+$0xFFFFFFE0 ss:$0x1], $0xffff;
	_ =	sdelay $0x5  }
0x91: {  	v5 =	vadd.f32 v6, v5;
	_ =	sdelay $0x1  }
0x92: {  	v5 =	vmax.f32 v5, $0.0e+00  }
0x93: {  	v5 =	vadd.f32 $1.000000010e-07, v5;
	_ =	sdelay $0x1  }
0x94: {  	v6 =	vmul.f32 $1.442695020e+00, v5;
	_ =	sdelay $0x1  }
0x95: {  	(erf) = vpow2.f32 v6;
	_ =	sdelay $0x8  }
0x96: {  	v6 =	vpop (erf)  }
0x97: {  	v5 =	vmul.f32 v6, v5  }
0x98: {  	[tilespmem:s12+$0x18E00] =	vst v6  }
0x99: {  	[tilespmem:s12+$0x18E40] =	vst v5  }
0x9a: {  	v5 =	vld.idx.msk [tilespmem:v0+s12+$0xFFFFFFF0 ss:$0x1], $0xffff  }
0x9b: {  	v6 =	vld.idx.msk [tilespmem:v1+s12+$0xFFFFFFF0 ss:$0x1], $0xffff;
	_ =	sdelay $0x5  }
0x9c: {  	v5 =	vadd.f32 v6, v5;
	_ =	sdelay $0x1  }
0x9d: {  	v5 =	vmax.f32 v5, $0.0e+00  }
0x9e: {  	v5 =	vadd.f32 $1.000000010e-07, v5;
	_ =	sdelay $0x1  }
0x9f: {  	v6 =	vmul.f32 $1.442695020e+00, v5;
	_ =	sdelay $0x1  }
0xa0: {  	(erf) = vpow2.f32 v6;
	_ =	sdelay $0x8  }
0xa1: {  	v6 =	vpop (erf)  }
0xa2: {  	[tilespmem:s12+$0x18E10] =	vst v6;
	v5 =	vmul.f32 v6, v5;
	_ =	sdelay $0x1  }
0xa3: {  	[tilespmem:s12+$0x18E50] =	vst v5  }
0xa4: {  	v5 =	vld.idx.msk [tilespmem:v0+s12+$0x0 ss:$0x1], $0xffff  }
0xa5: {  	v6 =	vld.idx.msk [tilespmem:v1+s12+$0x0 ss:$0x1], $0xffff;
	_ =	sdelay $0x5  }
0xa6: {  	v5 =	vadd.f32 v6, v5;
	_ =	sdelay $0x1  }
0xa7: {  	v5 =	vmax.f32 v5, $0.0e+00  }
0xa8: {  	v5 =	vadd.f32 $1.000000010e-07, v5;
	_ =	sdelay $0x1  }
0xa9: {  	v6 =	vmul.f32 $1.442695020e+00, v5;
	_ =	sdelay $0x1  }
0xaa: {  	(erf) = vpow2.f32 v6;
	_ =	sdelay $0x8  }
0xab: {  	v6 =	vpop (erf)  }
0xac: {  	[tilespmem:s12+$0x18E20] =	vst v6;
	v5 =	vmul.f32 v6, v5;
	_ =	sdelay $0x1  }
0xad: {  	[tilespmem:s12+$0x18E60] =	vst v5  }
0xae: {  	v5 =	vld.idx.msk [tilespmem:v0+s12+$0x10 ss:$0x1], $0xffff  }
0xaf: {  	v6 =	vld.idx.msk [tilespmem:v1+s12+$0x10 ss:$0x1], $0xffff;
	_ =	sdelay $0x5  }
0xb0: {  	v5 =	vadd.f32 v6, v5;
	_ =	sdelay $0x1  }
0xb1: {  	v5 =	vmax.f32 v5, $0.0e+00  }
.Ltmp3:
0xb2: {  	v5 =	vadd.f32 $1.000000010e-07, v5;
	(pc) =	sbr.rel @p0 .LBB2_7-.Ltmp3, $3  }
0xb3: {  	_ = 	snop  }
0xb4: {  	v6 =	vmul.f32 $1.442695020e+00, v5;
	_ =	sdelay $0x1  }
0xb5: {  	(erf) = vpow2.f32 v6  }
0xb6: {  	_ =	sdelay $0x7  }
0xb7: {  	v6 =	vpop (erf)  }
0xb8: {  	v5 =	vmul.f32 v6, v5  }
0xb9: {  	[tilespmem:s12+$0x18E30] =	vst v6  }
0xba: {  	[tilespmem:s12+$0x18E70] =	vst v5  }
0xbb: {  	[spmem:s1] =	stream.indirect.scatter.add.f32 [tilespmem:s14], [sflag:$0x3], $0x80, s17, s23, $0xb8;
	[tilespmem:$0x1B600] =	vst v63  }
0xbc: {  	_ =	swait.ge [sflag:s29], $0x1400  }
0xbd: {  	[sflag:s29] =	ssyncset.done $0x0  }
0xbe: {  	[sflag:s29] =	ssyncadd.s32 $0xFFFFEC00  }
0xbf: {  	_ =	swait.ge [sflag:s29], $0x1400  }
0xc0: {  	[sflag:s29] =	ssyncset.done $0x0  }
0xc1: {  	s12 =	simm.s32 $0x0;
	[sflag:s29] =	ssyncadd.s32 $0xFFFFEC00  }
0xc2: {  	v5 =	vld.idx.msk [tilespmem:v2+s12+$0xFFFFFFE0 ss:$0x1], $0xffff  }
0xc3: {  	v6 =	vld.idx.msk [tilespmem:v3+s12+$0xFFFFFFE0 ss:$0x1], $0xffff;
	_ =	sdelay $0x4  }
0xc4: {  	v5 =	vadd.f32 v6, v5;
	_ =	sdelay $0x1  }
0xc5: {  	v5 =	vmax.f32 v5, $0.0e+00  }
0xc6: {  	v5 =	vadd.f32 $1.000000010e-07, v5;
	_ =	sdelay $0x1  }
0xc7: {  	v6 =	vmul.f32 $1.442695020e+00, v5;
	_ =	sdelay $0x1  }
0xc8: {  	(erf) = vpow2.f32 v6;
	_ =	sdelay $0x8  }
0xc9: {  	v6 =	vpop (erf)  }
0xca: {  	v5 =	vmul.f32 v6, v5  }
0xcb: {  	[tilespmem:s12+$0x1A200] =	vst v6  }
0xcc: {  	[tilespmem:s12+$0x1A240] =	vst v5  }
0xcd: {  	v5 =	vld.idx.msk [tilespmem:v2+s12+$0xFFFFFFF0 ss:$0x1], $0xffff  }
0xce: {  	v6 =	vld.idx.msk [tilespmem:v3+s12+$0xFFFFFFF0 ss:$0x1], $0xffff;
	_ =	sdelay $0x4  }
0xcf: {  	v5 =	vadd.f32 v6, v5;
	_ =	sdelay $0x1  }
0xd0: {  	v5 =	vmax.f32 v5, $0.0e+00  }
0xd1: {  	v5 =	vadd.f32 $1.000000010e-07, v5;
	_ =	sdelay $0x1  }
0xd2: {  	v6 =	vmul.f32 $1.442695020e+00, v5;
	_ =	sdelay $0x1  }
0xd3: {  	(erf) = vpow2.f32 v6;
	_ =	sdelay $0x8  }
0xd4: {  	v6 =	vpop (erf)  }
0xd5: {  	v5 =	vmul.f32 v6, v5  }
0xd6: {  	[tilespmem:s12+$0x1A210] =	vst v6  }
0xd7: {  	[tilespmem:s12+$0x1A250] =	vst v5  }
0xd8: {  	v5 =	vld.idx.msk [tilespmem:v2+s12+$0x0 ss:$0x1], $0xffff  }
0xd9: {  	v6 =	vld.idx.msk [tilespmem:v3+s12+$0x0 ss:$0x1], $0xffff;
	_ =	sdelay $0x4  }
0xda: {  	v5 =	vadd.f32 v6, v5;
	_ =	sdelay $0x1  }
0xdb: {  	v5 =	vmax.f32 v5, $0.0e+00  }
0xdc: {  	v5 =	vadd.f32 $1.000000010e-07, v5;
	_ =	sdelay $0x1  }
0xdd: {  	v6 =	vmul.f32 $1.442695020e+00, v5;
	_ =	sdelay $0x1  }
0xde: {  	(erf) = vpow2.f32 v6;
	_ =	sdelay $0x8  }
0xdf: {  	v6 =	vpop (erf)  }
0xe0: {  	v5 =	vmul.f32 v6, v5  }
0xe1: {  	[tilespmem:s12+$0x1A220] =	vst v6  }
0xe2: {  	[tilespmem:s12+$0x1A260] =	vst v5  }
0xe3: {  	v5 =	vld.idx.msk [tilespmem:v2+s12+$0x10 ss:$0x1], $0xffff  }
0xe4: {  	v6 =	vld.idx.msk [tilespmem:v3+s12+$0x10 ss:$0x1], $0xffff;
	_ =	sdelay $0x4  }
0xe5: {  	v5 =	vadd.f32 v6, v5;
	_ =	sdelay $0x1  }
0xe6: {  	v5 =	vmax.f32 v5, $0.0e+00  }
0xe7: {  	v5 =	vadd.f32 $1.000000010e-07, v5;
	_ =	sdelay $0x1  }
0xe8: {  	v6 =	vmul.f32 $1.442695020e+00, v5;
	_ =	sdelay $0x1  }
0xe9: {  	s13 =	simm.s32 $0x200;
	(erf) = vpow2.f32 v6  }
.LBB2_9:
0xea: {  	_ =	sdelay $0x6  }
0xeb: {  	p0 =	sne.s32 s13, $0x4E00;
	s0 =	smov.u32 s13;
	s13 =	sadd.s32 $0x200, s13  }
0xec: {  	v6 =	vpop (erf)  }
0xed: {  	[tilespmem:s12+$0x1A230] =	vst v6;
	v5 =	vmul.f32 v6, v5;
	_ =	sdelay $0x1  }
0xee: {  	[tilespmem:s12+$0x1A270] =	vst v5;
	s12 =	sshra.s32 s0, $0x2  }
0xef: {  	v5 =	vld.idx.msk [tilespmem:v2+s12+$0xFFFFFFE0 ss:$0x1], $0xffff  }
0xf0: {  	v6 =	vld.idx.msk [tilespmem:v3+s12+$0xFFFFFFE0 ss:$0x1], $0xffff;
	_ =	sdelay $0x5  }
0xf1: {  	v5 =	vadd.f32 v6, v5;
	_ =	sdelay $0x1  }
0xf2: {  	v5 =	vmax.f32 v5, $0.0e+00  }
0xf3: {  	v5 =	vadd.f32 $1.000000010e-07, v5;
	_ =	sdelay $0x1  }
0xf4: {  	v6 =	vmul.f32 $1.442695020e+00, v5;
	_ =	sdelay $0x1  }
0xf5: {  	(erf) = vpow2.f32 v6;
	_ =	sdelay $0x8  }
0xf6: {  	v6 =	vpop (erf)  }
0xf7: {  	v5 =	vmul.f32 v6, v5  }
0xf8: {  	[tilespmem:s12+$0x1A200] =	vst v6  }
0xf9: {  	[tilespmem:s12+$0x1A240] =	vst v5  }
0xfa: {  	v5 =	vld.idx.msk [tilespmem:v2+s12+$0xFFFFFFF0 ss:$0x1], $0xffff  }
0xfb: {  	v6 =	vld.idx.msk [tilespmem:v3+s12+$0xFFFFFFF0 ss:$0x1], $0xffff;
	_ =	sdelay $0x5  }
0xfc: {  	v5 =	vadd.f32 v6, v5;
	_ =	sdelay $0x1  }
0xfd: {  	v5 =	vmax.f32 v5, $0.0e+00  }
0xfe: {  	v5 =	vadd.f32 $1.000000010e-07, v5;
	_ =	sdelay $0x1  }
0xff: {  	v6 =	vmul.f32 $1.442695020e+00, v5;
	_ =	sdelay $0x1  }
0x100: {  	(erf) = vpow2.f32 v6;
	_ =	sdelay $0x8  }
0x101: {  	v6 =	vpop (erf)  }
0x102: {  	[tilespmem:s12+$0x1A210] =	vst v6;
	v5 =	vmul.f32 v6, v5;
	_ =	sdelay $0x1  }
0x103: {  	[tilespmem:s12+$0x1A250] =	vst v5  }
0x104: {  	v5 =	vld.idx.msk [tilespmem:v2+s12+$0x0 ss:$0x1], $0xffff  }
0x105: {  	v6 =	vld.idx.msk [tilespmem:v3+s12+$0x0 ss:$0x1], $0xffff;
	_ =	sdelay $0x5  }
0x106: {  	v5 =	vadd.f32 v6, v5;
	_ =	sdelay $0x1  }
0x107: {  	v5 =	vmax.f32 v5, $0.0e+00  }
0x108: {  	v5 =	vadd.f32 $1.000000010e-07, v5;
	_ =	sdelay $0x1  }
0x109: {  	v6 =	vmul.f32 $1.442695020e+00, v5;
	_ =	sdelay $0x1  }
0x10a: {  	(erf) = vpow2.f32 v6;
	_ =	sdelay $0x8  }
0x10b: {  	v6 =	vpop (erf)  }
0x10c: {  	[tilespmem:s12+$0x1A220] =	vst v6;
	v5 =	vmul.f32 v6, v5;
	_ =	sdelay $0x1  }
0x10d: {  	[tilespmem:s12+$0x1A260] =	vst v5  }
0x10e: {  	v5 =	vld.idx.msk [tilespmem:v2+s12+$0x10 ss:$0x1], $0xffff  }
0x10f: {  	v6 =	vld.idx.msk [tilespmem:v3+s12+$0x10 ss:$0x1], $0xffff;
	_ =	sdelay $0x5  }
0x110: {  	v5 =	vadd.f32 v6, v5;
	_ =	sdelay $0x1  }
0x111: {  	v5 =	vmax.f32 v5, $0.0e+00  }
.Ltmp4:
0x112: {  	v5 =	vadd.f32 $1.000000010e-07, v5;
	(pc) =	sbr.rel @p0 .LBB2_9-.Ltmp4, $3  }
0x113: {  	_ = 	snop  }
0x114: {  	v6 =	vmul.f32 $1.442695020e+00, v5;
	_ =	sdelay $0x1  }
0x115: {  	(erf) = vpow2.f32 v6  }
0x116: {  	_ =	sdelay $0x5  }
0x117: {  	s3 =	sadd.s32 $0x1, s3  }
0x118: {  	p0 =	sne.s32 s3, $0x100  }
.Ltmp5:
0x119: {  	v6 =	vpop (erf);
	(pc) =	sbr.rel @p0 .LBB2_6-.Ltmp5, $4  }
0x11a: {  	v5 =	vmul.f32 v6, v5  }
0x11b: {  	[tilespmem:s12+$0x1A230] =	vst v6  }
0x11c: {  	[tilespmem:s12+$0x1A270] =	vst v5  }
0x11d: {  	[spmem:s1] =	stream.indirect.scatter.add.f32 [tilespmem:s30], [sflag:$0x3], $0x80, s20, s23, $0xb8;
	[tilespmem:$0x1B600] =	vst v63  }
0x11e: {  	s0 =	simm.s32 $0x3  }
0x11f: {  	_ =	swait.ge [sflag:s0], $0x1400  }
0x120: {  	[sflag:s0] =	ssyncset.done $0x0  }
0x121: {  	[sflag:s0] =	ssyncadd.s32 $0xFFFFEC00  }
0x122: {  	_ =	swait.ge [sflag:s0], $0x1400  }
0x123: {  	[sflag:s0] =	ssyncset.done $0x0  }
0x124: {  	[sflag:s0] =	ssyncadd.s32 $0xFFFFEC00  }
0x125: {  	s3 =	simm.s32 $0x0;
	[bflag:$0x0] =	sbarrier.arrive $0xFFFF  }
.LBB2_12:
0x126: {  	s0 =	smul.u32 $0x28, s3;
	_ =	sdelay $0x1  }
0x127: {  	s12 =	sadd.s32 s8, s0  }
0x128: {  	s0 =	sshll.u32 s12, $0x9  }
0x129: {  	s0 =	sshra.s32 s0, $0x2  }
0x12a: {  	s0 =	sadd.s32 s0, s1  }
0x12b: {  	[tilespmem:s24], [sflag:$0x4] =	stream.linear.gather [spmem:s0], $0x1400, $0x38;
	[tilespmem:$0x1B600] =	vst v63  }
0x12c: {  	_ =	swait.ge [sflag:s15], $0x1400  }
0x12d: {  	[sflag:s15] =	ssyncset.done $0x0  }
0x12e: {  	s0 =	simm.s32 $0x0;
	[sflag:s15] =	ssyncadd.s32 $0xFFFFEC00  }
0x12f: {  	v7 =	vld [tilespmem:s0+$0x13E30]  }
0x130: {  	v8 =	vld [tilespmem:s0+$0x13E00]  }
0x131: {  	v10 =	vld [tilespmem:s0+$0x13E10]  }
0x132: {  	v12 =	vld [tilespmem:s0+$0x13E20];
	_ =	sdelay $0x1  }
0x133: {  	v9 =	vld [tilespmem:s0+$0x13E40];
	v7 =	vadd.f32 $1.000000020e-16, v7  }
0x134: {  	s13 =	simm.s32 $0x80;
	v6 =	vld [tilespmem:s0+$0x13E50];
	v8 =	vadd.f32 $1.000000020e-16, v8  }
0x135: {  	v13 =	vld [tilespmem:s13+$0x13E30];
	v10 =	vadd.f32 $1.000000020e-16, v10;
	(erf) = vrcp.f32 v7  }
0x136: {  	v5 =	vld [tilespmem:s0+$0x13E60];
	v16 =	vadd.f32 $1.000000020e-16, v12;
	(erf) = vrcp.f32 v8  }
0x137: {  	v14 =	vld [tilespmem:s13+$0x13E00];
	(erf) = vrcp.f32 v10  }
0x138: {  	v15 =	vld [tilespmem:s13+$0x13E10];
	(erf) = vrcp.f32 v16  }
0x139: {  	v11 =	vld [tilespmem:s13+$0x13E20]  }
0x13a: {  	v12 =	vld [tilespmem:s0+$0x13E70];
	v17 =	vadd.f32 $1.000000020e-16, v13  }
0x13b: {  	v7 =	vld [tilespmem:s13+$0x13E40]  }
0x13c: {  	v13 =	vadd.f32 $1.000000020e-16, v14;
	v8 =	vld [tilespmem:s13+$0x13E50];
	(erf) = vrcp.f32 v17  }
0x13d: {  	s31 =	simm.s32 $0x100;
	s25 =	simm.s32 $0x600;
	v14 =	vadd.f32 $1.000000020e-16, v15;
	v10 =	vld [tilespmem:s13+$0x13E60]  }
.LBB2_13:
0x13e: {  	p0 =	sne.s32 s25, $0x4E00;
	v15 =	vld [tilespmem:s31+$0x13E30];
	v11 =	vadd.f32 $1.000000020e-16, v11;
	(erf) = vrcp.f32 v13;
	v13 =	vpop (erf)  }
0x13f: {  	v16 =	vld [tilespmem:s31+$0x13E00];
	(erf) = vrcp.f32 v14;
	v12 =	vmul.f32 v13, v12;
	v13 =	vpop (erf)  }
0x140: {  	v14 =	vld [tilespmem:s31+$0x13E10];
	(erf) = vrcp.f32 v11;
	v13 =	vmul.f32 v13, v9;
	v17 =	vpop (erf);
	v9 =	vmov v7  }
.Ltmp6:
0x141: {  	v11 =	vld [tilespmem:s31+$0x13E20];
	v17 =	vmul.f32 v17, v6;
	[tilespmem:s0+$0x18E30] =	vst v12;
	v7 =	vpop (erf);
	v6 =	vmov v8;
	(pc) =	sbr.rel @p0 .LBB2_13-.Ltmp6, $4  }
0x142: {  	v12 =	vld [tilespmem:s13+$0x13E70];
	[tilespmem:s0+$0x18E00] =	vst v13;
	v18 =	vmul.f32 v7, v5;
	v5 =	vmov v10  }
0x143: {  	v7 =	vld [tilespmem:s31+$0x13E40];
	v15 =	vadd.f32 $1.000000020e-16, v15;
	[tilespmem:s0+$0x18E10] =	vst v17  }
0x144: {  	v13 =	vadd.f32 $1.000000020e-16, v16;
	v8 =	vld [tilespmem:s31+$0x13E50];
	[tilespmem:s0+$0x18E20] =	vst v18;
	s0 =	smov.u32 s13;
	s13 =	smov.u32 s31  }
0x145: {  	s31 =	sshra.s32 s25, $0x2;
	s25 =	sadd.s32 $0x200, s25;
	v14 =	vadd.f32 $1.000000020e-16, v14;
	v10 =	vld [tilespmem:s13+$0x13E60];
	(erf) = vrcp.f32 v15  }
0x146: {  	v15 =	vld [tilespmem:s31+$0x13E30];
	v16 =	vpop (erf)  }
0x147: {  	v17 =	vld [tilespmem:s31+$0x13E00];
	v12 =	vmul.f32 v16, v12  }
0x148: {  	v48 =	vld [tilespmem:s31+$0x13E10]  }
0x149: {  	v19 =	vld [tilespmem:s31+$0x13E20];
	[tilespmem:s0+$0x18E30] =	vst v12  }
0x14a: {  	v11 =	vadd.f32 $1.000000020e-16, v11;
	(erf) = vrcp.f32 v13;
	v18 =	vpop (erf);
	v50 =	vld [tilespmem:s13+$0x13E70]  }
0x14b: {  	(erf) = vrcp.f32 v14;
	v9 =	vmul.f32 v18, v9;
	v49 =	vpop (erf);
	v51 =	vadd.f32 $1.000000020e-16, v15  }
0x14c: {  	(erf) = vrcp.f32 v11;
	v6 =	vmul.f32 v49, v6;
	v52 =	vpop (erf)  }
0x14d: {  	[tilespmem:s0+$0x18E00] =	vst v9;
	v5 =	vmul.f32 v52, v5;
	(erf) = vrcp.f32 v51  }
0x14e: {  	v53 =	vld [tilespmem:s31+$0x13E40];
	v54 =	vadd.f32 $1.000000020e-16, v17;
	[tilespmem:s0+$0x18E10] =	vst v6;
	v57 =	vpop (erf)  }
0x14f: {  	v6 =	vadd.f32 $1.000000020e-16, v48;
	v55 =	vld [tilespmem:s31+$0x13E50];
	[tilespmem:s0+$0x18E20] =	vst v5;
	v5 =	vmul.f32 v57, v50  }
0x150: {  	v56 =	vadd.f32 $1.000000020e-16, v19;
	(erf) = vrcp.f32 v54  }
0x151: {  	(erf) = vrcp.f32 v6;
	v6 =	vld [tilespmem:s31+$0x13E60];
	[tilespmem:s13+$0x18E30] =	vst v5  }
0x152: {  	(erf) = vrcp.f32 v56;
	v5 =	vld [tilespmem:s31+$0x13E70]  }
0x153: {  	v58 =	vpop (erf)  }
0x154: {  	v59 =	vpop (erf)  }
0x155: {  	v60 =	vpop (erf)  }
0x156: {  	v7 =	vmul.f32 v58, v7;
	v61 =	vpop (erf)  }
0x157: {  	v8 =	vmul.f32 v59, v8;
	v5 =	vmul.f32 v61, v5  }
0x158: {  	[tilespmem:s13+$0x18E00] =	vst v7;
	v7 =	vmul.f32 v60, v10  }
0x159: {  	[tilespmem:s13+$0x18E10] =	vst v8;
	v62 =	vpop (erf)  }
0x15a: {  	[tilespmem:s13+$0x18E20] =	vst v7;
	v7 =	vmul.f32 v62, v53;
	v63 =	vpop (erf)  }
0x15b: {  	v8 =	vmul.f32 v63, v55;
	[tilespmem:s31+$0x18E30] =	vst v5;
	v5 =	vpop (erf)  }
0x15c: {  	s25 =	sadd.s32 s11, s12;
	s3 =	sadd.s32 $0x1, s3;
	[tilespmem:s31+$0x18E00] =	vst v7;
	v5 =	vmul.f32 v5, v6  }
0x15d: {  	p0 =	sne.s32 s3, s9;
	s0 =	sshll.u32 s25, $0x4;
	[tilespmem:s31+$0x18E10] =	vst v8  }
.Ltmp7:
0x15e: {  	s0 =	sadd.s32 s7, s0;
	[tilespmem:s31+$0x18E20] =	vst v5;
	(pc) =	sbr.rel @p0 .LBB2_12-.Ltmp7, $4  }
0x15f: {  	[hbm4b:s0+s2] =	stream.linear.scatter [tilespmem:s14], [sflag:$0x4], $0x1400, $0x38;
	[tilespmem:$0x1B600] =	vst v63  }
0x160: {  	_ =	swait.ge [sflag:s15], $0x1400  }
0x161: {  	[sflag:s15] =	ssyncset.done $0x0  }
0x162: {  	[sflag:s15] =	ssyncadd.s32 $0xFFFFEC00  }
0x163: {  	s3 =	rddreg [dreg:$0x5]  }
0x164: {  	s0 =	rddreg [dreg:$0x3];
	s3 =	sadd.s32 $0x1, s3  }
0x165: {  	p0 =	sne.s32 s3, s0  }
.Ltmp8:
0x166: {  	_ = 	snop;
	(pc) =	sbr.rel @p0 .LBB2_1-.Ltmp8, $2  }
0x167: {  	_ =	sdelay $0x2  }
0x168: {  	s25 =	simm.s32 $0x15200  }
0x169: {  	_ =	sfence.sel $0x180000  }
0x16a: {  	[bflag:$0x0] =	sbarrier.arrive $0xFFFF  }
0x16b: {  	_ =	strace $0x9000004D  }
0x16c: {  	s0 =	stileid.u32;
	[bflag:$0x2] =	sbarrier.arrive $0xFFFF  }
0x16d: {  	p0 =	sne.s32 s0, $0x0;
	s0 =	rddreg [dreg:$0x2]  }
0x16e: {  	s0 =	sadd.s32 @!p0 $0x100000, s0  }
0x16f: {  	[sflag:s0] =	ssyncadd.tile.s32 @!p0 $0x1;
	_ =	shalt  }
.Lfunc_end2:
_tile_overlayer_lowered:
.L_overlay_start_2:
0x170: {  	(tag) =	ssettag $0x2  }
0x171: {  	s0 =	rddreg [dreg:$0x0];
	s2 =	stileid.u32  }
0x172: {  	s1 =	rddreg [dreg:$0x1];
	p0 =	sne.s32 s2, $0x0  }
0x173: {  	s3 =	rddreg [dreg:$0x2];
	[bflag:$0x3] =	sbarrier.arrive $0xFFFF;
	s2 =	simm.s32 @!p0 $0x1C04  }
0x174: {  	[timem:s3], [sflag:s2] =	dma.local @!p0 [hbm:s0], s1  }
0x175: {  	s0 =	simm.s32 @!p0 $0x4  }
0x176: {  	_ =	swait.ge @!p0 [sflag:s0], s1  }
0x177: {  	s1 =	ssub.s32 @!p0 $0x0, s1;
	[sflag:s0] =	ssyncset.done @!p0 $0x0  }
0x178: {  	[sflag:s0] =	ssyncadd.s32 @!p0 s1  }
0x179: {  	[bflag:$0x3] =	sbarrier.arrive $0xFFFF  }
0x17a: {  	_ =	shalt  }

</sc_bundles>
